<compile_context>
chip_gen: v7x
topology: tpu7x:2x2x1
jax: 0.10.2.dev20260603
libtpu: 0.0.44.dev20260713+nightly
codegen_flags: <defaults>
</compile_context>

<pallas_src>
import functools

import jax
import jax.numpy as jnp
from jax import lax
from jax.experimental import pallas as pl
from jax.experimental.pallas import tpu as pltpu
from jax.experimental.pallas import tpu_sc as plsc

E = 16
H = 768
I = 1024
T = 2048
B = 256
NB = T // B + E
NW = 32
TPW = T // NW
L = 16
NBE = 3 * L

_mesh = plsc.VectorSubcoreMesh(core_axis_name="c", subcore_axis_name="s")
_sc_params = pltpu.CompilerParams(needs_layout_passes=False)


def _wid():
    return lax.axis_index("s") * 2 + lax.axis_index("c")


def _route_body(logits_hbm, ids_hbm, phist_hbm, logits_v, ids_v, ph_v):
    w = _wid()
    t0 = w * TPW
    pltpu.sync_copy(logits_hbm.at[pl.ds(t0 * E, TPW * E)], logits_v)
    iota = lax.iota(jnp.int32, L)
    hist = jnp.zeros((L,), jnp.int32)
    for g in range(TPW // L):
        base = (g * L + iota) * E
        best_v = plsc.load_gather(logits_v, [base])
        best_i = jnp.zeros((L,), jnp.int32)
        for e in range(1, E):
            ve = plsc.load_gather(logits_v, [base + e])
            upd = ve > best_v
            best_v = jnp.where(upd, ve, best_v)
            best_i = jnp.where(upd, e, best_i)
        ids_v[pl.ds(g * L, L)] = best_i
        for e in range(E):
            cnt = plsc.all_reduce_population_count(best_i == e)
            hist = hist + jnp.where(iota == e, cnt, 0)
    ph_v[0] = hist
    pltpu.sync_copy(ids_v, ids_hbm.at[pl.ds(t0, TPW)])
    pltpu.sync_copy(ph_v, phist_hbm.at[pl.ds(w, 1)])


def _slots_body(x_hbm, ids_hbm, phist_hbm,
                slots_hbm, sortedx_hbm, be_hbm,
                ph_v, myids_v, offv_v, slots_v, xrows_v, tmp_v, bev_v, sem):
    w = _wid()
    t0 = w * TPW
    pltpu.sync_copy(phist_hbm, ph_v)
    pltpu.sync_copy(ids_hbm.at[pl.ds(t0, TPW)], myids_v)
    iota = lax.iota(jnp.int32, L)
    totals = jnp.zeros((L,), jnp.int32)
    myprefix = jnp.zeros((L,), jnp.int32)
    for ww in range(NW):
        row = ph_v[ww]
        totals = totals + row
        flag = (jnp.array(ww, jnp.int32) < w).astype(jnp.int32)
        myprefix = myprefix + row * flag
    nb = (totals + (B - 1)) // B
    baseblk = plsc.cumsum(nb) - nb
    offv_v[...] = baseblk * B + myprefix
    for g in range(TPW // L):
        ids_g = myids_v[pl.ds(g * L, L)]
        offs = plsc.load_gather(offv_v, [ids_g])
        rank = jnp.zeros((L,), jnp.int32)
        upd = jnp.zeros((L,), jnp.int32)
        for e in range(E):
            m = ids_g == e
            cs = plsc.cumsum(m.astype(jnp.int32))
            rank = rank + jnp.where(m, cs - 1, 0)
            cnt = plsc.all_reduce_population_count(m)
            upd = upd + jnp.where(iota == e, cnt, 0)
        slots_v[pl.ds(g * L, L)] = offs + rank
        offv_v[...] = offv_v[...] + upd
    pltpu.sync_copy(slots_v, slots_hbm.at[pl.ds(t0, TPW)])
    pltpu.sync_copy(x_hbm.at[pl.ds(t0, TPW)], xrows_v)
    pltpu.async_copy(xrows_v, sortedx_hbm.at[slots_v], sem).wait()

    @pl.when(w == 0)
    def _():
        tmp_v[pl.ds(0, L)] = jnp.zeros((L,), jnp.int32)
        tmp_v[pl.ds(L, L)] = jnp.zeros((L,), jnp.int32)
        plsc.store_scatter(tmp_v, [baseblk], iota, mask=nb > 0)
        lo = tmp_v[pl.ds(0, L)]
        hi = tmp_v[pl.ds(L, L)]
        locm = plsc.cummax(lo)
        m0 = jnp.max(locm)
        hicm = jnp.maximum(plsc.cummax(hi), m0)
        bev_v[pl.ds(0, L)] = locm
        bev_v[pl.ds(L, L)] = hicm
        bev_v[pl.ds(2 * L, L)] = jnp.zeros((L,), jnp.int32) + jnp.sum(nb)
        pltpu.sync_copy(bev_v, be_hbm)


def _combine_body(y_hbm, slots_hbm, out_hbm, slots_v, yrows_v, sem):
    w = _wid()
    t0 = w * TPW
    pltpu.sync_copy(slots_hbm.at[pl.ds(t0, TPW)], slots_v)
    pltpu.async_copy(y_hbm.at[slots_v], yrows_v, sem).wait()
    pltpu.sync_copy(yrows_v, out_hbm.at[pl.ds(t0, TPW)])


_route = functools.partial(
    pl.kernel,
    out_type=[jax.ShapeDtypeStruct((T,), jnp.int32),
              jax.ShapeDtypeStruct((NW, L), jnp.int32)],
    mesh=_mesh,
    scratch_types=[pltpu.VMEM((TPW * E,), jnp.float32),
                   pltpu.VMEM((TPW,), jnp.int32),
                   pltpu.VMEM((1, L), jnp.int32)],
    compiler_params=_sc_params,
)(_route_body)

_slots = functools.partial(
    pl.kernel,
    out_type=[jax.ShapeDtypeStruct((T,), jnp.int32),
              jax.ShapeDtypeStruct((NB * B, H), jnp.float32),
              jax.ShapeDtypeStruct((NBE,), jnp.int32)],
    mesh=_mesh,
    scratch_types=[pltpu.VMEM((NW, L), jnp.int32),
                   pltpu.VMEM((TPW,), jnp.int32),
                   pltpu.VMEM((L,), jnp.int32),
                   pltpu.VMEM((TPW,), jnp.int32),
                   pltpu.VMEM((TPW, H), jnp.float32),
                   pltpu.VMEM((2 * L,), jnp.int32),
                   pltpu.VMEM((NBE,), jnp.int32),
                   pltpu.SemaphoreType.DMA],
    compiler_params=_sc_params,
)(_slots_body)

_combine = functools.partial(
    pl.kernel,
    out_type=jax.ShapeDtypeStruct((T, H), jnp.float32),
    mesh=_mesh,
    scratch_types=[pltpu.VMEM((TPW,), jnp.int32),
                   pltpu.VMEM((TPW, H), jnp.float32),
                   pltpu.SemaphoreType.DMA],
    compiler_params=_sc_params,
)(_combine_body)


def _ffn_body(be_ref, x_ref, w1_ref, w3_ref, w2_ref, y_ref):
    @pl.when(pl.program_id(0) < be_ref[2 * L])
    def _():
        x = x_ref[...].astype(jnp.bfloat16)
        dn = (((1,), (1,)), ((), ()))
        g = lax.dot_general(x, w1_ref[0].astype(jnp.bfloat16), dn,
                            preferred_element_type=jnp.float32)
        u = lax.dot_general(x, w3_ref[0].astype(jnp.bfloat16), dn,
                            preferred_element_type=jnp.float32)
        a = (g * jax.nn.sigmoid(g) * u).astype(jnp.bfloat16)
        y_ref[...] = lax.dot_general(a, w2_ref[0].astype(jnp.bfloat16), dn,
                                     preferred_element_type=jnp.float32)


def _grouped_ffn(block_expert, sorted_x, w1, w2, w3):
    def xy_idx(b, be):
        return (jnp.minimum(b, be[2 * L] - 1), 0)

    grid_spec = pltpu.PrefetchScalarGridSpec(
        num_scalar_prefetch=1,
        grid=(NB,),
        in_specs=[
            pl.BlockSpec((B, H), xy_idx),
            pl.BlockSpec((1, I, H), lambda b, be: (be[b], 0, 0)),
            pl.BlockSpec((1, I, H), lambda b, be: (be[b], 0, 0)),
            pl.BlockSpec((1, H, I), lambda b, be: (be[b], 0, 0)),
        ],
        out_specs=pl.BlockSpec((B, H), xy_idx),
    )
    return pl.pallas_call(
        _ffn_body,
        grid_spec=grid_spec,
        out_shape=jax.ShapeDtypeStruct((NB * B, H), jnp.float32),
    )(block_expert, sorted_x, w1, w3, w2)


def kernel(hidden_states, router_logits, w1, w2, w3):
    ids, phist = _route(router_logits.reshape(-1))
    slots, sorted_x, block_expert = _slots(hidden_states, ids, phist)
    y = _grouped_ffn(block_expert, sorted_x, w1, w2, w3)
    return _combine(y, slots)

# --- scband reference (transcript-rebuilt; emitter-appended) ---
"""Pipeline reference for scband-fused-mo-e-87686052315721 (READ-ONLY COPY).

The authoritative reference and input builder live on the scoring server;
editing this copy changes nothing except your own understanding.
"""

import jax, jax.numpy as jnp
import numpy as np

NUM_EXPERTS = 16
TOP_K = 1
HIDDEN = 768
INTER = 1024
TOKENS = 2048


def setup_inputs(seed: int = 0) -> dict:
    key = jax.random.key(seed)
    k1, k2, k3, k4, k5 = jax.random.split(key, 5)
    hidden_states = jax.random.normal(k1, (TOKENS, HIDDEN), dtype=jnp.float32)
    router_logits = jax.random.normal(k2, (TOKENS, NUM_EXPERTS), dtype=jnp.float32)
    # Expert weights, tp_size assumed 1 so all experts are local.
    # torch F.linear convention: w1,w3 are [E, inter, hidden]; w2 is [E, hidden, inter].
    w1 = jax.random.normal(k3, (NUM_EXPERTS, INTER, HIDDEN), dtype=jnp.float32) * 0.02
    w2 = jax.random.normal(k4, (NUM_EXPERTS, HIDDEN, INTER), dtype=jnp.float32) * 0.02
    w3 = jax.random.normal(k5, (NUM_EXPERTS, INTER, HIDDEN), dtype=jnp.float32) * 0.02
    return {"hidden_states": hidden_states, "router_logits": router_logits, "w1": w1, "w2": w2, "w3": w3}


def reference(hidden_states, router_logits, w1, w2, w3):
    # topk routing + softmax over selected logits (matches torch.topk + F.softmax)
    topk_weights, topk_ids = jax.lax.top_k(router_logits, TOP_K)
    topk_weights = jax.nn.softmax(topk_weights, axis=-1)
    # combine[t, e] = sum_k topk_weights[t, k] * (topk_ids[t, k] == e)
    onehot = jax.nn.one_hot(topk_ids, NUM_EXPERTS, dtype=hidden_states.dtype)  # [T, K, E]
    combine = jnp.einsum('tk,tke->te', topk_weights, onehot)  # [T, E]
    # Dense-equivalent of per-expert gather/compute/index_add:
    # tokens not routed to expert e have combine[t, e] == 0 and contribute nothing,
    # exactly matching the masked gather + index_add_ in the torch module.
    gate = jnp.einsum('td,efd->tef', hidden_states, w1)  # F.linear(x, w1[e])
    up = jnp.einsum('td,efd->tef', hidden_states, w3)    # F.linear(x, w3[e])
    # SiluAndMul on cat([gate, up], -1) == silu(gate) * up
    activated = jax.nn.silu(gate) * up
    expert_out = jnp.einsum('tef,edf->ted', activated, w2)  # F.linear(act, w2[e])
    output = jnp.einsum('te,ted->td', combine, expert_out)
    return output

if __name__ == "__main__":
    import jax
    _d = setup_inputs()
    print(jax.jit(kernel)(*tuple(_d.values())))

</pallas_src>

<mosaic_0001>
#map = affine_map<(d0, d1) -> (0, 0)>
#map1 = affine_map<(d0, d1) -> (0)>
module attributes {stable_mosaic.version = 14 : i64} {
  func.func @_combine_body(%arg0: i32, %arg1: i32, %arg2: memref<6144x768xf32, #tpu.memory_space<hbm>>, %arg3: memref<2048xi32, #tpu.memory_space<hbm>>, %arg4: memref<2048x768xf32, #tpu.memory_space<hbm>>, %arg5: memref<64xi32, #tpu.memory_space<vmem>>, %arg6: memref<64x768xf32, #tpu.memory_space<vmem>>, %arg7: memref<!tpu.dma_semaphore, #tpu.memory_space<semaphore_mem>>) attributes {dimension_semantics = [#tpu.dimension_semantics<core_parallel>, #tpu.dimension_semantics<subcore_parallel>], iteration_bounds = array<i64: 2, 16>, scalar_prefetch = 0 : i64, scratch_operands = 3 : i64, tpu.core_type = #tpu.core_type<sc_vector_subcore>, window_params = [{transform_indices = #map}, {transform_indices = #map1}, {transform_indices = #map}]} {
    %mul3A = arith.constant 2 : i32
    %mul3A_0 = arith.muli %arg1, %mul3A : i32
    %add3A = arith.addi %mul3A_0, %arg0 : i32
    %mul3A_1 = arith.constant 64 : i32
    %mul3A_2 = arith.muli %add3A, %mul3A_1 : i32
    "tpu.region"() ({
      %run_scoped3A = tpu.sem_alloc : memref<!tpu.dma_semaphore, #tpu.memory_space<semaphore_mem>>
      %dma_start3A_7 = tpu.memref_slice %arg3[%mul3A_2] : memref<2048xi32, #tpu.memory_space<hbm>> -> memref<64xi32, #tpu.memory_space<hbm>>
      %dma_start3A_8 = tpu.memref_slice %arg3[%mul3A_2] : memref<2048xi32, #tpu.memory_space<hbm>> -> memref<64xi32, #tpu.memory_space<hbm>>
      tpu.enqueue_dma source(%dma_start3A_8 : memref<64xi32, #tpu.memory_space<hbm>>) target(%arg5 : memref<64xi32, #tpu.memory_space<vmem>>) target_semaphore(%run_scoped3A : memref<!tpu.dma_semaphore, #tpu.memory_space<semaphore_mem>>)
      %dma_wait3A_9 = tpu.memref_slice %arg3[%mul3A_2] : memref<2048xi32, #tpu.memory_space<hbm>> -> memref<64xi32, #tpu.memory_space<hbm>>
      %dma_wait3A_10 = tpu.memref_slice %arg3[%mul3A_2] : memref<2048xi32, #tpu.memory_space<hbm>> -> memref<64xi32, #tpu.memory_space<hbm>>
      tpu.wait_dma2 semaphore(%run_scoped3A : memref<!tpu.dma_semaphore, #tpu.memory_space<semaphore_mem>>) src(%dma_wait3A_10 : memref<64xi32, #tpu.memory_space<hbm>>) dst(%arg5 : memref<64xi32, #tpu.memory_space<vmem>>)
      tpu.yield
    }) : () -> ()
    %dma_start3A = arith.constant 0 : i32
    %dma_start3A_3 = arith.constant 0 : i32
    %dma_start3A_4 = tpu.memref_slice %arg2[%dma_start3A, %dma_start3A_3] : memref<6144x768xf32, #tpu.memory_space<hbm>> -> memref<6144x768xf32, #tpu.memory_space<hbm>>
    tpu.enqueue_indirect_dma source(%dma_start3A_4 : memref<6144x768xf32, #tpu.memory_space<hbm>>) target(%arg6 : memref<64x768xf32, #tpu.memory_space<vmem>>) offsets(%arg5 : memref<64xi32, #tpu.memory_space<vmem>>) semaphore(%arg7 : memref<!tpu.dma_semaphore, #tpu.memory_space<semaphore_mem>>)
    %dma_wait3A = arith.constant 0 : i32
    %dma_wait3A_5 = arith.constant 0 : i32
    %dma_wait3A_6 = tpu.memref_slice %arg2[%dma_wait3A, %dma_wait3A_5] : memref<6144x768xf32, #tpu.memory_space<hbm>> -> memref<6144x768xf32, #tpu.memory_space<hbm>>
    tpu.wait_indirect_dma semaphore(%arg7 : memref<!tpu.dma_semaphore, #tpu.memory_space<semaphore_mem>>) src(%dma_wait3A_6 : memref<6144x768xf32, #tpu.memory_space<hbm>>) dst(%arg6 : memref<64x768xf32, #tpu.memory_space<vmem>>)
    "tpu.region"() ({
      %run_scoped3A = tpu.sem_alloc : memref<!tpu.dma_semaphore, #tpu.memory_space<semaphore_mem>>
      %dma_start3A_7 = arith.constant 0 : i32
      %dma_start3A_8 = tpu.memref_slice %arg4[%mul3A_2, %dma_start3A_7] : memref<2048x768xf32, #tpu.memory_space<hbm>> -> memref<64x768xf32, #tpu.memory_space<hbm>>
      %dma_start3A_9 = arith.constant 0 : i32
      %dma_start3A_10 = tpu.memref_slice %arg4[%mul3A_2, %dma_start3A_9] : memref<2048x768xf32, #tpu.memory_space<hbm>> -> memref<64x768xf32, #tpu.memory_space<hbm>>
      tpu.enqueue_dma source(%arg6 : memref<64x768xf32, #tpu.memory_space<vmem>>) target(%dma_start3A_10 : memref<64x768xf32, #tpu.memory_space<hbm>>) target_semaphore(%run_scoped3A : memref<!tpu.dma_semaphore, #tpu.memory_space<semaphore_mem>>)
      %dma_wait3A_11 = arith.constant 0 : i32
      %dma_wait3A_12 = tpu.memref_slice %arg4[%mul3A_2, %dma_wait3A_11] : memref<2048x768xf32, #tpu.memory_space<hbm>> -> memref<64x768xf32, #tpu.memory_space<hbm>>
      %dma_wait3A_13 = arith.constant 0 : i32
      %dma_wait3A_14 = tpu.memref_slice %arg4[%mul3A_2, %dma_wait3A_13] : memref<2048x768xf32, #tpu.memory_space<hbm>> -> memref<64x768xf32, #tpu.memory_space<hbm>>
      tpu.wait_dma2 semaphore(%run_scoped3A : memref<!tpu.dma_semaphore, #tpu.memory_space<semaphore_mem>>) src(%arg6 : memref<64x768xf32, #tpu.memory_space<vmem>>) dst(%dma_wait3A_14 : memref<64x768xf32, #tpu.memory_space<hbm>>)
      tpu.yield
    }) : () -> ()
    return
  }
}

#map = affine_map<(d0, d1) -> (0, 0)>
#map1 = affine_map<(d0, d1) -> (0)>
module attributes {stable_mosaic.version = 14 : i64} {
  func.func @_slots_body(%arg0: i32, %arg1: i32, %arg2: memref<2048x768xf32, #tpu.memory_space<hbm>>, %arg3: memref<2048xi32, #tpu.memory_space<hbm>>, %arg4: memref<32x16xi32, #tpu.memory_space<hbm>>, %arg5: memref<2048xi32, #tpu.memory_space<hbm>>, %arg6: memref<6144x768xf32, #tpu.memory_space<hbm>>, %arg7: memref<48xi32, #tpu.memory_space<hbm>>, %arg8: memref<32x16xi32, #tpu.memory_space<vmem>>, %arg9: memref<64xi32, #tpu.memory_space<vmem>>, %arg10: memref<16xi32, #tpu.memory_space<vmem>>, %arg11: memref<64xi32, #tpu.memory_space<vmem>>, %arg12: memref<64x768xf32, #tpu.memory_space<vmem>>, %arg13: memref<32xi32, #tpu.memory_space<vmem>>, %arg14: memref<48xi32, #tpu.memory_space<vmem>>, %arg15: memref<!tpu.dma_semaphore, #tpu.memory_space<semaphore_mem>>) attributes {dimension_semantics = [#tpu.dimension_semantics<core_parallel>, #tpu.dimension_semantics<subcore_parallel>], iteration_bounds = array<i64: 2, 16>, scalar_prefetch = 0 : i64, scratch_operands = 8 : i64, tpu.core_type = #tpu.core_type<sc_vector_subcore>, window_params = [{transform_indices = #map}, {transform_indices = #map1}, {transform_indices = #map}, {transform_indices = #map1}, {transform_indices = #map}, {transform_indices = #map1}]} {
    %mul3A = arith.constant 2 : i32
    %mul3A_0 = arith.muli %arg1, %mul3A : i32
    %add3A = arith.addi %mul3A_0, %arg0 : i32
    %mul3A_1 = arith.constant 64 : i32
    %mul3A_2 = arith.muli %add3A, %mul3A_1 : i32
    "tpu.region"() ({
      %run_scoped3A = tpu.sem_alloc : memref<!tpu.dma_semaphore, #tpu.memory_space<semaphore_mem>>
      tpu.enqueue_dma source(%arg4 : memref<32x16xi32, #tpu.memory_space<hbm>>) target(%arg8 : memref<32x16xi32, #tpu.memory_space<vmem>>) target_semaphore(%run_scoped3A : memref<!tpu.dma_semaphore, #tpu.memory_space<semaphore_mem>>)
      tpu.wait_dma2 semaphore(%run_scoped3A : memref<!tpu.dma_semaphore, #tpu.memory_space<semaphore_mem>>) src(%arg4 : memref<32x16xi32, #tpu.memory_space<hbm>>) dst(%arg8 : memref<32x16xi32, #tpu.memory_space<vmem>>)
      tpu.yield
    }) : () -> ()
    "tpu.region"() ({
      %run_scoped3A = tpu.sem_alloc : memref<!tpu.dma_semaphore, #tpu.memory_space<semaphore_mem>>
      %dma_start3A_1862 = tpu.memref_slice %arg3[%mul3A_2] : memref<2048xi32, #tpu.memory_space<hbm>> -> memref<64xi32, #tpu.memory_space<hbm>>
      %dma_start3A_1863 = tpu.memref_slice %arg3[%mul3A_2] : memref<2048xi32, #tpu.memory_space<hbm>> -> memref<64xi32, #tpu.memory_space<hbm>>
      tpu.enqueue_dma source(%dma_start3A_1863 : memref<64xi32, #tpu.memory_space<hbm>>) target(%arg9 : memref<64xi32, #tpu.memory_space<vmem>>) target_semaphore(%run_scoped3A : memref<!tpu.dma_semaphore, #tpu.memory_space<semaphore_mem>>)
      %dma_wait3A_1864 = tpu.memref_slice %arg3[%mul3A_2] : memref<2048xi32, #tpu.memory_space<hbm>> -> memref<64xi32, #tpu.memory_space<hbm>>
      %dma_wait3A_1865 = tpu.memref_slice %arg3[%mul3A_2] : memref<2048xi32, #tpu.memory_space<hbm>> -> memref<64xi32, #tpu.memory_space<hbm>>
      tpu.wait_dma2 semaphore(%run_scoped3A : memref<!tpu.dma_semaphore, #tpu.memory_space<semaphore_mem>>) src(%dma_wait3A_1865 : memref<64xi32, #tpu.memory_space<hbm>>) dst(%arg9 : memref<64xi32, #tpu.memory_space<vmem>>)
      tpu.yield
    }) : () -> ()
    %iota3A = tpu.iota {dimensions = array<i32: 0>} : vector<16xi32>
    %broadcast_in_dim3A = arith.constant 0 : i32
    %broadcast_in_dim3A_3 = vector.broadcast %broadcast_in_dim3A : i32 to vector<16xi32>
    %broadcast_in_dim3A_4 = arith.constant 0 : i32
    %broadcast_in_dim3A_5 = vector.broadcast %broadcast_in_dim3A_4 : i32 to vector<16xi32>
    %get3A = arith.constant 0 : i32
    %get3A_6 = arith.index_cast %get3A : i32 to index
    %get3A_7 = arith.constant 0 : index
    %get3A_8 = tpu.vector_load %arg8[%get3A_6, %get3A_7] {strides = array<i32>} : memref<32x16xi32, #tpu.memory_space<vmem>>, vector<16xi32>,
    %add3A_9 = arith.addi %broadcast_in_dim3A_3, %get3A_8 : vector<16xi32>
    %lt3A = arith.constant 0 : i32
    %lt3A_10 = arith.cmpi slt, %lt3A, %add3A : i32
    %convert_element_type3A = arith.extui %lt3A_10 : i1 to i32
    %mul3A_11 = vector.broadcast %convert_element_type3A : i32 to vector<16xi32>
    %mul3A_12 = arith.muli %get3A_8, %mul3A_11 : vector<16xi32>
    %add3A_13 = arith.addi %broadcast_in_dim3A_5, %mul3A_12 : vector<16xi32>
    %get3A_14 = arith.constant 1 : i32
    %get3A_15 = arith.index_cast %get3A_14 : i32 to index
    %get3A_16 = arith.constant 0 : index
    %get3A_17 = tpu.vector_load %arg8[%get3A_15, %get3A_16] {strides = array<i32>} : memref<32x16xi32, #tpu.memory_space<vmem>>, vector<16xi32>,
    %add3A_18 = arith.addi %add3A_9, %get3A_17 : vector<16xi32>
    %lt3A_19 = arith.constant 1 : i32
    %lt3A_20 = arith.cmpi slt, %lt3A_19, %add3A : i32
    %convert_element_type3A_21 = arith.extui %lt3A_20 : i1 to i32
    %mul3A_22 = vector.broadcast %convert_element_type3A_21 : i32 to vector<16xi32>
    %mul3A_23 = arith.muli %get3A_17, %mul3A_22 : vector<16xi32>
    %add3A_24 = arith.addi %add3A_13, %mul3A_23 : vector<16xi32>
    %get3A_25 = arith.constant 2 : i32
    %get3A_26 = arith.index_cast %get3A_25 : i32 to index
    %get3A_27 = arith.constant 0 : index
    %get3A_28 = tpu.vector_load %arg8[%get3A_26, %get3A_27] {strides = array<i32>} : memref<32x16xi32, #tpu.memory_space<vmem>>, vector<16xi32>,
    %add3A_29 = arith.addi %add3A_18, %get3A_28 : vector<16xi32>
    %lt3A_30 = arith.constant 2 : i32
    %lt3A_31 = arith.cmpi slt, %lt3A_30, %add3A : i32
    %convert_element_type3A_32 = arith.extui %lt3A_31 : i1 to i32
    %mul3A_33 = vector.broadcast %convert_element_type3A_32 : i32 to vector<16xi32>
    %mul3A_34 = arith.muli %get3A_28, %mul3A_33 : vector<16xi32>
    %add3A_35 = arith.addi %add3A_24, %mul3A_34 : vector<16xi32>
    %get3A_36 = arith.constant 3 : i32
    %get3A_37 = arith.index_cast %get3A_36 : i32 to index
    %get3A_38 = arith.constant 0 : index
    %get3A_39 = tpu.vector_load %arg8[%get3A_37, %get3A_38] {strides = array<i32>} : memref<32x16xi32, #tpu.memory_space<vmem>>, vector<16xi32>,
    %add3A_40 = arith.addi %add3A_29, %get3A_39 : vector<16xi32>
    %lt3A_41 = arith.constant 3 : i32
    %lt3A_42 = arith.cmpi slt, %lt3A_41, %add3A : i32
    %convert_element_type3A_43 = arith.extui %lt3A_42 : i1 to i32
    %mul3A_44 = vector.broadcast %convert_element_type3A_43 : i32 to vector<16xi32>
    %mul3A_45 = arith.muli %get3A_39, %mul3A_44 : vector<16xi32>
    %add3A_46 = arith.addi %add3A_35, %mul3A_45 : vector<16xi32>
    %get3A_47 = arith.constant 4 : i32
    %get3A_48 = arith.index_cast %get3A_47 : i32 to index
    %get3A_49 = arith.constant 0 : index
    %get3A_50 = tpu.vector_load %arg8[%get3A_48, %get3A_49] {strides = array<i32>} : memref<32x16xi32, #tpu.memory_space<vmem>>, vector<16xi32>,
    %add3A_51 = arith.addi %add3A_40, %get3A_50 : vector<16xi32>
    %lt3A_52 = arith.constant 4 : i32
    %lt3A_53 = arith.cmpi slt, %lt3A_52, %add3A : i32
    %convert_element_type3A_54 = arith.extui %lt3A_53 : i1 to i32
    %mul3A_55 = vector.broadcast %convert_element_type3A_54 : i32 to vector<16xi32>
    %mul3A_56 = arith.muli %get3A_50, %mul3A_55 : vector<16xi32>
    %add3A_57 = arith.addi %add3A_46, %mul3A_56 : vector<16xi32>
    %get3A_58 = arith.constant 5 : i32
    %get3A_59 = arith.index_cast %get3A_58 : i32 to index
    %get3A_60 = arith.constant 0 : index
    %get3A_61 = tpu.vector_load %arg8[%get3A_59, %get3A_60] {strides = array<i32>} : memref<32x16xi32, #tpu.memory_space<vmem>>, vector<16xi32>,
    %add3A_62 = arith.addi %add3A_51, %get3A_61 : vector<16xi32>
    %lt3A_63 = arith.constant 5 : i32
    %lt3A_64 = arith.cmpi slt, %lt3A_63, %add3A : i32
    %convert_element_type3A_65 = arith.extui %lt3A_64 : i1 to i32
    %mul3A_66 = vector.broadcast %convert_element_type3A_65 : i32 to vector<16xi32>
    %mul3A_67 = arith.muli %get3A_61, %mul3A_66 : vector<16xi32>
    %add3A_68 = arith.addi %add3A_57, %mul3A_67 : vector<16xi32>
    %get3A_69 = arith.constant 6 : i32
    %get3A_70 = arith.index_cast %get3A_69 : i32 to index
    %get3A_71 = arith.constant 0 : index
    %get3A_72 = tpu.vector_load %arg8[%get3A_70, %get3A_71] {strides = array<i32>} : memref<32x16xi32, #tpu.memory_space<vmem>>, vector<16xi32>,
    %add3A_73 = arith.addi %add3A_62, %get3A_72 : vector<16xi32>
    %lt3A_74 = arith.constant 6 : i32
    %lt3A_75 = arith.cmpi slt, %lt3A_74, %add3A : i32
    %convert_element_type3A_76 = arith.extui %lt3A_75 : i1 to i32
    %mul3A_77 = vector.broadcast %convert_element_type3A_76 : i32 to vector<16xi32>
    %mul3A_78 = arith.muli %get3A_72, %mul3A_77 : vector<16xi32>
    %add3A_79 = arith.addi %add3A_68, %mul3A_78 : vector<16xi32>
    %get3A_80 = arith.constant 7 : i32
    %get3A_81 = arith.index_cast %get3A_80 : i32 to index
    %get3A_82 = arith.constant 0 : index
    %get3A_83 = tpu.vector_load %arg8[%get3A_81, %get3A_82] {strides = array<i32>} : memref<32x16xi32, #tpu.memory_space<vmem>>, vector<16xi32>,
    %add3A_84 = arith.addi %add3A_73, %get3A_83 : vector<16xi32>
    %lt3A_85 = arith.constant 7 : i32
    %lt3A_86 = arith.cmpi slt, %lt3A_85, %add3A : i32
    %convert_element_type3A_87 = arith.extui %lt3A_86 : i1 to i32
    %mul3A_88 = vector.broadcast %convert_element_type3A_87 : i32 to vector<16xi32>
    %mul3A_89 = arith.muli %get3A_83, %mul3A_88 : vector<16xi32>
    %add3A_90 = arith.addi %add3A_79, %mul3A_89 : vector<16xi32>
    %get3A_91 = arith.constant 8 : i32
    %get3A_92 = arith.index_cast %get3A_91 : i32 to index
    %get3A_93 = arith.constant 0 : index
    %get3A_94 = tpu.vector_load %arg8[%get3A_92, %get3A_93] {strides = array<i32>} : memref<32x16xi32, #tpu.memory_space<vmem>>, vector<16xi32>,
    %add3A_95 = arith.addi %add3A_84, %get3A_94 : vector<16xi32>
    %lt3A_96 = arith.constant 8 : i32
    %lt3A_97 = arith.cmpi slt, %lt3A_96, %add3A : i32
    %convert_element_type3A_98 = arith.extui %lt3A_97 : i1 to i32
    %mul3A_99 = vector.broadcast %convert_element_type3A_98 : i32 to vector<16xi32>
    %mul3A_100 = arith.muli %get3A_94, %mul3A_99 : vector<16xi32>
    %add3A_101 = arith.addi %add3A_90, %mul3A_100 : vector<16xi32>
    %get3A_102 = arith.constant 9 : i32
    %get3A_103 = arith.index_cast %get3A_102 : i32 to index
    %get3A_104 = arith.constant 0 : index
    %get3A_105 = tpu.vector_load %arg8[%get3A_103, %get3A_104] {strides = array<i32>} : memref<32x16xi32, #tpu.memory_space<vmem>>, vector<16xi32>,
    %add3A_106 = arith.addi %add3A_95, %get3A_105 : vector<16xi32>
    %lt3A_107 = arith.constant 9 : i32
    %lt3A_108 = arith.cmpi slt, %lt3A_107, %add3A : i32
    %convert_element_type3A_109 = arith.extui %lt3A_108 : i1 to i32
    %mul3A_110 = vector.broadcast %convert_element_type3A_109 : i32 to vector<16xi32>
    %mul3A_111 = arith.muli %get3A_105, %mul3A_110 : vector<16xi32>
    %add3A_112 = arith.addi %add3A_101, %mul3A_111 : vector<16xi32>
    %get3A_113 = arith.constant 10 : i32
    %get3A_114 = arith.index_cast %get3A_113 : i32 to index
    %get3A_115 = arith.constant 0 : index
    %get3A_116 = tpu.vector_load %arg8[%get3A_114, %get3A_115] {strides = array<i32>} : memref<32x16xi32, #tpu.memory_space<vmem>>, vector<16xi32>,
    %add3A_117 = arith.addi %add3A_106, %get3A_116 : vector<16xi32>
    %lt3A_118 = arith.constant 10 : i32
    %lt3A_119 = arith.cmpi slt, %lt3A_118, %add3A : i32
    %convert_element_type3A_120 = arith.extui %lt3A_119 : i1 to i32
    %mul3A_121 = vector.broadcast %convert_element_type3A_120 : i32 to vector<16xi32>
    %mul3A_122 = arith.muli %get3A_116, %mul3A_121 : vector<16xi32>
    %add3A_123 = arith.addi %add3A_112, %mul3A_122 : vector<16xi32>
    %get3A_124 = arith.constant 11 : i32
    %get3A_125 = arith.index_cast %get3A_124 : i32 to index
    %get3A_126 = arith.constant 0 : index
    %get3A_127 = tpu.vector_load %arg8[%get3A_125, %get3A_126] {strides = array<i32>} : memref<32x16xi32, #tpu.memory_space<vmem>>, vector<16xi32>,
    %add3A_128 = arith.addi %add3A_117, %get3A_127 : vector<16xi32>
    %lt3A_129 = arith.constant 11 : i32
    %lt3A_130 = arith.cmpi slt, %lt3A_129, %add3A : i32
    %convert_element_type3A_131 = arith.extui %lt3A_130 : i1 to i32
    %mul3A_132 = vector.broadcast %convert_element_type3A_131 : i32 to vector<16xi32>
    %mul3A_133 = arith.muli %get3A_127, %mul3A_132 : vector<16xi32>
    %add3A_134 = arith.addi %add3A_123, %mul3A_133 : vector<16xi32>
    %get3A_135 = arith.constant 12 : i32
    %get3A_136 = arith.index_cast %get3A_135 : i32 to index
    %get3A_137 = arith.constant 0 : index
    %get3A_138 = tpu.vector_load %arg8[%get3A_136, %get3A_137] {strides = array<i32>} : memref<32x16xi32, #tpu.memory_space<vmem>>, vector<16xi32>,
    %add3A_139 = arith.addi %add3A_128, %get3A_138 : vector<16xi32>
    %lt3A_140 = arith.constant 12 : i32
    %lt3A_141 = arith.cmpi slt, %lt3A_140, %add3A : i32
    %convert_element_type3A_142 = arith.extui %lt3A_141 : i1 to i32
    %mul3A_143 = vector.broadcast %convert_element_type3A_142 : i32 to vector<16xi32>
    %mul3A_144 = arith.muli %get3A_138, %mul3A_143 : vector<16xi32>
    %add3A_145 = arith.addi %add3A_134, %mul3A_144 : vector<16xi32>
    %get3A_146 = arith.constant 13 : i32
    %get3A_147 = arith.index_cast %get3A_146 : i32 to index
    %get3A_148 = arith.constant 0 : index
    %get3A_149 = tpu.vector_load %arg8[%get3A_147, %get3A_148] {strides = array<i32>} : memref<32x16xi32, #tpu.memory_space<vmem>>, vector<16xi32>,
    %add3A_150 = arith.addi %add3A_139, %get3A_149 : vector<16xi32>
    %lt3A_151 = arith.constant 13 : i32
    %lt3A_152 = arith.cmpi slt, %lt3A_151, %add3A : i32
    %convert_element_type3A_153 = arith.extui %lt3A_152 : i1 to i32
    %mul3A_154 = vector.broadcast %convert_element_type3A_153 : i32 to vector<16xi32>
    %mul3A_155 = arith.muli %get3A_149, %mul3A_154 : vector<16xi32>
    %add3A_156 = arith.addi %add3A_145, %mul3A_155 : vector<16xi32>
    %get3A_157 = arith.constant 14 : i32
    %get3A_158 = arith.index_cast %get3A_157 : i32 to index
    %get3A_159 = arith.constant 0 : index
    %get3A_160 = tpu.vector_load %arg8[%get3A_158, %get3A_159] {strides = array<i32>} : memref<32x16xi32, #tpu.memory_space<vmem>>, vector<16xi32>,
    %add3A_161 = arith.addi %add3A_150, %get3A_160 : vector<16xi32>
    %lt3A_162 = arith.constant 14 : i32
    %lt3A_163 = arith.cmpi slt, %lt3A_162, %add3A : i32
    %convert_element_type3A_164 = arith.extui %lt3A_163 : i1 to i32
    %mul3A_165 = vector.broadcast %convert_element_type3A_164 : i32 to vector<16xi32>
    %mul3A_166 = arith.muli %get3A_160, %mul3A_165 : vector<16xi32>
    %add3A_167 = arith.addi %add3A_156, %mul3A_166 : vector<16xi32>
    %get3A_168 = arith.constant 15 : i32
    %get3A_169 = arith.index_cast %get3A_168 : i32 to index
    %get3A_170 = arith.constant 0 : index
    %get3A_171 = tpu.vector_load %arg8[%get3A_169, %get3A_170] {strides = array<i32>} : memref<32x16xi32, #tpu.memory_space<vmem>>, vector<16xi32>,
    %add3A_172 = arith.addi %add3A_161, %get3A_171 : vector<16xi32>
    %lt3A_173 = arith.constant 15 : i32
    %lt3A_174 = arith.cmpi slt, %lt3A_173, %add3A : i32
    %convert_element_type3A_175 = arith.extui %lt3A_174 : i1 to i32
    %mul3A_176 = vector.broadcast %convert_element_type3A_175 : i32 to vector<16xi32>
    %mul3A_177 = arith.muli %get3A_171, %mul3A_176 : vector<16xi32>
    %add3A_178 = arith.addi %add3A_167, %mul3A_177 : vector<16xi32>
    %get3A_179 = arith.constant 16 : i32
    %get3A_180 = arith.index_cast %get3A_179 : i32 to index
    %get3A_181 = arith.constant 0 : index
    %get3A_182 = tpu.vector_load %arg8[%get3A_180, %get3A_181] {strides = array<i32>} : memref<32x16xi32, #tpu.memory_space<vmem>>, vector<16xi32>,
    %add3A_183 = arith.addi %add3A_172, %get3A_182 : vector<16xi32>
    %lt3A_184 = arith.constant 16 : i32
    %lt3A_185 = arith.cmpi slt, %lt3A_184, %add3A : i32
    %convert_element_type3A_186 = arith.extui %lt3A_185 : i1 to i32
    %mul3A_187 = vector.broadcast %convert_element_type3A_186 : i32 to vector<16xi32>
    %mul3A_188 = arith.muli %get3A_182, %mul3A_187 : vector<16xi32>
    %add3A_189 = arith.addi %add3A_178, %mul3A_188 : vector<16xi32>
    %get3A_190 = arith.constant 17 : i32
    %get3A_191 = arith.index_cast %get3A_190 : i32 to index
    %get3A_192 = arith.constant 0 : index
    %get3A_193 = tpu.vector_load %arg8[%get3A_191, %get3A_192] {strides = array<i32>} : memref<32x16xi32, #tpu.memory_space<vmem>>, vector<16xi32>,
    %add3A_194 = arith.addi %add3A_183, %get3A_193 : vector<16xi32>
    %lt3A_195 = arith.constant 17 : i32
    %lt3A_196 = arith.cmpi slt, %lt3A_195, %add3A : i32
    %convert_element_type3A_197 = arith.extui %lt3A_196 : i1 to i32
    %mul3A_198 = vector.broadcast %convert_element_type3A_197 : i32 to vector<16xi32>
    %mul3A_199 = arith.muli %get3A_193, %mul3A_198 : vector<16xi32>
    %add3A_200 = arith.addi %add3A_189, %mul3A_199 : vector<16xi32>
    %get3A_201 = arith.constant 18 : i32
    %get3A_202 = arith.index_cast %get3A_201 : i32 to index
    %get3A_203 = arith.constant 0 : index
    %get3A_204 = tpu.vector_load %arg8[%get3A_202, %get3A_203] {strides = array<i32>} : memref<32x16xi32, #tpu.memory_space<vmem>>, vector<16xi32>,
    %add3A_205 = arith.addi %add3A_194, %get3A_204 : vector<16xi32>
    %lt3A_206 = arith.constant 18 : i32
    %lt3A_207 = arith.cmpi slt, %lt3A_206, %add3A : i32
    %convert_element_type3A_208 = arith.extui %lt3A_207 : i1 to i32
    %mul3A_209 = vector.broadcast %convert_element_type3A_208 : i32 to vector<16xi32>
    %mul3A_210 = arith.muli %get3A_204, %mul3A_209 : vector<16xi32>
    %add3A_211 = arith.addi %add3A_200, %mul3A_210 : vector<16xi32>
    %get3A_212 = arith.constant 19 : i32
    %get3A_213 = arith.index_cast %get3A_212 : i32 to index
    %get3A_214 = arith.constant 0 : index
    %get3A_215 = tpu.vector_load %arg8[%get3A_213, %get3A_214] {strides = array<i32>} : memref<32x16xi32, #tpu.memory_space<vmem>>, vector<16xi32>,
    %add3A_216 = arith.addi %add3A_205, %get3A_215 : vector<16xi32>
    %lt3A_217 = arith.constant 19 : i32
    %lt3A_218 = arith.cmpi slt, %lt3A_217, %add3A : i32
    %convert_element_type3A_219 = arith.extui %lt3A_218 : i1 to i32
    %mul3A_220 = vector.broadcast %convert_element_type3A_219 : i32 to vector<16xi32>
    %mul3A_221 = arith.muli %get3A_215, %mul3A_220 : vector<16xi32>
    %add3A_222 = arith.addi %add3A_211, %mul3A_221 : vector<16xi32>
    %get3A_223 = arith.constant 20 : i32
    %get3A_224 = arith.index_cast %get3A_223 : i32 to index
    %get3A_225 = arith.constant 0 : index
    %get3A_226 = tpu.vector_load %arg8[%get3A_224, %get3A_225] {strides = array<i32>} : memref<32x16xi32, #tpu.memory_space<vmem>>, vector<16xi32>,
    %add3A_227 = arith.addi %add3A_216, %get3A_226 : vector<16xi32>
    %lt3A_228 = arith.constant 20 : i32
    %lt3A_229 = arith.cmpi slt, %lt3A_228, %add3A : i32
    %convert_element_type3A_230 = arith.extui %lt3A_229 : i1 to i32
    %mul3A_231 = vector.broadcast %convert_element_type3A_230 : i32 to vector<16xi32>
    %mul3A_232 = arith.muli %get3A_226, %mul3A_231 : vector<16xi32>
    %add3A_233 = arith.addi %add3A_222, %mul3A_232 : vector<16xi32>
    %get3A_234 = arith.constant 21 : i32
    %get3A_235 = arith.index_cast %get3A_234 : i32 to index
    %get3A_236 = arith.constant 0 : index
    %get3A_237 = tpu.vector_load %arg8[%get3A_235, %get3A_236] {strides = array<i32>} : memref<32x16xi32, #tpu.memory_space<vmem>>, vector<16xi32>,
    %add3A_238 = arith.addi %add3A_227, %get3A_237 : vector<16xi32>
    %lt3A_239 = arith.constant 21 : i32
    %lt3A_240 = arith.cmpi slt, %lt3A_239, %add3A : i32
    %convert_element_type3A_241 = arith.extui %lt3A_240 : i1 to i32
    %mul3A_242 = vector.broadcast %convert_element_type3A_241 : i32 to vector<16xi32>
    %mul3A_243 = arith.muli %get3A_237, %mul3A_242 : vector<16xi32>
    %add3A_244 = arith.addi %add3A_233, %mul3A_243 : vector<16xi32>
    %get3A_245 = arith.constant 22 : i32
    %get3A_246 = arith.index_cast %get3A_245 : i32 to index
    %get3A_247 = arith.constant 0 : index
    %get3A_248 = tpu.vector_load %arg8[%get3A_246, %get3A_247] {strides = array<i32>} : memref<32x16xi32, #tpu.memory_space<vmem>>, vector<16xi32>,
    %add3A_249 = arith.addi %add3A_238, %get3A_248 : vector<16xi32>
    %lt3A_250 = arith.constant 22 : i32
    %lt3A_251 = arith.cmpi slt, %lt3A_250, %add3A : i32
    %convert_element_type3A_252 = arith.extui %lt3A_251 : i1 to i32
    %mul3A_253 = vector.broadcast %convert_element_type3A_252 : i32 to vector<16xi32>
    %mul3A_254 = arith.muli %get3A_248, %mul3A_253 : vector<16xi32>
    %add3A_255 = arith.addi %add3A_244, %mul3A_254 : vector<16xi32>
    %get3A_256 = arith.constant 23 : i32
    %get3A_257 = arith.index_cast %get3A_256 : i32 to index
    %get3A_258 = arith.constant 0 : index
    %get3A_259 = tpu.vector_load %arg8[%get3A_257, %get3A_258] {strides = array<i32>} : memref<32x16xi32, #tpu.memory_space<vmem>>, vector<16xi32>,
    %add3A_260 = arith.addi %add3A_249, %get3A_259 : vector<16xi32>
    %lt3A_261 = arith.constant 23 : i32
    %lt3A_262 = arith.cmpi slt, %lt3A_261, %add3A : i32
    %convert_element_type3A_263 = arith.extui %lt3A_262 : i1 to i32
    %mul3A_264 = vector.broadcast %convert_element_type3A_263 : i32 to vector<16xi32>
    %mul3A_265 = arith.muli %get3A_259, %mul3A_264 : vector<16xi32>
    %add3A_266 = arith.addi %add3A_255, %mul3A_265 : vector<16xi32>
    %get3A_267 = arith.constant 24 : i32
    %get3A_268 = arith.index_cast %get3A_267 : i32 to index
    %get3A_269 = arith.constant 0 : index
    %get3A_270 = tpu.vector_load %arg8[%get3A_268, %get3A_269] {strides = array<i32>} : memref<32x16xi32, #tpu.memory_space<vmem>>, vector<16xi32>,
    %add3A_271 = arith.addi %add3A_260, %get3A_270 : vector<16xi32>
    %lt3A_272 = arith.constant 24 : i32
    %lt3A_273 = arith.cmpi slt, %lt3A_272, %add3A : i32
    %convert_element_type3A_274 = arith.extui %lt3A_273 : i1 to i32
    %mul3A_275 = vector.broadcast %convert_element_type3A_274 : i32 to vector<16xi32>
    %mul3A_276 = arith.muli %get3A_270, %mul3A_275 : vector<16xi32>
    %add3A_277 = arith.addi %add3A_266, %mul3A_276 : vector<16xi32>
    %get3A_278 = arith.constant 25 : i32
    %get3A_279 = arith.index_cast %get3A_278 : i32 to index
    %get3A_280 = arith.constant 0 : index
    %get3A_281 = tpu.vector_load %arg8[%get3A_279, %get3A_280] {strides = array<i32>} : memref<32x16xi32, #tpu.memory_space<vmem>>, vector<16xi32>,
    %add3A_282 = arith.addi %add3A_271, %get3A_281 : vector<16xi32>
    %lt3A_283 = arith.constant 25 : i32
    %lt3A_284 = arith.cmpi slt, %lt3A_283, %add3A : i32
    %convert_element_type3A_285 = arith.extui %lt3A_284 : i1 to i32
    %mul3A_286 = vector.broadcast %convert_element_type3A_285 : i32 to vector<16xi32>
    %mul3A_287 = arith.muli %get3A_281, %mul3A_286 : vector<16xi32>
    %add3A_288 = arith.addi %add3A_277, %mul3A_287 : vector<16xi32>
    %get3A_289 = arith.constant 26 : i32
    %get3A_290 = arith.index_cast %get3A_289 : i32 to index
    %get3A_291 = arith.constant 0 : index
    %get3A_292 = tpu.vector_load %arg8[%get3A_290, %get3A_291] {strides = array<i32>} : memref<32x16xi32, #tpu.memory_space<vmem>>, vector<16xi32>,
    %add3A_293 = arith.addi %add3A_282, %get3A_292 : vector<16xi32>
    %lt3A_294 = arith.constant 26 : i32
    %lt3A_295 = arith.cmpi slt, %lt3A_294, %add3A : i32
    %convert_element_type3A_296 = arith.extui %lt3A_295 : i1 to i32
    %mul3A_297 = vector.broadcast %convert_element_type3A_296 : i32 to vector<16xi32>
    %mul3A_298 = arith.muli %get3A_292, %mul3A_297 : vector<16xi32>
    %add3A_299 = arith.addi %add3A_288, %mul3A_298 : vector<16xi32>
    %get3A_300 = arith.constant 27 : i32
    %get3A_301 = arith.index_cast %get3A_300 : i32 to index
    %get3A_302 = arith.constant 0 : index
    %get3A_303 = tpu.vector_load %arg8[%get3A_301, %get3A_302] {strides = array<i32>} : memref<32x16xi32, #tpu.memory_space<vmem>>, vector<16xi32>,
    %add3A_304 = arith.addi %add3A_293, %get3A_303 : vector<16xi32>
    %lt3A_305 = arith.constant 27 : i32
    %lt3A_306 = arith.cmpi slt, %lt3A_305, %add3A : i32
    %convert_element_type3A_307 = arith.extui %lt3A_306 : i1 to i32
    %mul3A_308 = vector.broadcast %convert_element_type3A_307 : i32 to vector<16xi32>
    %mul3A_309 = arith.muli %get3A_303, %mul3A_308 : vector<16xi32>
    %add3A_310 = arith.addi %add3A_299, %mul3A_309 : vector<16xi32>
    %get3A_311 = arith.constant 28 : i32
    %get3A_312 = arith.index_cast %get3A_311 : i32 to index
    %get3A_313 = arith.constant 0 : index
    %get3A_314 = tpu.vector_load %arg8[%get3A_312, %get3A_313] {strides = array<i32>} : memref<32x16xi32, #tpu.memory_space<vmem>>, vector<16xi32>,
    %add3A_315 = arith.addi %add3A_304, %get3A_314 : vector<16xi32>
    %lt3A_316 = arith.constant 28 : i32
    %lt3A_317 = arith.cmpi slt, %lt3A_316, %add3A : i32
    %convert_element_type3A_318 = arith.extui %lt3A_317 : i1 to i32
    %mul3A_319 = vector.broadcast %convert_element_type3A_318 : i32 to vector<16xi32>
    %mul3A_320 = arith.muli %get3A_314, %mul3A_319 : vector<16xi32>
    %add3A_321 = arith.addi %add3A_310, %mul3A_320 : vector<16xi32>
    %get3A_322 = arith.constant 29 : i32
    %get3A_323 = arith.index_cast %get3A_322 : i32 to index
    %get3A_324 = arith.constant 0 : index
    %get3A_325 = tpu.vector_load %arg8[%get3A_323, %get3A_324] {strides = array<i32>} : memref<32x16xi32, #tpu.memory_space<vmem>>, vector<16xi32>,
    %add3A_326 = arith.addi %add3A_315, %get3A_325 : vector<16xi32>
    %lt3A_327 = arith.constant 29 : i32
    %lt3A_328 = arith.cmpi slt, %lt3A_327, %add3A : i32
    %convert_element_type3A_329 = arith.extui %lt3A_328 : i1 to i32
    %mul3A_330 = vector.broadcast %convert_element_type3A_329 : i32 to vector<16xi32>
    %mul3A_331 = arith.muli %get3A_325, %mul3A_330 : vector<16xi32>
    %add3A_332 = arith.addi %add3A_321, %mul3A_331 : vector<16xi32>
    %get3A_333 = arith.constant 30 : i32
    %get3A_334 = arith.index_cast %get3A_333 : i32 to index
    %get3A_335 = arith.constant 0 : index
    %get3A_336 = tpu.vector_load %arg8[%get3A_334, %get3A_335] {strides = array<i32>} : memref<32x16xi32, #tpu.memory_space<vmem>>, vector<16xi32>,
    %add3A_337 = arith.addi %add3A_326, %get3A_336 : vector<16xi32>
    %lt3A_338 = arith.constant 30 : i32
    %lt3A_339 = arith.cmpi slt, %lt3A_338, %add3A : i32
    %convert_element_type3A_340 = arith.extui %lt3A_339 : i1 to i32
    %mul3A_341 = vector.broadcast %convert_element_type3A_340 : i32 to vector<16xi32>
    %mul3A_342 = arith.muli %get3A_336, %mul3A_341 : vector<16xi32>
    %add3A_343 = arith.addi %add3A_332, %mul3A_342 : vector<16xi32>
    %get3A_344 = arith.constant 31 : i32
    %get3A_345 = arith.index_cast %get3A_344 : i32 to index
    %get3A_346 = arith.constant 0 : index
    %get3A_347 = tpu.vector_load %arg8[%get3A_345, %get3A_346] {strides = array<i32>} : memref<32x16xi32, #tpu.memory_space<vmem>>, vector<16xi32>,
    %add3A_348 = arith.addi %add3A_337, %get3A_347 : vector<16xi32>
    %lt3A_349 = arith.constant 31 : i32
    %lt3A_350 = arith.cmpi slt, %lt3A_349, %add3A : i32
    %convert_element_type3A_351 = arith.extui %lt3A_350 : i1 to i32
    %mul3A_352 = vector.broadcast %convert_element_type3A_351 : i32 to vector<16xi32>
    %mul3A_353 = arith.muli %get3A_347, %mul3A_352 : vector<16xi32>
    %add3A_354 = arith.addi %add3A_343, %mul3A_353 : vector<16xi32>
    %add3A_355 = arith.constant 255 : i32
    %add3A_356 = vector.broadcast %add3A_355 : i32 to vector<16xi32>
    %add3A_357 = arith.addi %add3A_348, %add3A_356 : vector<16xi32>
    %jit3A = arith.constant 256 : i32
    %div3A = vector.broadcast %jit3A : i32 to vector<16xi32>
    %div3A_358 = arith.divsi %add3A_357, %div3A : vector<16xi32>
    %sign3A = arith.constant 0 : i32
    %sign3A_359 = vector.broadcast %sign3A : i32 to vector<16xi32>
    %sign3A_360 = arith.cmpi sgt, %add3A_357, %sign3A_359 : vector<16xi32>
    %sign3A_361 = arith.extui %sign3A_360 : vector<16xi1> to vector<16xi32>
    %sign3A_362 = arith.constant 0 : i32
    %sign3A_363 = vector.broadcast %sign3A_362 : i32 to vector<16xi32>
    %sign3A_364 = arith.cmpi slt, %add3A_357, %sign3A_363 : vector<16xi32>
    %sign3A_365 = arith.extui %sign3A_364 : vector<16xi1> to vector<16xi32>
    %sign3A_366 = arith.subi %sign3A_361, %sign3A_365 : vector<16xi32>
    %sign3A_367 = arith.constant 0 : i32
    %sign3A_368 = arith.cmpi sgt, %jit3A, %sign3A_367 : i32
    %sign3A_369 = arith.extui %sign3A_368 : i1 to i32
    %sign3A_370 = arith.constant 0 : i32
    %sign3A_371 = arith.cmpi slt, %jit3A, %sign3A_370 : i32
    %sign3A_372 = arith.extui %sign3A_371 : i1 to i32
    %sign3A_373 = arith.subi %sign3A_369, %sign3A_372 : i32
    %ne3A = vector.broadcast %sign3A_373 : i32 to vector<16xi32>
    %ne3A_374 = arith.cmpi ne, %sign3A_366, %ne3A : vector<16xi32>
    %rem3A = vector.broadcast %jit3A : i32 to vector<16xi32>
    %rem3A_375 = arith.remsi %add3A_357, %rem3A : vector<16xi32>
    %ne3A_376 = arith.constant 0 : i32
    %ne3A_377 = vector.broadcast %ne3A_376 : i32 to vector<16xi32>
    %ne3A_378 = arith.cmpi ne, %rem3A_375, %ne3A_377 : vector<16xi32>
    %and3A = arith.andi %ne3A_374, %ne3A_378 : vector<16xi1>
    %sub3A = arith.constant 1 : i32
    %sub3A_379 = vector.broadcast %sub3A : i32 to vector<16xi32>
    %sub3A_380 = arith.subi %div3A_358, %sub3A_379 : vector<16xi32>
    %select_n3A = arith.select %and3A, %sub3A_380, %div3A_358 : vector<16xi1>, vector<16xi32>
    %broadcast_in_dim3A_381 = arith.constant true
    %broadcast_in_dim3A_382 = vector.broadcast %broadcast_in_dim3A_381 : i1 to vector<16xi1>
    %masked_cumsum3A = tpu.scan <sum>, %select_n3A masked %broadcast_in_dim3A_382 : vector<16xi32>, vector<16xi1> -> vector<16xi32>
    %sub3A_383 = arith.subi %masked_cumsum3A, %select_n3A : vector<16xi32>
    %mul3A_384 = arith.constant 256 : i32
    %mul3A_385 = vector.broadcast %mul3A_384 : i32 to vector<16xi32>
    %mul3A_386 = arith.muli %sub3A_383, %mul3A_385 : vector<16xi32>
    %add3A_387 = arith.addi %mul3A_386, %add3A_354 : vector<16xi32>
    %swap3A = arith.constant 0 : index
    %swap3A_388 = tpu.vector_load %arg10[%swap3A] {strides = array<i32>} : memref<16xi32, #tpu.memory_space<vmem>>, vector<16xi32>,
    tpu.vector_store %arg10[%swap3A], %add3A_387 {strides = array<i32>} : memref<16xi32, #tpu.memory_space<vmem>>, vector<16xi32>,
    %get3A_389 = arith.constant 0 : index
    %get3A_390 = tpu.vector_load %arg9[%get3A_389] {strides = array<i32>} : memref<64xi32, #tpu.memory_space<vmem>>, vector<16xi32>,
    %gather3A = tpu.vector_load_idx %arg10[%get3A_390] : memref<16xi32, #tpu.memory_space<vmem>>[vector<16xi32>], vector<16xi32>,
    %broadcast_in_dim3A_391 = arith.constant 0 : i32
    %broadcast_in_dim3A_392 = vector.broadcast %broadcast_in_dim3A_391 : i32 to vector<16xi32>
    %broadcast_in_dim3A_393 = arith.constant 0 : i32
    %broadcast_in_dim3A_394 = vector.broadcast %broadcast_in_dim3A_393 : i32 to vector<16xi32>
    %eq3A = arith.constant 0 : i32
    %eq3A_395 = vector.broadcast %eq3A : i32 to vector<16xi32>
    %eq3A_396 = arith.cmpi eq, %get3A_390, %eq3A_395 : vector<16xi32>
    %convert_element_type3A_397 = arith.extui %eq3A_396 : vector<16xi1> to vector<16xi32>
    %broadcast_in_dim3A_398 = arith.constant true
    %broadcast_in_dim3A_399 = vector.broadcast %broadcast_in_dim3A_398 : i1 to vector<16xi1>
    %masked_cumsum3A_400 = tpu.scan <sum>, %convert_element_type3A_397 masked %broadcast_in_dim3A_399 : vector<16xi32>, vector<16xi1> -> vector<16xi32>
    %sub3A_401 = arith.constant 1 : i32
    %sub3A_402 = vector.broadcast %sub3A_401 : i32 to vector<16xi32>
    %sub3A_403 = arith.subi %masked_cumsum3A_400, %sub3A_402 : vector<16xi32>
    %jit3A_404 = arith.constant 0 : i32
    %broadcast_in_dim3A_405 = vector.broadcast %jit3A_404 : i32 to vector<16xi32>
    %select_n3A_406 = arith.select %eq3A_396, %sub3A_403, %broadcast_in_dim3A_405 : vector<16xi1>, vector<16xi32>
    %add3A_407 = arith.addi %broadcast_in_dim3A_392, %select_n3A_406 : vector<16xi32>
    %all_reduce_population_count3A = tpu.all_reduce %eq3A_396 {dim = 0 : i64, kind = #tpu.reduction_kind<sum>} : vector<16xi1> -> vector<16xi32>
    %eq3A_408 = arith.constant 0 : i32
    %eq3A_409 = vector.broadcast %eq3A_408 : i32 to vector<16xi32>
    %eq3A_410 = arith.cmpi eq, %iota3A, %eq3A_409 : vector<16xi32>
    %jit3A_411 = arith.constant 0 : i32
    %broadcast_in_dim3A_412 = vector.broadcast %jit3A_411 : i32 to vector<16xi32>
    %select_n3A_413 = arith.select %eq3A_410, %all_reduce_population_count3A, %broadcast_in_dim3A_412 : vector<16xi1>, vector<16xi32>
    %add3A_414 = arith.addi %broadcast_in_dim3A_394, %select_n3A_413 : vector<16xi32>
    %eq3A_415 = arith.constant 1 : i32
    %eq3A_416 = vector.broadcast %eq3A_415 : i32 to vector<16xi32>
    %eq3A_417 = arith.cmpi eq, %get3A_390, %eq3A_416 : vector<16xi32>
    %convert_element_type3A_418 = arith.extui %eq3A_417 : vector<16xi1> to vector<16xi32>
    %broadcast_in_dim3A_419 = arith.constant true
    %broadcast_in_dim3A_420 = vector.broadcast %broadcast_in_dim3A_419 : i1 to vector<16xi1>
    %masked_cumsum3A_421 = tpu.scan <sum>, %convert_element_type3A_418 masked %broadcast_in_dim3A_420 : vector<16xi32>, vector<16xi1> -> vector<16xi32>
    %sub3A_422 = arith.constant 1 : i32
    %sub3A_423 = vector.broadcast %sub3A_422 : i32 to vector<16xi32>
    %sub3A_424 = arith.subi %masked_cumsum3A_421, %sub3A_423 : vector<16xi32>
    %jit3A_425 = arith.constant 0 : i32
    %broadcast_in_dim3A_426 = vector.broadcast %jit3A_425 : i32 to vector<16xi32>
    %select_n3A_427 = arith.select %eq3A_417, %sub3A_424, %broadcast_in_dim3A_426 : vector<16xi1>, vector<16xi32>
    %add3A_428 = arith.addi %add3A_407, %select_n3A_427 : vector<16xi32>
    %all_reduce_population_count3A_429 = tpu.all_reduce %eq3A_417 {dim = 0 : i64, kind = #tpu.reduction_kind<sum>} : vector<16xi1> -> vector<16xi32>
    %eq3A_430 = arith.constant 1 : i32
    %eq3A_431 = vector.broadcast %eq3A_430 : i32 to vector<16xi32>
    %eq3A_432 = arith.cmpi eq, %iota3A, %eq3A_431 : vector<16xi32>
    %jit3A_433 = arith.constant 0 : i32
    %broadcast_in_dim3A_434 = vector.broadcast %jit3A_433 : i32 to vector<16xi32>
    %select_n3A_435 = arith.select %eq3A_432, %all_reduce_population_count3A_429, %broadcast_in_dim3A_434 : vector<16xi1>, vector<16xi32>
    %add3A_436 = arith.addi %add3A_414, %select_n3A_435 : vector<16xi32>
    %eq3A_437 = arith.constant 2 : i32
    %eq3A_438 = vector.broadcast %eq3A_437 : i32 to vector<16xi32>
    %eq3A_439 = arith.cmpi eq, %get3A_390, %eq3A_438 : vector<16xi32>
    %convert_element_type3A_440 = arith.extui %eq3A_439 : vector<16xi1> to vector<16xi32>
    %broadcast_in_dim3A_441 = arith.constant true
    %broadcast_in_dim3A_442 = vector.broadcast %broadcast_in_dim3A_441 : i1 to vector<16xi1>
    %masked_cumsum3A_443 = tpu.scan <sum>, %convert_element_type3A_440 masked %broadcast_in_dim3A_442 : vector<16xi32>, vector<16xi1> -> vector<16xi32>
    %sub3A_444 = arith.constant 1 : i32
    %sub3A_445 = vector.broadcast %sub3A_444 : i32 to vector<16xi32>
    %sub3A_446 = arith.subi %masked_cumsum3A_443, %sub3A_445 : vector<16xi32>
    %jit3A_447 = arith.constant 0 : i32
    %broadcast_in_dim3A_448 = vector.broadcast %jit3A_447 : i32 to vector<16xi32>
    %select_n3A_449 = arith.select %eq3A_439, %sub3A_446, %broadcast_in_dim3A_448 : vector<16xi1>, vector<16xi32>
    %add3A_450 = arith.addi %add3A_428, %select_n3A_449 : vector<16xi32>
    %all_reduce_population_count3A_451 = tpu.all_reduce %eq3A_439 {dim = 0 : i64, kind = #tpu.reduction_kind<sum>} : vector<16xi1> -> vector<16xi32>
    %eq3A_452 = arith.constant 2 : i32
    %eq3A_453 = vector.broadcast %eq3A_452 : i32 to vector<16xi32>
    %eq3A_454 = arith.cmpi eq, %iota3A, %eq3A_453 : vector<16xi32>
    %jit3A_455 = arith.constant 0 : i32
    %broadcast_in_dim3A_456 = vector.broadcast %jit3A_455 : i32 to vector<16xi32>
    %select_n3A_457 = arith.select %eq3A_454, %all_reduce_population_count3A_451, %broadcast_in_dim3A_456 : vector<16xi1>, vector<16xi32>
    %add3A_458 = arith.addi %add3A_436, %select_n3A_457 : vector<16xi32>
    %eq3A_459 = arith.constant 3 : i32
    %eq3A_460 = vector.broadcast %eq3A_459 : i32 to vector<16xi32>
    %eq3A_461 = arith.cmpi eq, %get3A_390, %eq3A_460 : vector<16xi32>
    %convert_element_type3A_462 = arith.extui %eq3A_461 : vector<16xi1> to vector<16xi32>
    %broadcast_in_dim3A_463 = arith.constant true
    %broadcast_in_dim3A_464 = vector.broadcast %broadcast_in_dim3A_463 : i1 to vector<16xi1>
    %masked_cumsum3A_465 = tpu.scan <sum>, %convert_element_type3A_462 masked %broadcast_in_dim3A_464 : vector<16xi32>, vector<16xi1> -> vector<16xi32>
    %sub3A_466 = arith.constant 1 : i32
    %sub3A_467 = vector.broadcast %sub3A_466 : i32 to vector<16xi32>
    %sub3A_468 = arith.subi %masked_cumsum3A_465, %sub3A_467 : vector<16xi32>
    %jit3A_469 = arith.constant 0 : i32
    %broadcast_in_dim3A_470 = vector.broadcast %jit3A_469 : i32 to vector<16xi32>
    %select_n3A_471 = arith.select %eq3A_461, %sub3A_468, %broadcast_in_dim3A_470 : vector<16xi1>, vector<16xi32>
    %add3A_472 = arith.addi %add3A_450, %select_n3A_471 : vector<16xi32>
    %all_reduce_population_count3A_473 = tpu.all_reduce %eq3A_461 {dim = 0 : i64, kind = #tpu.reduction_kind<sum>} : vector<16xi1> -> vector<16xi32>
    %eq3A_474 = arith.constant 3 : i32
    %eq3A_475 = vector.broadcast %eq3A_474 : i32 to vector<16xi32>
    %eq3A_476 = arith.cmpi eq, %iota3A, %eq3A_475 : vector<16xi32>
    %jit3A_477 = arith.constant 0 : i32
    %broadcast_in_dim3A_478 = vector.broadcast %jit3A_477 : i32 to vector<16xi32>
    %select_n3A_479 = arith.select %eq3A_476, %all_reduce_population_count3A_473, %broadcast_in_dim3A_478 : vector<16xi1>, vector<16xi32>
    %add3A_480 = arith.addi %add3A_458, %select_n3A_479 : vector<16xi32>
    %eq3A_481 = arith.constant 4 : i32
    %eq3A_482 = vector.broadcast %eq3A_481 : i32 to vector<16xi32>
    %eq3A_483 = arith.cmpi eq, %get3A_390, %eq3A_482 : vector<16xi32>
    %convert_element_type3A_484 = arith.extui %eq3A_483 : vector<16xi1> to vector<16xi32>
    %broadcast_in_dim3A_485 = arith.constant true
    %broadcast_in_dim3A_486 = vector.broadcast %broadcast_in_dim3A_485 : i1 to vector<16xi1>
    %masked_cumsum3A_487 = tpu.scan <sum>, %convert_element_type3A_484 masked %broadcast_in_dim3A_486 : vector<16xi32>, vector<16xi1> -> vector<16xi32>
    %sub3A_488 = arith.constant 1 : i32
    %sub3A_489 = vector.broadcast %sub3A_488 : i32 to vector<16xi32>
    %sub3A_490 = arith.subi %masked_cumsum3A_487, %sub3A_489 : vector<16xi32>
    %jit3A_491 = arith.constant 0 : i32
    %broadcast_in_dim3A_492 = vector.broadcast %jit3A_491 : i32 to vector<16xi32>
    %select_n3A_493 = arith.select %eq3A_483, %sub3A_490, %broadcast_in_dim3A_492 : vector<16xi1>, vector<16xi32>
    %add3A_494 = arith.addi %add3A_472, %select_n3A_493 : vector<16xi32>
    %all_reduce_population_count3A_495 = tpu.all_reduce %eq3A_483 {dim = 0 : i64, kind = #tpu.reduction_kind<sum>} : vector<16xi1> -> vector<16xi32>
    %eq3A_496 = arith.constant 4 : i32
    %eq3A_497 = vector.broadcast %eq3A_496 : i32 to vector<16xi32>
    %eq3A_498 = arith.cmpi eq, %iota3A, %eq3A_497 : vector<16xi32>
    %jit3A_499 = arith.constant 0 : i32
    %broadcast_in_dim3A_500 = vector.broadcast %jit3A_499 : i32 to vector<16xi32>
    %select_n3A_501 = arith.select %eq3A_498, %all_reduce_population_count3A_495, %broadcast_in_dim3A_500 : vector<16xi1>, vector<16xi32>
    %add3A_502 = arith.addi %add3A_480, %select_n3A_501 : vector<16xi32>
    %eq3A_503 = arith.constant 5 : i32
    %eq3A_504 = vector.broadcast %eq3A_503 : i32 to vector<16xi32>
    %eq3A_505 = arith.cmpi eq, %get3A_390, %eq3A_504 : vector<16xi32>
    %convert_element_type3A_506 = arith.extui %eq3A_505 : vector<16xi1> to vector<16xi32>
    %broadcast_in_dim3A_507 = arith.constant true
    %broadcast_in_dim3A_508 = vector.broadcast %broadcast_in_dim3A_507 : i1 to vector<16xi1>
    %masked_cumsum3A_509 = tpu.scan <sum>, %convert_element_type3A_506 masked %broadcast_in_dim3A_508 : vector<16xi32>, vector<16xi1> -> vector<16xi32>
    %sub3A_510 = arith.constant 1 : i32
    %sub3A_511 = vector.broadcast %sub3A_510 : i32 to vector<16xi32>
    %sub3A_512 = arith.subi %masked_cumsum3A_509, %sub3A_511 : vector<16xi32>
    %jit3A_513 = arith.constant 0 : i32
    %broadcast_in_dim3A_514 = vector.broadcast %jit3A_513 : i32 to vector<16xi32>
    %select_n3A_515 = arith.select %eq3A_505, %sub3A_512, %broadcast_in_dim3A_514 : vector<16xi1>, vector<16xi32>
    %add3A_516 = arith.addi %add3A_494, %select_n3A_515 : vector<16xi32>
    %all_reduce_population_count3A_517 = tpu.all_reduce %eq3A_505 {dim = 0 : i64, kind = #tpu.reduction_kind<sum>} : vector<16xi1> -> vector<16xi32>
    %eq3A_518 = arith.constant 5 : i32
    %eq3A_519 = vector.broadcast %eq3A_518 : i32 to vector<16xi32>
    %eq3A_520 = arith.cmpi eq, %iota3A, %eq3A_519 : vector<16xi32>
    %jit3A_521 = arith.constant 0 : i32
    %broadcast_in_dim3A_522 = vector.broadcast %jit3A_521 : i32 to vector<16xi32>
    %select_n3A_523 = arith.select %eq3A_520, %all_reduce_population_count3A_517, %broadcast_in_dim3A_522 : vector<16xi1>, vector<16xi32>
    %add3A_524 = arith.addi %add3A_502, %select_n3A_523 : vector<16xi32>
    %eq3A_525 = arith.constant 6 : i32
    %eq3A_526 = vector.broadcast %eq3A_525 : i32 to vector<16xi32>
    %eq3A_527 = arith.cmpi eq, %get3A_390, %eq3A_526 : vector<16xi32>
    %convert_element_type3A_528 = arith.extui %eq3A_527 : vector<16xi1> to vector<16xi32>
    %broadcast_in_dim3A_529 = arith.constant true
    %broadcast_in_dim3A_530 = vector.broadcast %broadcast_in_dim3A_529 : i1 to vector<16xi1>
    %masked_cumsum3A_531 = tpu.scan <sum>, %convert_element_type3A_528 masked %broadcast_in_dim3A_530 : vector<16xi32>, vector<16xi1> -> vector<16xi32>
    %sub3A_532 = arith.constant 1 : i32
    %sub3A_533 = vector.broadcast %sub3A_532 : i32 to vector<16xi32>
    %sub3A_534 = arith.subi %masked_cumsum3A_531, %sub3A_533 : vector<16xi32>
    %jit3A_535 = arith.constant 0 : i32
    %broadcast_in_dim3A_536 = vector.broadcast %jit3A_535 : i32 to vector<16xi32>
    %select_n3A_537 = arith.select %eq3A_527, %sub3A_534, %broadcast_in_dim3A_536 : vector<16xi1>, vector<16xi32>
    %add3A_538 = arith.addi %add3A_516, %select_n3A_537 : vector<16xi32>
    %all_reduce_population_count3A_539 = tpu.all_reduce %eq3A_527 {dim = 0 : i64, kind = #tpu.reduction_kind<sum>} : vector<16xi1> -> vector<16xi32>
    %eq3A_540 = arith.constant 6 : i32
    %eq3A_541 = vector.broadcast %eq3A_540 : i32 to vector<16xi32>
    %eq3A_542 = arith.cmpi eq, %iota3A, %eq3A_541 : vector<16xi32>
    %jit3A_543 = arith.constant 0 : i32
    %broadcast_in_dim3A_544 = vector.broadcast %jit3A_543 : i32 to vector<16xi32>
    %select_n3A_545 = arith.select %eq3A_542, %all_reduce_population_count3A_539, %broadcast_in_dim3A_544 : vector<16xi1>, vector<16xi32>
    %add3A_546 = arith.addi %add3A_524, %select_n3A_545 : vector<16xi32>
    %eq3A_547 = arith.constant 7 : i32
    %eq3A_548 = vector.broadcast %eq3A_547 : i32 to vector<16xi32>
    %eq3A_549 = arith.cmpi eq, %get3A_390, %eq3A_548 : vector<16xi32>
    %convert_element_type3A_550 = arith.extui %eq3A_549 : vector<16xi1> to vector<16xi32>
    %broadcast_in_dim3A_551 = arith.constant true
    %broadcast_in_dim3A_552 = vector.broadcast %broadcast_in_dim3A_551 : i1 to vector<16xi1>
    %masked_cumsum3A_553 = tpu.scan <sum>, %convert_element_type3A_550 masked %broadcast_in_dim3A_552 : vector<16xi32>, vector<16xi1> -> vector<16xi32>
    %sub3A_554 = arith.constant 1 : i32
    %sub3A_555 = vector.broadcast %sub3A_554 : i32 to vector<16xi32>
    %sub3A_556 = arith.subi %masked_cumsum3A_553, %sub3A_555 : vector<16xi32>
    %jit3A_557 = arith.constant 0 : i32
    %broadcast_in_dim3A_558 = vector.broadcast %jit3A_557 : i32 to vector<16xi32>
    %select_n3A_559 = arith.select %eq3A_549, %sub3A_556, %broadcast_in_dim3A_558 : vector<16xi1>, vector<16xi32>
    %add3A_560 = arith.addi %add3A_538, %select_n3A_559 : vector<16xi32>
    %all_reduce_population_count3A_561 = tpu.all_reduce %eq3A_549 {dim = 0 : i64, kind = #tpu.reduction_kind<sum>} : vector<16xi1> -> vector<16xi32>
    %eq3A_562 = arith.constant 7 : i32
    %eq3A_563 = vector.broadcast %eq3A_562 : i32 to vector<16xi32>
    %eq3A_564 = arith.cmpi eq, %iota3A, %eq3A_563 : vector<16xi32>
    %jit3A_565 = arith.constant 0 : i32
    %broadcast_in_dim3A_566 = vector.broadcast %jit3A_565 : i32 to vector<16xi32>
    %select_n3A_567 = arith.select %eq3A_564, %all_reduce_population_count3A_561, %broadcast_in_dim3A_566 : vector<16xi1>, vector<16xi32>
    %add3A_568 = arith.addi %add3A_546, %select_n3A_567 : vector<16xi32>
    %eq3A_569 = arith.constant 8 : i32
    %eq3A_570 = vector.broadcast %eq3A_569 : i32 to vector<16xi32>
    %eq3A_571 = arith.cmpi eq, %get3A_390, %eq3A_570 : vector<16xi32>
    %convert_element_type3A_572 = arith.extui %eq3A_571 : vector<16xi1> to vector<16xi32>
    %broadcast_in_dim3A_573 = arith.constant true
    %broadcast_in_dim3A_574 = vector.broadcast %broadcast_in_dim3A_573 : i1 to vector<16xi1>
    %masked_cumsum3A_575 = tpu.scan <sum>, %convert_element_type3A_572 masked %broadcast_in_dim3A_574 : vector<16xi32>, vector<16xi1> -> vector<16xi32>
    %sub3A_576 = arith.constant 1 : i32
    %sub3A_577 = vector.broadcast %sub3A_576 : i32 to vector<16xi32>
    %sub3A_578 = arith.subi %masked_cumsum3A_575, %sub3A_577 : vector<16xi32>
    %jit3A_579 = arith.constant 0 : i32
    %broadcast_in_dim3A_580 = vector.broadcast %jit3A_579 : i32 to vector<16xi32>
    %select_n3A_581 = arith.select %eq3A_571, %sub3A_578, %broadcast_in_dim3A_580 : vector<16xi1>, vector<16xi32>
    %add3A_582 = arith.addi %add3A_560, %select_n3A_581 : vector<16xi32>
    %all_reduce_population_count3A_583 = tpu.all_reduce %eq3A_571 {dim = 0 : i64, kind = #tpu.reduction_kind<sum>} : vector<16xi1> -> vector<16xi32>
    %eq3A_584 = arith.constant 8 : i32
    %eq3A_585 = vector.broadcast %eq3A_584 : i32 to vector<16xi32>
    %eq3A_586 = arith.cmpi eq, %iota3A, %eq3A_585 : vector<16xi32>
    %jit3A_587 = arith.constant 0 : i32
    %broadcast_in_dim3A_588 = vector.broadcast %jit3A_587 : i32 to vector<16xi32>
    %select_n3A_589 = arith.select %eq3A_586, %all_reduce_population_count3A_583, %broadcast_in_dim3A_588 : vector<16xi1>, vector<16xi32>
    %add3A_590 = arith.addi %add3A_568, %select_n3A_589 : vector<16xi32>
    %eq3A_591 = arith.constant 9 : i32
    %eq3A_592 = vector.broadcast %eq3A_591 : i32 to vector<16xi32>
    %eq3A_593 = arith.cmpi eq, %get3A_390, %eq3A_592 : vector<16xi32>
    %convert_element_type3A_594 = arith.extui %eq3A_593 : vector<16xi1> to vector<16xi32>
    %broadcast_in_dim3A_595 = arith.constant true
    %broadcast_in_dim3A_596 = vector.broadcast %broadcast_in_dim3A_595 : i1 to vector<16xi1>
    %masked_cumsum3A_597 = tpu.scan <sum>, %convert_element_type3A_594 masked %broadcast_in_dim3A_596 : vector<16xi32>, vector<16xi1> -> vector<16xi32>
    %sub3A_598 = arith.constant 1 : i32
    %sub3A_599 = vector.broadcast %sub3A_598 : i32 to vector<16xi32>
    %sub3A_600 = arith.subi %masked_cumsum3A_597, %sub3A_599 : vector<16xi32>
    %jit3A_601 = arith.constant 0 : i32
    %broadcast_in_dim3A_602 = vector.broadcast %jit3A_601 : i32 to vector<16xi32>
    %select_n3A_603 = arith.select %eq3A_593, %sub3A_600, %broadcast_in_dim3A_602 : vector<16xi1>, vector<16xi32>
    %add3A_604 = arith.addi %add3A_582, %select_n3A_603 : vector<16xi32>
    %all_reduce_population_count3A_605 = tpu.all_reduce %eq3A_593 {dim = 0 : i64, kind = #tpu.reduction_kind<sum>} : vector<16xi1> -> vector<16xi32>
    %eq3A_606 = arith.constant 9 : i32
    %eq3A_607 = vector.broadcast %eq3A_606 : i32 to vector<16xi32>
    %eq3A_608 = arith.cmpi eq, %iota3A, %eq3A_607 : vector<16xi32>
    %jit3A_609 = arith.constant 0 : i32
    %broadcast_in_dim3A_610 = vector.broadcast %jit3A_609 : i32 to vector<16xi32>
    %select_n3A_611 = arith.select %eq3A_608, %all_reduce_population_count3A_605, %broadcast_in_dim3A_610 : vector<16xi1>, vector<16xi32>
    %add3A_612 = arith.addi %add3A_590, %select_n3A_611 : vector<16xi32>
    %eq3A_613 = arith.constant 10 : i32
    %eq3A_614 = vector.broadcast %eq3A_613 : i32 to vector<16xi32>
    %eq3A_615 = arith.cmpi eq, %get3A_390, %eq3A_614 : vector<16xi32>
    %convert_element_type3A_616 = arith.extui %eq3A_615 : vector<16xi1> to vector<16xi32>
    %broadcast_in_dim3A_617 = arith.constant true
    %broadcast_in_dim3A_618 = vector.broadcast %broadcast_in_dim3A_617 : i1 to vector<16xi1>
    %masked_cumsum3A_619 = tpu.scan <sum>, %convert_element_type3A_616 masked %broadcast_in_dim3A_618 : vector<16xi32>, vector<16xi1> -> vector<16xi32>
    %sub3A_620 = arith.constant 1 : i32
    %sub3A_621 = vector.broadcast %sub3A_620 : i32 to vector<16xi32>
    %sub3A_622 = arith.subi %masked_cumsum3A_619, %sub3A_621 : vector<16xi32>
    %jit3A_623 = arith.constant 0 : i32
    %broadcast_in_dim3A_624 = vector.broadcast %jit3A_623 : i32 to vector<16xi32>
    %select_n3A_625 = arith.select %eq3A_615, %sub3A_622, %broadcast_in_dim3A_624 : vector<16xi1>, vector<16xi32>
    %add3A_626 = arith.addi %add3A_604, %select_n3A_625 : vector<16xi32>
    %all_reduce_population_count3A_627 = tpu.all_reduce %eq3A_615 {dim = 0 : i64, kind = #tpu.reduction_kind<sum>} : vector<16xi1> -> vector<16xi32>
    %eq3A_628 = arith.constant 10 : i32
    %eq3A_629 = vector.broadcast %eq3A_628 : i32 to vector<16xi32>
    %eq3A_630 = arith.cmpi eq, %iota3A, %eq3A_629 : vector<16xi32>
    %jit3A_631 = arith.constant 0 : i32
    %broadcast_in_dim3A_632 = vector.broadcast %jit3A_631 : i32 to vector<16xi32>
    %select_n3A_633 = arith.select %eq3A_630, %all_reduce_population_count3A_627, %broadcast_in_dim3A_632 : vector<16xi1>, vector<16xi32>
    %add3A_634 = arith.addi %add3A_612, %select_n3A_633 : vector<16xi32>
    %eq3A_635 = arith.constant 11 : i32
    %eq3A_636 = vector.broadcast %eq3A_635 : i32 to vector<16xi32>
    %eq3A_637 = arith.cmpi eq, %get3A_390, %eq3A_636 : vector<16xi32>
    %convert_element_type3A_638 = arith.extui %eq3A_637 : vector<16xi1> to vector<16xi32>
    %broadcast_in_dim3A_639 = arith.constant true
    %broadcast_in_dim3A_640 = vector.broadcast %broadcast_in_dim3A_639 : i1 to vector<16xi1>
    %masked_cumsum3A_641 = tpu.scan <sum>, %convert_element_type3A_638 masked %broadcast_in_dim3A_640 : vector<16xi32>, vector<16xi1> -> vector<16xi32>
    %sub3A_642 = arith.constant 1 : i32
    %sub3A_643 = vector.broadcast %sub3A_642 : i32 to vector<16xi32>
    %sub3A_644 = arith.subi %masked_cumsum3A_641, %sub3A_643 : vector<16xi32>
    %jit3A_645 = arith.constant 0 : i32
    %broadcast_in_dim3A_646 = vector.broadcast %jit3A_645 : i32 to vector<16xi32>
    %select_n3A_647 = arith.select %eq3A_637, %sub3A_644, %broadcast_in_dim3A_646 : vector<16xi1>, vector<16xi32>
    %add3A_648 = arith.addi %add3A_626, %select_n3A_647 : vector<16xi32>
    %all_reduce_population_count3A_649 = tpu.all_reduce %eq3A_637 {dim = 0 : i64, kind = #tpu.reduction_kind<sum>} : vector<16xi1> -> vector<16xi32>
    %eq3A_650 = arith.constant 11 : i32
    %eq3A_651 = vector.broadcast %eq3A_650 : i32 to vector<16xi32>
    %eq3A_652 = arith.cmpi eq, %iota3A, %eq3A_651 : vector<16xi32>
    %jit3A_653 = arith.constant 0 : i32
    %broadcast_in_dim3A_654 = vector.broadcast %jit3A_653 : i32 to vector<16xi32>
    %select_n3A_655 = arith.select %eq3A_652, %all_reduce_population_count3A_649, %broadcast_in_dim3A_654 : vector<16xi1>, vector<16xi32>
    %add3A_656 = arith.addi %add3A_634, %select_n3A_655 : vector<16xi32>
    %eq3A_657 = arith.constant 12 : i32
    %eq3A_658 = vector.broadcast %eq3A_657 : i32 to vector<16xi32>
    %eq3A_659 = arith.cmpi eq, %get3A_390, %eq3A_658 : vector<16xi32>
    %convert_element_type3A_660 = arith.extui %eq3A_659 : vector<16xi1> to vector<16xi32>
    %broadcast_in_dim3A_661 = arith.constant true
    %broadcast_in_dim3A_662 = vector.broadcast %broadcast_in_dim3A_661 : i1 to vector<16xi1>
    %masked_cumsum3A_663 = tpu.scan <sum>, %convert_element_type3A_660 masked %broadcast_in_dim3A_662 : vector<16xi32>, vector<16xi1> -> vector<16xi32>
    %sub3A_664 = arith.constant 1 : i32
    %sub3A_665 = vector.broadcast %sub3A_664 : i32 to vector<16xi32>
    %sub3A_666 = arith.subi %masked_cumsum3A_663, %sub3A_665 : vector<16xi32>
    %jit3A_667 = arith.constant 0 : i32
    %broadcast_in_dim3A_668 = vector.broadcast %jit3A_667 : i32 to vector<16xi32>
    %select_n3A_669 = arith.select %eq3A_659, %sub3A_666, %broadcast_in_dim3A_668 : vector<16xi1>, vector<16xi32>
    %add3A_670 = arith.addi %add3A_648, %select_n3A_669 : vector<16xi32>
    %all_reduce_population_count3A_671 = tpu.all_reduce %eq3A_659 {dim = 0 : i64, kind = #tpu.reduction_kind<sum>} : vector<16xi1> -> vector<16xi32>
    %eq3A_672 = arith.constant 12 : i32
    %eq3A_673 = vector.broadcast %eq3A_672 : i32 to vector<16xi32>
    %eq3A_674 = arith.cmpi eq, %iota3A, %eq3A_673 : vector<16xi32>
    %jit3A_675 = arith.constant 0 : i32
    %broadcast_in_dim3A_676 = vector.broadcast %jit3A_675 : i32 to vector<16xi32>
    %select_n3A_677 = arith.select %eq3A_674, %all_reduce_population_count3A_671, %broadcast_in_dim3A_676 : vector<16xi1>, vector<16xi32>
    %add3A_678 = arith.addi %add3A_656, %select_n3A_677 : vector<16xi32>
    %eq3A_679 = arith.constant 13 : i32
    %eq3A_680 = vector.broadcast %eq3A_679 : i32 to vector<16xi32>
    %eq3A_681 = arith.cmpi eq, %get3A_390, %eq3A_680 : vector<16xi32>
    %convert_element_type3A_682 = arith.extui %eq3A_681 : vector<16xi1> to vector<16xi32>
    %broadcast_in_dim3A_683 = arith.constant true
    %broadcast_in_dim3A_684 = vector.broadcast %broadcast_in_dim3A_683 : i1 to vector<16xi1>
    %masked_cumsum3A_685 = tpu.scan <sum>, %convert_element_type3A_682 masked %broadcast_in_dim3A_684 : vector<16xi32>, vector<16xi1> -> vector<16xi32>
    %sub3A_686 = arith.constant 1 : i32
    %sub3A_687 = vector.broadcast %sub3A_686 : i32 to vector<16xi32>
    %sub3A_688 = arith.subi %masked_cumsum3A_685, %sub3A_687 : vector<16xi32>
    %jit3A_689 = arith.constant 0 : i32
    %broadcast_in_dim3A_690 = vector.broadcast %jit3A_689 : i32 to vector<16xi32>
    %select_n3A_691 = arith.select %eq3A_681, %sub3A_688, %broadcast_in_dim3A_690 : vector<16xi1>, vector<16xi32>
    %add3A_692 = arith.addi %add3A_670, %select_n3A_691 : vector<16xi32>
    %all_reduce_population_count3A_693 = tpu.all_reduce %eq3A_681 {dim = 0 : i64, kind = #tpu.reduction_kind<sum>} : vector<16xi1> -> vector<16xi32>
    %eq3A_694 = arith.constant 13 : i32
    %eq3A_695 = vector.broadcast %eq3A_694 : i32 to vector<16xi32>
    %eq3A_696 = arith.cmpi eq, %iota3A, %eq3A_695 : vector<16xi32>
    %jit3A_697 = arith.constant 0 : i32
    %broadcast_in_dim3A_698 = vector.broadcast %jit3A_697 : i32 to vector<16xi32>
    %select_n3A_699 = arith.select %eq3A_696, %all_reduce_population_count3A_693, %broadcast_in_dim3A_698 : vector<16xi1>, vector<16xi32>
    %add3A_700 = arith.addi %add3A_678, %select_n3A_699 : vector<16xi32>
    %eq3A_701 = arith.constant 14 : i32
    %eq3A_702 = vector.broadcast %eq3A_701 : i32 to vector<16xi32>
    %eq3A_703 = arith.cmpi eq, %get3A_390, %eq3A_702 : vector<16xi32>
    %convert_element_type3A_704 = arith.extui %eq3A_703 : vector<16xi1> to vector<16xi32>
    %broadcast_in_dim3A_705 = arith.constant true
    %broadcast_in_dim3A_706 = vector.broadcast %broadcast_in_dim3A_705 : i1 to vector<16xi1>
    %masked_cumsum3A_707 = tpu.scan <sum>, %convert_element_type3A_704 masked %broadcast_in_dim3A_706 : vector<16xi32>, vector<16xi1> -> vector<16xi32>
    %sub3A_708 = arith.constant 1 : i32
    %sub3A_709 = vector.broadcast %sub3A_708 : i32 to vector<16xi32>
    %sub3A_710 = arith.subi %masked_cumsum3A_707, %sub3A_709 : vector<16xi32>
    %jit3A_711 = arith.constant 0 : i32
    %broadcast_in_dim3A_712 = vector.broadcast %jit3A_711 : i32 to vector<16xi32>
    %select_n3A_713 = arith.select %eq3A_703, %sub3A_710, %broadcast_in_dim3A_712 : vector<16xi1>, vector<16xi32>
    %add3A_714 = arith.addi %add3A_692, %select_n3A_713 : vector<16xi32>
    %all_reduce_population_count3A_715 = tpu.all_reduce %eq3A_703 {dim = 0 : i64, kind = #tpu.reduction_kind<sum>} : vector<16xi1> -> vector<16xi32>
    %eq3A_716 = arith.constant 14 : i32
    %eq3A_717 = vector.broadcast %eq3A_716 : i32 to vector<16xi32>
    %eq3A_718 = arith.cmpi eq, %iota3A, %eq3A_717 : vector<16xi32>
    %jit3A_719 = arith.constant 0 : i32
    %broadcast_in_dim3A_720 = vector.broadcast %jit3A_719 : i32 to vector<16xi32>
    %select_n3A_721 = arith.select %eq3A_718, %all_reduce_population_count3A_715, %broadcast_in_dim3A_720 : vector<16xi1>, vector<16xi32>
    %add3A_722 = arith.addi %add3A_700, %select_n3A_721 : vector<16xi32>
    %eq3A_723 = arith.constant 15 : i32
    %eq3A_724 = vector.broadcast %eq3A_723 : i32 to vector<16xi32>
    %eq3A_725 = arith.cmpi eq, %get3A_390, %eq3A_724 : vector<16xi32>
    %convert_element_type3A_726 = arith.extui %eq3A_725 : vector<16xi1> to vector<16xi32>
    %broadcast_in_dim3A_727 = arith.constant true
    %broadcast_in_dim3A_728 = vector.broadcast %broadcast_in_dim3A_727 : i1 to vector<16xi1>
    %masked_cumsum3A_729 = tpu.scan <sum>, %convert_element_type3A_726 masked %broadcast_in_dim3A_728 : vector<16xi32>, vector<16xi1> -> vector<16xi32>
    %sub3A_730 = arith.constant 1 : i32
    %sub3A_731 = vector.broadcast %sub3A_730 : i32 to vector<16xi32>
    %sub3A_732 = arith.subi %masked_cumsum3A_729, %sub3A_731 : vector<16xi32>
    %jit3A_733 = arith.constant 0 : i32
    %broadcast_in_dim3A_734 = vector.broadcast %jit3A_733 : i32 to vector<16xi32>
    %select_n3A_735 = arith.select %eq3A_725, %sub3A_732, %broadcast_in_dim3A_734 : vector<16xi1>, vector<16xi32>
    %add3A_736 = arith.addi %add3A_714, %select_n3A_735 : vector<16xi32>
    %all_reduce_population_count3A_737 = tpu.all_reduce %eq3A_725 {dim = 0 : i64, kind = #tpu.reduction_kind<sum>} : vector<16xi1> -> vector<16xi32>
    %eq3A_738 = arith.constant 15 : i32
    %eq3A_739 = vector.broadcast %eq3A_738 : i32 to vector<16xi32>
    %eq3A_740 = arith.cmpi eq, %iota3A, %eq3A_739 : vector<16xi32>
    %jit3A_741 = arith.constant 0 : i32
    %broadcast_in_dim3A_742 = vector.broadcast %jit3A_741 : i32 to vector<16xi32>
    %select_n3A_743 = arith.select %eq3A_740, %all_reduce_population_count3A_737, %broadcast_in_dim3A_742 : vector<16xi1>, vector<16xi32>
    %add3A_744 = arith.addi %add3A_722, %select_n3A_743 : vector<16xi32>
    %add3A_745 = arith.addi %gather3A, %add3A_736 : vector<16xi32>
    %swap3A_746 = arith.constant 0 : index
    %swap3A_747 = tpu.vector_load %arg11[%swap3A_746] {strides = array<i32>} : memref<64xi32, #tpu.memory_space<vmem>>, vector<16xi32>,
    tpu.vector_store %arg11[%swap3A_746], %add3A_745 {strides = array<i32>} : memref<64xi32, #tpu.memory_space<vmem>>, vector<16xi32>,
    %get3A_748 = arith.constant 0 : index
    %get3A_749 = tpu.vector_load %arg10[%get3A_748] {strides = array<i32>} : memref<16xi32, #tpu.memory_space<vmem>>, vector<16xi32>,
    %add3A_750 = arith.addi %get3A_749, %add3A_744 : vector<16xi32>
    %swap3A_751 = arith.constant 0 : index
    %swap3A_752 = tpu.vector_load %arg10[%swap3A_751] {strides = array<i32>} : memref<16xi32, #tpu.memory_space<vmem>>, vector<16xi32>,
    tpu.vector_store %arg10[%swap3A_751], %add3A_750 {strides = array<i32>} : memref<16xi32, #tpu.memory_space<vmem>>, vector<16xi32>,
    %get3A_753 = arith.constant 16 : index
    %get3A_754 = tpu.vector_load %arg9[%get3A_753] {strides = array<i32>} : memref<64xi32, #tpu.memory_space<vmem>>, vector<16xi32>,
    %gather3A_755 = tpu.vector_load_idx %arg10[%get3A_754] : memref<16xi32, #tpu.memory_space<vmem>>[vector<16xi32>], vector<16xi32>,
    %broadcast_in_dim3A_756 = arith.constant 0 : i32
    %broadcast_in_dim3A_757 = vector.broadcast %broadcast_in_dim3A_756 : i32 to vector<16xi32>
    %broadcast_in_dim3A_758 = arith.constant 0 : i32
    %broadcast_in_dim3A_759 = vector.broadcast %broadcast_in_dim3A_758 : i32 to vector<16xi32>
    %eq3A_760 = arith.constant 0 : i32
    %eq3A_761 = vector.broadcast %eq3A_760 : i32 to vector<16xi32>
    %eq3A_762 = arith.cmpi eq, %get3A_754, %eq3A_761 : vector<16xi32>
    %convert_element_type3A_763 = arith.extui %eq3A_762 : vector<16xi1> to vector<16xi32>
    %broadcast_in_dim3A_764 = arith.constant true
    %broadcast_in_dim3A_765 = vector.broadcast %broadcast_in_dim3A_764 : i1 to vector<16xi1>
    %masked_cumsum3A_766 = tpu.scan <sum>, %convert_element_type3A_763 masked %broadcast_in_dim3A_765 : vector<16xi32>, vector<16xi1> -> vector<16xi32>
    %sub3A_767 = arith.constant 1 : i32
    %sub3A_768 = vector.broadcast %sub3A_767 : i32 to vector<16xi32>
    %sub3A_769 = arith.subi %masked_cumsum3A_766, %sub3A_768 : vector<16xi32>
    %jit3A_770 = arith.constant 0 : i32
    %broadcast_in_dim3A_771 = vector.broadcast %jit3A_770 : i32 to vector<16xi32>
    %select_n3A_772 = arith.select %eq3A_762, %sub3A_769, %broadcast_in_dim3A_771 : vector<16xi1>, vector<16xi32>
    %add3A_773 = arith.addi %broadcast_in_dim3A_757, %select_n3A_772 : vector<16xi32>
    %all_reduce_population_count3A_774 = tpu.all_reduce %eq3A_762 {dim = 0 : i64, kind = #tpu.reduction_kind<sum>} : vector<16xi1> -> vector<16xi32>
    %eq3A_775 = arith.constant 0 : i32
    %eq3A_776 = vector.broadcast %eq3A_775 : i32 to vector<16xi32>
    %eq3A_777 = arith.cmpi eq, %iota3A, %eq3A_776 : vector<16xi32>
    %jit3A_778 = arith.constant 0 : i32
    %broadcast_in_dim3A_779 = vector.broadcast %jit3A_778 : i32 to vector<16xi32>
    %select_n3A_780 = arith.select %eq3A_777, %all_reduce_population_count3A_774, %broadcast_in_dim3A_779 : vector<16xi1>, vector<16xi32>
    %add3A_781 = arith.addi %broadcast_in_dim3A_759, %select_n3A_780 : vector<16xi32>
    %eq3A_782 = arith.constant 1 : i32
    %eq3A_783 = vector.broadcast %eq3A_782 : i32 to vector<16xi32>
    %eq3A_784 = arith.cmpi eq, %get3A_754, %eq3A_783 : vector<16xi32>
    %convert_element_type3A_785 = arith.extui %eq3A_784 : vector<16xi1> to vector<16xi32>
    %broadcast_in_dim3A_786 = arith.constant true
    %broadcast_in_dim3A_787 = vector.broadcast %broadcast_in_dim3A_786 : i1 to vector<16xi1>
    %masked_cumsum3A_788 = tpu.scan <sum>, %convert_element_type3A_785 masked %broadcast_in_dim3A_787 : vector<16xi32>, vector<16xi1> -> vector<16xi32>
    %sub3A_789 = arith.constant 1 : i32
    %sub3A_790 = vector.broadcast %sub3A_789 : i32 to vector<16xi32>
    %sub3A_791 = arith.subi %masked_cumsum3A_788, %sub3A_790 : vector<16xi32>
    %jit3A_792 = arith.constant 0 : i32
    %broadcast_in_dim3A_793 = vector.broadcast %jit3A_792 : i32 to vector<16xi32>
    %select_n3A_794 = arith.select %eq3A_784, %sub3A_791, %broadcast_in_dim3A_793 : vector<16xi1>, vector<16xi32>
    %add3A_795 = arith.addi %add3A_773, %select_n3A_794 : vector<16xi32>
    %all_reduce_population_count3A_796 = tpu.all_reduce %eq3A_784 {dim = 0 : i64, kind = #tpu.reduction_kind<sum>} : vector<16xi1> -> vector<16xi32>
    %eq3A_797 = arith.constant 1 : i32
    %eq3A_798 = vector.broadcast %eq3A_797 : i32 to vector<16xi32>
    %eq3A_799 = arith.cmpi eq, %iota3A, %eq3A_798 : vector<16xi32>
    %jit3A_800 = arith.constant 0 : i32
    %broadcast_in_dim3A_801 = vector.broadcast %jit3A_800 : i32 to vector<16xi32>
    %select_n3A_802 = arith.select %eq3A_799, %all_reduce_population_count3A_796, %broadcast_in_dim3A_801 : vector<16xi1>, vector<16xi32>
    %add3A_803 = arith.addi %add3A_781, %select_n3A_802 : vector<16xi32>
    %eq3A_804 = arith.constant 2 : i32
    %eq3A_805 = vector.broadcast %eq3A_804 : i32 to vector<16xi32>
    %eq3A_806 = arith.cmpi eq, %get3A_754, %eq3A_805 : vector<16xi32>
    %convert_element_type3A_807 = arith.extui %eq3A_806 : vector<16xi1> to vector<16xi32>
    %broadcast_in_dim3A_808 = arith.constant true
    %broadcast_in_dim3A_809 = vector.broadcast %broadcast_in_dim3A_808 : i1 to vector<16xi1>
    %masked_cumsum3A_810 = tpu.scan <sum>, %convert_element_type3A_807 masked %broadcast_in_dim3A_809 : vector<16xi32>, vector<16xi1> -> vector<16xi32>
    %sub3A_811 = arith.constant 1 : i32
    %sub3A_812 = vector.broadcast %sub3A_811 : i32 to vector<16xi32>
    %sub3A_813 = arith.subi %masked_cumsum3A_810, %sub3A_812 : vector<16xi32>
    %jit3A_814 = arith.constant 0 : i32
    %broadcast_in_dim3A_815 = vector.broadcast %jit3A_814 : i32 to vector<16xi32>
    %select_n3A_816 = arith.select %eq3A_806, %sub3A_813, %broadcast_in_dim3A_815 : vector<16xi1>, vector<16xi32>
    %add3A_817 = arith.addi %add3A_795, %select_n3A_816 : vector<16xi32>
    %all_reduce_population_count3A_818 = tpu.all_reduce %eq3A_806 {dim = 0 : i64, kind = #tpu.reduction_kind<sum>} : vector<16xi1> -> vector<16xi32>
    %eq3A_819 = arith.constant 2 : i32
    %eq3A_820 = vector.broadcast %eq3A_819 : i32 to vector<16xi32>
    %eq3A_821 = arith.cmpi eq, %iota3A, %eq3A_820 : vector<16xi32>
    %jit3A_822 = arith.constant 0 : i32
    %broadcast_in_dim3A_823 = vector.broadcast %jit3A_822 : i32 to vector<16xi32>
    %select_n3A_824 = arith.select %eq3A_821, %all_reduce_population_count3A_818, %broadcast_in_dim3A_823 : vector<16xi1>, vector<16xi32>
    %add3A_825 = arith.addi %add3A_803, %select_n3A_824 : vector<16xi32>
    %eq3A_826 = arith.constant 3 : i32
    %eq3A_827 = vector.broadcast %eq3A_826 : i32 to vector<16xi32>
    %eq3A_828 = arith.cmpi eq, %get3A_754, %eq3A_827 : vector<16xi32>
    %convert_element_type3A_829 = arith.extui %eq3A_828 : vector<16xi1> to vector<16xi32>
    %broadcast_in_dim3A_830 = arith.constant true
    %broadcast_in_dim3A_831 = vector.broadcast %broadcast_in_dim3A_830 : i1 to vector<16xi1>
    %masked_cumsum3A_832 = tpu.scan <sum>, %convert_element_type3A_829 masked %broadcast_in_dim3A_831 : vector<16xi32>, vector<16xi1> -> vector<16xi32>
    %sub3A_833 = arith.constant 1 : i32
    %sub3A_834 = vector.broadcast %sub3A_833 : i32 to vector<16xi32>
    %sub3A_835 = arith.subi %masked_cumsum3A_832, %sub3A_834 : vector<16xi32>
    %jit3A_836 = arith.constant 0 : i32
    %broadcast_in_dim3A_837 = vector.broadcast %jit3A_836 : i32 to vector<16xi32>
    %select_n3A_838 = arith.select %eq3A_828, %sub3A_835, %broadcast_in_dim3A_837 : vector<16xi1>, vector<16xi32>
    %add3A_839 = arith.addi %add3A_817, %select_n3A_838 : vector<16xi32>
    %all_reduce_population_count3A_840 = tpu.all_reduce %eq3A_828 {dim = 0 : i64, kind = #tpu.reduction_kind<sum>} : vector<16xi1> -> vector<16xi32>
    %eq3A_841 = arith.constant 3 : i32
    %eq3A_842 = vector.broadcast %eq3A_841 : i32 to vector<16xi32>
    %eq3A_843 = arith.cmpi eq, %iota3A, %eq3A_842 : vector<16xi32>
    %jit3A_844 = arith.constant 0 : i32
    %broadcast_in_dim3A_845 = vector.broadcast %jit3A_844 : i32 to vector<16xi32>
    %select_n3A_846 = arith.select %eq3A_843, %all_reduce_population_count3A_840, %broadcast_in_dim3A_845 : vector<16xi1>, vector<16xi32>
    %add3A_847 = arith.addi %add3A_825, %select_n3A_846 : vector<16xi32>
    %eq3A_848 = arith.constant 4 : i32
    %eq3A_849 = vector.broadcast %eq3A_848 : i32 to vector<16xi32>
    %eq3A_850 = arith.cmpi eq, %get3A_754, %eq3A_849 : vector<16xi32>
    %convert_element_type3A_851 = arith.extui %eq3A_850 : vector<16xi1> to vector<16xi32>
    %broadcast_in_dim3A_852 = arith.constant true
    %broadcast_in_dim3A_853 = vector.broadcast %broadcast_in_dim3A_852 : i1 to vector<16xi1>
    %masked_cumsum3A_854 = tpu.scan <sum>, %convert_element_type3A_851 masked %broadcast_in_dim3A_853 : vector<16xi32>, vector<16xi1> -> vector<16xi32>
    %sub3A_855 = arith.constant 1 : i32
    %sub3A_856 = vector.broadcast %sub3A_855 : i32 to vector<16xi32>
    %sub3A_857 = arith.subi %masked_cumsum3A_854, %sub3A_856 : vector<16xi32>
    %jit3A_858 = arith.constant 0 : i32
    %broadcast_in_dim3A_859 = vector.broadcast %jit3A_858 : i32 to vector<16xi32>
    %select_n3A_860 = arith.select %eq3A_850, %sub3A_857, %broadcast_in_dim3A_859 : vector<16xi1>, vector<16xi32>
    %add3A_861 = arith.addi %add3A_839, %select_n3A_860 : vector<16xi32>
    %all_reduce_population_count3A_862 = tpu.all_reduce %eq3A_850 {dim = 0 : i64, kind = #tpu.reduction_kind<sum>} : vector<16xi1> -> vector<16xi32>
    %eq3A_863 = arith.constant 4 : i32
    %eq3A_864 = vector.broadcast %eq3A_863 : i32 to vector<16xi32>
    %eq3A_865 = arith.cmpi eq, %iota3A, %eq3A_864 : vector<16xi32>
    %jit3A_866 = arith.constant 0 : i32
    %broadcast_in_dim3A_867 = vector.broadcast %jit3A_866 : i32 to vector<16xi32>
    %select_n3A_868 = arith.select %eq3A_865, %all_reduce_population_count3A_862, %broadcast_in_dim3A_867 : vector<16xi1>, vector<16xi32>
    %add3A_869 = arith.addi %add3A_847, %select_n3A_868 : vector<16xi32>
    %eq3A_870 = arith.constant 5 : i32
    %eq3A_871 = vector.broadcast %eq3A_870 : i32 to vector<16xi32>
    %eq3A_872 = arith.cmpi eq, %get3A_754, %eq3A_871 : vector<16xi32>
    %convert_element_type3A_873 = arith.extui %eq3A_872 : vector<16xi1> to vector<16xi32>
    %broadcast_in_dim3A_874 = arith.constant true
    %broadcast_in_dim3A_875 = vector.broadcast %broadcast_in_dim3A_874 : i1 to vector<16xi1>
    %masked_cumsum3A_876 = tpu.scan <sum>, %convert_element_type3A_873 masked %broadcast_in_dim3A_875 : vector<16xi32>, vector<16xi1> -> vector<16xi32>
    %sub3A_877 = arith.constant 1 : i32
    %sub3A_878 = vector.broadcast %sub3A_877 : i32 to vector<16xi32>
    %sub3A_879 = arith.subi %masked_cumsum3A_876, %sub3A_878 : vector<16xi32>
    %jit3A_880 = arith.constant 0 : i32
    %broadcast_in_dim3A_881 = vector.broadcast %jit3A_880 : i32 to vector<16xi32>
    %select_n3A_882 = arith.select %eq3A_872, %sub3A_879, %broadcast_in_dim3A_881 : vector<16xi1>, vector<16xi32>
    %add3A_883 = arith.addi %add3A_861, %select_n3A_882 : vector<16xi32>
    %all_reduce_population_count3A_884 = tpu.all_reduce %eq3A_872 {dim = 0 : i64, kind = #tpu.reduction_kind<sum>} : vector<16xi1> -> vector<16xi32>
    %eq3A_885 = arith.constant 5 : i32
    %eq3A_886 = vector.broadcast %eq3A_885 : i32 to vector<16xi32>
    %eq3A_887 = arith.cmpi eq, %iota3A, %eq3A_886 : vector<16xi32>
    %jit3A_888 = arith.constant 0 : i32
    %broadcast_in_dim3A_889 = vector.broadcast %jit3A_888 : i32 to vector<16xi32>
    %select_n3A_890 = arith.select %eq3A_887, %all_reduce_population_count3A_884, %broadcast_in_dim3A_889 : vector<16xi1>, vector<16xi32>
    %add3A_891 = arith.addi %add3A_869, %select_n3A_890 : vector<16xi32>
    %eq3A_892 = arith.constant 6 : i32
    %eq3A_893 = vector.broadcast %eq3A_892 : i32 to vector<16xi32>
    %eq3A_894 = arith.cmpi eq, %get3A_754, %eq3A_893 : vector<16xi32>
    %convert_element_type3A_895 = arith.extui %eq3A_894 : vector<16xi1> to vector<16xi32>
    %broadcast_in_dim3A_896 = arith.constant true
    %broadcast_in_dim3A_897 = vector.broadcast %broadcast_in_dim3A_896 : i1 to vector<16xi1>
    %masked_cumsum3A_898 = tpu.scan <sum>, %convert_element_type3A_895 masked %broadcast_in_dim3A_897 : vector<16xi32>, vector<16xi1> -> vector<16xi32>
    %sub3A_899 = arith.constant 1 : i32
    %sub3A_900 = vector.broadcast %sub3A_899 : i32 to vector<16xi32>
    %sub3A_901 = arith.subi %masked_cumsum3A_898, %sub3A_900 : vector<16xi32>
    %jit3A_902 = arith.constant 0 : i32
    %broadcast_in_dim3A_903 = vector.broadcast %jit3A_902 : i32 to vector<16xi32>
    %select_n3A_904 = arith.select %eq3A_894, %sub3A_901, %broadcast_in_dim3A_903 : vector<16xi1>, vector<16xi32>
    %add3A_905 = arith.addi %add3A_883, %select_n3A_904 : vector<16xi32>
    %all_reduce_population_count3A_906 = tpu.all_reduce %eq3A_894 {dim = 0 : i64, kind = #tpu.reduction_kind<sum>} : vector<16xi1> -> vector<16xi32>
    %eq3A_907 = arith.constant 6 : i32
    %eq3A_908 = vector.broadcast %eq3A_907 : i32 to vector<16xi32>
    %eq3A_909 = arith.cmpi eq, %iota3A, %eq3A_908 : vector<16xi32>
    %jit3A_910 = arith.constant 0 : i32
    %broadcast_in_dim3A_911 = vector.broadcast %jit3A_910 : i32 to vector<16xi32>
    %select_n3A_912 = arith.select %eq3A_909, %all_reduce_population_count3A_906, %broadcast_in_dim3A_911 : vector<16xi1>, vector<16xi32>
    %add3A_913 = arith.addi %add3A_891, %select_n3A_912 : vector<16xi32>
    %eq3A_914 = arith.constant 7 : i32
    %eq3A_915 = vector.broadcast %eq3A_914 : i32 to vector<16xi32>
    %eq3A_916 = arith.cmpi eq, %get3A_754, %eq3A_915 : vector<16xi32>
    %convert_element_type3A_917 = arith.extui %eq3A_916 : vector<16xi1> to vector<16xi32>
    %broadcast_in_dim3A_918 = arith.constant true
    %broadcast_in_dim3A_919 = vector.broadcast %broadcast_in_dim3A_918 : i1 to vector<16xi1>
    %masked_cumsum3A_920 = tpu.scan <sum>, %convert_element_type3A_917 masked %broadcast_in_dim3A_919 : vector<16xi32>, vector<16xi1> -> vector<16xi32>
    %sub3A_921 = arith.constant 1 : i32
    %sub3A_922 = vector.broadcast %sub3A_921 : i32 to vector<16xi32>
    %sub3A_923 = arith.subi %masked_cumsum3A_920, %sub3A_922 : vector<16xi32>
    %jit3A_924 = arith.constant 0 : i32
    %broadcast_in_dim3A_925 = vector.broadcast %jit3A_924 : i32 to vector<16xi32>
    %select_n3A_926 = arith.select %eq3A_916, %sub3A_923, %broadcast_in_dim3A_925 : vector<16xi1>, vector<16xi32>
    %add3A_927 = arith.addi %add3A_905, %select_n3A_926 : vector<16xi32>
    %all_reduce_population_count3A_928 = tpu.all_reduce %eq3A_916 {dim = 0 : i64, kind = #tpu.reduction_kind<sum>} : vector<16xi1> -> vector<16xi32>
    %eq3A_929 = arith.constant 7 : i32
    %eq3A_930 = vector.broadcast %eq3A_929 : i32 to vector<16xi32>
    %eq3A_931 = arith.cmpi eq, %iota3A, %eq3A_930 : vector<16xi32>
    %jit3A_932 = arith.constant 0 : i32
    %broadcast_in_dim3A_933 = vector.broadcast %jit3A_932 : i32 to vector<16xi32>
    %select_n3A_934 = arith.select %eq3A_931, %all_reduce_population_count3A_928, %broadcast_in_dim3A_933 : vector<16xi1>, vector<16xi32>
    %add3A_935 = arith.addi %add3A_913, %select_n3A_934 : vector<16xi32>
    %eq3A_936 = arith.constant 8 : i32
    %eq3A_937 = vector.broadcast %eq3A_936 : i32 to vector<16xi32>
    %eq3A_938 = arith.cmpi eq, %get3A_754, %eq3A_937 : vector<16xi32>
    %convert_element_type3A_939 = arith.extui %eq3A_938 : vector<16xi1> to vector<16xi32>
    %broadcast_in_dim3A_940 = arith.constant true
    %broadcast_in_dim3A_941 = vector.broadcast %broadcast_in_dim3A_940 : i1 to vector<16xi1>
    %masked_cumsum3A_942 = tpu.scan <sum>, %convert_element_type3A_939 masked %broadcast_in_dim3A_941 : vector<16xi32>, vector<16xi1> -> vector<16xi32>
    %sub3A_943 = arith.constant 1 : i32
    %sub3A_944 = vector.broadcast %sub3A_943 : i32 to vector<16xi32>
    %sub3A_945 = arith.subi %masked_cumsum3A_942, %sub3A_944 : vector<16xi32>
    %jit3A_946 = arith.constant 0 : i32
    %broadcast_in_dim3A_947 = vector.broadcast %jit3A_946 : i32 to vector<16xi32>
    %select_n3A_948 = arith.select %eq3A_938, %sub3A_945, %broadcast_in_dim3A_947 : vector<16xi1>, vector<16xi32>
    %add3A_949 = arith.addi %add3A_927, %select_n3A_948 : vector<16xi32>
    %all_reduce_population_count3A_950 = tpu.all_reduce %eq3A_938 {dim = 0 : i64, kind = #tpu.reduction_kind<sum>} : vector<16xi1> -> vector<16xi32>
    %eq3A_951 = arith.constant 8 : i32
    %eq3A_952 = vector.broadcast %eq3A_951 : i32 to vector<16xi32>
    %eq3A_953 = arith.cmpi eq, %iota3A, %eq3A_952 : vector<16xi32>
    %jit3A_954 = arith.constant 0 : i32
    %broadcast_in_dim3A_955 = vector.broadcast %jit3A_954 : i32 to vector<16xi32>
    %select_n3A_956 = arith.select %eq3A_953, %all_reduce_population_count3A_950, %broadcast_in_dim3A_955 : vector<16xi1>, vector<16xi32>
    %add3A_957 = arith.addi %add3A_935, %select_n3A_956 : vector<16xi32>
    %eq3A_958 = arith.constant 9 : i32
    %eq3A_959 = vector.broadcast %eq3A_958 : i32 to vector<16xi32>
    %eq3A_960 = arith.cmpi eq, %get3A_754, %eq3A_959 : vector<16xi32>
    %convert_element_type3A_961 = arith.extui %eq3A_960 : vector<16xi1> to vector<16xi32>
    %broadcast_in_dim3A_962 = arith.constant true
    %broadcast_in_dim3A_963 = vector.broadcast %broadcast_in_dim3A_962 : i1 to vector<16xi1>
    %masked_cumsum3A_964 = tpu.scan <sum>, %convert_element_type3A_961 masked %broadcast_in_dim3A_963 : vector<16xi32>, vector<16xi1> -> vector<16xi32>
    %sub3A_965 = arith.constant 1 : i32
    %sub3A_966 = vector.broadcast %sub3A_965 : i32 to vector<16xi32>
    %sub3A_967 = arith.subi %masked_cumsum3A_964, %sub3A_966 : vector<16xi32>
    %jit3A_968 = arith.constant 0 : i32
    %broadcast_in_dim3A_969 = vector.broadcast %jit3A_968 : i32 to vector<16xi32>
    %select_n3A_970 = arith.select %eq3A_960, %sub3A_967, %broadcast_in_dim3A_969 : vector<16xi1>, vector<16xi32>
    %add3A_971 = arith.addi %add3A_949, %select_n3A_970 : vector<16xi32>
    %all_reduce_population_count3A_972 = tpu.all_reduce %eq3A_960 {dim = 0 : i64, kind = #tpu.reduction_kind<sum>} : vector<16xi1> -> vector<16xi32>
    %eq3A_973 = arith.constant 9 : i32
    %eq3A_974 = vector.broadcast %eq3A_973 : i32 to vector<16xi32>
    %eq3A_975 = arith.cmpi eq, %iota3A, %eq3A_974 : vector<16xi32>
    %jit3A_976 = arith.constant 0 : i32
    %broadcast_in_dim3A_977 = vector.broadcast %jit3A_976 : i32 to vector<16xi32>
    %select_n3A_978 = arith.select %eq3A_975, %all_reduce_population_count3A_972, %broadcast_in_dim3A_977 : vector<16xi1>, vector<16xi32>
    %add3A_979 = arith.addi %add3A_957, %select_n3A_978 : vector<16xi32>
    %eq3A_980 = arith.constant 10 : i32
    %eq3A_981 = vector.broadcast %eq3A_980 : i32 to vector<16xi32>
    %eq3A_982 = arith.cmpi eq, %get3A_754, %eq3A_981 : vector<16xi32>
    %convert_element_type3A_983 = arith.extui %eq3A_982 : vector<16xi1> to vector<16xi32>
    %broadcast_in_dim3A_984 = arith.constant true
    %broadcast_in_dim3A_985 = vector.broadcast %broadcast_in_dim3A_984 : i1 to vector<16xi1>
    %masked_cumsum3A_986 = tpu.scan <sum>, %convert_element_type3A_983 masked %broadcast_in_dim3A_985 : vector<16xi32>, vector<16xi1> -> vector<16xi32>
    %sub3A_987 = arith.constant 1 : i32
    %sub3A_988 = vector.broadcast %sub3A_987 : i32 to vector<16xi32>
    %sub3A_989 = arith.subi %masked_cumsum3A_986, %sub3A_988 : vector<16xi32>
    %jit3A_990 = arith.constant 0 : i32
    %broadcast_in_dim3A_991 = vector.broadcast %jit3A_990 : i32 to vector<16xi32>
    %select_n3A_992 = arith.select %eq3A_982, %sub3A_989, %broadcast_in_dim3A_991 : vector<16xi1>, vector<16xi32>
    %add3A_993 = arith.addi %add3A_971, %select_n3A_992 : vector<16xi32>
    %all_reduce_population_count3A_994 = tpu.all_reduce %eq3A_982 {dim = 0 : i64, kind = #tpu.reduction_kind<sum>} : vector<16xi1> -> vector<16xi32>
    %eq3A_995 = arith.constant 10 : i32
    %eq3A_996 = vector.broadcast %eq3A_995 : i32 to vector<16xi32>
    %eq3A_997 = arith.cmpi eq, %iota3A, %eq3A_996 : vector<16xi32>
    %jit3A_998 = arith.constant 0 : i32
    %broadcast_in_dim3A_999 = vector.broadcast %jit3A_998 : i32 to vector<16xi32>
    %select_n3A_1000 = arith.select %eq3A_997, %all_reduce_population_count3A_994, %broadcast_in_dim3A_999 : vector<16xi1>, vector<16xi32>
    %add3A_1001 = arith.addi %add3A_979, %select_n3A_1000 : vector<16xi32>
    %eq3A_1002 = arith.constant 11 : i32
    %eq3A_1003 = vector.broadcast %eq3A_1002 : i32 to vector<16xi32>
    %eq3A_1004 = arith.cmpi eq, %get3A_754, %eq3A_1003 : vector<16xi32>
    %convert_element_type3A_1005 = arith.extui %eq3A_1004 : vector<16xi1> to vector<16xi32>
    %broadcast_in_dim3A_1006 = arith.constant true
    %broadcast_in_dim3A_1007 = vector.broadcast %broadcast_in_dim3A_1006 : i1 to vector<16xi1>
    %masked_cumsum3A_1008 = tpu.scan <sum>, %convert_element_type3A_1005 masked %broadcast_in_dim3A_1007 : vector<16xi32>, vector<16xi1> -> vector<16xi32>
    %sub3A_1009 = arith.constant 1 : i32
    %sub3A_1010 = vector.broadcast %sub3A_1009 : i32 to vector<16xi32>
    %sub3A_1011 = arith.subi %masked_cumsum3A_1008, %sub3A_1010 : vector<16xi32>
    %jit3A_1012 = arith.constant 0 : i32
    %broadcast_in_dim3A_1013 = vector.broadcast %jit3A_1012 : i32 to vector<16xi32>
    %select_n3A_1014 = arith.select %eq3A_1004, %sub3A_1011, %broadcast_in_dim3A_1013 : vector<16xi1>, vector<16xi32>
    %add3A_1015 = arith.addi %add3A_993, %select_n3A_1014 : vector<16xi32>
    %all_reduce_population_count3A_1016 = tpu.all_reduce %eq3A_1004 {dim = 0 : i64, kind = #tpu.reduction_kind<sum>} : vector<16xi1> -> vector<16xi32>
    %eq3A_1017 = arith.constant 11 : i32
    %eq3A_1018 = vector.broadcast %eq3A_1017 : i32 to vector<16xi32>
    %eq3A_1019 = arith.cmpi eq, %iota3A, %eq3A_1018 : vector<16xi32>
    %jit3A_1020 = arith.constant 0 : i32
    %broadcast_in_dim3A_1021 = vector.broadcast %jit3A_1020 : i32 to vector<16xi32>
    %select_n3A_1022 = arith.select %eq3A_1019, %all_reduce_population_count3A_1016, %broadcast_in_dim3A_1021 : vector<16xi1>, vector<16xi32>
    %add3A_1023 = arith.addi %add3A_1001, %select_n3A_1022 : vector<16xi32>
    %eq3A_1024 = arith.constant 12 : i32
    %eq3A_1025 = vector.broadcast %eq3A_1024 : i32 to vector<16xi32>
    %eq3A_1026 = arith.cmpi eq, %get3A_754, %eq3A_1025 : vector<16xi32>
    %convert_element_type3A_1027 = arith.extui %eq3A_1026 : vector<16xi1> to vector<16xi32>
    %broadcast_in_dim3A_1028 = arith.constant true
    %broadcast_in_dim3A_1029 = vector.broadcast %broadcast_in_dim3A_1028 : i1 to vector<16xi1>
    %masked_cumsum3A_1030 = tpu.scan <sum>, %convert_element_type3A_1027 masked %broadcast_in_dim3A_1029 : vector<16xi32>, vector<16xi1> -> vector<16xi32>
    %sub3A_1031 = arith.constant 1 : i32
    %sub3A_1032 = vector.broadcast %sub3A_1031 : i32 to vector<16xi32>
    %sub3A_1033 = arith.subi %masked_cumsum3A_1030, %sub3A_1032 : vector<16xi32>
    %jit3A_1034 = arith.constant 0 : i32
    %broadcast_in_dim3A_1035 = vector.broadcast %jit3A_1034 : i32 to vector<16xi32>
    %select_n3A_1036 = arith.select %eq3A_1026, %sub3A_1033, %broadcast_in_dim3A_1035 : vector<16xi1>, vector<16xi32>
    %add3A_1037 = arith.addi %add3A_1015, %select_n3A_1036 : vector<16xi32>
    %all_reduce_population_count3A_1038 = tpu.all_reduce %eq3A_1026 {dim = 0 : i64, kind = #tpu.reduction_kind<sum>} : vector<16xi1> -> vector<16xi32>
    %eq3A_1039 = arith.constant 12 : i32
    %eq3A_1040 = vector.broadcast %eq3A_1039 : i32 to vector<16xi32>
    %eq3A_1041 = arith.cmpi eq, %iota3A, %eq3A_1040 : vector<16xi32>
    %jit3A_1042 = arith.constant 0 : i32
    %broadcast_in_dim3A_1043 = vector.broadcast %jit3A_1042 : i32 to vector<16xi32>
    %select_n3A_1044 = arith.select %eq3A_1041, %all_reduce_population_count3A_1038, %broadcast_in_dim3A_1043 : vector<16xi1>, vector<16xi32>
    %add3A_1045 = arith.addi %add3A_1023, %select_n3A_1044 : vector<16xi32>
    %eq3A_1046 = arith.constant 13 : i32
    %eq3A_1047 = vector.broadcast %eq3A_1046 : i32 to vector<16xi32>
    %eq3A_1048 = arith.cmpi eq, %get3A_754, %eq3A_1047 : vector<16xi32>
    %convert_element_type3A_1049 = arith.extui %eq3A_1048 : vector<16xi1> to vector<16xi32>
    %broadcast_in_dim3A_1050 = arith.constant true
    %broadcast_in_dim3A_1051 = vector.broadcast %broadcast_in_dim3A_1050 : i1 to vector<16xi1>
    %masked_cumsum3A_1052 = tpu.scan <sum>, %convert_element_type3A_1049 masked %broadcast_in_dim3A_1051 : vector<16xi32>, vector<16xi1> -> vector<16xi32>
    %sub3A_1053 = arith.constant 1 : i32
    %sub3A_1054 = vector.broadcast %sub3A_1053 : i32 to vector<16xi32>
    %sub3A_1055 = arith.subi %masked_cumsum3A_1052, %sub3A_1054 : vector<16xi32>
    %jit3A_1056 = arith.constant 0 : i32
    %broadcast_in_dim3A_1057 = vector.broadcast %jit3A_1056 : i32 to vector<16xi32>
    %select_n3A_1058 = arith.select %eq3A_1048, %sub3A_1055, %broadcast_in_dim3A_1057 : vector<16xi1>, vector<16xi32>
    %add3A_1059 = arith.addi %add3A_1037, %select_n3A_1058 : vector<16xi32>
    %all_reduce_population_count3A_1060 = tpu.all_reduce %eq3A_1048 {dim = 0 : i64, kind = #tpu.reduction_kind<sum>} : vector<16xi1> -> vector<16xi32>
    %eq3A_1061 = arith.constant 13 : i32
    %eq3A_1062 = vector.broadcast %eq3A_1061 : i32 to vector<16xi32>
    %eq3A_1063 = arith.cmpi eq, %iota3A, %eq3A_1062 : vector<16xi32>
    %jit3A_1064 = arith.constant 0 : i32
    %broadcast_in_dim3A_1065 = vector.broadcast %jit3A_1064 : i32 to vector<16xi32>
    %select_n3A_1066 = arith.select %eq3A_1063, %all_reduce_population_count3A_1060, %broadcast_in_dim3A_1065 : vector<16xi1>, vector<16xi32>
    %add3A_1067 = arith.addi %add3A_1045, %select_n3A_1066 : vector<16xi32>
    %eq3A_1068 = arith.constant 14 : i32
    %eq3A_1069 = vector.broadcast %eq3A_1068 : i32 to vector<16xi32>
    %eq3A_1070 = arith.cmpi eq, %get3A_754, %eq3A_1069 : vector<16xi32>
    %convert_element_type3A_1071 = arith.extui %eq3A_1070 : vector<16xi1> to vector<16xi32>
    %broadcast_in_dim3A_1072 = arith.constant true
    %broadcast_in_dim3A_1073 = vector.broadcast %broadcast_in_dim3A_1072 : i1 to vector<16xi1>
    %masked_cumsum3A_1074 = tpu.scan <sum>, %convert_element_type3A_1071 masked %broadcast_in_dim3A_1073 : vector<16xi32>, vector<16xi1> -> vector<16xi32>
    %sub3A_1075 = arith.constant 1 : i32
    %sub3A_1076 = vector.broadcast %sub3A_1075 : i32 to vector<16xi32>
    %sub3A_1077 = arith.subi %masked_cumsum3A_1074, %sub3A_1076 : vector<16xi32>
    %jit3A_1078 = arith.constant 0 : i32
    %broadcast_in_dim3A_1079 = vector.broadcast %jit3A_1078 : i32 to vector<16xi32>
    %select_n3A_1080 = arith.select %eq3A_1070, %sub3A_1077, %broadcast_in_dim3A_1079 : vector<16xi1>, vector<16xi32>
    %add3A_1081 = arith.addi %add3A_1059, %select_n3A_1080 : vector<16xi32>
    %all_reduce_population_count3A_1082 = tpu.all_reduce %eq3A_1070 {dim = 0 : i64, kind = #tpu.reduction_kind<sum>} : vector<16xi1> -> vector<16xi32>
    %eq3A_1083 = arith.constant 14 : i32
    %eq3A_1084 = vector.broadcast %eq3A_1083 : i32 to vector<16xi32>
    %eq3A_1085 = arith.cmpi eq, %iota3A, %eq3A_1084 : vector<16xi32>
    %jit3A_1086 = arith.constant 0 : i32
    %broadcast_in_dim3A_1087 = vector.broadcast %jit3A_1086 : i32 to vector<16xi32>
    %select_n3A_1088 = arith.select %eq3A_1085, %all_reduce_population_count3A_1082, %broadcast_in_dim3A_1087 : vector<16xi1>, vector<16xi32>
    %add3A_1089 = arith.addi %add3A_1067, %select_n3A_1088 : vector<16xi32>
    %eq3A_1090 = arith.constant 15 : i32
    %eq3A_1091 = vector.broadcast %eq3A_1090 : i32 to vector<16xi32>
    %eq3A_1092 = arith.cmpi eq, %get3A_754, %eq3A_1091 : vector<16xi32>
    %convert_element_type3A_1093 = arith.extui %eq3A_1092 : vector<16xi1> to vector<16xi32>
    %broadcast_in_dim3A_1094 = arith.constant true
    %broadcast_in_dim3A_1095 = vector.broadcast %broadcast_in_dim3A_1094 : i1 to vector<16xi1>
    %masked_cumsum3A_1096 = tpu.scan <sum>, %convert_element_type3A_1093 masked %broadcast_in_dim3A_1095 : vector<16xi32>, vector<16xi1> -> vector<16xi32>
    %sub3A_1097 = arith.constant 1 : i32
    %sub3A_1098 = vector.broadcast %sub3A_1097 : i32 to vector<16xi32>
    %sub3A_1099 = arith.subi %masked_cumsum3A_1096, %sub3A_1098 : vector<16xi32>
    %jit3A_1100 = arith.constant 0 : i32
    %broadcast_in_dim3A_1101 = vector.broadcast %jit3A_1100 : i32 to vector<16xi32>
    %select_n3A_1102 = arith.select %eq3A_1092, %sub3A_1099, %broadcast_in_dim3A_1101 : vector<16xi1>, vector<16xi32>
    %add3A_1103 = arith.addi %add3A_1081, %select_n3A_1102 : vector<16xi32>
    %all_reduce_population_count3A_1104 = tpu.all_reduce %eq3A_1092 {dim = 0 : i64, kind = #tpu.reduction_kind<sum>} : vector<16xi1> -> vector<16xi32>
    %eq3A_1105 = arith.constant 15 : i32
    %eq3A_1106 = vector.broadcast %eq3A_1105 : i32 to vector<16xi32>
    %eq3A_1107 = arith.cmpi eq, %iota3A, %eq3A_1106 : vector<16xi32>
    %jit3A_1108 = arith.constant 0 : i32
    %broadcast_in_dim3A_1109 = vector.broadcast %jit3A_1108 : i32 to vector<16xi32>
    %select_n3A_1110 = arith.select %eq3A_1107, %all_reduce_population_count3A_1104, %broadcast_in_dim3A_1109 : vector<16xi1>, vector<16xi32>
    %add3A_1111 = arith.addi %add3A_1089, %select_n3A_1110 : vector<16xi32>
    %add3A_1112 = arith.addi %gather3A_755, %add3A_1103 : vector<16xi32>
    %swap3A_1113 = arith.constant 16 : index
    %swap3A_1114 = tpu.vector_load %arg11[%swap3A_1113] {strides = array<i32>} : memref<64xi32, #tpu.memory_space<vmem>>, vector<16xi32>,
    tpu.vector_store %arg11[%swap3A_1113], %add3A_1112 {strides = array<i32>} : memref<64xi32, #tpu.memory_space<vmem>>, vector<16xi32>,
    %get3A_1115 = arith.constant 0 : index
    %get3A_1116 = tpu.vector_load %arg10[%get3A_1115] {strides = array<i32>} : memref<16xi32, #tpu.memory_space<vmem>>, vector<16xi32>,
    %add3A_1117 = arith.addi %get3A_1116, %add3A_1111 : vector<16xi32>
    %swap3A_1118 = arith.constant 0 : index
    %swap3A_1119 = tpu.vector_load %arg10[%swap3A_1118] {strides = array<i32>} : memref<16xi32, #tpu.memory_space<vmem>>, vector<16xi32>,
    tpu.vector_store %arg10[%swap3A_1118], %add3A_1117 {strides = array<i32>} : memref<16xi32, #tpu.memory_space<vmem>>, vector<16xi32>,
    %get3A_1120 = arith.constant 32 : index
    %get3A_1121 = tpu.vector_load %arg9[%get3A_1120] {strides = array<i32>} : memref<64xi32, #tpu.memory_space<vmem>>, vector<16xi32>,
    %gather3A_1122 = tpu.vector_load_idx %arg10[%get3A_1121] : memref<16xi32, #tpu.memory_space<vmem>>[vector<16xi32>], vector<16xi32>,
    %broadcast_in_dim3A_1123 = arith.constant 0 : i32
    %broadcast_in_dim3A_1124 = vector.broadcast %broadcast_in_dim3A_1123 : i32 to vector<16xi32>
    %broadcast_in_dim3A_1125 = arith.constant 0 : i32
    %broadcast_in_dim3A_1126 = vector.broadcast %broadcast_in_dim3A_1125 : i32 to vector<16xi32>
    %eq3A_1127 = arith.constant 0 : i32
    %eq3A_1128 = vector.broadcast %eq3A_1127 : i32 to vector<16xi32>
    %eq3A_1129 = arith.cmpi eq, %get3A_1121, %eq3A_1128 : vector<16xi32>
    %convert_element_type3A_1130 = arith.extui %eq3A_1129 : vector<16xi1> to vector<16xi32>
    %broadcast_in_dim3A_1131 = arith.constant true
    %broadcast_in_dim3A_1132 = vector.broadcast %broadcast_in_dim3A_1131 : i1 to vector<16xi1>
    %masked_cumsum3A_1133 = tpu.scan <sum>, %convert_element_type3A_1130 masked %broadcast_in_dim3A_1132 : vector<16xi32>, vector<16xi1> -> vector<16xi32>
    %sub3A_1134 = arith.constant 1 : i32
    %sub3A_1135 = vector.broadcast %sub3A_1134 : i32 to vector<16xi32>
    %sub3A_1136 = arith.subi %masked_cumsum3A_1133, %sub3A_1135 : vector<16xi32>
    %jit3A_1137 = arith.constant 0 : i32
    %broadcast_in_dim3A_1138 = vector.broadcast %jit3A_1137 : i32 to vector<16xi32>
    %select_n3A_1139 = arith.select %eq3A_1129, %sub3A_1136, %broadcast_in_dim3A_1138 : vector<16xi1>, vector<16xi32>
    %add3A_1140 = arith.addi %broadcast_in_dim3A_1124, %select_n3A_1139 : vector<16xi32>
    %all_reduce_population_count3A_1141 = tpu.all_reduce %eq3A_1129 {dim = 0 : i64, kind = #tpu.reduction_kind<sum>} : vector<16xi1> -> vector<16xi32>
    %eq3A_1142 = arith.constant 0 : i32
    %eq3A_1143 = vector.broadcast %eq3A_1142 : i32 to vector<16xi32>
    %eq3A_1144 = arith.cmpi eq, %iota3A, %eq3A_1143 : vector<16xi32>
    %jit3A_1145 = arith.constant 0 : i32
    %broadcast_in_dim3A_1146 = vector.broadcast %jit3A_1145 : i32 to vector<16xi32>
    %select_n3A_1147 = arith.select %eq3A_1144, %all_reduce_population_count3A_1141, %broadcast_in_dim3A_1146 : vector<16xi1>, vector<16xi32>
    %add3A_1148 = arith.addi %broadcast_in_dim3A_1126, %select_n3A_1147 : vector<16xi32>
    %eq3A_1149 = arith.constant 1 : i32
    %eq3A_1150 = vector.broadcast %eq3A_1149 : i32 to vector<16xi32>
    %eq3A_1151 = arith.cmpi eq, %get3A_1121, %eq3A_1150 : vector<16xi32>
    %convert_element_type3A_1152 = arith.extui %eq3A_1151 : vector<16xi1> to vector<16xi32>
    %broadcast_in_dim3A_1153 = arith.constant true
    %broadcast_in_dim3A_1154 = vector.broadcast %broadcast_in_dim3A_1153 : i1 to vector<16xi1>
    %masked_cumsum3A_1155 = tpu.scan <sum>, %convert_element_type3A_1152 masked %broadcast_in_dim3A_1154 : vector<16xi32>, vector<16xi1> -> vector<16xi32>
    %sub3A_1156 = arith.constant 1 : i32
    %sub3A_1157 = vector.broadcast %sub3A_1156 : i32 to vector<16xi32>
    %sub3A_1158 = arith.subi %masked_cumsum3A_1155, %sub3A_1157 : vector<16xi32>
    %jit3A_1159 = arith.constant 0 : i32
    %broadcast_in_dim3A_1160 = vector.broadcast %jit3A_1159 : i32 to vector<16xi32>
    %select_n3A_1161 = arith.select %eq3A_1151, %sub3A_1158, %broadcast_in_dim3A_1160 : vector<16xi1>, vector<16xi32>
    %add3A_1162 = arith.addi %add3A_1140, %select_n3A_1161 : vector<16xi32>
    %all_reduce_population_count3A_1163 = tpu.all_reduce %eq3A_1151 {dim = 0 : i64, kind = #tpu.reduction_kind<sum>} : vector<16xi1> -> vector<16xi32>
    %eq3A_1164 = arith.constant 1 : i32
    %eq3A_1165 = vector.broadcast %eq3A_1164 : i32 to vector<16xi32>
    %eq3A_1166 = arith.cmpi eq, %iota3A, %eq3A_1165 : vector<16xi32>
    %jit3A_1167 = arith.constant 0 : i32
    %broadcast_in_dim3A_1168 = vector.broadcast %jit3A_1167 : i32 to vector<16xi32>
    %select_n3A_1169 = arith.select %eq3A_1166, %all_reduce_population_count3A_1163, %broadcast_in_dim3A_1168 : vector<16xi1>, vector<16xi32>
    %add3A_1170 = arith.addi %add3A_1148, %select_n3A_1169 : vector<16xi32>
    %eq3A_1171 = arith.constant 2 : i32
    %eq3A_1172 = vector.broadcast %eq3A_1171 : i32 to vector<16xi32>
    %eq3A_1173 = arith.cmpi eq, %get3A_1121, %eq3A_1172 : vector<16xi32>
    %convert_element_type3A_1174 = arith.extui %eq3A_1173 : vector<16xi1> to vector<16xi32>
    %broadcast_in_dim3A_1175 = arith.constant true
    %broadcast_in_dim3A_1176 = vector.broadcast %broadcast_in_dim3A_1175 : i1 to vector<16xi1>
    %masked_cumsum3A_1177 = tpu.scan <sum>, %convert_element_type3A_1174 masked %broadcast_in_dim3A_1176 : vector<16xi32>, vector<16xi1> -> vector<16xi32>
    %sub3A_1178 = arith.constant 1 : i32
    %sub3A_1179 = vector.broadcast %sub3A_1178 : i32 to vector<16xi32>
    %sub3A_1180 = arith.subi %masked_cumsum3A_1177, %sub3A_1179 : vector<16xi32>
    %jit3A_1181 = arith.constant 0 : i32
    %broadcast_in_dim3A_1182 = vector.broadcast %jit3A_1181 : i32 to vector<16xi32>
    %select_n3A_1183 = arith.select %eq3A_1173, %sub3A_1180, %broadcast_in_dim3A_1182 : vector<16xi1>, vector<16xi32>
    %add3A_1184 = arith.addi %add3A_1162, %select_n3A_1183 : vector<16xi32>
    %all_reduce_population_count3A_1185 = tpu.all_reduce %eq3A_1173 {dim = 0 : i64, kind = #tpu.reduction_kind<sum>} : vector<16xi1> -> vector<16xi32>
    %eq3A_1186 = arith.constant 2 : i32
    %eq3A_1187 = vector.broadcast %eq3A_1186 : i32 to vector<16xi32>
    %eq3A_1188 = arith.cmpi eq, %iota3A, %eq3A_1187 : vector<16xi32>
    %jit3A_1189 = arith.constant 0 : i32
    %broadcast_in_dim3A_1190 = vector.broadcast %jit3A_1189 : i32 to vector<16xi32>
    %select_n3A_1191 = arith.select %eq3A_1188, %all_reduce_population_count3A_1185, %broadcast_in_dim3A_1190 : vector<16xi1>, vector<16xi32>
    %add3A_1192 = arith.addi %add3A_1170, %select_n3A_1191 : vector<16xi32>
    %eq3A_1193 = arith.constant 3 : i32
    %eq3A_1194 = vector.broadcast %eq3A_1193 : i32 to vector<16xi32>
    %eq3A_1195 = arith.cmpi eq, %get3A_1121, %eq3A_1194 : vector<16xi32>
    %convert_element_type3A_1196 = arith.extui %eq3A_1195 : vector<16xi1> to vector<16xi32>
    %broadcast_in_dim3A_1197 = arith.constant true
    %broadcast_in_dim3A_1198 = vector.broadcast %broadcast_in_dim3A_1197 : i1 to vector<16xi1>
    %masked_cumsum3A_1199 = tpu.scan <sum>, %convert_element_type3A_1196 masked %broadcast_in_dim3A_1198 : vector<16xi32>, vector<16xi1> -> vector<16xi32>
    %sub3A_1200 = arith.constant 1 : i32
    %sub3A_1201 = vector.broadcast %sub3A_1200 : i32 to vector<16xi32>
    %sub3A_1202 = arith.subi %masked_cumsum3A_1199, %sub3A_1201 : vector<16xi32>
    %jit3A_1203 = arith.constant 0 : i32
    %broadcast_in_dim3A_1204 = vector.broadcast %jit3A_1203 : i32 to vector<16xi32>
    %select_n3A_1205 = arith.select %eq3A_1195, %sub3A_1202, %broadcast_in_dim3A_1204 : vector<16xi1>, vector<16xi32>
    %add3A_1206 = arith.addi %add3A_1184, %select_n3A_1205 : vector<16xi32>
    %all_reduce_population_count3A_1207 = tpu.all_reduce %eq3A_1195 {dim = 0 : i64, kind = #tpu.reduction_kind<sum>} : vector<16xi1> -> vector<16xi32>
    %eq3A_1208 = arith.constant 3 : i32
    %eq3A_1209 = vector.broadcast %eq3A_1208 : i32 to vector<16xi32>
    %eq3A_1210 = arith.cmpi eq, %iota3A, %eq3A_1209 : vector<16xi32>
    %jit3A_1211 = arith.constant 0 : i32
    %broadcast_in_dim3A_1212 = vector.broadcast %jit3A_1211 : i32 to vector<16xi32>
    %select_n3A_1213 = arith.select %eq3A_1210, %all_reduce_population_count3A_1207, %broadcast_in_dim3A_1212 : vector<16xi1>, vector<16xi32>
    %add3A_1214 = arith.addi %add3A_1192, %select_n3A_1213 : vector<16xi32>
    %eq3A_1215 = arith.constant 4 : i32
    %eq3A_1216 = vector.broadcast %eq3A_1215 : i32 to vector<16xi32>
    %eq3A_1217 = arith.cmpi eq, %get3A_1121, %eq3A_1216 : vector<16xi32>
    %convert_element_type3A_1218 = arith.extui %eq3A_1217 : vector<16xi1> to vector<16xi32>
    %broadcast_in_dim3A_1219 = arith.constant true
    %broadcast_in_dim3A_1220 = vector.broadcast %broadcast_in_dim3A_1219 : i1 to vector<16xi1>
    %masked_cumsum3A_1221 = tpu.scan <sum>, %convert_element_type3A_1218 masked %broadcast_in_dim3A_1220 : vector<16xi32>, vector<16xi1> -> vector<16xi32>
    %sub3A_1222 = arith.constant 1 : i32
    %sub3A_1223 = vector.broadcast %sub3A_1222 : i32 to vector<16xi32>
    %sub3A_1224 = arith.subi %masked_cumsum3A_1221, %sub3A_1223 : vector<16xi32>
    %jit3A_1225 = arith.constant 0 : i32
    %broadcast_in_dim3A_1226 = vector.broadcast %jit3A_1225 : i32 to vector<16xi32>
    %select_n3A_1227 = arith.select %eq3A_1217, %sub3A_1224, %broadcast_in_dim3A_1226 : vector<16xi1>, vector<16xi32>
    %add3A_1228 = arith.addi %add3A_1206, %select_n3A_1227 : vector<16xi32>
    %all_reduce_population_count3A_1229 = tpu.all_reduce %eq3A_1217 {dim = 0 : i64, kind = #tpu.reduction_kind<sum>} : vector<16xi1> -> vector<16xi32>
    %eq3A_1230 = arith.constant 4 : i32
    %eq3A_1231 = vector.broadcast %eq3A_1230 : i32 to vector<16xi32>
    %eq3A_1232 = arith.cmpi eq, %iota3A, %eq3A_1231 : vector<16xi32>
    %jit3A_1233 = arith.constant 0 : i32
    %broadcast_in_dim3A_1234 = vector.broadcast %jit3A_1233 : i32 to vector<16xi32>
    %select_n3A_1235 = arith.select %eq3A_1232, %all_reduce_population_count3A_1229, %broadcast_in_dim3A_1234 : vector<16xi1>, vector<16xi32>
    %add3A_1236 = arith.addi %add3A_1214, %select_n3A_1235 : vector<16xi32>
    %eq3A_1237 = arith.constant 5 : i32
    %eq3A_1238 = vector.broadcast %eq3A_1237 : i32 to vector<16xi32>
    %eq3A_1239 = arith.cmpi eq, %get3A_1121, %eq3A_1238 : vector<16xi32>
    %convert_element_type3A_1240 = arith.extui %eq3A_1239 : vector<16xi1> to vector<16xi32>
    %broadcast_in_dim3A_1241 = arith.constant true
    %broadcast_in_dim3A_1242 = vector.broadcast %broadcast_in_dim3A_1241 : i1 to vector<16xi1>
    %masked_cumsum3A_1243 = tpu.scan <sum>, %convert_element_type3A_1240 masked %broadcast_in_dim3A_1242 : vector<16xi32>, vector<16xi1> -> vector<16xi32>
    %sub3A_1244 = arith.constant 1 : i32
    %sub3A_1245 = vector.broadcast %sub3A_1244 : i32 to vector<16xi32>
    %sub3A_1246 = arith.subi %masked_cumsum3A_1243, %sub3A_1245 : vector<16xi32>
    %jit3A_1247 = arith.constant 0 : i32
    %broadcast_in_dim3A_1248 = vector.broadcast %jit3A_1247 : i32 to vector<16xi32>
    %select_n3A_1249 = arith.select %eq3A_1239, %sub3A_1246, %broadcast_in_dim3A_1248 : vector<16xi1>, vector<16xi32>
    %add3A_1250 = arith.addi %add3A_1228, %select_n3A_1249 : vector<16xi32>
    %all_reduce_population_count3A_1251 = tpu.all_reduce %eq3A_1239 {dim = 0 : i64, kind = #tpu.reduction_kind<sum>} : vector<16xi1> -> vector<16xi32>
    %eq3A_1252 = arith.constant 5 : i32
    %eq3A_1253 = vector.broadcast %eq3A_1252 : i32 to vector<16xi32>
    %eq3A_1254 = arith.cmpi eq, %iota3A, %eq3A_1253 : vector<16xi32>
    %jit3A_1255 = arith.constant 0 : i32
    %broadcast_in_dim3A_1256 = vector.broadcast %jit3A_1255 : i32 to vector<16xi32>
    %select_n3A_1257 = arith.select %eq3A_1254, %all_reduce_population_count3A_1251, %broadcast_in_dim3A_1256 : vector<16xi1>, vector<16xi32>
    %add3A_1258 = arith.addi %add3A_1236, %select_n3A_1257 : vector<16xi32>
    %eq3A_1259 = arith.constant 6 : i32
    %eq3A_1260 = vector.broadcast %eq3A_1259 : i32 to vector<16xi32>
    %eq3A_1261 = arith.cmpi eq, %get3A_1121, %eq3A_1260 : vector<16xi32>
    %convert_element_type3A_1262 = arith.extui %eq3A_1261 : vector<16xi1> to vector<16xi32>
    %broadcast_in_dim3A_1263 = arith.constant true
    %broadcast_in_dim3A_1264 = vector.broadcast %broadcast_in_dim3A_1263 : i1 to vector<16xi1>
    %masked_cumsum3A_1265 = tpu.scan <sum>, %convert_element_type3A_1262 masked %broadcast_in_dim3A_1264 : vector<16xi32>, vector<16xi1> -> vector<16xi32>
    %sub3A_1266 = arith.constant 1 : i32
    %sub3A_1267 = vector.broadcast %sub3A_1266 : i32 to vector<16xi32>
    %sub3A_1268 = arith.subi %masked_cumsum3A_1265, %sub3A_1267 : vector<16xi32>
    %jit3A_1269 = arith.constant 0 : i32
    %broadcast_in_dim3A_1270 = vector.broadcast %jit3A_1269 : i32 to vector<16xi32>
    %select_n3A_1271 = arith.select %eq3A_1261, %sub3A_1268, %broadcast_in_dim3A_1270 : vector<16xi1>, vector<16xi32>
    %add3A_1272 = arith.addi %add3A_1250, %select_n3A_1271 : vector<16xi32>
    %all_reduce_population_count3A_1273 = tpu.all_reduce %eq3A_1261 {dim = 0 : i64, kind = #tpu.reduction_kind<sum>} : vector<16xi1> -> vector<16xi32>
    %eq3A_1274 = arith.constant 6 : i32
    %eq3A_1275 = vector.broadcast %eq3A_1274 : i32 to vector<16xi32>
    %eq3A_1276 = arith.cmpi eq, %iota3A, %eq3A_1275 : vector<16xi32>
    %jit3A_1277 = arith.constant 0 : i32
    %broadcast_in_dim3A_1278 = vector.broadcast %jit3A_1277 : i32 to vector<16xi32>
    %select_n3A_1279 = arith.select %eq3A_1276, %all_reduce_population_count3A_1273, %broadcast_in_dim3A_1278 : vector<16xi1>, vector<16xi32>
    %add3A_1280 = arith.addi %add3A_1258, %select_n3A_1279 : vector<16xi32>
    %eq3A_1281 = arith.constant 7 : i32
    %eq3A_1282 = vector.broadcast %eq3A_1281 : i32 to vector<16xi32>
    %eq3A_1283 = arith.cmpi eq, %get3A_1121, %eq3A_1282 : vector<16xi32>
    %convert_element_type3A_1284 = arith.extui %eq3A_1283 : vector<16xi1> to vector<16xi32>
    %broadcast_in_dim3A_1285 = arith.constant true
    %broadcast_in_dim3A_1286 = vector.broadcast %broadcast_in_dim3A_1285 : i1 to vector<16xi1>
    %masked_cumsum3A_1287 = tpu.scan <sum>, %convert_element_type3A_1284 masked %broadcast_in_dim3A_1286 : vector<16xi32>, vector<16xi1> -> vector<16xi32>
    %sub3A_1288 = arith.constant 1 : i32
    %sub3A_1289 = vector.broadcast %sub3A_1288 : i32 to vector<16xi32>
    %sub3A_1290 = arith.subi %masked_cumsum3A_1287, %sub3A_1289 : vector<16xi32>
    %jit3A_1291 = arith.constant 0 : i32
    %broadcast_in_dim3A_1292 = vector.broadcast %jit3A_1291 : i32 to vector<16xi32>
    %select_n3A_1293 = arith.select %eq3A_1283, %sub3A_1290, %broadcast_in_dim3A_1292 : vector<16xi1>, vector<16xi32>
    %add3A_1294 = arith.addi %add3A_1272, %select_n3A_1293 : vector<16xi32>
    %all_reduce_population_count3A_1295 = tpu.all_reduce %eq3A_1283 {dim = 0 : i64, kind = #tpu.reduction_kind<sum>} : vector<16xi1> -> vector<16xi32>
    %eq3A_1296 = arith.constant 7 : i32
    %eq3A_1297 = vector.broadcast %eq3A_1296 : i32 to vector<16xi32>
    %eq3A_1298 = arith.cmpi eq, %iota3A, %eq3A_1297 : vector<16xi32>
    %jit3A_1299 = arith.constant 0 : i32
    %broadcast_in_dim3A_1300 = vector.broadcast %jit3A_1299 : i32 to vector<16xi32>
    %select_n3A_1301 = arith.select %eq3A_1298, %all_reduce_population_count3A_1295, %broadcast_in_dim3A_1300 : vector<16xi1>, vector<16xi32>
    %add3A_1302 = arith.addi %add3A_1280, %select_n3A_1301 : vector<16xi32>
    %eq3A_1303 = arith.constant 8 : i32
    %eq3A_1304 = vector.broadcast %eq3A_1303 : i32 to vector<16xi32>
    %eq3A_1305 = arith.cmpi eq, %get3A_1121, %eq3A_1304 : vector<16xi32>
    %convert_element_type3A_1306 = arith.extui %eq3A_1305 : vector<16xi1> to vector<16xi32>
    %broadcast_in_dim3A_1307 = arith.constant true
    %broadcast_in_dim3A_1308 = vector.broadcast %broadcast_in_dim3A_1307 : i1 to vector<16xi1>
    %masked_cumsum3A_1309 = tpu.scan <sum>, %convert_element_type3A_1306 masked %broadcast_in_dim3A_1308 : vector<16xi32>, vector<16xi1> -> vector<16xi32>
    %sub3A_1310 = arith.constant 1 : i32
    %sub3A_1311 = vector.broadcast %sub3A_1310 : i32 to vector<16xi32>
    %sub3A_1312 = arith.subi %masked_cumsum3A_1309, %sub3A_1311 : vector<16xi32>
    %jit3A_1313 = arith.constant 0 : i32
    %broadcast_in_dim3A_1314 = vector.broadcast %jit3A_1313 : i32 to vector<16xi32>
    %select_n3A_1315 = arith.select %eq3A_1305, %sub3A_1312, %broadcast_in_dim3A_1314 : vector<16xi1>, vector<16xi32>
    %add3A_1316 = arith.addi %add3A_1294, %select_n3A_1315 : vector<16xi32>
    %all_reduce_population_count3A_1317 = tpu.all_reduce %eq3A_1305 {dim = 0 : i64, kind = #tpu.reduction_kind<sum>} : vector<16xi1> -> vector<16xi32>
    %eq3A_1318 = arith.constant 8 : i32
    %eq3A_1319 = vector.broadcast %eq3A_1318 : i32 to vector<16xi32>
    %eq3A_1320 = arith.cmpi eq, %iota3A, %eq3A_1319 : vector<16xi32>
    %jit3A_1321 = arith.constant 0 : i32
    %broadcast_in_dim3A_1322 = vector.broadcast %jit3A_1321 : i32 to vector<16xi32>
    %select_n3A_1323 = arith.select %eq3A_1320, %all_reduce_population_count3A_1317, %broadcast_in_dim3A_1322 : vector<16xi1>, vector<16xi32>
    %add3A_1324 = arith.addi %add3A_1302, %select_n3A_1323 : vector<16xi32>
    %eq3A_1325 = arith.constant 9 : i32
    %eq3A_1326 = vector.broadcast %eq3A_1325 : i32 to vector<16xi32>
    %eq3A_1327 = arith.cmpi eq, %get3A_1121, %eq3A_1326 : vector<16xi32>
    %convert_element_type3A_1328 = arith.extui %eq3A_1327 : vector<16xi1> to vector<16xi32>
    %broadcast_in_dim3A_1329 = arith.constant true
    %broadcast_in_dim3A_1330 = vector.broadcast %broadcast_in_dim3A_1329 : i1 to vector<16xi1>
    %masked_cumsum3A_1331 = tpu.scan <sum>, %convert_element_type3A_1328 masked %broadcast_in_dim3A_1330 : vector<16xi32>, vector<16xi1> -> vector<16xi32>
    %sub3A_1332 = arith.constant 1 : i32
    %sub3A_1333 = vector.broadcast %sub3A_1332 : i32 to vector<16xi32>
    %sub3A_1334 = arith.subi %masked_cumsum3A_1331, %sub3A_1333 : vector<16xi32>
    %jit3A_1335 = arith.constant 0 : i32
    %broadcast_in_dim3A_1336 = vector.broadcast %jit3A_1335 : i32 to vector<16xi32>
    %select_n3A_1337 = arith.select %eq3A_1327, %sub3A_1334, %broadcast_in_dim3A_1336 : vector<16xi1>, vector<16xi32>
    %add3A_1338 = arith.addi %add3A_1316, %select_n3A_1337 : vector<16xi32>
    %all_reduce_population_count3A_1339 = tpu.all_reduce %eq3A_1327 {dim = 0 : i64, kind = #tpu.reduction_kind<sum>} : vector<16xi1> -> vector<16xi32>
    %eq3A_1340 = arith.constant 9 : i32
    %eq3A_1341 = vector.broadcast %eq3A_1340 : i32 to vector<16xi32>
    %eq3A_1342 = arith.cmpi eq, %iota3A, %eq3A_1341 : vector<16xi32>
    %jit3A_1343 = arith.constant 0 : i32
    %broadcast_in_dim3A_1344 = vector.broadcast %jit3A_1343 : i32 to vector<16xi32>
    %select_n3A_1345 = arith.select %eq3A_1342, %all_reduce_population_count3A_1339, %broadcast_in_dim3A_1344 : vector<16xi1>, vector<16xi32>
    %add3A_1346 = arith.addi %add3A_1324, %select_n3A_1345 : vector<16xi32>
    %eq3A_1347 = arith.constant 10 : i32
    %eq3A_1348 = vector.broadcast %eq3A_1347 : i32 to vector<16xi32>
    %eq3A_1349 = arith.cmpi eq, %get3A_1121, %eq3A_1348 : vector<16xi32>
    %convert_element_type3A_1350 = arith.extui %eq3A_1349 : vector<16xi1> to vector<16xi32>
    %broadcast_in_dim3A_1351 = arith.constant true
    %broadcast_in_dim3A_1352 = vector.broadcast %broadcast_in_dim3A_1351 : i1 to vector<16xi1>
    %masked_cumsum3A_1353 = tpu.scan <sum>, %convert_element_type3A_1350 masked %broadcast_in_dim3A_1352 : vector<16xi32>, vector<16xi1> -> vector<16xi32>
    %sub3A_1354 = arith.constant 1 : i32
    %sub3A_1355 = vector.broadcast %sub3A_1354 : i32 to vector<16xi32>
    %sub3A_1356 = arith.subi %masked_cumsum3A_1353, %sub3A_1355 : vector<16xi32>
    %jit3A_1357 = arith.constant 0 : i32
    %broadcast_in_dim3A_1358 = vector.broadcast %jit3A_1357 : i32 to vector<16xi32>
    %select_n3A_1359 = arith.select %eq3A_1349, %sub3A_1356, %broadcast_in_dim3A_1358 : vector<16xi1>, vector<16xi32>
    %add3A_1360 = arith.addi %add3A_1338, %select_n3A_1359 : vector<16xi32>
    %all_reduce_population_count3A_1361 = tpu.all_reduce %eq3A_1349 {dim = 0 : i64, kind = #tpu.reduction_kind<sum>} : vector<16xi1> -> vector<16xi32>
    %eq3A_1362 = arith.constant 10 : i32
    %eq3A_1363 = vector.broadcast %eq3A_1362 : i32 to vector<16xi32>
    %eq3A_1364 = arith.cmpi eq, %iota3A, %eq3A_1363 : vector<16xi32>
    %jit3A_1365 = arith.constant 0 : i32
    %broadcast_in_dim3A_1366 = vector.broadcast %jit3A_1365 : i32 to vector<16xi32>
    %select_n3A_1367 = arith.select %eq3A_1364, %all_reduce_population_count3A_1361, %broadcast_in_dim3A_1366 : vector<16xi1>, vector<16xi32>
    %add3A_1368 = arith.addi %add3A_1346, %select_n3A_1367 : vector<16xi32>
    %eq3A_1369 = arith.constant 11 : i32
    %eq3A_1370 = vector.broadcast %eq3A_1369 : i32 to vector<16xi32>
    %eq3A_1371 = arith.cmpi eq, %get3A_1121, %eq3A_1370 : vector<16xi32>
    %convert_element_type3A_1372 = arith.extui %eq3A_1371 : vector<16xi1> to vector<16xi32>
    %broadcast_in_dim3A_1373 = arith.constant true
    %broadcast_in_dim3A_1374 = vector.broadcast %broadcast_in_dim3A_1373 : i1 to vector<16xi1>
    %masked_cumsum3A_1375 = tpu.scan <sum>, %convert_element_type3A_1372 masked %broadcast_in_dim3A_1374 : vector<16xi32>, vector<16xi1> -> vector<16xi32>
    %sub3A_1376 = arith.constant 1 : i32
    %sub3A_1377 = vector.broadcast %sub3A_1376 : i32 to vector<16xi32>
    %sub3A_1378 = arith.subi %masked_cumsum3A_1375, %sub3A_1377 : vector<16xi32>
    %jit3A_1379 = arith.constant 0 : i32
    %broadcast_in_dim3A_1380 = vector.broadcast %jit3A_1379 : i32 to vector<16xi32>
    %select_n3A_1381 = arith.select %eq3A_1371, %sub3A_1378, %broadcast_in_dim3A_1380 : vector<16xi1>, vector<16xi32>
    %add3A_1382 = arith.addi %add3A_1360, %select_n3A_1381 : vector<16xi32>
    %all_reduce_population_count3A_1383 = tpu.all_reduce %eq3A_1371 {dim = 0 : i64, kind = #tpu.reduction_kind<sum>} : vector<16xi1> -> vector<16xi32>
    %eq3A_1384 = arith.constant 11 : i32
    %eq3A_1385 = vector.broadcast %eq3A_1384 : i32 to vector<16xi32>
    %eq3A_1386 = arith.cmpi eq, %iota3A, %eq3A_1385 : vector<16xi32>
    %jit3A_1387 = arith.constant 0 : i32
    %broadcast_in_dim3A_1388 = vector.broadcast %jit3A_1387 : i32 to vector<16xi32>
    %select_n3A_1389 = arith.select %eq3A_1386, %all_reduce_population_count3A_1383, %broadcast_in_dim3A_1388 : vector<16xi1>, vector<16xi32>
    %add3A_1390 = arith.addi %add3A_1368, %select_n3A_1389 : vector<16xi32>
    %eq3A_1391 = arith.constant 12 : i32
    %eq3A_1392 = vector.broadcast %eq3A_1391 : i32 to vector<16xi32>
    %eq3A_1393 = arith.cmpi eq, %get3A_1121, %eq3A_1392 : vector<16xi32>
    %convert_element_type3A_1394 = arith.extui %eq3A_1393 : vector<16xi1> to vector<16xi32>
    %broadcast_in_dim3A_1395 = arith.constant true
    %broadcast_in_dim3A_1396 = vector.broadcast %broadcast_in_dim3A_1395 : i1 to vector<16xi1>
    %masked_cumsum3A_1397 = tpu.scan <sum>, %convert_element_type3A_1394 masked %broadcast_in_dim3A_1396 : vector<16xi32>, vector<16xi1> -> vector<16xi32>
    %sub3A_1398 = arith.constant 1 : i32
    %sub3A_1399 = vector.broadcast %sub3A_1398 : i32 to vector<16xi32>
    %sub3A_1400 = arith.subi %masked_cumsum3A_1397, %sub3A_1399 : vector<16xi32>
    %jit3A_1401 = arith.constant 0 : i32
    %broadcast_in_dim3A_1402 = vector.broadcast %jit3A_1401 : i32 to vector<16xi32>
    %select_n3A_1403 = arith.select %eq3A_1393, %sub3A_1400, %broadcast_in_dim3A_1402 : vector<16xi1>, vector<16xi32>
    %add3A_1404 = arith.addi %add3A_1382, %select_n3A_1403 : vector<16xi32>
    %all_reduce_population_count3A_1405 = tpu.all_reduce %eq3A_1393 {dim = 0 : i64, kind = #tpu.reduction_kind<sum>} : vector<16xi1> -> vector<16xi32>
    %eq3A_1406 = arith.constant 12 : i32
    %eq3A_1407 = vector.broadcast %eq3A_1406 : i32 to vector<16xi32>
    %eq3A_1408 = arith.cmpi eq, %iota3A, %eq3A_1407 : vector<16xi32>
    %jit3A_1409 = arith.constant 0 : i32
    %broadcast_in_dim3A_1410 = vector.broadcast %jit3A_1409 : i32 to vector<16xi32>
    %select_n3A_1411 = arith.select %eq3A_1408, %all_reduce_population_count3A_1405, %broadcast_in_dim3A_1410 : vector<16xi1>, vector<16xi32>
    %add3A_1412 = arith.addi %add3A_1390, %select_n3A_1411 : vector<16xi32>
    %eq3A_1413 = arith.constant 13 : i32
    %eq3A_1414 = vector.broadcast %eq3A_1413 : i32 to vector<16xi32>
    %eq3A_1415 = arith.cmpi eq, %get3A_1121, %eq3A_1414 : vector<16xi32>
    %convert_element_type3A_1416 = arith.extui %eq3A_1415 : vector<16xi1> to vector<16xi32>
    %broadcast_in_dim3A_1417 = arith.constant true
    %broadcast_in_dim3A_1418 = vector.broadcast %broadcast_in_dim3A_1417 : i1 to vector<16xi1>
    %masked_cumsum3A_1419 = tpu.scan <sum>, %convert_element_type3A_1416 masked %broadcast_in_dim3A_1418 : vector<16xi32>, vector<16xi1> -> vector<16xi32>
    %sub3A_1420 = arith.constant 1 : i32
    %sub3A_1421 = vector.broadcast %sub3A_1420 : i32 to vector<16xi32>
    %sub3A_1422 = arith.subi %masked_cumsum3A_1419, %sub3A_1421 : vector<16xi32>
    %jit3A_1423 = arith.constant 0 : i32
    %broadcast_in_dim3A_1424 = vector.broadcast %jit3A_1423 : i32 to vector<16xi32>
    %select_n3A_1425 = arith.select %eq3A_1415, %sub3A_1422, %broadcast_in_dim3A_1424 : vector<16xi1>, vector<16xi32>
    %add3A_1426 = arith.addi %add3A_1404, %select_n3A_1425 : vector<16xi32>
    %all_reduce_population_count3A_1427 = tpu.all_reduce %eq3A_1415 {dim = 0 : i64, kind = #tpu.reduction_kind<sum>} : vector<16xi1> -> vector<16xi32>
    %eq3A_1428 = arith.constant 13 : i32
    %eq3A_1429 = vector.broadcast %eq3A_1428 : i32 to vector<16xi32>
    %eq3A_1430 = arith.cmpi eq, %iota3A, %eq3A_1429 : vector<16xi32>
    %jit3A_1431 = arith.constant 0 : i32
    %broadcast_in_dim3A_1432 = vector.broadcast %jit3A_1431 : i32 to vector<16xi32>
    %select_n3A_1433 = arith.select %eq3A_1430, %all_reduce_population_count3A_1427, %broadcast_in_dim3A_1432 : vector<16xi1>, vector<16xi32>
    %add3A_1434 = arith.addi %add3A_1412, %select_n3A_1433 : vector<16xi32>
    %eq3A_1435 = arith.constant 14 : i32
    %eq3A_1436 = vector.broadcast %eq3A_1435 : i32 to vector<16xi32>
    %eq3A_1437 = arith.cmpi eq, %get3A_1121, %eq3A_1436 : vector<16xi32>
    %convert_element_type3A_1438 = arith.extui %eq3A_1437 : vector<16xi1> to vector<16xi32>
    %broadcast_in_dim3A_1439 = arith.constant true
    %broadcast_in_dim3A_1440 = vector.broadcast %broadcast_in_dim3A_1439 : i1 to vector<16xi1>
    %masked_cumsum3A_1441 = tpu.scan <sum>, %convert_element_type3A_1438 masked %broadcast_in_dim3A_1440 : vector<16xi32>, vector<16xi1> -> vector<16xi32>
    %sub3A_1442 = arith.constant 1 : i32
    %sub3A_1443 = vector.broadcast %sub3A_1442 : i32 to vector<16xi32>
    %sub3A_1444 = arith.subi %masked_cumsum3A_1441, %sub3A_1443 : vector<16xi32>
    %jit3A_1445 = arith.constant 0 : i32
    %broadcast_in_dim3A_1446 = vector.broadcast %jit3A_1445 : i32 to vector<16xi32>
    %select_n3A_1447 = arith.select %eq3A_1437, %sub3A_1444, %broadcast_in_dim3A_1446 : vector<16xi1>, vector<16xi32>
    %add3A_1448 = arith.addi %add3A_1426, %select_n3A_1447 : vector<16xi32>
    %all_reduce_population_count3A_1449 = tpu.all_reduce %eq3A_1437 {dim = 0 : i64, kind = #tpu.reduction_kind<sum>} : vector<16xi1> -> vector<16xi32>
    %eq3A_1450 = arith.constant 14 : i32
    %eq3A_1451 = vector.broadcast %eq3A_1450 : i32 to vector<16xi32>
    %eq3A_1452 = arith.cmpi eq, %iota3A, %eq3A_1451 : vector<16xi32>
    %jit3A_1453 = arith.constant 0 : i32
    %broadcast_in_dim3A_1454 = vector.broadcast %jit3A_1453 : i32 to vector<16xi32>
    %select_n3A_1455 = arith.select %eq3A_1452, %all_reduce_population_count3A_1449, %broadcast_in_dim3A_1454 : vector<16xi1>, vector<16xi32>
    %add3A_1456 = arith.addi %add3A_1434, %select_n3A_1455 : vector<16xi32>
    %eq3A_1457 = arith.constant 15 : i32
    %eq3A_1458 = vector.broadcast %eq3A_1457 : i32 to vector<16xi32>
    %eq3A_1459 = arith.cmpi eq, %get3A_1121, %eq3A_1458 : vector<16xi32>
    %convert_element_type3A_1460 = arith.extui %eq3A_1459 : vector<16xi1> to vector<16xi32>
    %broadcast_in_dim3A_1461 = arith.constant true
    %broadcast_in_dim3A_1462 = vector.broadcast %broadcast_in_dim3A_1461 : i1 to vector<16xi1>
    %masked_cumsum3A_1463 = tpu.scan <sum>, %convert_element_type3A_1460 masked %broadcast_in_dim3A_1462 : vector<16xi32>, vector<16xi1> -> vector<16xi32>
    %sub3A_1464 = arith.constant 1 : i32
    %sub3A_1465 = vector.broadcast %sub3A_1464 : i32 to vector<16xi32>
    %sub3A_1466 = arith.subi %masked_cumsum3A_1463, %sub3A_1465 : vector<16xi32>
    %jit3A_1467 = arith.constant 0 : i32
    %broadcast_in_dim3A_1468 = vector.broadcast %jit3A_1467 : i32 to vector<16xi32>
    %select_n3A_1469 = arith.select %eq3A_1459, %sub3A_1466, %broadcast_in_dim3A_1468 : vector<16xi1>, vector<16xi32>
    %add3A_1470 = arith.addi %add3A_1448, %select_n3A_1469 : vector<16xi32>
    %all_reduce_population_count3A_1471 = tpu.all_reduce %eq3A_1459 {dim = 0 : i64, kind = #tpu.reduction_kind<sum>} : vector<16xi1> -> vector<16xi32>
    %eq3A_1472 = arith.constant 15 : i32
    %eq3A_1473 = vector.broadcast %eq3A_1472 : i32 to vector<16xi32>
    %eq3A_1474 = arith.cmpi eq, %iota3A, %eq3A_1473 : vector<16xi32>
    %jit3A_1475 = arith.constant 0 : i32
    %broadcast_in_dim3A_1476 = vector.broadcast %jit3A_1475 : i32 to vector<16xi32>
    %select_n3A_1477 = arith.select %eq3A_1474, %all_reduce_population_count3A_1471, %broadcast_in_dim3A_1476 : vector<16xi1>, vector<16xi32>
    %add3A_1478 = arith.addi %add3A_1456, %select_n3A_1477 : vector<16xi32>
    %add3A_1479 = arith.addi %gather3A_1122, %add3A_1470 : vector<16xi32>
    %swap3A_1480 = arith.constant 32 : index
    %swap3A_1481 = tpu.vector_load %arg11[%swap3A_1480] {strides = array<i32>} : memref<64xi32, #tpu.memory_space<vmem>>, vector<16xi32>,
    tpu.vector_store %arg11[%swap3A_1480], %add3A_1479 {strides = array<i32>} : memref<64xi32, #tpu.memory_space<vmem>>, vector<16xi32>,
    %get3A_1482 = arith.constant 0 : index
    %get3A_1483 = tpu.vector_load %arg10[%get3A_1482] {strides = array<i32>} : memref<16xi32, #tpu.memory_space<vmem>>, vector<16xi32>,
    %add3A_1484 = arith.addi %get3A_1483, %add3A_1478 : vector<16xi32>
    %swap3A_1485 = arith.constant 0 : index
    %swap3A_1486 = tpu.vector_load %arg10[%swap3A_1485] {strides = array<i32>} : memref<16xi32, #tpu.memory_space<vmem>>, vector<16xi32>,
    tpu.vector_store %arg10[%swap3A_1485], %add3A_1484 {strides = array<i32>} : memref<16xi32, #tpu.memory_space<vmem>>, vector<16xi32>,
    %get3A_1487 = arith.constant 48 : index
    %get3A_1488 = tpu.vector_load %arg9[%get3A_1487] {strides = array<i32>} : memref<64xi32, #tpu.memory_space<vmem>>, vector<16xi32>,
    %gather3A_1489 = tpu.vector_load_idx %arg10[%get3A_1488] : memref<16xi32, #tpu.memory_space<vmem>>[vector<16xi32>], vector<16xi32>,
    %broadcast_in_dim3A_1490 = arith.constant 0 : i32
    %broadcast_in_dim3A_1491 = vector.broadcast %broadcast_in_dim3A_1490 : i32 to vector<16xi32>
    %broadcast_in_dim3A_1492 = arith.constant 0 : i32
    %broadcast_in_dim3A_1493 = vector.broadcast %broadcast_in_dim3A_1492 : i32 to vector<16xi32>
    %eq3A_1494 = arith.constant 0 : i32
    %eq3A_1495 = vector.broadcast %eq3A_1494 : i32 to vector<16xi32>
    %eq3A_1496 = arith.cmpi eq, %get3A_1488, %eq3A_1495 : vector<16xi32>
    %convert_element_type3A_1497 = arith.extui %eq3A_1496 : vector<16xi1> to vector<16xi32>
    %broadcast_in_dim3A_1498 = arith.constant true
    %broadcast_in_dim3A_1499 = vector.broadcast %broadcast_in_dim3A_1498 : i1 to vector<16xi1>
    %masked_cumsum3A_1500 = tpu.scan <sum>, %convert_element_type3A_1497 masked %broadcast_in_dim3A_1499 : vector<16xi32>, vector<16xi1> -> vector<16xi32>
    %sub3A_1501 = arith.constant 1 : i32
    %sub3A_1502 = vector.broadcast %sub3A_1501 : i32 to vector<16xi32>
    %sub3A_1503 = arith.subi %masked_cumsum3A_1500, %sub3A_1502 : vector<16xi32>
    %jit3A_1504 = arith.constant 0 : i32
    %broadcast_in_dim3A_1505 = vector.broadcast %jit3A_1504 : i32 to vector<16xi32>
    %select_n3A_1506 = arith.select %eq3A_1496, %sub3A_1503, %broadcast_in_dim3A_1505 : vector<16xi1>, vector<16xi32>
    %add3A_1507 = arith.addi %broadcast_in_dim3A_1491, %select_n3A_1506 : vector<16xi32>
    %all_reduce_population_count3A_1508 = tpu.all_reduce %eq3A_1496 {dim = 0 : i64, kind = #tpu.reduction_kind<sum>} : vector<16xi1> -> vector<16xi32>
    %eq3A_1509 = arith.constant 0 : i32
    %eq3A_1510 = vector.broadcast %eq3A_1509 : i32 to vector<16xi32>
    %eq3A_1511 = arith.cmpi eq, %iota3A, %eq3A_1510 : vector<16xi32>
    %jit3A_1512 = arith.constant 0 : i32
    %broadcast_in_dim3A_1513 = vector.broadcast %jit3A_1512 : i32 to vector<16xi32>
    %select_n3A_1514 = arith.select %eq3A_1511, %all_reduce_population_count3A_1508, %broadcast_in_dim3A_1513 : vector<16xi1>, vector<16xi32>
    %add3A_1515 = arith.addi %broadcast_in_dim3A_1493, %select_n3A_1514 : vector<16xi32>
    %eq3A_1516 = arith.constant 1 : i32
    %eq3A_1517 = vector.broadcast %eq3A_1516 : i32 to vector<16xi32>
    %eq3A_1518 = arith.cmpi eq, %get3A_1488, %eq3A_1517 : vector<16xi32>
    %convert_element_type3A_1519 = arith.extui %eq3A_1518 : vector<16xi1> to vector<16xi32>
    %broadcast_in_dim3A_1520 = arith.constant true
    %broadcast_in_dim3A_1521 = vector.broadcast %broadcast_in_dim3A_1520 : i1 to vector<16xi1>
    %masked_cumsum3A_1522 = tpu.scan <sum>, %convert_element_type3A_1519 masked %broadcast_in_dim3A_1521 : vector<16xi32>, vector<16xi1> -> vector<16xi32>
    %sub3A_1523 = arith.constant 1 : i32
    %sub3A_1524 = vector.broadcast %sub3A_1523 : i32 to vector<16xi32>
    %sub3A_1525 = arith.subi %masked_cumsum3A_1522, %sub3A_1524 : vector<16xi32>
    %jit3A_1526 = arith.constant 0 : i32
    %broadcast_in_dim3A_1527 = vector.broadcast %jit3A_1526 : i32 to vector<16xi32>
    %select_n3A_1528 = arith.select %eq3A_1518, %sub3A_1525, %broadcast_in_dim3A_1527 : vector<16xi1>, vector<16xi32>
    %add3A_1529 = arith.addi %add3A_1507, %select_n3A_1528 : vector<16xi32>
    %all_reduce_population_count3A_1530 = tpu.all_reduce %eq3A_1518 {dim = 0 : i64, kind = #tpu.reduction_kind<sum>} : vector<16xi1> -> vector<16xi32>
    %eq3A_1531 = arith.constant 1 : i32
    %eq3A_1532 = vector.broadcast %eq3A_1531 : i32 to vector<16xi32>
    %eq3A_1533 = arith.cmpi eq, %iota3A, %eq3A_1532 : vector<16xi32>
    %jit3A_1534 = arith.constant 0 : i32
    %broadcast_in_dim3A_1535 = vector.broadcast %jit3A_1534 : i32 to vector<16xi32>
    %select_n3A_1536 = arith.select %eq3A_1533, %all_reduce_population_count3A_1530, %broadcast_in_dim3A_1535 : vector<16xi1>, vector<16xi32>
    %add3A_1537 = arith.addi %add3A_1515, %select_n3A_1536 : vector<16xi32>
    %eq3A_1538 = arith.constant 2 : i32
    %eq3A_1539 = vector.broadcast %eq3A_1538 : i32 to vector<16xi32>
    %eq3A_1540 = arith.cmpi eq, %get3A_1488, %eq3A_1539 : vector<16xi32>
    %convert_element_type3A_1541 = arith.extui %eq3A_1540 : vector<16xi1> to vector<16xi32>
    %broadcast_in_dim3A_1542 = arith.constant true
    %broadcast_in_dim3A_1543 = vector.broadcast %broadcast_in_dim3A_1542 : i1 to vector<16xi1>
    %masked_cumsum3A_1544 = tpu.scan <sum>, %convert_element_type3A_1541 masked %broadcast_in_dim3A_1543 : vector<16xi32>, vector<16xi1> -> vector<16xi32>
    %sub3A_1545 = arith.constant 1 : i32
    %sub3A_1546 = vector.broadcast %sub3A_1545 : i32 to vector<16xi32>
    %sub3A_1547 = arith.subi %masked_cumsum3A_1544, %sub3A_1546 : vector<16xi32>
    %jit3A_1548 = arith.constant 0 : i32
    %broadcast_in_dim3A_1549 = vector.broadcast %jit3A_1548 : i32 to vector<16xi32>
    %select_n3A_1550 = arith.select %eq3A_1540, %sub3A_1547, %broadcast_in_dim3A_1549 : vector<16xi1>, vector<16xi32>
    %add3A_1551 = arith.addi %add3A_1529, %select_n3A_1550 : vector<16xi32>
    %all_reduce_population_count3A_1552 = tpu.all_reduce %eq3A_1540 {dim = 0 : i64, kind = #tpu.reduction_kind<sum>} : vector<16xi1> -> vector<16xi32>
    %eq3A_1553 = arith.constant 2 : i32
    %eq3A_1554 = vector.broadcast %eq3A_1553 : i32 to vector<16xi32>
    %eq3A_1555 = arith.cmpi eq, %iota3A, %eq3A_1554 : vector<16xi32>
    %jit3A_1556 = arith.constant 0 : i32
    %broadcast_in_dim3A_1557 = vector.broadcast %jit3A_1556 : i32 to vector<16xi32>
    %select_n3A_1558 = arith.select %eq3A_1555, %all_reduce_population_count3A_1552, %broadcast_in_dim3A_1557 : vector<16xi1>, vector<16xi32>
    %add3A_1559 = arith.addi %add3A_1537, %select_n3A_1558 : vector<16xi32>
    %eq3A_1560 = arith.constant 3 : i32
    %eq3A_1561 = vector.broadcast %eq3A_1560 : i32 to vector<16xi32>
    %eq3A_1562 = arith.cmpi eq, %get3A_1488, %eq3A_1561 : vector<16xi32>
    %convert_element_type3A_1563 = arith.extui %eq3A_1562 : vector<16xi1> to vector<16xi32>
    %broadcast_in_dim3A_1564 = arith.constant true
    %broadcast_in_dim3A_1565 = vector.broadcast %broadcast_in_dim3A_1564 : i1 to vector<16xi1>
    %masked_cumsum3A_1566 = tpu.scan <sum>, %convert_element_type3A_1563 masked %broadcast_in_dim3A_1565 : vector<16xi32>, vector<16xi1> -> vector<16xi32>
    %sub3A_1567 = arith.constant 1 : i32
    %sub3A_1568 = vector.broadcast %sub3A_1567 : i32 to vector<16xi32>
    %sub3A_1569 = arith.subi %masked_cumsum3A_1566, %sub3A_1568 : vector<16xi32>
    %jit3A_1570 = arith.constant 0 : i32
    %broadcast_in_dim3A_1571 = vector.broadcast %jit3A_1570 : i32 to vector<16xi32>
    %select_n3A_1572 = arith.select %eq3A_1562, %sub3A_1569, %broadcast_in_dim3A_1571 : vector<16xi1>, vector<16xi32>
    %add3A_1573 = arith.addi %add3A_1551, %select_n3A_1572 : vector<16xi32>
    %all_reduce_population_count3A_1574 = tpu.all_reduce %eq3A_1562 {dim = 0 : i64, kind = #tpu.reduction_kind<sum>} : vector<16xi1> -> vector<16xi32>
    %eq3A_1575 = arith.constant 3 : i32
    %eq3A_1576 = vector.broadcast %eq3A_1575 : i32 to vector<16xi32>
    %eq3A_1577 = arith.cmpi eq, %iota3A, %eq3A_1576 : vector<16xi32>
    %jit3A_1578 = arith.constant 0 : i32
    %broadcast_in_dim3A_1579 = vector.broadcast %jit3A_1578 : i32 to vector<16xi32>
    %select_n3A_1580 = arith.select %eq3A_1577, %all_reduce_population_count3A_1574, %broadcast_in_dim3A_1579 : vector<16xi1>, vector<16xi32>
    %add3A_1581 = arith.addi %add3A_1559, %select_n3A_1580 : vector<16xi32>
    %eq3A_1582 = arith.constant 4 : i32
    %eq3A_1583 = vector.broadcast %eq3A_1582 : i32 to vector<16xi32>
    %eq3A_1584 = arith.cmpi eq, %get3A_1488, %eq3A_1583 : vector<16xi32>
    %convert_element_type3A_1585 = arith.extui %eq3A_1584 : vector<16xi1> to vector<16xi32>
    %broadcast_in_dim3A_1586 = arith.constant true
    %broadcast_in_dim3A_1587 = vector.broadcast %broadcast_in_dim3A_1586 : i1 to vector<16xi1>
    %masked_cumsum3A_1588 = tpu.scan <sum>, %convert_element_type3A_1585 masked %broadcast_in_dim3A_1587 : vector<16xi32>, vector<16xi1> -> vector<16xi32>
    %sub3A_1589 = arith.constant 1 : i32
    %sub3A_1590 = vector.broadcast %sub3A_1589 : i32 to vector<16xi32>
    %sub3A_1591 = arith.subi %masked_cumsum3A_1588, %sub3A_1590 : vector<16xi32>
    %jit3A_1592 = arith.constant 0 : i32
    %broadcast_in_dim3A_1593 = vector.broadcast %jit3A_1592 : i32 to vector<16xi32>
    %select_n3A_1594 = arith.select %eq3A_1584, %sub3A_1591, %broadcast_in_dim3A_1593 : vector<16xi1>, vector<16xi32>
    %add3A_1595 = arith.addi %add3A_1573, %select_n3A_1594 : vector<16xi32>
    %all_reduce_population_count3A_1596 = tpu.all_reduce %eq3A_1584 {dim = 0 : i64, kind = #tpu.reduction_kind<sum>} : vector<16xi1> -> vector<16xi32>
    %eq3A_1597 = arith.constant 4 : i32
    %eq3A_1598 = vector.broadcast %eq3A_1597 : i32 to vector<16xi32>
    %eq3A_1599 = arith.cmpi eq, %iota3A, %eq3A_1598 : vector<16xi32>
    %jit3A_1600 = arith.constant 0 : i32
    %broadcast_in_dim3A_1601 = vector.broadcast %jit3A_1600 : i32 to vector<16xi32>
    %select_n3A_1602 = arith.select %eq3A_1599, %all_reduce_population_count3A_1596, %broadcast_in_dim3A_1601 : vector<16xi1>, vector<16xi32>
    %add3A_1603 = arith.addi %add3A_1581, %select_n3A_1602 : vector<16xi32>
    %eq3A_1604 = arith.constant 5 : i32
    %eq3A_1605 = vector.broadcast %eq3A_1604 : i32 to vector<16xi32>
    %eq3A_1606 = arith.cmpi eq, %get3A_1488, %eq3A_1605 : vector<16xi32>
    %convert_element_type3A_1607 = arith.extui %eq3A_1606 : vector<16xi1> to vector<16xi32>
    %broadcast_in_dim3A_1608 = arith.constant true
    %broadcast_in_dim3A_1609 = vector.broadcast %broadcast_in_dim3A_1608 : i1 to vector<16xi1>
    %masked_cumsum3A_1610 = tpu.scan <sum>, %convert_element_type3A_1607 masked %broadcast_in_dim3A_1609 : vector<16xi32>, vector<16xi1> -> vector<16xi32>
    %sub3A_1611 = arith.constant 1 : i32
    %sub3A_1612 = vector.broadcast %sub3A_1611 : i32 to vector<16xi32>
    %sub3A_1613 = arith.subi %masked_cumsum3A_1610, %sub3A_1612 : vector<16xi32>
    %jit3A_1614 = arith.constant 0 : i32
    %broadcast_in_dim3A_1615 = vector.broadcast %jit3A_1614 : i32 to vector<16xi32>
    %select_n3A_1616 = arith.select %eq3A_1606, %sub3A_1613, %broadcast_in_dim3A_1615 : vector<16xi1>, vector<16xi32>
    %add3A_1617 = arith.addi %add3A_1595, %select_n3A_1616 : vector<16xi32>
    %all_reduce_population_count3A_1618 = tpu.all_reduce %eq3A_1606 {dim = 0 : i64, kind = #tpu.reduction_kind<sum>} : vector<16xi1> -> vector<16xi32>
    %eq3A_1619 = arith.constant 5 : i32
    %eq3A_1620 = vector.broadcast %eq3A_1619 : i32 to vector<16xi32>
    %eq3A_1621 = arith.cmpi eq, %iota3A, %eq3A_1620 : vector<16xi32>
    %jit3A_1622 = arith.constant 0 : i32
    %broadcast_in_dim3A_1623 = vector.broadcast %jit3A_1622 : i32 to vector<16xi32>
    %select_n3A_1624 = arith.select %eq3A_1621, %all_reduce_population_count3A_1618, %broadcast_in_dim3A_1623 : vector<16xi1>, vector<16xi32>
    %add3A_1625 = arith.addi %add3A_1603, %select_n3A_1624 : vector<16xi32>
    %eq3A_1626 = arith.constant 6 : i32
    %eq3A_1627 = vector.broadcast %eq3A_1626 : i32 to vector<16xi32>
    %eq3A_1628 = arith.cmpi eq, %get3A_1488, %eq3A_1627 : vector<16xi32>
    %convert_element_type3A_1629 = arith.extui %eq3A_1628 : vector<16xi1> to vector<16xi32>
    %broadcast_in_dim3A_1630 = arith.constant true
    %broadcast_in_dim3A_1631 = vector.broadcast %broadcast_in_dim3A_1630 : i1 to vector<16xi1>
    %masked_cumsum3A_1632 = tpu.scan <sum>, %convert_element_type3A_1629 masked %broadcast_in_dim3A_1631 : vector<16xi32>, vector<16xi1> -> vector<16xi32>
    %sub3A_1633 = arith.constant 1 : i32
    %sub3A_1634 = vector.broadcast %sub3A_1633 : i32 to vector<16xi32>
    %sub3A_1635 = arith.subi %masked_cumsum3A_1632, %sub3A_1634 : vector<16xi32>
    %jit3A_1636 = arith.constant 0 : i32
    %broadcast_in_dim3A_1637 = vector.broadcast %jit3A_1636 : i32 to vector<16xi32>
    %select_n3A_1638 = arith.select %eq3A_1628, %sub3A_1635, %broadcast_in_dim3A_1637 : vector<16xi1>, vector<16xi32>
    %add3A_1639 = arith.addi %add3A_1617, %select_n3A_1638 : vector<16xi32>
    %all_reduce_population_count3A_1640 = tpu.all_reduce %eq3A_1628 {dim = 0 : i64, kind = #tpu.reduction_kind<sum>} : vector<16xi1> -> vector<16xi32>
    %eq3A_1641 = arith.constant 6 : i32
    %eq3A_1642 = vector.broadcast %eq3A_1641 : i32 to vector<16xi32>
    %eq3A_1643 = arith.cmpi eq, %iota3A, %eq3A_1642 : vector<16xi32>
    %jit3A_1644 = arith.constant 0 : i32
    %broadcast_in_dim3A_1645 = vector.broadcast %jit3A_1644 : i32 to vector<16xi32>
    %select_n3A_1646 = arith.select %eq3A_1643, %all_reduce_population_count3A_1640, %broadcast_in_dim3A_1645 : vector<16xi1>, vector<16xi32>
    %add3A_1647 = arith.addi %add3A_1625, %select_n3A_1646 : vector<16xi32>
    %eq3A_1648 = arith.constant 7 : i32
    %eq3A_1649 = vector.broadcast %eq3A_1648 : i32 to vector<16xi32>
    %eq3A_1650 = arith.cmpi eq, %get3A_1488, %eq3A_1649 : vector<16xi32>
    %convert_element_type3A_1651 = arith.extui %eq3A_1650 : vector<16xi1> to vector<16xi32>
    %broadcast_in_dim3A_1652 = arith.constant true
    %broadcast_in_dim3A_1653 = vector.broadcast %broadcast_in_dim3A_1652 : i1 to vector<16xi1>
    %masked_cumsum3A_1654 = tpu.scan <sum>, %convert_element_type3A_1651 masked %broadcast_in_dim3A_1653 : vector<16xi32>, vector<16xi1> -> vector<16xi32>
    %sub3A_1655 = arith.constant 1 : i32
    %sub3A_1656 = vector.broadcast %sub3A_1655 : i32 to vector<16xi32>
    %sub3A_1657 = arith.subi %masked_cumsum3A_1654, %sub3A_1656 : vector<16xi32>
    %jit3A_1658 = arith.constant 0 : i32
    %broadcast_in_dim3A_1659 = vector.broadcast %jit3A_1658 : i32 to vector<16xi32>
    %select_n3A_1660 = arith.select %eq3A_1650, %sub3A_1657, %broadcast_in_dim3A_1659 : vector<16xi1>, vector<16xi32>
    %add3A_1661 = arith.addi %add3A_1639, %select_n3A_1660 : vector<16xi32>
    %all_reduce_population_count3A_1662 = tpu.all_reduce %eq3A_1650 {dim = 0 : i64, kind = #tpu.reduction_kind<sum>} : vector<16xi1> -> vector<16xi32>
    %eq3A_1663 = arith.constant 7 : i32
    %eq3A_1664 = vector.broadcast %eq3A_1663 : i32 to vector<16xi32>
    %eq3A_1665 = arith.cmpi eq, %iota3A, %eq3A_1664 : vector<16xi32>
    %jit3A_1666 = arith.constant 0 : i32
    %broadcast_in_dim3A_1667 = vector.broadcast %jit3A_1666 : i32 to vector<16xi32>
    %select_n3A_1668 = arith.select %eq3A_1665, %all_reduce_population_count3A_1662, %broadcast_in_dim3A_1667 : vector<16xi1>, vector<16xi32>
    %add3A_1669 = arith.addi %add3A_1647, %select_n3A_1668 : vector<16xi32>
    %eq3A_1670 = arith.constant 8 : i32
    %eq3A_1671 = vector.broadcast %eq3A_1670 : i32 to vector<16xi32>
    %eq3A_1672 = arith.cmpi eq, %get3A_1488, %eq3A_1671 : vector<16xi32>
    %convert_element_type3A_1673 = arith.extui %eq3A_1672 : vector<16xi1> to vector<16xi32>
    %broadcast_in_dim3A_1674 = arith.constant true
    %broadcast_in_dim3A_1675 = vector.broadcast %broadcast_in_dim3A_1674 : i1 to vector<16xi1>
    %masked_cumsum3A_1676 = tpu.scan <sum>, %convert_element_type3A_1673 masked %broadcast_in_dim3A_1675 : vector<16xi32>, vector<16xi1> -> vector<16xi32>
    %sub3A_1677 = arith.constant 1 : i32
    %sub3A_1678 = vector.broadcast %sub3A_1677 : i32 to vector<16xi32>
    %sub3A_1679 = arith.subi %masked_cumsum3A_1676, %sub3A_1678 : vector<16xi32>
    %jit3A_1680 = arith.constant 0 : i32
    %broadcast_in_dim3A_1681 = vector.broadcast %jit3A_1680 : i32 to vector<16xi32>
    %select_n3A_1682 = arith.select %eq3A_1672, %sub3A_1679, %broadcast_in_dim3A_1681 : vector<16xi1>, vector<16xi32>
    %add3A_1683 = arith.addi %add3A_1661, %select_n3A_1682 : vector<16xi32>
    %all_reduce_population_count3A_1684 = tpu.all_reduce %eq3A_1672 {dim = 0 : i64, kind = #tpu.reduction_kind<sum>} : vector<16xi1> -> vector<16xi32>
    %eq3A_1685 = arith.constant 8 : i32
    %eq3A_1686 = vector.broadcast %eq3A_1685 : i32 to vector<16xi32>
    %eq3A_1687 = arith.cmpi eq, %iota3A, %eq3A_1686 : vector<16xi32>
    %jit3A_1688 = arith.constant 0 : i32
    %broadcast_in_dim3A_1689 = vector.broadcast %jit3A_1688 : i32 to vector<16xi32>
    %select_n3A_1690 = arith.select %eq3A_1687, %all_reduce_population_count3A_1684, %broadcast_in_dim3A_1689 : vector<16xi1>, vector<16xi32>
    %add3A_1691 = arith.addi %add3A_1669, %select_n3A_1690 : vector<16xi32>
    %eq3A_1692 = arith.constant 9 : i32
    %eq3A_1693 = vector.broadcast %eq3A_1692 : i32 to vector<16xi32>
    %eq3A_1694 = arith.cmpi eq, %get3A_1488, %eq3A_1693 : vector<16xi32>
    %convert_element_type3A_1695 = arith.extui %eq3A_1694 : vector<16xi1> to vector<16xi32>
    %broadcast_in_dim3A_1696 = arith.constant true
    %broadcast_in_dim3A_1697 = vector.broadcast %broadcast_in_dim3A_1696 : i1 to vector<16xi1>
    %masked_cumsum3A_1698 = tpu.scan <sum>, %convert_element_type3A_1695 masked %broadcast_in_dim3A_1697 : vector<16xi32>, vector<16xi1> -> vector<16xi32>
    %sub3A_1699 = arith.constant 1 : i32
    %sub3A_1700 = vector.broadcast %sub3A_1699 : i32 to vector<16xi32>
    %sub3A_1701 = arith.subi %masked_cumsum3A_1698, %sub3A_1700 : vector<16xi32>
    %jit3A_1702 = arith.constant 0 : i32
    %broadcast_in_dim3A_1703 = vector.broadcast %jit3A_1702 : i32 to vector<16xi32>
    %select_n3A_1704 = arith.select %eq3A_1694, %sub3A_1701, %broadcast_in_dim3A_1703 : vector<16xi1>, vector<16xi32>
    %add3A_1705 = arith.addi %add3A_1683, %select_n3A_1704 : vector<16xi32>
    %all_reduce_population_count3A_1706 = tpu.all_reduce %eq3A_1694 {dim = 0 : i64, kind = #tpu.reduction_kind<sum>} : vector<16xi1> -> vector<16xi32>
    %eq3A_1707 = arith.constant 9 : i32
    %eq3A_1708 = vector.broadcast %eq3A_1707 : i32 to vector<16xi32>
    %eq3A_1709 = arith.cmpi eq, %iota3A, %eq3A_1708 : vector<16xi32>
    %jit3A_1710 = arith.constant 0 : i32
    %broadcast_in_dim3A_1711 = vector.broadcast %jit3A_1710 : i32 to vector<16xi32>
    %select_n3A_1712 = arith.select %eq3A_1709, %all_reduce_population_count3A_1706, %broadcast_in_dim3A_1711 : vector<16xi1>, vector<16xi32>
    %add3A_1713 = arith.addi %add3A_1691, %select_n3A_1712 : vector<16xi32>
    %eq3A_1714 = arith.constant 10 : i32
    %eq3A_1715 = vector.broadcast %eq3A_1714 : i32 to vector<16xi32>
    %eq3A_1716 = arith.cmpi eq, %get3A_1488, %eq3A_1715 : vector<16xi32>
    %convert_element_type3A_1717 = arith.extui %eq3A_1716 : vector<16xi1> to vector<16xi32>
    %broadcast_in_dim3A_1718 = arith.constant true
    %broadcast_in_dim3A_1719 = vector.broadcast %broadcast_in_dim3A_1718 : i1 to vector<16xi1>
    %masked_cumsum3A_1720 = tpu.scan <sum>, %convert_element_type3A_1717 masked %broadcast_in_dim3A_1719 : vector<16xi32>, vector<16xi1> -> vector<16xi32>
    %sub3A_1721 = arith.constant 1 : i32
    %sub3A_1722 = vector.broadcast %sub3A_1721 : i32 to vector<16xi32>
    %sub3A_1723 = arith.subi %masked_cumsum3A_1720, %sub3A_1722 : vector<16xi32>
    %jit3A_1724 = arith.constant 0 : i32
    %broadcast_in_dim3A_1725 = vector.broadcast %jit3A_1724 : i32 to vector<16xi32>
    %select_n3A_1726 = arith.select %eq3A_1716, %sub3A_1723, %broadcast_in_dim3A_1725 : vector<16xi1>, vector<16xi32>
    %add3A_1727 = arith.addi %add3A_1705, %select_n3A_1726 : vector<16xi32>
    %all_reduce_population_count3A_1728 = tpu.all_reduce %eq3A_1716 {dim = 0 : i64, kind = #tpu.reduction_kind<sum>} : vector<16xi1> -> vector<16xi32>
    %eq3A_1729 = arith.constant 10 : i32
    %eq3A_1730 = vector.broadcast %eq3A_1729 : i32 to vector<16xi32>
    %eq3A_1731 = arith.cmpi eq, %iota3A, %eq3A_1730 : vector<16xi32>
    %jit3A_1732 = arith.constant 0 : i32
    %broadcast_in_dim3A_1733 = vector.broadcast %jit3A_1732 : i32 to vector<16xi32>
    %select_n3A_1734 = arith.select %eq3A_1731, %all_reduce_population_count3A_1728, %broadcast_in_dim3A_1733 : vector<16xi1>, vector<16xi32>
    %add3A_1735 = arith.addi %add3A_1713, %select_n3A_1734 : vector<16xi32>
    %eq3A_1736 = arith.constant 11 : i32
    %eq3A_1737 = vector.broadcast %eq3A_1736 : i32 to vector<16xi32>
    %eq3A_1738 = arith.cmpi eq, %get3A_1488, %eq3A_1737 : vector<16xi32>
    %convert_element_type3A_1739 = arith.extui %eq3A_1738 : vector<16xi1> to vector<16xi32>
    %broadcast_in_dim3A_1740 = arith.constant true
    %broadcast_in_dim3A_1741 = vector.broadcast %broadcast_in_dim3A_1740 : i1 to vector<16xi1>
    %masked_cumsum3A_1742 = tpu.scan <sum>, %convert_element_type3A_1739 masked %broadcast_in_dim3A_1741 : vector<16xi32>, vector<16xi1> -> vector<16xi32>
    %sub3A_1743 = arith.constant 1 : i32
    %sub3A_1744 = vector.broadcast %sub3A_1743 : i32 to vector<16xi32>
    %sub3A_1745 = arith.subi %masked_cumsum3A_1742, %sub3A_1744 : vector<16xi32>
    %jit3A_1746 = arith.constant 0 : i32
    %broadcast_in_dim3A_1747 = vector.broadcast %jit3A_1746 : i32 to vector<16xi32>
    %select_n3A_1748 = arith.select %eq3A_1738, %sub3A_1745, %broadcast_in_dim3A_1747 : vector<16xi1>, vector<16xi32>
    %add3A_1749 = arith.addi %add3A_1727, %select_n3A_1748 : vector<16xi32>
    %all_reduce_population_count3A_1750 = tpu.all_reduce %eq3A_1738 {dim = 0 : i64, kind = #tpu.reduction_kind<sum>} : vector<16xi1> -> vector<16xi32>
    %eq3A_1751 = arith.constant 11 : i32
    %eq3A_1752 = vector.broadcast %eq3A_1751 : i32 to vector<16xi32>
    %eq3A_1753 = arith.cmpi eq, %iota3A, %eq3A_1752 : vector<16xi32>
    %jit3A_1754 = arith.constant 0 : i32
    %broadcast_in_dim3A_1755 = vector.broadcast %jit3A_1754 : i32 to vector<16xi32>
    %select_n3A_1756 = arith.select %eq3A_1753, %all_reduce_population_count3A_1750, %broadcast_in_dim3A_1755 : vector<16xi1>, vector<16xi32>
    %add3A_1757 = arith.addi %add3A_1735, %select_n3A_1756 : vector<16xi32>
    %eq3A_1758 = arith.constant 12 : i32
    %eq3A_1759 = vector.broadcast %eq3A_1758 : i32 to vector<16xi32>
    %eq3A_1760 = arith.cmpi eq, %get3A_1488, %eq3A_1759 : vector<16xi32>
    %convert_element_type3A_1761 = arith.extui %eq3A_1760 : vector<16xi1> to vector<16xi32>
    %broadcast_in_dim3A_1762 = arith.constant true
    %broadcast_in_dim3A_1763 = vector.broadcast %broadcast_in_dim3A_1762 : i1 to vector<16xi1>
    %masked_cumsum3A_1764 = tpu.scan <sum>, %convert_element_type3A_1761 masked %broadcast_in_dim3A_1763 : vector<16xi32>, vector<16xi1> -> vector<16xi32>
    %sub3A_1765 = arith.constant 1 : i32
    %sub3A_1766 = vector.broadcast %sub3A_1765 : i32 to vector<16xi32>
    %sub3A_1767 = arith.subi %masked_cumsum3A_1764, %sub3A_1766 : vector<16xi32>
    %jit3A_1768 = arith.constant 0 : i32
    %broadcast_in_dim3A_1769 = vector.broadcast %jit3A_1768 : i32 to vector<16xi32>
    %select_n3A_1770 = arith.select %eq3A_1760, %sub3A_1767, %broadcast_in_dim3A_1769 : vector<16xi1>, vector<16xi32>
    %add3A_1771 = arith.addi %add3A_1749, %select_n3A_1770 : vector<16xi32>
    %all_reduce_population_count3A_1772 = tpu.all_reduce %eq3A_1760 {dim = 0 : i64, kind = #tpu.reduction_kind<sum>} : vector<16xi1> -> vector<16xi32>
    %eq3A_1773 = arith.constant 12 : i32
    %eq3A_1774 = vector.broadcast %eq3A_1773 : i32 to vector<16xi32>
    %eq3A_1775 = arith.cmpi eq, %iota3A, %eq3A_1774 : vector<16xi32>
    %jit3A_1776 = arith.constant 0 : i32
    %broadcast_in_dim3A_1777 = vector.broadcast %jit3A_1776 : i32 to vector<16xi32>
    %select_n3A_1778 = arith.select %eq3A_1775, %all_reduce_population_count3A_1772, %broadcast_in_dim3A_1777 : vector<16xi1>, vector<16xi32>
    %add3A_1779 = arith.addi %add3A_1757, %select_n3A_1778 : vector<16xi32>
    %eq3A_1780 = arith.constant 13 : i32
    %eq3A_1781 = vector.broadcast %eq3A_1780 : i32 to vector<16xi32>
    %eq3A_1782 = arith.cmpi eq, %get3A_1488, %eq3A_1781 : vector<16xi32>
    %convert_element_type3A_1783 = arith.extui %eq3A_1782 : vector<16xi1> to vector<16xi32>
    %broadcast_in_dim3A_1784 = arith.constant true
    %broadcast_in_dim3A_1785 = vector.broadcast %broadcast_in_dim3A_1784 : i1 to vector<16xi1>
    %masked_cumsum3A_1786 = tpu.scan <sum>, %convert_element_type3A_1783 masked %broadcast_in_dim3A_1785 : vector<16xi32>, vector<16xi1> -> vector<16xi32>
    %sub3A_1787 = arith.constant 1 : i32
    %sub3A_1788 = vector.broadcast %sub3A_1787 : i32 to vector<16xi32>
    %sub3A_1789 = arith.subi %masked_cumsum3A_1786, %sub3A_1788 : vector<16xi32>
    %jit3A_1790 = arith.constant 0 : i32
    %broadcast_in_dim3A_1791 = vector.broadcast %jit3A_1790 : i32 to vector<16xi32>
    %select_n3A_1792 = arith.select %eq3A_1782, %sub3A_1789, %broadcast_in_dim3A_1791 : vector<16xi1>, vector<16xi32>
    %add3A_1793 = arith.addi %add3A_1771, %select_n3A_1792 : vector<16xi32>
    %all_reduce_population_count3A_1794 = tpu.all_reduce %eq3A_1782 {dim = 0 : i64, kind = #tpu.reduction_kind<sum>} : vector<16xi1> -> vector<16xi32>
    %eq3A_1795 = arith.constant 13 : i32
    %eq3A_1796 = vector.broadcast %eq3A_1795 : i32 to vector<16xi32>
    %eq3A_1797 = arith.cmpi eq, %iota3A, %eq3A_1796 : vector<16xi32>
    %jit3A_1798 = arith.constant 0 : i32
    %broadcast_in_dim3A_1799 = vector.broadcast %jit3A_1798 : i32 to vector<16xi32>
    %select_n3A_1800 = arith.select %eq3A_1797, %all_reduce_population_count3A_1794, %broadcast_in_dim3A_1799 : vector<16xi1>, vector<16xi32>
    %add3A_1801 = arith.addi %add3A_1779, %select_n3A_1800 : vector<16xi32>
    %eq3A_1802 = arith.constant 14 : i32
    %eq3A_1803 = vector.broadcast %eq3A_1802 : i32 to vector<16xi32>
    %eq3A_1804 = arith.cmpi eq, %get3A_1488, %eq3A_1803 : vector<16xi32>
    %convert_element_type3A_1805 = arith.extui %eq3A_1804 : vector<16xi1> to vector<16xi32>
    %broadcast_in_dim3A_1806 = arith.constant true
    %broadcast_in_dim3A_1807 = vector.broadcast %broadcast_in_dim3A_1806 : i1 to vector<16xi1>
    %masked_cumsum3A_1808 = tpu.scan <sum>, %convert_element_type3A_1805 masked %broadcast_in_dim3A_1807 : vector<16xi32>, vector<16xi1> -> vector<16xi32>
    %sub3A_1809 = arith.constant 1 : i32
    %sub3A_1810 = vector.broadcast %sub3A_1809 : i32 to vector<16xi32>
    %sub3A_1811 = arith.subi %masked_cumsum3A_1808, %sub3A_1810 : vector<16xi32>
    %jit3A_1812 = arith.constant 0 : i32
    %broadcast_in_dim3A_1813 = vector.broadcast %jit3A_1812 : i32 to vector<16xi32>
    %select_n3A_1814 = arith.select %eq3A_1804, %sub3A_1811, %broadcast_in_dim3A_1813 : vector<16xi1>, vector<16xi32>
    %add3A_1815 = arith.addi %add3A_1793, %select_n3A_1814 : vector<16xi32>
    %all_reduce_population_count3A_1816 = tpu.all_reduce %eq3A_1804 {dim = 0 : i64, kind = #tpu.reduction_kind<sum>} : vector<16xi1> -> vector<16xi32>
    %eq3A_1817 = arith.constant 14 : i32
    %eq3A_1818 = vector.broadcast %eq3A_1817 : i32 to vector<16xi32>
    %eq3A_1819 = arith.cmpi eq, %iota3A, %eq3A_1818 : vector<16xi32>
    %jit3A_1820 = arith.constant 0 : i32
    %broadcast_in_dim3A_1821 = vector.broadcast %jit3A_1820 : i32 to vector<16xi32>
    %select_n3A_1822 = arith.select %eq3A_1819, %all_reduce_population_count3A_1816, %broadcast_in_dim3A_1821 : vector<16xi1>, vector<16xi32>
    %add3A_1823 = arith.addi %add3A_1801, %select_n3A_1822 : vector<16xi32>
    %eq3A_1824 = arith.constant 15 : i32
    %eq3A_1825 = vector.broadcast %eq3A_1824 : i32 to vector<16xi32>
    %eq3A_1826 = arith.cmpi eq, %get3A_1488, %eq3A_1825 : vector<16xi32>
    %convert_element_type3A_1827 = arith.extui %eq3A_1826 : vector<16xi1> to vector<16xi32>
    %broadcast_in_dim3A_1828 = arith.constant true
    %broadcast_in_dim3A_1829 = vector.broadcast %broadcast_in_dim3A_1828 : i1 to vector<16xi1>
    %masked_cumsum3A_1830 = tpu.scan <sum>, %convert_element_type3A_1827 masked %broadcast_in_dim3A_1829 : vector<16xi32>, vector<16xi1> -> vector<16xi32>
    %sub3A_1831 = arith.constant 1 : i32
    %sub3A_1832 = vector.broadcast %sub3A_1831 : i32 to vector<16xi32>
    %sub3A_1833 = arith.subi %masked_cumsum3A_1830, %sub3A_1832 : vector<16xi32>
    %jit3A_1834 = arith.constant 0 : i32
    %broadcast_in_dim3A_1835 = vector.broadcast %jit3A_1834 : i32 to vector<16xi32>
    %select_n3A_1836 = arith.select %eq3A_1826, %sub3A_1833, %broadcast_in_dim3A_1835 : vector<16xi1>, vector<16xi32>
    %add3A_1837 = arith.addi %add3A_1815, %select_n3A_1836 : vector<16xi32>
    %all_reduce_population_count3A_1838 = tpu.all_reduce %eq3A_1826 {dim = 0 : i64, kind = #tpu.reduction_kind<sum>} : vector<16xi1> -> vector<16xi32>
    %eq3A_1839 = arith.constant 15 : i32
    %eq3A_1840 = vector.broadcast %eq3A_1839 : i32 to vector<16xi32>
    %eq3A_1841 = arith.cmpi eq, %iota3A, %eq3A_1840 : vector<16xi32>
    %jit3A_1842 = arith.constant 0 : i32
    %broadcast_in_dim3A_1843 = vector.broadcast %jit3A_1842 : i32 to vector<16xi32>
    %select_n3A_1844 = arith.select %eq3A_1841, %all_reduce_population_count3A_1838, %broadcast_in_dim3A_1843 : vector<16xi1>, vector<16xi32>
    %add3A_1845 = arith.addi %add3A_1823, %select_n3A_1844 : vector<16xi32>
    %add3A_1846 = arith.addi %gather3A_1489, %add3A_1837 : vector<16xi32>
    %swap3A_1847 = arith.constant 48 : index
    %swap3A_1848 = tpu.vector_load %arg11[%swap3A_1847] {strides = array<i32>} : memref<64xi32, #tpu.memory_space<vmem>>, vector<16xi32>,
    tpu.vector_store %arg11[%swap3A_1847], %add3A_1846 {strides = array<i32>} : memref<64xi32, #tpu.memory_space<vmem>>, vector<16xi32>,
    %get3A_1849 = arith.constant 0 : index
    %get3A_1850 = tpu.vector_load %arg10[%get3A_1849] {strides = array<i32>} : memref<16xi32, #tpu.memory_space<vmem>>, vector<16xi32>,
    %add3A_1851 = arith.addi %get3A_1850, %add3A_1845 : vector<16xi32>
    %swap3A_1852 = arith.constant 0 : index
    %swap3A_1853 = tpu.vector_load %arg10[%swap3A_1852] {strides = array<i32>} : memref<16xi32, #tpu.memory_space<vmem>>, vector<16xi32>,
    tpu.vector_store %arg10[%swap3A_1852], %add3A_1851 {strides = array<i32>} : memref<16xi32, #tpu.memory_space<vmem>>, vector<16xi32>,
    "tpu.region"() ({
      %run_scoped3A = tpu.sem_alloc : memref<!tpu.dma_semaphore, #tpu.memory_space<semaphore_mem>>
      %dma_start3A_1862 = tpu.memref_slice %arg5[%mul3A_2] : memref<2048xi32, #tpu.memory_space<hbm>> -> memref<64xi32, #tpu.memory_space<hbm>>
      %dma_start3A_1863 = tpu.memref_slice %arg5[%mul3A_2] : memref<2048xi32, #tpu.memory_space<hbm>> -> memref<64xi32, #tpu.memory_space<hbm>>
      tpu.enqueue_dma source(%arg11 : memref<64xi32, #tpu.memory_space<vmem>>) target(%dma_start3A_1863 : memref<64xi32, #tpu.memory_space<hbm>>) target_semaphore(%run_scoped3A : memref<!tpu.dma_semaphore, #tpu.memory_space<semaphore_mem>>)
      %dma_wait3A_1864 = tpu.memref_slice %arg5[%mul3A_2] : memref<2048xi32, #tpu.memory_space<hbm>> -> memref<64xi32, #tpu.memory_space<hbm>>
      %dma_wait3A_1865 = tpu.memref_slice %arg5[%mul3A_2] : memref<2048xi32, #tpu.memory_space<hbm>> -> memref<64xi32, #tpu.memory_space<hbm>>
      tpu.wait_dma2 semaphore(%run_scoped3A : memref<!tpu.dma_semaphore, #tpu.memory_space<semaphore_mem>>) src(%arg11 : memref<64xi32, #tpu.memory_space<vmem>>) dst(%dma_wait3A_1865 : memref<64xi32, #tpu.memory_space<hbm>>)
      tpu.yield
    }) : () -> ()
    "tpu.region"() ({
      %run_scoped3A = tpu.sem_alloc : memref<!tpu.dma_semaphore, #tpu.memory_space<semaphore_mem>>
      %dma_start3A_1862 = arith.constant 0 : i32
      %dma_start3A_1863 = tpu.memref_slice %arg2[%mul3A_2, %dma_start3A_1862] : memref<2048x768xf32, #tpu.memory_space<hbm>> -> memref<64x768xf32, #tpu.memory_space<hbm>>
      %dma_start3A_1864 = arith.constant 0 : i32
      %dma_start3A_1865 = tpu.memref_slice %arg2[%mul3A_2, %dma_start3A_1864] : memref<2048x768xf32, #tpu.memory_space<hbm>> -> memref<64x768xf32, #tpu.memory_space<hbm>>
      tpu.enqueue_dma source(%dma_start3A_1865 : memref<64x768xf32, #tpu.memory_space<hbm>>) target(%arg12 : memref<64x768xf32, #tpu.memory_space<vmem>>) target_semaphore(%run_scoped3A : memref<!tpu.dma_semaphore, #tpu.memory_space<semaphore_mem>>)
      %dma_wait3A_1866 = arith.constant 0 : i32
      %dma_wait3A_1867 = tpu.memref_slice %arg2[%mul3A_2, %dma_wait3A_1866] : memref<2048x768xf32, #tpu.memory_space<hbm>> -> memref<64x768xf32, #tpu.memory_space<hbm>>
      %dma_wait3A_1868 = arith.constant 0 : i32
      %dma_wait3A_1869 = tpu.memref_slice %arg2[%mul3A_2, %dma_wait3A_1868] : memref<2048x768xf32, #tpu.memory_space<hbm>> -> memref<64x768xf32, #tpu.memory_space<hbm>>
      tpu.wait_dma2 semaphore(%run_scoped3A : memref<!tpu.dma_semaphore, #tpu.memory_space<semaphore_mem>>) src(%dma_wait3A_1869 : memref<64x768xf32, #tpu.memory_space<hbm>>) dst(%arg12 : memref<64x768xf32, #tpu.memory_space<vmem>>)
      tpu.yield
    }) : () -> ()
    %dma_start3A = arith.constant 0 : i32
    %dma_start3A_1854 = arith.constant 0 : i32
    %dma_start3A_1855 = tpu.memref_slice %arg6[%dma_start3A, %dma_start3A_1854] : memref<6144x768xf32, #tpu.memory_space<hbm>> -> memref<6144x768xf32, #tpu.memory_space<hbm>>
    tpu.enqueue_indirect_dma source(%arg12 : memref<64x768xf32, #tpu.memory_space<vmem>>) target(%dma_start3A_1855 : memref<6144x768xf32, #tpu.memory_space<hbm>>) offsets(%arg11 : memref<64xi32, #tpu.memory_space<vmem>>) semaphore(%arg15 : memref<!tpu.dma_semaphore, #tpu.memory_space<semaphore_mem>>)
    %dma_wait3A = arith.constant 0 : i32
    %dma_wait3A_1856 = arith.constant 0 : i32
    %dma_wait3A_1857 = tpu.memref_slice %arg6[%dma_wait3A, %dma_wait3A_1856] : memref<6144x768xf32, #tpu.memory_space<hbm>> -> memref<6144x768xf32, #tpu.memory_space<hbm>>
    tpu.wait_indirect_dma semaphore(%arg15 : memref<!tpu.dma_semaphore, #tpu.memory_space<semaphore_mem>>) src(%arg12 : memref<64x768xf32, #tpu.memory_space<vmem>>) dst(%dma_wait3A_1857 : memref<6144x768xf32, #tpu.memory_space<hbm>>)
    %eq3A_1858 = arith.constant 0 : i32
    %eq3A_1859 = arith.cmpi eq, %add3A, %eq3A_1858 : i32
    %convert_element_type3A_1860 = arith.extui %eq3A_1859 : i1 to i32
    %cond3A = arith.constant 0 : i32
    %cond3A_1861 = arith.cmpi ne, %convert_element_type3A_1860, %cond3A : i32
    scf.if %cond3A_1861 {
      %broadcast_in_dim3A_1862 = arith.constant 0 : i32
      %broadcast_in_dim3A_1863 = vector.broadcast %broadcast_in_dim3A_1862 : i32 to vector<16xi32>
      %swap3A_1864 = arith.constant 0 : index
      %swap3A_1865 = tpu.vector_load %arg13[%swap3A_1864] {strides = array<i32>} : memref<32xi32, #tpu.memory_space<vmem>>, vector<16xi32>,
      tpu.vector_store %arg13[%swap3A_1864], %broadcast_in_dim3A_1863 {strides = array<i32>} : memref<32xi32, #tpu.memory_space<vmem>>, vector<16xi32>,
      %broadcast_in_dim3A_1866 = arith.constant 0 : i32
      %broadcast_in_dim3A_1867 = vector.broadcast %broadcast_in_dim3A_1866 : i32 to vector<16xi32>
      %swap3A_1868 = arith.constant 16 : index
      %swap3A_1869 = tpu.vector_load %arg13[%swap3A_1868] {strides = array<i32>} : memref<32xi32, #tpu.memory_space<vmem>>, vector<16xi32>,
      tpu.vector_store %arg13[%swap3A_1868], %broadcast_in_dim3A_1867 {strides = array<i32>} : memref<32xi32, #tpu.memory_space<vmem>>, vector<16xi32>,
      %gt3A = arith.constant 0 : i32
      %gt3A_1870 = vector.broadcast %gt3A : i32 to vector<16xi32>
      %gt3A_1871 = arith.cmpi sgt, %select_n3A, %gt3A_1870 : vector<16xi32>
      tpu.vector_store_idx %arg13[%sub3A_383], %iota3A masked %gt3A_1871 : memref<32xi32, #tpu.memory_space<vmem>>[vector<16xi32>], vector<16xi32>, vector<16xi1>
      %get3A_1872 = arith.constant 0 : index
      %get3A_1873 = tpu.vector_load %arg13[%get3A_1872] {strides = array<i32>} : memref<32xi32, #tpu.memory_space<vmem>>, vector<16xi32>,
      %get3A_1874 = arith.constant 16 : index
      %get3A_1875 = tpu.vector_load %arg13[%get3A_1874] {strides = array<i32>} : memref<32xi32, #tpu.memory_space<vmem>>, vector<16xi32>,
      %broadcast_in_dim3A_1876 = arith.constant true
      %broadcast_in_dim3A_1877 = vector.broadcast %broadcast_in_dim3A_1876 : i1 to vector<16xi1>
      %masked_cummax3A = arith.constant -2147483648 : i32
      %masked_cummax3A_1878 = vector.broadcast %masked_cummax3A : i32 to vector<16xi32>
      %masked_cummax3A_1879 = arith.xori %get3A_1873, %masked_cummax3A_1878 : vector<16xi32>
      %masked_cummax3A_1880 = tpu.scan <max>, %masked_cummax3A_1879 masked %broadcast_in_dim3A_1877 : vector<16xi32>, vector<16xi1> -> vector<16xi32>
      %masked_cummax3A_1881 = arith.xori %masked_cummax3A_1880, %masked_cummax3A_1878 : vector<16xi32>
      %reduce_max3A = arith.constant true
      %reduce_max3A_1882 = vector.broadcast %reduce_max3A : i1 to vector<16xi1>
      %reduce_max3A_1883 = arith.constant -2147483648 : i32
      %reduce_max3A_1884 = vector.broadcast %reduce_max3A_1883 : i32 to vector<16xi32>
      %reduce_max3A_1885 = arith.xori %masked_cummax3A_1881, %reduce_max3A_1884 : vector<16xi32>
      %reduce_max3A_1886 = tpu.scan <max>, %reduce_max3A_1885 masked %reduce_max3A_1882 : vector<16xi32>, vector<16xi1> -> vector<16xi32>
      %reduce_max3A_1887 = arith.xori %reduce_max3A_1886, %reduce_max3A_1884 : vector<16xi32>
      %reduce_max3A_1888 = vector.extract %reduce_max3A_1887[15] : i32 from vector<16xi32>
      %broadcast_in_dim3A_1889 = arith.constant true
      %broadcast_in_dim3A_1890 = vector.broadcast %broadcast_in_dim3A_1889 : i1 to vector<16xi1>
      %masked_cummax3A_1891 = arith.constant -2147483648 : i32
      %masked_cummax3A_1892 = vector.broadcast %masked_cummax3A_1891 : i32 to vector<16xi32>
      %masked_cummax3A_1893 = arith.xori %get3A_1875, %masked_cummax3A_1892 : vector<16xi32>
      %masked_cummax3A_1894 = tpu.scan <max>, %masked_cummax3A_1893 masked %broadcast_in_dim3A_1890 : vector<16xi32>, vector<16xi1> -> vector<16xi32>
      %masked_cummax3A_1895 = arith.xori %masked_cummax3A_1894, %masked_cummax3A_1892 : vector<16xi32>
      %max3A = vector.broadcast %reduce_max3A_1888 : i32 to vector<16xi32>
      %max3A_1896 = arith.maxsi %masked_cummax3A_1895, %max3A : vector<16xi32>
      %swap3A_1897 = arith.constant 0 : index
      %swap3A_1898 = tpu.vector_load %arg14[%swap3A_1897] {strides = array<i32>} : memref<48xi32, #tpu.memory_space<vmem>>, vector<16xi32>,
      tpu.vector_store %arg14[%swap3A_1897], %masked_cummax3A_1881 {strides = array<i32>} : memref<48xi32, #tpu.memory_space<vmem>>, vector<16xi32>,
      %swap3A_1899 = arith.constant 16 : index
      %swap3A_1900 = tpu.vector_load %arg14[%swap3A_1899] {strides = array<i32>} : memref<48xi32, #tpu.memory_space<vmem>>, vector<16xi32>,
      tpu.vector_store %arg14[%swap3A_1899], %max3A_1896 {strides = array<i32>} : memref<48xi32, #tpu.memory_space<vmem>>, vector<16xi32>,
      %broadcast_in_dim3A_1901 = arith.constant 0 : i32
      %broadcast_in_dim3A_1902 = vector.broadcast %broadcast_in_dim3A_1901 : i32 to vector<16xi32>
      %reduce_sum3A = arith.constant true
      %reduce_sum3A_1903 = vector.broadcast %reduce_sum3A : i1 to vector<16xi1>
      %reduce_sum3A_1904 = tpu.scan <sum>, %select_n3A masked %reduce_sum3A_1903 : vector<16xi32>, vector<16xi1> -> vector<16xi32>
      %reduce_sum3A_1905 = vector.extract %reduce_sum3A_1904[15] : i32 from vector<16xi32>
      %add3A_1906 = vector.broadcast %reduce_sum3A_1905 : i32 to vector<16xi32>
      %add3A_1907 = arith.addi %broadcast_in_dim3A_1902, %add3A_1906 : vector<16xi32>
      %swap3A_1908 = arith.constant 32 : index
      %swap3A_1909 = tpu.vector_load %arg14[%swap3A_1908] {strides = array<i32>} : memref<48xi32, #tpu.memory_space<vmem>>, vector<16xi32>,
      tpu.vector_store %arg14[%swap3A_1908], %add3A_1907 {strides = array<i32>} : memref<48xi32, #tpu.memory_space<vmem>>, vector<16xi32>,
      "tpu.region"() ({
        %run_scoped3A = tpu.sem_alloc : memref<!tpu.dma_semaphore, #tpu.memory_space<semaphore_mem>>
        tpu.enqueue_dma source(%arg14 : memref<48xi32, #tpu.memory_space<vmem>>) target(%arg7 : memref<48xi32, #tpu.memory_space<hbm>>) target_semaphore(%run_scoped3A : memref<!tpu.dma_semaphore, #tpu.memory_space<semaphore_mem>>)
        tpu.wait_dma2 semaphore(%run_scoped3A : memref<!tpu.dma_semaphore, #tpu.memory_space<semaphore_mem>>) src(%arg14 : memref<48xi32, #tpu.memory_space<vmem>>) dst(%arg7 : memref<48xi32, #tpu.memory_space<hbm>>)
        tpu.yield
      }) : () -> ()
    } else {
    }
    return
  }
}

#map = affine_map<(d0, d1) -> (0)>
#map1 = affine_map<(d0, d1) -> (0, 0)>
module attributes {stable_mosaic.version = 14 : i64} {
  func.func @_route_body(%arg0: i32, %arg1: i32, %arg2: memref<32768xf32, #tpu.memory_space<hbm>>, %arg3: memref<2048xi32, #tpu.memory_space<hbm>>, %arg4: memref<32x16xi32, #tpu.memory_space<hbm>>, %arg5: memref<1024xf32, #tpu.memory_space<vmem>>, %arg6: memref<64xi32, #tpu.memory_space<vmem>>, %arg7: memref<1x16xi32, #tpu.memory_space<vmem>>) attributes {dimension_semantics = [#tpu.dimension_semantics<core_parallel>, #tpu.dimension_semantics<subcore_parallel>], iteration_bounds = array<i64: 2, 16>, scalar_prefetch = 0 : i64, scratch_operands = 3 : i64, tpu.core_type = #tpu.core_type<sc_vector_subcore>, window_params = [{transform_indices = #map}, {transform_indices = #map}, {transform_indices = #map1}]} {
    %mul3A = arith.constant 2 : i32
    %mul3A_0 = arith.muli %arg1, %mul3A : i32
    %add3A = arith.addi %mul3A_0, %arg0 : i32
    %mul3A_1 = arith.constant 64 : i32
    %mul3A_2 = arith.muli %add3A, %mul3A_1 : i32
    %mul3A_3 = arith.constant 16 : i32
    %mul3A_4 = arith.muli %mul3A_2, %mul3A_3 : i32
    "tpu.region"() ({
      %run_scoped3A = tpu.sem_alloc : memref<!tpu.dma_semaphore, #tpu.memory_space<semaphore_mem>>
      %dma_start3A = tpu.memref_slice %arg2[%mul3A_4] : memref<32768xf32, #tpu.memory_space<hbm>> -> memref<1024xf32, #tpu.memory_space<hbm>>
      %dma_start3A_1291 = tpu.memref_slice %arg2[%mul3A_4] : memref<32768xf32, #tpu.memory_space<hbm>> -> memref<1024xf32, #tpu.memory_space<hbm>>
      tpu.enqueue_dma source(%dma_start3A_1291 : memref<1024xf32, #tpu.memory_space<hbm>>) target(%arg5 : memref<1024xf32, #tpu.memory_space<vmem>>) target_semaphore(%run_scoped3A : memref<!tpu.dma_semaphore, #tpu.memory_space<semaphore_mem>>)
      %dma_wait3A = tpu.memref_slice %arg2[%mul3A_4] : memref<32768xf32, #tpu.memory_space<hbm>> -> memref<1024xf32, #tpu.memory_space<hbm>>
      %dma_wait3A_1292 = tpu.memref_slice %arg2[%mul3A_4] : memref<32768xf32, #tpu.memory_space<hbm>> -> memref<1024xf32, #tpu.memory_space<hbm>>
      tpu.wait_dma2 semaphore(%run_scoped3A : memref<!tpu.dma_semaphore, #tpu.memory_space<semaphore_mem>>) src(%dma_wait3A_1292 : memref<1024xf32, #tpu.memory_space<hbm>>) dst(%arg5 : memref<1024xf32, #tpu.memory_space<vmem>>)
      tpu.yield
    }) : () -> ()
    %iota3A = tpu.iota {dimensions = array<i32: 0>} : vector<16xi32>
    %broadcast_in_dim3A = arith.constant 0 : i32
    %broadcast_in_dim3A_5 = vector.broadcast %broadcast_in_dim3A : i32 to vector<16xi32>
    %add3A_6 = arith.constant 0 : i32
    %add3A_7 = vector.broadcast %add3A_6 : i32 to vector<16xi32>
    %add3A_8 = arith.addi %add3A_7, %iota3A : vector<16xi32>
    %mul3A_9 = arith.constant 16 : i32
    %mul3A_10 = vector.broadcast %mul3A_9 : i32 to vector<16xi32>
    %mul3A_11 = arith.muli %add3A_8, %mul3A_10 : vector<16xi32>
    %gather3A = tpu.vector_load_idx %arg5[%mul3A_11] : memref<1024xf32, #tpu.memory_space<vmem>>[vector<16xi32>], vector<16xf32>,
    %broadcast_in_dim3A_12 = arith.constant 0 : i32
    %broadcast_in_dim3A_13 = vector.broadcast %broadcast_in_dim3A_12 : i32 to vector<16xi32>
    %add3A_14 = arith.constant 1 : i32
    %add3A_15 = vector.broadcast %add3A_14 : i32 to vector<16xi32>
    %add3A_16 = arith.addi %mul3A_11, %add3A_15 : vector<16xi32>
    %gather3A_17 = tpu.vector_load_idx %arg5[%add3A_16] : memref<1024xf32, #tpu.memory_space<vmem>>[vector<16xi32>], vector<16xf32>,
    %gt3A = arith.cmpf ogt, %gather3A_17, %gather3A : vector<16xf32>
    %select_n3A = arith.select %gt3A, %gather3A_17, %gather3A : vector<16xi1>, vector<16xf32>
    %jit3A = arith.constant 1 : i32
    %broadcast_in_dim3A_18 = vector.broadcast %jit3A : i32 to vector<16xi32>
    %select_n3A_19 = arith.select %gt3A, %broadcast_in_dim3A_18, %broadcast_in_dim3A_13 : vector<16xi1>, vector<16xi32>
    %add3A_20 = arith.constant 2 : i32
    %add3A_21 = vector.broadcast %add3A_20 : i32 to vector<16xi32>
    %add3A_22 = arith.addi %mul3A_11, %add3A_21 : vector<16xi32>
    %gather3A_23 = tpu.vector_load_idx %arg5[%add3A_22] : memref<1024xf32, #tpu.memory_space<vmem>>[vector<16xi32>], vector<16xf32>,
    %gt3A_24 = arith.cmpf ogt, %gather3A_23, %select_n3A : vector<16xf32>
    %select_n3A_25 = arith.select %gt3A_24, %gather3A_23, %select_n3A : vector<16xi1>, vector<16xf32>
    %jit3A_26 = arith.constant 2 : i32
    %broadcast_in_dim3A_27 = vector.broadcast %jit3A_26 : i32 to vector<16xi32>
    %select_n3A_28 = arith.select %gt3A_24, %broadcast_in_dim3A_27, %select_n3A_19 : vector<16xi1>, vector<16xi32>
    %add3A_29 = arith.constant 3 : i32
    %add3A_30 = vector.broadcast %add3A_29 : i32 to vector<16xi32>
    %add3A_31 = arith.addi %mul3A_11, %add3A_30 : vector<16xi32>
    %gather3A_32 = tpu.vector_load_idx %arg5[%add3A_31] : memref<1024xf32, #tpu.memory_space<vmem>>[vector<16xi32>], vector<16xf32>,
    %gt3A_33 = arith.cmpf ogt, %gather3A_32, %select_n3A_25 : vector<16xf32>
    %select_n3A_34 = arith.select %gt3A_33, %gather3A_32, %select_n3A_25 : vector<16xi1>, vector<16xf32>
    %jit3A_35 = arith.constant 3 : i32
    %broadcast_in_dim3A_36 = vector.broadcast %jit3A_35 : i32 to vector<16xi32>
    %select_n3A_37 = arith.select %gt3A_33, %broadcast_in_dim3A_36, %select_n3A_28 : vector<16xi1>, vector<16xi32>
    %add3A_38 = arith.constant 4 : i32
    %add3A_39 = vector.broadcast %add3A_38 : i32 to vector<16xi32>
    %add3A_40 = arith.addi %mul3A_11, %add3A_39 : vector<16xi32>
    %gather3A_41 = tpu.vector_load_idx %arg5[%add3A_40] : memref<1024xf32, #tpu.memory_space<vmem>>[vector<16xi32>], vector<16xf32>,
    %gt3A_42 = arith.cmpf ogt, %gather3A_41, %select_n3A_34 : vector<16xf32>
    %select_n3A_43 = arith.select %gt3A_42, %gather3A_41, %select_n3A_34 : vector<16xi1>, vector<16xf32>
    %jit3A_44 = arith.constant 4 : i32
    %broadcast_in_dim3A_45 = vector.broadcast %jit3A_44 : i32 to vector<16xi32>
    %select_n3A_46 = arith.select %gt3A_42, %broadcast_in_dim3A_45, %select_n3A_37 : vector<16xi1>, vector<16xi32>
    %add3A_47 = arith.constant 5 : i32
    %add3A_48 = vector.broadcast %add3A_47 : i32 to vector<16xi32>
    %add3A_49 = arith.addi %mul3A_11, %add3A_48 : vector<16xi32>
    %gather3A_50 = tpu.vector_load_idx %arg5[%add3A_49] : memref<1024xf32, #tpu.memory_space<vmem>>[vector<16xi32>], vector<16xf32>,
    %gt3A_51 = arith.cmpf ogt, %gather3A_50, %select_n3A_43 : vector<16xf32>
    %select_n3A_52 = arith.select %gt3A_51, %gather3A_50, %select_n3A_43 : vector<16xi1>, vector<16xf32>
    %jit3A_53 = arith.constant 5 : i32
    %broadcast_in_dim3A_54 = vector.broadcast %jit3A_53 : i32 to vector<16xi32>
    %select_n3A_55 = arith.select %gt3A_51, %broadcast_in_dim3A_54, %select_n3A_46 : vector<16xi1>, vector<16xi32>
    %add3A_56 = arith.constant 6 : i32
    %add3A_57 = vector.broadcast %add3A_56 : i32 to vector<16xi32>
    %add3A_58 = arith.addi %mul3A_11, %add3A_57 : vector<16xi32>
    %gather3A_59 = tpu.vector_load_idx %arg5[%add3A_58] : memref<1024xf32, #tpu.memory_space<vmem>>[vector<16xi32>], vector<16xf32>,
    %gt3A_60 = arith.cmpf ogt, %gather3A_59, %select_n3A_52 : vector<16xf32>
    %select_n3A_61 = arith.select %gt3A_60, %gather3A_59, %select_n3A_52 : vector<16xi1>, vector<16xf32>
    %jit3A_62 = arith.constant 6 : i32
    %broadcast_in_dim3A_63 = vector.broadcast %jit3A_62 : i32 to vector<16xi32>
    %select_n3A_64 = arith.select %gt3A_60, %broadcast_in_dim3A_63, %select_n3A_55 : vector<16xi1>, vector<16xi32>
    %add3A_65 = arith.constant 7 : i32
    %add3A_66 = vector.broadcast %add3A_65 : i32 to vector<16xi32>
    %add3A_67 = arith.addi %mul3A_11, %add3A_66 : vector<16xi32>
    %gather3A_68 = tpu.vector_load_idx %arg5[%add3A_67] : memref<1024xf32, #tpu.memory_space<vmem>>[vector<16xi32>], vector<16xf32>,
    %gt3A_69 = arith.cmpf ogt, %gather3A_68, %select_n3A_61 : vector<16xf32>
    %select_n3A_70 = arith.select %gt3A_69, %gather3A_68, %select_n3A_61 : vector<16xi1>, vector<16xf32>
    %jit3A_71 = arith.constant 7 : i32
    %broadcast_in_dim3A_72 = vector.broadcast %jit3A_71 : i32 to vector<16xi32>
    %select_n3A_73 = arith.select %gt3A_69, %broadcast_in_dim3A_72, %select_n3A_64 : vector<16xi1>, vector<16xi32>
    %add3A_74 = arith.constant 8 : i32
    %add3A_75 = vector.broadcast %add3A_74 : i32 to vector<16xi32>
    %add3A_76 = arith.addi %mul3A_11, %add3A_75 : vector<16xi32>
    %gather3A_77 = tpu.vector_load_idx %arg5[%add3A_76] : memref<1024xf32, #tpu.memory_space<vmem>>[vector<16xi32>], vector<16xf32>,
    %gt3A_78 = arith.cmpf ogt, %gather3A_77, %select_n3A_70 : vector<16xf32>
    %select_n3A_79 = arith.select %gt3A_78, %gather3A_77, %select_n3A_70 : vector<16xi1>, vector<16xf32>
    %jit3A_80 = arith.constant 8 : i32
    %broadcast_in_dim3A_81 = vector.broadcast %jit3A_80 : i32 to vector<16xi32>
    %select_n3A_82 = arith.select %gt3A_78, %broadcast_in_dim3A_81, %select_n3A_73 : vector<16xi1>, vector<16xi32>
    %add3A_83 = arith.constant 9 : i32
    %add3A_84 = vector.broadcast %add3A_83 : i32 to vector<16xi32>
    %add3A_85 = arith.addi %mul3A_11, %add3A_84 : vector<16xi32>
    %gather3A_86 = tpu.vector_load_idx %arg5[%add3A_85] : memref<1024xf32, #tpu.memory_space<vmem>>[vector<16xi32>], vector<16xf32>,
    %gt3A_87 = arith.cmpf ogt, %gather3A_86, %select_n3A_79 : vector<16xf32>
    %select_n3A_88 = arith.select %gt3A_87, %gather3A_86, %select_n3A_79 : vector<16xi1>, vector<16xf32>
    %jit3A_89 = arith.constant 9 : i32
    %broadcast_in_dim3A_90 = vector.broadcast %jit3A_89 : i32 to vector<16xi32>
    %select_n3A_91 = arith.select %gt3A_87, %broadcast_in_dim3A_90, %select_n3A_82 : vector<16xi1>, vector<16xi32>
    %add3A_92 = arith.constant 10 : i32
    %add3A_93 = vector.broadcast %add3A_92 : i32 to vector<16xi32>
    %add3A_94 = arith.addi %mul3A_11, %add3A_93 : vector<16xi32>
    %gather3A_95 = tpu.vector_load_idx %arg5[%add3A_94] : memref<1024xf32, #tpu.memory_space<vmem>>[vector<16xi32>], vector<16xf32>,
    %gt3A_96 = arith.cmpf ogt, %gather3A_95, %select_n3A_88 : vector<16xf32>
    %select_n3A_97 = arith.select %gt3A_96, %gather3A_95, %select_n3A_88 : vector<16xi1>, vector<16xf32>
    %jit3A_98 = arith.constant 10 : i32
    %broadcast_in_dim3A_99 = vector.broadcast %jit3A_98 : i32 to vector<16xi32>
    %select_n3A_100 = arith.select %gt3A_96, %broadcast_in_dim3A_99, %select_n3A_91 : vector<16xi1>, vector<16xi32>
    %add3A_101 = arith.constant 11 : i32
    %add3A_102 = vector.broadcast %add3A_101 : i32 to vector<16xi32>
    %add3A_103 = arith.addi %mul3A_11, %add3A_102 : vector<16xi32>
    %gather3A_104 = tpu.vector_load_idx %arg5[%add3A_103] : memref<1024xf32, #tpu.memory_space<vmem>>[vector<16xi32>], vector<16xf32>,
    %gt3A_105 = arith.cmpf ogt, %gather3A_104, %select_n3A_97 : vector<16xf32>
    %select_n3A_106 = arith.select %gt3A_105, %gather3A_104, %select_n3A_97 : vector<16xi1>, vector<16xf32>
    %jit3A_107 = arith.constant 11 : i32
    %broadcast_in_dim3A_108 = vector.broadcast %jit3A_107 : i32 to vector<16xi32>
    %select_n3A_109 = arith.select %gt3A_105, %broadcast_in_dim3A_108, %select_n3A_100 : vector<16xi1>, vector<16xi32>
    %add3A_110 = arith.constant 12 : i32
    %add3A_111 = vector.broadcast %add3A_110 : i32 to vector<16xi32>
    %add3A_112 = arith.addi %mul3A_11, %add3A_111 : vector<16xi32>
    %gather3A_113 = tpu.vector_load_idx %arg5[%add3A_112] : memref<1024xf32, #tpu.memory_space<vmem>>[vector<16xi32>], vector<16xf32>,
    %gt3A_114 = arith.cmpf ogt, %gather3A_113, %select_n3A_106 : vector<16xf32>
    %select_n3A_115 = arith.select %gt3A_114, %gather3A_113, %select_n3A_106 : vector<16xi1>, vector<16xf32>
    %jit3A_116 = arith.constant 12 : i32
    %broadcast_in_dim3A_117 = vector.broadcast %jit3A_116 : i32 to vector<16xi32>
    %select_n3A_118 = arith.select %gt3A_114, %broadcast_in_dim3A_117, %select_n3A_109 : vector<16xi1>, vector<16xi32>
    %add3A_119 = arith.constant 13 : i32
    %add3A_120 = vector.broadcast %add3A_119 : i32 to vector<16xi32>
    %add3A_121 = arith.addi %mul3A_11, %add3A_120 : vector<16xi32>
    %gather3A_122 = tpu.vector_load_idx %arg5[%add3A_121] : memref<1024xf32, #tpu.memory_space<vmem>>[vector<16xi32>], vector<16xf32>,
    %gt3A_123 = arith.cmpf ogt, %gather3A_122, %select_n3A_115 : vector<16xf32>
    %select_n3A_124 = arith.select %gt3A_123, %gather3A_122, %select_n3A_115 : vector<16xi1>, vector<16xf32>
    %jit3A_125 = arith.constant 13 : i32
    %broadcast_in_dim3A_126 = vector.broadcast %jit3A_125 : i32 to vector<16xi32>
    %select_n3A_127 = arith.select %gt3A_123, %broadcast_in_dim3A_126, %select_n3A_118 : vector<16xi1>, vector<16xi32>
    %add3A_128 = arith.constant 14 : i32
    %add3A_129 = vector.broadcast %add3A_128 : i32 to vector<16xi32>
    %add3A_130 = arith.addi %mul3A_11, %add3A_129 : vector<16xi32>
    %gather3A_131 = tpu.vector_load_idx %arg5[%add3A_130] : memref<1024xf32, #tpu.memory_space<vmem>>[vector<16xi32>], vector<16xf32>,
    %gt3A_132 = arith.cmpf ogt, %gather3A_131, %select_n3A_124 : vector<16xf32>
    %select_n3A_133 = arith.select %gt3A_132, %gather3A_131, %select_n3A_124 : vector<16xi1>, vector<16xf32>
    %jit3A_134 = arith.constant 14 : i32
    %broadcast_in_dim3A_135 = vector.broadcast %jit3A_134 : i32 to vector<16xi32>
    %select_n3A_136 = arith.select %gt3A_132, %broadcast_in_dim3A_135, %select_n3A_127 : vector<16xi1>, vector<16xi32>
    %add3A_137 = arith.constant 15 : i32
    %add3A_138 = vector.broadcast %add3A_137 : i32 to vector<16xi32>
    %add3A_139 = arith.addi %mul3A_11, %add3A_138 : vector<16xi32>
    %gather3A_140 = tpu.vector_load_idx %arg5[%add3A_139] : memref<1024xf32, #tpu.memory_space<vmem>>[vector<16xi32>], vector<16xf32>,
    %gt3A_141 = arith.cmpf ogt, %gather3A_140, %select_n3A_133 : vector<16xf32>
    %select_n3A_142 = arith.select %gt3A_141, %gather3A_140, %select_n3A_133 : vector<16xi1>, vector<16xf32>
    %jit3A_143 = arith.constant 15 : i32
    %broadcast_in_dim3A_144 = vector.broadcast %jit3A_143 : i32 to vector<16xi32>
    %select_n3A_145 = arith.select %gt3A_141, %broadcast_in_dim3A_144, %select_n3A_136 : vector<16xi1>, vector<16xi32>
    %swap3A = arith.constant 0 : index
    %swap3A_146 = tpu.vector_load %arg6[%swap3A] {strides = array<i32>} : memref<64xi32, #tpu.memory_space<vmem>>, vector<16xi32>,
    tpu.vector_store %arg6[%swap3A], %select_n3A_145 {strides = array<i32>} : memref<64xi32, #tpu.memory_space<vmem>>, vector<16xi32>,
    %eq3A = arith.constant 0 : i32
    %eq3A_147 = vector.broadcast %eq3A : i32 to vector<16xi32>
    %eq3A_148 = arith.cmpi eq, %select_n3A_145, %eq3A_147 : vector<16xi32>
    %all_reduce_population_count3A = tpu.all_reduce %eq3A_148 {dim = 0 : i64, kind = #tpu.reduction_kind<sum>} : vector<16xi1> -> vector<16xi32>
    %eq3A_149 = arith.constant 0 : i32
    %eq3A_150 = vector.broadcast %eq3A_149 : i32 to vector<16xi32>
    %eq3A_151 = arith.cmpi eq, %iota3A, %eq3A_150 : vector<16xi32>
    %jit3A_152 = arith.constant 0 : i32
    %broadcast_in_dim3A_153 = vector.broadcast %jit3A_152 : i32 to vector<16xi32>
    %select_n3A_154 = arith.select %eq3A_151, %all_reduce_population_count3A, %broadcast_in_dim3A_153 : vector<16xi1>, vector<16xi32>
    %add3A_155 = arith.addi %broadcast_in_dim3A_5, %select_n3A_154 : vector<16xi32>
    %eq3A_156 = arith.constant 1 : i32
    %eq3A_157 = vector.broadcast %eq3A_156 : i32 to vector<16xi32>
    %eq3A_158 = arith.cmpi eq, %select_n3A_145, %eq3A_157 : vector<16xi32>
    %all_reduce_population_count3A_159 = tpu.all_reduce %eq3A_158 {dim = 0 : i64, kind = #tpu.reduction_kind<sum>} : vector<16xi1> -> vector<16xi32>
    %eq3A_160 = arith.constant 1 : i32
    %eq3A_161 = vector.broadcast %eq3A_160 : i32 to vector<16xi32>
    %eq3A_162 = arith.cmpi eq, %iota3A, %eq3A_161 : vector<16xi32>
    %jit3A_163 = arith.constant 0 : i32
    %broadcast_in_dim3A_164 = vector.broadcast %jit3A_163 : i32 to vector<16xi32>
    %select_n3A_165 = arith.select %eq3A_162, %all_reduce_population_count3A_159, %broadcast_in_dim3A_164 : vector<16xi1>, vector<16xi32>
    %add3A_166 = arith.addi %add3A_155, %select_n3A_165 : vector<16xi32>
    %eq3A_167 = arith.constant 2 : i32
    %eq3A_168 = vector.broadcast %eq3A_167 : i32 to vector<16xi32>
    %eq3A_169 = arith.cmpi eq, %select_n3A_145, %eq3A_168 : vector<16xi32>
    %all_reduce_population_count3A_170 = tpu.all_reduce %eq3A_169 {dim = 0 : i64, kind = #tpu.reduction_kind<sum>} : vector<16xi1> -> vector<16xi32>
    %eq3A_171 = arith.constant 2 : i32
    %eq3A_172 = vector.broadcast %eq3A_171 : i32 to vector<16xi32>
    %eq3A_173 = arith.cmpi eq, %iota3A, %eq3A_172 : vector<16xi32>
    %jit3A_174 = arith.constant 0 : i32
    %broadcast_in_dim3A_175 = vector.broadcast %jit3A_174 : i32 to vector<16xi32>
    %select_n3A_176 = arith.select %eq3A_173, %all_reduce_population_count3A_170, %broadcast_in_dim3A_175 : vector<16xi1>, vector<16xi32>
    %add3A_177 = arith.addi %add3A_166, %select_n3A_176 : vector<16xi32>
    %eq3A_178 = arith.constant 3 : i32
    %eq3A_179 = vector.broadcast %eq3A_178 : i32 to vector<16xi32>
    %eq3A_180 = arith.cmpi eq, %select_n3A_145, %eq3A_179 : vector<16xi32>
    %all_reduce_population_count3A_181 = tpu.all_reduce %eq3A_180 {dim = 0 : i64, kind = #tpu.reduction_kind<sum>} : vector<16xi1> -> vector<16xi32>
    %eq3A_182 = arith.constant 3 : i32
    %eq3A_183 = vector.broadcast %eq3A_182 : i32 to vector<16xi32>
    %eq3A_184 = arith.cmpi eq, %iota3A, %eq3A_183 : vector<16xi32>
    %jit3A_185 = arith.constant 0 : i32
    %broadcast_in_dim3A_186 = vector.broadcast %jit3A_185 : i32 to vector<16xi32>
    %select_n3A_187 = arith.select %eq3A_184, %all_reduce_population_count3A_181, %broadcast_in_dim3A_186 : vector<16xi1>, vector<16xi32>
    %add3A_188 = arith.addi %add3A_177, %select_n3A_187 : vector<16xi32>
    %eq3A_189 = arith.constant 4 : i32
    %eq3A_190 = vector.broadcast %eq3A_189 : i32 to vector<16xi32>
    %eq3A_191 = arith.cmpi eq, %select_n3A_145, %eq3A_190 : vector<16xi32>
    %all_reduce_population_count3A_192 = tpu.all_reduce %eq3A_191 {dim = 0 : i64, kind = #tpu.reduction_kind<sum>} : vector<16xi1> -> vector<16xi32>
    %eq3A_193 = arith.constant 4 : i32
    %eq3A_194 = vector.broadcast %eq3A_193 : i32 to vector<16xi32>
    %eq3A_195 = arith.cmpi eq, %iota3A, %eq3A_194 : vector<16xi32>
    %jit3A_196 = arith.constant 0 : i32
    %broadcast_in_dim3A_197 = vector.broadcast %jit3A_196 : i32 to vector<16xi32>
    %select_n3A_198 = arith.select %eq3A_195, %all_reduce_population_count3A_192, %broadcast_in_dim3A_197 : vector<16xi1>, vector<16xi32>
    %add3A_199 = arith.addi %add3A_188, %select_n3A_198 : vector<16xi32>
    %eq3A_200 = arith.constant 5 : i32
    %eq3A_201 = vector.broadcast %eq3A_200 : i32 to vector<16xi32>
    %eq3A_202 = arith.cmpi eq, %select_n3A_145, %eq3A_201 : vector<16xi32>
    %all_reduce_population_count3A_203 = tpu.all_reduce %eq3A_202 {dim = 0 : i64, kind = #tpu.reduction_kind<sum>} : vector<16xi1> -> vector<16xi32>
    %eq3A_204 = arith.constant 5 : i32
    %eq3A_205 = vector.broadcast %eq3A_204 : i32 to vector<16xi32>
    %eq3A_206 = arith.cmpi eq, %iota3A, %eq3A_205 : vector<16xi32>
    %jit3A_207 = arith.constant 0 : i32
    %broadcast_in_dim3A_208 = vector.broadcast %jit3A_207 : i32 to vector<16xi32>
    %select_n3A_209 = arith.select %eq3A_206, %all_reduce_population_count3A_203, %broadcast_in_dim3A_208 : vector<16xi1>, vector<16xi32>
    %add3A_210 = arith.addi %add3A_199, %select_n3A_209 : vector<16xi32>
    %eq3A_211 = arith.constant 6 : i32
    %eq3A_212 = vector.broadcast %eq3A_211 : i32 to vector<16xi32>
    %eq3A_213 = arith.cmpi eq, %select_n3A_145, %eq3A_212 : vector<16xi32>
    %all_reduce_population_count3A_214 = tpu.all_reduce %eq3A_213 {dim = 0 : i64, kind = #tpu.reduction_kind<sum>} : vector<16xi1> -> vector<16xi32>
    %eq3A_215 = arith.constant 6 : i32
    %eq3A_216 = vector.broadcast %eq3A_215 : i32 to vector<16xi32>
    %eq3A_217 = arith.cmpi eq, %iota3A, %eq3A_216 : vector<16xi32>
    %jit3A_218 = arith.constant 0 : i32
    %broadcast_in_dim3A_219 = vector.broadcast %jit3A_218 : i32 to vector<16xi32>
    %select_n3A_220 = arith.select %eq3A_217, %all_reduce_population_count3A_214, %broadcast_in_dim3A_219 : vector<16xi1>, vector<16xi32>
    %add3A_221 = arith.addi %add3A_210, %select_n3A_220 : vector<16xi32>
    %eq3A_222 = arith.constant 7 : i32
    %eq3A_223 = vector.broadcast %eq3A_222 : i32 to vector<16xi32>
    %eq3A_224 = arith.cmpi eq, %select_n3A_145, %eq3A_223 : vector<16xi32>
    %all_reduce_population_count3A_225 = tpu.all_reduce %eq3A_224 {dim = 0 : i64, kind = #tpu.reduction_kind<sum>} : vector<16xi1> -> vector<16xi32>
    %eq3A_226 = arith.constant 7 : i32
    %eq3A_227 = vector.broadcast %eq3A_226 : i32 to vector<16xi32>
    %eq3A_228 = arith.cmpi eq, %iota3A, %eq3A_227 : vector<16xi32>
    %jit3A_229 = arith.constant 0 : i32
    %broadcast_in_dim3A_230 = vector.broadcast %jit3A_229 : i32 to vector<16xi32>
    %select_n3A_231 = arith.select %eq3A_228, %all_reduce_population_count3A_225, %broadcast_in_dim3A_230 : vector<16xi1>, vector<16xi32>
    %add3A_232 = arith.addi %add3A_221, %select_n3A_231 : vector<16xi32>
    %eq3A_233 = arith.constant 8 : i32
    %eq3A_234 = vector.broadcast %eq3A_233 : i32 to vector<16xi32>
    %eq3A_235 = arith.cmpi eq, %select_n3A_145, %eq3A_234 : vector<16xi32>
    %all_reduce_population_count3A_236 = tpu.all_reduce %eq3A_235 {dim = 0 : i64, kind = #tpu.reduction_kind<sum>} : vector<16xi1> -> vector<16xi32>
    %eq3A_237 = arith.constant 8 : i32
    %eq3A_238 = vector.broadcast %eq3A_237 : i32 to vector<16xi32>
    %eq3A_239 = arith.cmpi eq, %iota3A, %eq3A_238 : vector<16xi32>
    %jit3A_240 = arith.constant 0 : i32
    %broadcast_in_dim3A_241 = vector.broadcast %jit3A_240 : i32 to vector<16xi32>
    %select_n3A_242 = arith.select %eq3A_239, %all_reduce_population_count3A_236, %broadcast_in_dim3A_241 : vector<16xi1>, vector<16xi32>
    %add3A_243 = arith.addi %add3A_232, %select_n3A_242 : vector<16xi32>
    %eq3A_244 = arith.constant 9 : i32
    %eq3A_245 = vector.broadcast %eq3A_244 : i32 to vector<16xi32>
    %eq3A_246 = arith.cmpi eq, %select_n3A_145, %eq3A_245 : vector<16xi32>
    %all_reduce_population_count3A_247 = tpu.all_reduce %eq3A_246 {dim = 0 : i64, kind = #tpu.reduction_kind<sum>} : vector<16xi1> -> vector<16xi32>
    %eq3A_248 = arith.constant 9 : i32
    %eq3A_249 = vector.broadcast %eq3A_248 : i32 to vector<16xi32>
    %eq3A_250 = arith.cmpi eq, %iota3A, %eq3A_249 : vector<16xi32>
    %jit3A_251 = arith.constant 0 : i32
    %broadcast_in_dim3A_252 = vector.broadcast %jit3A_251 : i32 to vector<16xi32>
    %select_n3A_253 = arith.select %eq3A_250, %all_reduce_population_count3A_247, %broadcast_in_dim3A_252 : vector<16xi1>, vector<16xi32>
    %add3A_254 = arith.addi %add3A_243, %select_n3A_253 : vector<16xi32>
    %eq3A_255 = arith.constant 10 : i32
    %eq3A_256 = vector.broadcast %eq3A_255 : i32 to vector<16xi32>
    %eq3A_257 = arith.cmpi eq, %select_n3A_145, %eq3A_256 : vector<16xi32>
    %all_reduce_population_count3A_258 = tpu.all_reduce %eq3A_257 {dim = 0 : i64, kind = #tpu.reduction_kind<sum>} : vector<16xi1> -> vector<16xi32>
    %eq3A_259 = arith.constant 10 : i32
    %eq3A_260 = vector.broadcast %eq3A_259 : i32 to vector<16xi32>
    %eq3A_261 = arith.cmpi eq, %iota3A, %eq3A_260 : vector<16xi32>
    %jit3A_262 = arith.constant 0 : i32
    %broadcast_in_dim3A_263 = vector.broadcast %jit3A_262 : i32 to vector<16xi32>
    %select_n3A_264 = arith.select %eq3A_261, %all_reduce_population_count3A_258, %broadcast_in_dim3A_263 : vector<16xi1>, vector<16xi32>
    %add3A_265 = arith.addi %add3A_254, %select_n3A_264 : vector<16xi32>
    %eq3A_266 = arith.constant 11 : i32
    %eq3A_267 = vector.broadcast %eq3A_266 : i32 to vector<16xi32>
    %eq3A_268 = arith.cmpi eq, %select_n3A_145, %eq3A_267 : vector<16xi32>
    %all_reduce_population_count3A_269 = tpu.all_reduce %eq3A_268 {dim = 0 : i64, kind = #tpu.reduction_kind<sum>} : vector<16xi1> -> vector<16xi32>
    %eq3A_270 = arith.constant 11 : i32
    %eq3A_271 = vector.broadcast %eq3A_270 : i32 to vector<16xi32>
    %eq3A_272 = arith.cmpi eq, %iota3A, %eq3A_271 : vector<16xi32>
    %jit3A_273 = arith.constant 0 : i32
    %broadcast_in_dim3A_274 = vector.broadcast %jit3A_273 : i32 to vector<16xi32>
    %select_n3A_275 = arith.select %eq3A_272, %all_reduce_population_count3A_269, %broadcast_in_dim3A_274 : vector<16xi1>, vector<16xi32>
    %add3A_276 = arith.addi %add3A_265, %select_n3A_275 : vector<16xi32>
    %eq3A_277 = arith.constant 12 : i32
    %eq3A_278 = vector.broadcast %eq3A_277 : i32 to vector<16xi32>
    %eq3A_279 = arith.cmpi eq, %select_n3A_145, %eq3A_278 : vector<16xi32>
    %all_reduce_population_count3A_280 = tpu.all_reduce %eq3A_279 {dim = 0 : i64, kind = #tpu.reduction_kind<sum>} : vector<16xi1> -> vector<16xi32>
    %eq3A_281 = arith.constant 12 : i32
    %eq3A_282 = vector.broadcast %eq3A_281 : i32 to vector<16xi32>
    %eq3A_283 = arith.cmpi eq, %iota3A, %eq3A_282 : vector<16xi32>
    %jit3A_284 = arith.constant 0 : i32
    %broadcast_in_dim3A_285 = vector.broadcast %jit3A_284 : i32 to vector<16xi32>
    %select_n3A_286 = arith.select %eq3A_283, %all_reduce_population_count3A_280, %broadcast_in_dim3A_285 : vector<16xi1>, vector<16xi32>
    %add3A_287 = arith.addi %add3A_276, %select_n3A_286 : vector<16xi32>
    %eq3A_288 = arith.constant 13 : i32
    %eq3A_289 = vector.broadcast %eq3A_288 : i32 to vector<16xi32>
    %eq3A_290 = arith.cmpi eq, %select_n3A_145, %eq3A_289 : vector<16xi32>
    %all_reduce_population_count3A_291 = tpu.all_reduce %eq3A_290 {dim = 0 : i64, kind = #tpu.reduction_kind<sum>} : vector<16xi1> -> vector<16xi32>
    %eq3A_292 = arith.constant 13 : i32
    %eq3A_293 = vector.broadcast %eq3A_292 : i32 to vector<16xi32>
    %eq3A_294 = arith.cmpi eq, %iota3A, %eq3A_293 : vector<16xi32>
    %jit3A_295 = arith.constant 0 : i32
    %broadcast_in_dim3A_296 = vector.broadcast %jit3A_295 : i32 to vector<16xi32>
    %select_n3A_297 = arith.select %eq3A_294, %all_reduce_population_count3A_291, %broadcast_in_dim3A_296 : vector<16xi1>, vector<16xi32>
    %add3A_298 = arith.addi %add3A_287, %select_n3A_297 : vector<16xi32>
    %eq3A_299 = arith.constant 14 : i32
    %eq3A_300 = vector.broadcast %eq3A_299 : i32 to vector<16xi32>
    %eq3A_301 = arith.cmpi eq, %select_n3A_145, %eq3A_300 : vector<16xi32>
    %all_reduce_population_count3A_302 = tpu.all_reduce %eq3A_301 {dim = 0 : i64, kind = #tpu.reduction_kind<sum>} : vector<16xi1> -> vector<16xi32>
    %eq3A_303 = arith.constant 14 : i32
    %eq3A_304 = vector.broadcast %eq3A_303 : i32 to vector<16xi32>
    %eq3A_305 = arith.cmpi eq, %iota3A, %eq3A_304 : vector<16xi32>
    %jit3A_306 = arith.constant 0 : i32
    %broadcast_in_dim3A_307 = vector.broadcast %jit3A_306 : i32 to vector<16xi32>
    %select_n3A_308 = arith.select %eq3A_305, %all_reduce_population_count3A_302, %broadcast_in_dim3A_307 : vector<16xi1>, vector<16xi32>
    %add3A_309 = arith.addi %add3A_298, %select_n3A_308 : vector<16xi32>
    %eq3A_310 = arith.constant 15 : i32
    %eq3A_311 = vector.broadcast %eq3A_310 : i32 to vector<16xi32>
    %eq3A_312 = arith.cmpi eq, %select_n3A_145, %eq3A_311 : vector<16xi32>
    %all_reduce_population_count3A_313 = tpu.all_reduce %eq3A_312 {dim = 0 : i64, kind = #tpu.reduction_kind<sum>} : vector<16xi1> -> vector<16xi32>
    %eq3A_314 = arith.constant 15 : i32
    %eq3A_315 = vector.broadcast %eq3A_314 : i32 to vector<16xi32>
    %eq3A_316 = arith.cmpi eq, %iota3A, %eq3A_315 : vector<16xi32>
    %jit3A_317 = arith.constant 0 : i32
    %broadcast_in_dim3A_318 = vector.broadcast %jit3A_317 : i32 to vector<16xi32>
    %select_n3A_319 = arith.select %eq3A_316, %all_reduce_population_count3A_313, %broadcast_in_dim3A_318 : vector<16xi1>, vector<16xi32>
    %add3A_320 = arith.addi %add3A_309, %select_n3A_319 : vector<16xi32>
    %add3A_321 = arith.constant 16 : i32
    %add3A_322 = vector.broadcast %add3A_321 : i32 to vector<16xi32>
    %add3A_323 = arith.addi %add3A_322, %iota3A : vector<16xi32>
    %mul3A_324 = arith.constant 16 : i32
    %mul3A_325 = vector.broadcast %mul3A_324 : i32 to vector<16xi32>
    %mul3A_326 = arith.muli %add3A_323, %mul3A_325 : vector<16xi32>
    %gather3A_327 = tpu.vector_load_idx %arg5[%mul3A_326] : memref<1024xf32, #tpu.memory_space<vmem>>[vector<16xi32>], vector<16xf32>,
    %broadcast_in_dim3A_328 = arith.constant 0 : i32
    %broadcast_in_dim3A_329 = vector.broadcast %broadcast_in_dim3A_328 : i32 to vector<16xi32>
    %add3A_330 = arith.constant 1 : i32
    %add3A_331 = vector.broadcast %add3A_330 : i32 to vector<16xi32>
    %add3A_332 = arith.addi %mul3A_326, %add3A_331 : vector<16xi32>
    %gather3A_333 = tpu.vector_load_idx %arg5[%add3A_332] : memref<1024xf32, #tpu.memory_space<vmem>>[vector<16xi32>], vector<16xf32>,
    %gt3A_334 = arith.cmpf ogt, %gather3A_333, %gather3A_327 : vector<16xf32>
    %select_n3A_335 = arith.select %gt3A_334, %gather3A_333, %gather3A_327 : vector<16xi1>, vector<16xf32>
    %jit3A_336 = arith.constant 1 : i32
    %broadcast_in_dim3A_337 = vector.broadcast %jit3A_336 : i32 to vector<16xi32>
    %select_n3A_338 = arith.select %gt3A_334, %broadcast_in_dim3A_337, %broadcast_in_dim3A_329 : vector<16xi1>, vector<16xi32>
    %add3A_339 = arith.constant 2 : i32
    %add3A_340 = vector.broadcast %add3A_339 : i32 to vector<16xi32>
    %add3A_341 = arith.addi %mul3A_326, %add3A_340 : vector<16xi32>
    %gather3A_342 = tpu.vector_load_idx %arg5[%add3A_341] : memref<1024xf32, #tpu.memory_space<vmem>>[vector<16xi32>], vector<16xf32>,
    %gt3A_343 = arith.cmpf ogt, %gather3A_342, %select_n3A_335 : vector<16xf32>
    %select_n3A_344 = arith.select %gt3A_343, %gather3A_342, %select_n3A_335 : vector<16xi1>, vector<16xf32>
    %jit3A_345 = arith.constant 2 : i32
    %broadcast_in_dim3A_346 = vector.broadcast %jit3A_345 : i32 to vector<16xi32>
    %select_n3A_347 = arith.select %gt3A_343, %broadcast_in_dim3A_346, %select_n3A_338 : vector<16xi1>, vector<16xi32>
    %add3A_348 = arith.constant 3 : i32
    %add3A_349 = vector.broadcast %add3A_348 : i32 to vector<16xi32>
    %add3A_350 = arith.addi %mul3A_326, %add3A_349 : vector<16xi32>
    %gather3A_351 = tpu.vector_load_idx %arg5[%add3A_350] : memref<1024xf32, #tpu.memory_space<vmem>>[vector<16xi32>], vector<16xf32>,
    %gt3A_352 = arith.cmpf ogt, %gather3A_351, %select_n3A_344 : vector<16xf32>
    %select_n3A_353 = arith.select %gt3A_352, %gather3A_351, %select_n3A_344 : vector<16xi1>, vector<16xf32>
    %jit3A_354 = arith.constant 3 : i32
    %broadcast_in_dim3A_355 = vector.broadcast %jit3A_354 : i32 to vector<16xi32>
    %select_n3A_356 = arith.select %gt3A_352, %broadcast_in_dim3A_355, %select_n3A_347 : vector<16xi1>, vector<16xi32>
    %add3A_357 = arith.constant 4 : i32
    %add3A_358 = vector.broadcast %add3A_357 : i32 to vector<16xi32>
    %add3A_359 = arith.addi %mul3A_326, %add3A_358 : vector<16xi32>
    %gather3A_360 = tpu.vector_load_idx %arg5[%add3A_359] : memref<1024xf32, #tpu.memory_space<vmem>>[vector<16xi32>], vector<16xf32>,
    %gt3A_361 = arith.cmpf ogt, %gather3A_360, %select_n3A_353 : vector<16xf32>
    %select_n3A_362 = arith.select %gt3A_361, %gather3A_360, %select_n3A_353 : vector<16xi1>, vector<16xf32>
    %jit3A_363 = arith.constant 4 : i32
    %broadcast_in_dim3A_364 = vector.broadcast %jit3A_363 : i32 to vector<16xi32>
    %select_n3A_365 = arith.select %gt3A_361, %broadcast_in_dim3A_364, %select_n3A_356 : vector<16xi1>, vector<16xi32>
    %add3A_366 = arith.constant 5 : i32
    %add3A_367 = vector.broadcast %add3A_366 : i32 to vector<16xi32>
    %add3A_368 = arith.addi %mul3A_326, %add3A_367 : vector<16xi32>
    %gather3A_369 = tpu.vector_load_idx %arg5[%add3A_368] : memref<1024xf32, #tpu.memory_space<vmem>>[vector<16xi32>], vector<16xf32>,
    %gt3A_370 = arith.cmpf ogt, %gather3A_369, %select_n3A_362 : vector<16xf32>
    %select_n3A_371 = arith.select %gt3A_370, %gather3A_369, %select_n3A_362 : vector<16xi1>, vector<16xf32>
    %jit3A_372 = arith.constant 5 : i32
    %broadcast_in_dim3A_373 = vector.broadcast %jit3A_372 : i32 to vector<16xi32>
    %select_n3A_374 = arith.select %gt3A_370, %broadcast_in_dim3A_373, %select_n3A_365 : vector<16xi1>, vector<16xi32>
    %add3A_375 = arith.constant 6 : i32
    %add3A_376 = vector.broadcast %add3A_375 : i32 to vector<16xi32>
    %add3A_377 = arith.addi %mul3A_326, %add3A_376 : vector<16xi32>
    %gather3A_378 = tpu.vector_load_idx %arg5[%add3A_377] : memref<1024xf32, #tpu.memory_space<vmem>>[vector<16xi32>], vector<16xf32>,
    %gt3A_379 = arith.cmpf ogt, %gather3A_378, %select_n3A_371 : vector<16xf32>
    %select_n3A_380 = arith.select %gt3A_379, %gather3A_378, %select_n3A_371 : vector<16xi1>, vector<16xf32>
    %jit3A_381 = arith.constant 6 : i32
    %broadcast_in_dim3A_382 = vector.broadcast %jit3A_381 : i32 to vector<16xi32>
    %select_n3A_383 = arith.select %gt3A_379, %broadcast_in_dim3A_382, %select_n3A_374 : vector<16xi1>, vector<16xi32>
    %add3A_384 = arith.constant 7 : i32
    %add3A_385 = vector.broadcast %add3A_384 : i32 to vector<16xi32>
    %add3A_386 = arith.addi %mul3A_326, %add3A_385 : vector<16xi32>
    %gather3A_387 = tpu.vector_load_idx %arg5[%add3A_386] : memref<1024xf32, #tpu.memory_space<vmem>>[vector<16xi32>], vector<16xf32>,
    %gt3A_388 = arith.cmpf ogt, %gather3A_387, %select_n3A_380 : vector<16xf32>
    %select_n3A_389 = arith.select %gt3A_388, %gather3A_387, %select_n3A_380 : vector<16xi1>, vector<16xf32>
    %jit3A_390 = arith.constant 7 : i32
    %broadcast_in_dim3A_391 = vector.broadcast %jit3A_390 : i32 to vector<16xi32>
    %select_n3A_392 = arith.select %gt3A_388, %broadcast_in_dim3A_391, %select_n3A_383 : vector<16xi1>, vector<16xi32>
    %add3A_393 = arith.constant 8 : i32
    %add3A_394 = vector.broadcast %add3A_393 : i32 to vector<16xi32>
    %add3A_395 = arith.addi %mul3A_326, %add3A_394 : vector<16xi32>
    %gather3A_396 = tpu.vector_load_idx %arg5[%add3A_395] : memref<1024xf32, #tpu.memory_space<vmem>>[vector<16xi32>], vector<16xf32>,
    %gt3A_397 = arith.cmpf ogt, %gather3A_396, %select_n3A_389 : vector<16xf32>
    %select_n3A_398 = arith.select %gt3A_397, %gather3A_396, %select_n3A_389 : vector<16xi1>, vector<16xf32>
    %jit3A_399 = arith.constant 8 : i32
    %broadcast_in_dim3A_400 = vector.broadcast %jit3A_399 : i32 to vector<16xi32>
    %select_n3A_401 = arith.select %gt3A_397, %broadcast_in_dim3A_400, %select_n3A_392 : vector<16xi1>, vector<16xi32>
    %add3A_402 = arith.constant 9 : i32
    %add3A_403 = vector.broadcast %add3A_402 : i32 to vector<16xi32>
    %add3A_404 = arith.addi %mul3A_326, %add3A_403 : vector<16xi32>
    %gather3A_405 = tpu.vector_load_idx %arg5[%add3A_404] : memref<1024xf32, #tpu.memory_space<vmem>>[vector<16xi32>], vector<16xf32>,
    %gt3A_406 = arith.cmpf ogt, %gather3A_405, %select_n3A_398 : vector<16xf32>
    %select_n3A_407 = arith.select %gt3A_406, %gather3A_405, %select_n3A_398 : vector<16xi1>, vector<16xf32>
    %jit3A_408 = arith.constant 9 : i32
    %broadcast_in_dim3A_409 = vector.broadcast %jit3A_408 : i32 to vector<16xi32>
    %select_n3A_410 = arith.select %gt3A_406, %broadcast_in_dim3A_409, %select_n3A_401 : vector<16xi1>, vector<16xi32>
    %add3A_411 = arith.constant 10 : i32
    %add3A_412 = vector.broadcast %add3A_411 : i32 to vector<16xi32>
    %add3A_413 = arith.addi %mul3A_326, %add3A_412 : vector<16xi32>
    %gather3A_414 = tpu.vector_load_idx %arg5[%add3A_413] : memref<1024xf32, #tpu.memory_space<vmem>>[vector<16xi32>], vector<16xf32>,
    %gt3A_415 = arith.cmpf ogt, %gather3A_414, %select_n3A_407 : vector<16xf32>
    %select_n3A_416 = arith.select %gt3A_415, %gather3A_414, %select_n3A_407 : vector<16xi1>, vector<16xf32>
    %jit3A_417 = arith.constant 10 : i32
    %broadcast_in_dim3A_418 = vector.broadcast %jit3A_417 : i32 to vector<16xi32>
    %select_n3A_419 = arith.select %gt3A_415, %broadcast_in_dim3A_418, %select_n3A_410 : vector<16xi1>, vector<16xi32>
    %add3A_420 = arith.constant 11 : i32
    %add3A_421 = vector.broadcast %add3A_420 : i32 to vector<16xi32>
    %add3A_422 = arith.addi %mul3A_326, %add3A_421 : vector<16xi32>
    %gather3A_423 = tpu.vector_load_idx %arg5[%add3A_422] : memref<1024xf32, #tpu.memory_space<vmem>>[vector<16xi32>], vector<16xf32>,
    %gt3A_424 = arith.cmpf ogt, %gather3A_423, %select_n3A_416 : vector<16xf32>
    %select_n3A_425 = arith.select %gt3A_424, %gather3A_423, %select_n3A_416 : vector<16xi1>, vector<16xf32>
    %jit3A_426 = arith.constant 11 : i32
    %broadcast_in_dim3A_427 = vector.broadcast %jit3A_426 : i32 to vector<16xi32>
    %select_n3A_428 = arith.select %gt3A_424, %broadcast_in_dim3A_427, %select_n3A_419 : vector<16xi1>, vector<16xi32>
    %add3A_429 = arith.constant 12 : i32
    %add3A_430 = vector.broadcast %add3A_429 : i32 to vector<16xi32>
    %add3A_431 = arith.addi %mul3A_326, %add3A_430 : vector<16xi32>
    %gather3A_432 = tpu.vector_load_idx %arg5[%add3A_431] : memref<1024xf32, #tpu.memory_space<vmem>>[vector<16xi32>], vector<16xf32>,
    %gt3A_433 = arith.cmpf ogt, %gather3A_432, %select_n3A_425 : vector<16xf32>
    %select_n3A_434 = arith.select %gt3A_433, %gather3A_432, %select_n3A_425 : vector<16xi1>, vector<16xf32>
    %jit3A_435 = arith.constant 12 : i32
    %broadcast_in_dim3A_436 = vector.broadcast %jit3A_435 : i32 to vector<16xi32>
    %select_n3A_437 = arith.select %gt3A_433, %broadcast_in_dim3A_436, %select_n3A_428 : vector<16xi1>, vector<16xi32>
    %add3A_438 = arith.constant 13 : i32
    %add3A_439 = vector.broadcast %add3A_438 : i32 to vector<16xi32>
    %add3A_440 = arith.addi %mul3A_326, %add3A_439 : vector<16xi32>
    %gather3A_441 = tpu.vector_load_idx %arg5[%add3A_440] : memref<1024xf32, #tpu.memory_space<vmem>>[vector<16xi32>], vector<16xf32>,
    %gt3A_442 = arith.cmpf ogt, %gather3A_441, %select_n3A_434 : vector<16xf32>
    %select_n3A_443 = arith.select %gt3A_442, %gather3A_441, %select_n3A_434 : vector<16xi1>, vector<16xf32>
    %jit3A_444 = arith.constant 13 : i32
    %broadcast_in_dim3A_445 = vector.broadcast %jit3A_444 : i32 to vector<16xi32>
    %select_n3A_446 = arith.select %gt3A_442, %broadcast_in_dim3A_445, %select_n3A_437 : vector<16xi1>, vector<16xi32>
    %add3A_447 = arith.constant 14 : i32
    %add3A_448 = vector.broadcast %add3A_447 : i32 to vector<16xi32>
    %add3A_449 = arith.addi %mul3A_326, %add3A_448 : vector<16xi32>
    %gather3A_450 = tpu.vector_load_idx %arg5[%add3A_449] : memref<1024xf32, #tpu.memory_space<vmem>>[vector<16xi32>], vector<16xf32>,
    %gt3A_451 = arith.cmpf ogt, %gather3A_450, %select_n3A_443 : vector<16xf32>
    %select_n3A_452 = arith.select %gt3A_451, %gather3A_450, %select_n3A_443 : vector<16xi1>, vector<16xf32>
    %jit3A_453 = arith.constant 14 : i32
    %broadcast_in_dim3A_454 = vector.broadcast %jit3A_453 : i32 to vector<16xi32>
    %select_n3A_455 = arith.select %gt3A_451, %broadcast_in_dim3A_454, %select_n3A_446 : vector<16xi1>, vector<16xi32>
    %add3A_456 = arith.constant 15 : i32
    %add3A_457 = vector.broadcast %add3A_456 : i32 to vector<16xi32>
    %add3A_458 = arith.addi %mul3A_326, %add3A_457 : vector<16xi32>
    %gather3A_459 = tpu.vector_load_idx %arg5[%add3A_458] : memref<1024xf32, #tpu.memory_space<vmem>>[vector<16xi32>], vector<16xf32>,
    %gt3A_460 = arith.cmpf ogt, %gather3A_459, %select_n3A_452 : vector<16xf32>
    %select_n3A_461 = arith.select %gt3A_460, %gather3A_459, %select_n3A_452 : vector<16xi1>, vector<16xf32>
    %jit3A_462 = arith.constant 15 : i32
    %broadcast_in_dim3A_463 = vector.broadcast %jit3A_462 : i32 to vector<16xi32>
    %select_n3A_464 = arith.select %gt3A_460, %broadcast_in_dim3A_463, %select_n3A_455 : vector<16xi1>, vector<16xi32>
    %swap3A_465 = arith.constant 16 : index
    %swap3A_466 = tpu.vector_load %arg6[%swap3A_465] {strides = array<i32>} : memref<64xi32, #tpu.memory_space<vmem>>, vector<16xi32>,
    tpu.vector_store %arg6[%swap3A_465], %select_n3A_464 {strides = array<i32>} : memref<64xi32, #tpu.memory_space<vmem>>, vector<16xi32>,
    %eq3A_467 = arith.constant 0 : i32
    %eq3A_468 = vector.broadcast %eq3A_467 : i32 to vector<16xi32>
    %eq3A_469 = arith.cmpi eq, %select_n3A_464, %eq3A_468 : vector<16xi32>
    %all_reduce_population_count3A_470 = tpu.all_reduce %eq3A_469 {dim = 0 : i64, kind = #tpu.reduction_kind<sum>} : vector<16xi1> -> vector<16xi32>
    %eq3A_471 = arith.constant 0 : i32
    %eq3A_472 = vector.broadcast %eq3A_471 : i32 to vector<16xi32>
    %eq3A_473 = arith.cmpi eq, %iota3A, %eq3A_472 : vector<16xi32>
    %jit3A_474 = arith.constant 0 : i32
    %broadcast_in_dim3A_475 = vector.broadcast %jit3A_474 : i32 to vector<16xi32>
    %select_n3A_476 = arith.select %eq3A_473, %all_reduce_population_count3A_470, %broadcast_in_dim3A_475 : vector<16xi1>, vector<16xi32>
    %add3A_477 = arith.addi %add3A_320, %select_n3A_476 : vector<16xi32>
    %eq3A_478 = arith.constant 1 : i32
    %eq3A_479 = vector.broadcast %eq3A_478 : i32 to vector<16xi32>
    %eq3A_480 = arith.cmpi eq, %select_n3A_464, %eq3A_479 : vector<16xi32>
    %all_reduce_population_count3A_481 = tpu.all_reduce %eq3A_480 {dim = 0 : i64, kind = #tpu.reduction_kind<sum>} : vector<16xi1> -> vector<16xi32>
    %eq3A_482 = arith.constant 1 : i32
    %eq3A_483 = vector.broadcast %eq3A_482 : i32 to vector<16xi32>
    %eq3A_484 = arith.cmpi eq, %iota3A, %eq3A_483 : vector<16xi32>
    %jit3A_485 = arith.constant 0 : i32
    %broadcast_in_dim3A_486 = vector.broadcast %jit3A_485 : i32 to vector<16xi32>
    %select_n3A_487 = arith.select %eq3A_484, %all_reduce_population_count3A_481, %broadcast_in_dim3A_486 : vector<16xi1>, vector<16xi32>
    %add3A_488 = arith.addi %add3A_477, %select_n3A_487 : vector<16xi32>
    %eq3A_489 = arith.constant 2 : i32
    %eq3A_490 = vector.broadcast %eq3A_489 : i32 to vector<16xi32>
    %eq3A_491 = arith.cmpi eq, %select_n3A_464, %eq3A_490 : vector<16xi32>
    %all_reduce_population_count3A_492 = tpu.all_reduce %eq3A_491 {dim = 0 : i64, kind = #tpu.reduction_kind<sum>} : vector<16xi1> -> vector<16xi32>
    %eq3A_493 = arith.constant 2 : i32
    %eq3A_494 = vector.broadcast %eq3A_493 : i32 to vector<16xi32>
    %eq3A_495 = arith.cmpi eq, %iota3A, %eq3A_494 : vector<16xi32>
    %jit3A_496 = arith.constant 0 : i32
    %broadcast_in_dim3A_497 = vector.broadcast %jit3A_496 : i32 to vector<16xi32>
    %select_n3A_498 = arith.select %eq3A_495, %all_reduce_population_count3A_492, %broadcast_in_dim3A_497 : vector<16xi1>, vector<16xi32>
    %add3A_499 = arith.addi %add3A_488, %select_n3A_498 : vector<16xi32>
    %eq3A_500 = arith.constant 3 : i32
    %eq3A_501 = vector.broadcast %eq3A_500 : i32 to vector<16xi32>
    %eq3A_502 = arith.cmpi eq, %select_n3A_464, %eq3A_501 : vector<16xi32>
    %all_reduce_population_count3A_503 = tpu.all_reduce %eq3A_502 {dim = 0 : i64, kind = #tpu.reduction_kind<sum>} : vector<16xi1> -> vector<16xi32>
    %eq3A_504 = arith.constant 3 : i32
    %eq3A_505 = vector.broadcast %eq3A_504 : i32 to vector<16xi32>
    %eq3A_506 = arith.cmpi eq, %iota3A, %eq3A_505 : vector<16xi32>
    %jit3A_507 = arith.constant 0 : i32
    %broadcast_in_dim3A_508 = vector.broadcast %jit3A_507 : i32 to vector<16xi32>
    %select_n3A_509 = arith.select %eq3A_506, %all_reduce_population_count3A_503, %broadcast_in_dim3A_508 : vector<16xi1>, vector<16xi32>
    %add3A_510 = arith.addi %add3A_499, %select_n3A_509 : vector<16xi32>
    %eq3A_511 = arith.constant 4 : i32
    %eq3A_512 = vector.broadcast %eq3A_511 : i32 to vector<16xi32>
    %eq3A_513 = arith.cmpi eq, %select_n3A_464, %eq3A_512 : vector<16xi32>
    %all_reduce_population_count3A_514 = tpu.all_reduce %eq3A_513 {dim = 0 : i64, kind = #tpu.reduction_kind<sum>} : vector<16xi1> -> vector<16xi32>
    %eq3A_515 = arith.constant 4 : i32
    %eq3A_516 = vector.broadcast %eq3A_515 : i32 to vector<16xi32>
    %eq3A_517 = arith.cmpi eq, %iota3A, %eq3A_516 : vector<16xi32>
    %jit3A_518 = arith.constant 0 : i32
    %broadcast_in_dim3A_519 = vector.broadcast %jit3A_518 : i32 to vector<16xi32>
    %select_n3A_520 = arith.select %eq3A_517, %all_reduce_population_count3A_514, %broadcast_in_dim3A_519 : vector<16xi1>, vector<16xi32>
    %add3A_521 = arith.addi %add3A_510, %select_n3A_520 : vector<16xi32>
    %eq3A_522 = arith.constant 5 : i32
    %eq3A_523 = vector.broadcast %eq3A_522 : i32 to vector<16xi32>
    %eq3A_524 = arith.cmpi eq, %select_n3A_464, %eq3A_523 : vector<16xi32>
    %all_reduce_population_count3A_525 = tpu.all_reduce %eq3A_524 {dim = 0 : i64, kind = #tpu.reduction_kind<sum>} : vector<16xi1> -> vector<16xi32>
    %eq3A_526 = arith.constant 5 : i32
    %eq3A_527 = vector.broadcast %eq3A_526 : i32 to vector<16xi32>
    %eq3A_528 = arith.cmpi eq, %iota3A, %eq3A_527 : vector<16xi32>
    %jit3A_529 = arith.constant 0 : i32
    %broadcast_in_dim3A_530 = vector.broadcast %jit3A_529 : i32 to vector<16xi32>
    %select_n3A_531 = arith.select %eq3A_528, %all_reduce_population_count3A_525, %broadcast_in_dim3A_530 : vector<16xi1>, vector<16xi32>
    %add3A_532 = arith.addi %add3A_521, %select_n3A_531 : vector<16xi32>
    %eq3A_533 = arith.constant 6 : i32
    %eq3A_534 = vector.broadcast %eq3A_533 : i32 to vector<16xi32>
    %eq3A_535 = arith.cmpi eq, %select_n3A_464, %eq3A_534 : vector<16xi32>
    %all_reduce_population_count3A_536 = tpu.all_reduce %eq3A_535 {dim = 0 : i64, kind = #tpu.reduction_kind<sum>} : vector<16xi1> -> vector<16xi32>
    %eq3A_537 = arith.constant 6 : i32
    %eq3A_538 = vector.broadcast %eq3A_537 : i32 to vector<16xi32>
    %eq3A_539 = arith.cmpi eq, %iota3A, %eq3A_538 : vector<16xi32>
    %jit3A_540 = arith.constant 0 : i32
    %broadcast_in_dim3A_541 = vector.broadcast %jit3A_540 : i32 to vector<16xi32>
    %select_n3A_542 = arith.select %eq3A_539, %all_reduce_population_count3A_536, %broadcast_in_dim3A_541 : vector<16xi1>, vector<16xi32>
    %add3A_543 = arith.addi %add3A_532, %select_n3A_542 : vector<16xi32>
    %eq3A_544 = arith.constant 7 : i32
    %eq3A_545 = vector.broadcast %eq3A_544 : i32 to vector<16xi32>
    %eq3A_546 = arith.cmpi eq, %select_n3A_464, %eq3A_545 : vector<16xi32>
    %all_reduce_population_count3A_547 = tpu.all_reduce %eq3A_546 {dim = 0 : i64, kind = #tpu.reduction_kind<sum>} : vector<16xi1> -> vector<16xi32>
    %eq3A_548 = arith.constant 7 : i32
    %eq3A_549 = vector.broadcast %eq3A_548 : i32 to vector<16xi32>
    %eq3A_550 = arith.cmpi eq, %iota3A, %eq3A_549 : vector<16xi32>
    %jit3A_551 = arith.constant 0 : i32
    %broadcast_in_dim3A_552 = vector.broadcast %jit3A_551 : i32 to vector<16xi32>
    %select_n3A_553 = arith.select %eq3A_550, %all_reduce_population_count3A_547, %broadcast_in_dim3A_552 : vector<16xi1>, vector<16xi32>
    %add3A_554 = arith.addi %add3A_543, %select_n3A_553 : vector<16xi32>
    %eq3A_555 = arith.constant 8 : i32
    %eq3A_556 = vector.broadcast %eq3A_555 : i32 to vector<16xi32>
    %eq3A_557 = arith.cmpi eq, %select_n3A_464, %eq3A_556 : vector<16xi32>
    %all_reduce_population_count3A_558 = tpu.all_reduce %eq3A_557 {dim = 0 : i64, kind = #tpu.reduction_kind<sum>} : vector<16xi1> -> vector<16xi32>
    %eq3A_559 = arith.constant 8 : i32
    %eq3A_560 = vector.broadcast %eq3A_559 : i32 to vector<16xi32>
    %eq3A_561 = arith.cmpi eq, %iota3A, %eq3A_560 : vector<16xi32>
    %jit3A_562 = arith.constant 0 : i32
    %broadcast_in_dim3A_563 = vector.broadcast %jit3A_562 : i32 to vector<16xi32>
    %select_n3A_564 = arith.select %eq3A_561, %all_reduce_population_count3A_558, %broadcast_in_dim3A_563 : vector<16xi1>, vector<16xi32>
    %add3A_565 = arith.addi %add3A_554, %select_n3A_564 : vector<16xi32>
    %eq3A_566 = arith.constant 9 : i32
    %eq3A_567 = vector.broadcast %eq3A_566 : i32 to vector<16xi32>
    %eq3A_568 = arith.cmpi eq, %select_n3A_464, %eq3A_567 : vector<16xi32>
    %all_reduce_population_count3A_569 = tpu.all_reduce %eq3A_568 {dim = 0 : i64, kind = #tpu.reduction_kind<sum>} : vector<16xi1> -> vector<16xi32>
    %eq3A_570 = arith.constant 9 : i32
    %eq3A_571 = vector.broadcast %eq3A_570 : i32 to vector<16xi32>
    %eq3A_572 = arith.cmpi eq, %iota3A, %eq3A_571 : vector<16xi32>
    %jit3A_573 = arith.constant 0 : i32
    %broadcast_in_dim3A_574 = vector.broadcast %jit3A_573 : i32 to vector<16xi32>
    %select_n3A_575 = arith.select %eq3A_572, %all_reduce_population_count3A_569, %broadcast_in_dim3A_574 : vector<16xi1>, vector<16xi32>
    %add3A_576 = arith.addi %add3A_565, %select_n3A_575 : vector<16xi32>
    %eq3A_577 = arith.constant 10 : i32
    %eq3A_578 = vector.broadcast %eq3A_577 : i32 to vector<16xi32>
    %eq3A_579 = arith.cmpi eq, %select_n3A_464, %eq3A_578 : vector<16xi32>
    %all_reduce_population_count3A_580 = tpu.all_reduce %eq3A_579 {dim = 0 : i64, kind = #tpu.reduction_kind<sum>} : vector<16xi1> -> vector<16xi32>
    %eq3A_581 = arith.constant 10 : i32
    %eq3A_582 = vector.broadcast %eq3A_581 : i32 to vector<16xi32>
    %eq3A_583 = arith.cmpi eq, %iota3A, %eq3A_582 : vector<16xi32>
    %jit3A_584 = arith.constant 0 : i32
    %broadcast_in_dim3A_585 = vector.broadcast %jit3A_584 : i32 to vector<16xi32>
    %select_n3A_586 = arith.select %eq3A_583, %all_reduce_population_count3A_580, %broadcast_in_dim3A_585 : vector<16xi1>, vector<16xi32>
    %add3A_587 = arith.addi %add3A_576, %select_n3A_586 : vector<16xi32>
    %eq3A_588 = arith.constant 11 : i32
    %eq3A_589 = vector.broadcast %eq3A_588 : i32 to vector<16xi32>
    %eq3A_590 = arith.cmpi eq, %select_n3A_464, %eq3A_589 : vector<16xi32>
    %all_reduce_population_count3A_591 = tpu.all_reduce %eq3A_590 {dim = 0 : i64, kind = #tpu.reduction_kind<sum>} : vector<16xi1> -> vector<16xi32>
    %eq3A_592 = arith.constant 11 : i32
    %eq3A_593 = vector.broadcast %eq3A_592 : i32 to vector<16xi32>
    %eq3A_594 = arith.cmpi eq, %iota3A, %eq3A_593 : vector<16xi32>
    %jit3A_595 = arith.constant 0 : i32
    %broadcast_in_dim3A_596 = vector.broadcast %jit3A_595 : i32 to vector<16xi32>
    %select_n3A_597 = arith.select %eq3A_594, %all_reduce_population_count3A_591, %broadcast_in_dim3A_596 : vector<16xi1>, vector<16xi32>
    %add3A_598 = arith.addi %add3A_587, %select_n3A_597 : vector<16xi32>
    %eq3A_599 = arith.constant 12 : i32
    %eq3A_600 = vector.broadcast %eq3A_599 : i32 to vector<16xi32>
    %eq3A_601 = arith.cmpi eq, %select_n3A_464, %eq3A_600 : vector<16xi32>
    %all_reduce_population_count3A_602 = tpu.all_reduce %eq3A_601 {dim = 0 : i64, kind = #tpu.reduction_kind<sum>} : vector<16xi1> -> vector<16xi32>
    %eq3A_603 = arith.constant 12 : i32
    %eq3A_604 = vector.broadcast %eq3A_603 : i32 to vector<16xi32>
    %eq3A_605 = arith.cmpi eq, %iota3A, %eq3A_604 : vector<16xi32>
    %jit3A_606 = arith.constant 0 : i32
    %broadcast_in_dim3A_607 = vector.broadcast %jit3A_606 : i32 to vector<16xi32>
    %select_n3A_608 = arith.select %eq3A_605, %all_reduce_population_count3A_602, %broadcast_in_dim3A_607 : vector<16xi1>, vector<16xi32>
    %add3A_609 = arith.addi %add3A_598, %select_n3A_608 : vector<16xi32>
    %eq3A_610 = arith.constant 13 : i32
    %eq3A_611 = vector.broadcast %eq3A_610 : i32 to vector<16xi32>
    %eq3A_612 = arith.cmpi eq, %select_n3A_464, %eq3A_611 : vector<16xi32>
    %all_reduce_population_count3A_613 = tpu.all_reduce %eq3A_612 {dim = 0 : i64, kind = #tpu.reduction_kind<sum>} : vector<16xi1> -> vector<16xi32>
    %eq3A_614 = arith.constant 13 : i32
    %eq3A_615 = vector.broadcast %eq3A_614 : i32 to vector<16xi32>
    %eq3A_616 = arith.cmpi eq, %iota3A, %eq3A_615 : vector<16xi32>
    %jit3A_617 = arith.constant 0 : i32
    %broadcast_in_dim3A_618 = vector.broadcast %jit3A_617 : i32 to vector<16xi32>
    %select_n3A_619 = arith.select %eq3A_616, %all_reduce_population_count3A_613, %broadcast_in_dim3A_618 : vector<16xi1>, vector<16xi32>
    %add3A_620 = arith.addi %add3A_609, %select_n3A_619 : vector<16xi32>
    %eq3A_621 = arith.constant 14 : i32
    %eq3A_622 = vector.broadcast %eq3A_621 : i32 to vector<16xi32>
    %eq3A_623 = arith.cmpi eq, %select_n3A_464, %eq3A_622 : vector<16xi32>
    %all_reduce_population_count3A_624 = tpu.all_reduce %eq3A_623 {dim = 0 : i64, kind = #tpu.reduction_kind<sum>} : vector<16xi1> -> vector<16xi32>
    %eq3A_625 = arith.constant 14 : i32
    %eq3A_626 = vector.broadcast %eq3A_625 : i32 to vector<16xi32>
    %eq3A_627 = arith.cmpi eq, %iota3A, %eq3A_626 : vector<16xi32>
    %jit3A_628 = arith.constant 0 : i32
    %broadcast_in_dim3A_629 = vector.broadcast %jit3A_628 : i32 to vector<16xi32>
    %select_n3A_630 = arith.select %eq3A_627, %all_reduce_population_count3A_624, %broadcast_in_dim3A_629 : vector<16xi1>, vector<16xi32>
    %add3A_631 = arith.addi %add3A_620, %select_n3A_630 : vector<16xi32>
    %eq3A_632 = arith.constant 15 : i32
    %eq3A_633 = vector.broadcast %eq3A_632 : i32 to vector<16xi32>
    %eq3A_634 = arith.cmpi eq, %select_n3A_464, %eq3A_633 : vector<16xi32>
    %all_reduce_population_count3A_635 = tpu.all_reduce %eq3A_634 {dim = 0 : i64, kind = #tpu.reduction_kind<sum>} : vector<16xi1> -> vector<16xi32>
    %eq3A_636 = arith.constant 15 : i32
    %eq3A_637 = vector.broadcast %eq3A_636 : i32 to vector<16xi32>
    %eq3A_638 = arith.cmpi eq, %iota3A, %eq3A_637 : vector<16xi32>
    %jit3A_639 = arith.constant 0 : i32
    %broadcast_in_dim3A_640 = vector.broadcast %jit3A_639 : i32 to vector<16xi32>
    %select_n3A_641 = arith.select %eq3A_638, %all_reduce_population_count3A_635, %broadcast_in_dim3A_640 : vector<16xi1>, vector<16xi32>
    %add3A_642 = arith.addi %add3A_631, %select_n3A_641 : vector<16xi32>
    %add3A_643 = arith.constant 32 : i32
    %add3A_644 = vector.broadcast %add3A_643 : i32 to vector<16xi32>
    %add3A_645 = arith.addi %add3A_644, %iota3A : vector<16xi32>
    %mul3A_646 = arith.constant 16 : i32
    %mul3A_647 = vector.broadcast %mul3A_646 : i32 to vector<16xi32>
    %mul3A_648 = arith.muli %add3A_645, %mul3A_647 : vector<16xi32>
    %gather3A_649 = tpu.vector_load_idx %arg5[%mul3A_648] : memref<1024xf32, #tpu.memory_space<vmem>>[vector<16xi32>], vector<16xf32>,
    %broadcast_in_dim3A_650 = arith.constant 0 : i32
    %broadcast_in_dim3A_651 = vector.broadcast %broadcast_in_dim3A_650 : i32 to vector<16xi32>
    %add3A_652 = arith.constant 1 : i32
    %add3A_653 = vector.broadcast %add3A_652 : i32 to vector<16xi32>
    %add3A_654 = arith.addi %mul3A_648, %add3A_653 : vector<16xi32>
    %gather3A_655 = tpu.vector_load_idx %arg5[%add3A_654] : memref<1024xf32, #tpu.memory_space<vmem>>[vector<16xi32>], vector<16xf32>,
    %gt3A_656 = arith.cmpf ogt, %gather3A_655, %gather3A_649 : vector<16xf32>
    %select_n3A_657 = arith.select %gt3A_656, %gather3A_655, %gather3A_649 : vector<16xi1>, vector<16xf32>
    %jit3A_658 = arith.constant 1 : i32
    %broadcast_in_dim3A_659 = vector.broadcast %jit3A_658 : i32 to vector<16xi32>
    %select_n3A_660 = arith.select %gt3A_656, %broadcast_in_dim3A_659, %broadcast_in_dim3A_651 : vector<16xi1>, vector<16xi32>
    %add3A_661 = arith.constant 2 : i32
    %add3A_662 = vector.broadcast %add3A_661 : i32 to vector<16xi32>
    %add3A_663 = arith.addi %mul3A_648, %add3A_662 : vector<16xi32>
    %gather3A_664 = tpu.vector_load_idx %arg5[%add3A_663] : memref<1024xf32, #tpu.memory_space<vmem>>[vector<16xi32>], vector<16xf32>,
    %gt3A_665 = arith.cmpf ogt, %gather3A_664, %select_n3A_657 : vector<16xf32>
    %select_n3A_666 = arith.select %gt3A_665, %gather3A_664, %select_n3A_657 : vector<16xi1>, vector<16xf32>
    %jit3A_667 = arith.constant 2 : i32
    %broadcast_in_dim3A_668 = vector.broadcast %jit3A_667 : i32 to vector<16xi32>
    %select_n3A_669 = arith.select %gt3A_665, %broadcast_in_dim3A_668, %select_n3A_660 : vector<16xi1>, vector<16xi32>
    %add3A_670 = arith.constant 3 : i32
    %add3A_671 = vector.broadcast %add3A_670 : i32 to vector<16xi32>
    %add3A_672 = arith.addi %mul3A_648, %add3A_671 : vector<16xi32>
    %gather3A_673 = tpu.vector_load_idx %arg5[%add3A_672] : memref<1024xf32, #tpu.memory_space<vmem>>[vector<16xi32>], vector<16xf32>,
    %gt3A_674 = arith.cmpf ogt, %gather3A_673, %select_n3A_666 : vector<16xf32>
    %select_n3A_675 = arith.select %gt3A_674, %gather3A_673, %select_n3A_666 : vector<16xi1>, vector<16xf32>
    %jit3A_676 = arith.constant 3 : i32
    %broadcast_in_dim3A_677 = vector.broadcast %jit3A_676 : i32 to vector<16xi32>
    %select_n3A_678 = arith.select %gt3A_674, %broadcast_in_dim3A_677, %select_n3A_669 : vector<16xi1>, vector<16xi32>
    %add3A_679 = arith.constant 4 : i32
    %add3A_680 = vector.broadcast %add3A_679 : i32 to vector<16xi32>
    %add3A_681 = arith.addi %mul3A_648, %add3A_680 : vector<16xi32>
    %gather3A_682 = tpu.vector_load_idx %arg5[%add3A_681] : memref<1024xf32, #tpu.memory_space<vmem>>[vector<16xi32>], vector<16xf32>,
    %gt3A_683 = arith.cmpf ogt, %gather3A_682, %select_n3A_675 : vector<16xf32>
    %select_n3A_684 = arith.select %gt3A_683, %gather3A_682, %select_n3A_675 : vector<16xi1>, vector<16xf32>
    %jit3A_685 = arith.constant 4 : i32
    %broadcast_in_dim3A_686 = vector.broadcast %jit3A_685 : i32 to vector<16xi32>
    %select_n3A_687 = arith.select %gt3A_683, %broadcast_in_dim3A_686, %select_n3A_678 : vector<16xi1>, vector<16xi32>
    %add3A_688 = arith.constant 5 : i32
    %add3A_689 = vector.broadcast %add3A_688 : i32 to vector<16xi32>
    %add3A_690 = arith.addi %mul3A_648, %add3A_689 : vector<16xi32>
    %gather3A_691 = tpu.vector_load_idx %arg5[%add3A_690] : memref<1024xf32, #tpu.memory_space<vmem>>[vector<16xi32>], vector<16xf32>,
    %gt3A_692 = arith.cmpf ogt, %gather3A_691, %select_n3A_684 : vector<16xf32>
    %select_n3A_693 = arith.select %gt3A_692, %gather3A_691, %select_n3A_684 : vector<16xi1>, vector<16xf32>
    %jit3A_694 = arith.constant 5 : i32
    %broadcast_in_dim3A_695 = vector.broadcast %jit3A_694 : i32 to vector<16xi32>
    %select_n3A_696 = arith.select %gt3A_692, %broadcast_in_dim3A_695, %select_n3A_687 : vector<16xi1>, vector<16xi32>
    %add3A_697 = arith.constant 6 : i32
    %add3A_698 = vector.broadcast %add3A_697 : i32 to vector<16xi32>
    %add3A_699 = arith.addi %mul3A_648, %add3A_698 : vector<16xi32>
    %gather3A_700 = tpu.vector_load_idx %arg5[%add3A_699] : memref<1024xf32, #tpu.memory_space<vmem>>[vector<16xi32>], vector<16xf32>,
    %gt3A_701 = arith.cmpf ogt, %gather3A_700, %select_n3A_693 : vector<16xf32>
    %select_n3A_702 = arith.select %gt3A_701, %gather3A_700, %select_n3A_693 : vector<16xi1>, vector<16xf32>
    %jit3A_703 = arith.constant 6 : i32
    %broadcast_in_dim3A_704 = vector.broadcast %jit3A_703 : i32 to vector<16xi32>
    %select_n3A_705 = arith.select %gt3A_701, %broadcast_in_dim3A_704, %select_n3A_696 : vector<16xi1>, vector<16xi32>
    %add3A_706 = arith.constant 7 : i32
    %add3A_707 = vector.broadcast %add3A_706 : i32 to vector<16xi32>
    %add3A_708 = arith.addi %mul3A_648, %add3A_707 : vector<16xi32>
    %gather3A_709 = tpu.vector_load_idx %arg5[%add3A_708] : memref<1024xf32, #tpu.memory_space<vmem>>[vector<16xi32>], vector<16xf32>,
    %gt3A_710 = arith.cmpf ogt, %gather3A_709, %select_n3A_702 : vector<16xf32>
    %select_n3A_711 = arith.select %gt3A_710, %gather3A_709, %select_n3A_702 : vector<16xi1>, vector<16xf32>
    %jit3A_712 = arith.constant 7 : i32
    %broadcast_in_dim3A_713 = vector.broadcast %jit3A_712 : i32 to vector<16xi32>
    %select_n3A_714 = arith.select %gt3A_710, %broadcast_in_dim3A_713, %select_n3A_705 : vector<16xi1>, vector<16xi32>
    %add3A_715 = arith.constant 8 : i32
    %add3A_716 = vector.broadcast %add3A_715 : i32 to vector<16xi32>
    %add3A_717 = arith.addi %mul3A_648, %add3A_716 : vector<16xi32>
    %gather3A_718 = tpu.vector_load_idx %arg5[%add3A_717] : memref<1024xf32, #tpu.memory_space<vmem>>[vector<16xi32>], vector<16xf32>,
    %gt3A_719 = arith.cmpf ogt, %gather3A_718, %select_n3A_711 : vector<16xf32>
    %select_n3A_720 = arith.select %gt3A_719, %gather3A_718, %select_n3A_711 : vector<16xi1>, vector<16xf32>
    %jit3A_721 = arith.constant 8 : i32
    %broadcast_in_dim3A_722 = vector.broadcast %jit3A_721 : i32 to vector<16xi32>
    %select_n3A_723 = arith.select %gt3A_719, %broadcast_in_dim3A_722, %select_n3A_714 : vector<16xi1>, vector<16xi32>
    %add3A_724 = arith.constant 9 : i32
    %add3A_725 = vector.broadcast %add3A_724 : i32 to vector<16xi32>
    %add3A_726 = arith.addi %mul3A_648, %add3A_725 : vector<16xi32>
    %gather3A_727 = tpu.vector_load_idx %arg5[%add3A_726] : memref<1024xf32, #tpu.memory_space<vmem>>[vector<16xi32>], vector<16xf32>,
    %gt3A_728 = arith.cmpf ogt, %gather3A_727, %select_n3A_720 : vector<16xf32>
    %select_n3A_729 = arith.select %gt3A_728, %gather3A_727, %select_n3A_720 : vector<16xi1>, vector<16xf32>
    %jit3A_730 = arith.constant 9 : i32
    %broadcast_in_dim3A_731 = vector.broadcast %jit3A_730 : i32 to vector<16xi32>
    %select_n3A_732 = arith.select %gt3A_728, %broadcast_in_dim3A_731, %select_n3A_723 : vector<16xi1>, vector<16xi32>
    %add3A_733 = arith.constant 10 : i32
    %add3A_734 = vector.broadcast %add3A_733 : i32 to vector<16xi32>
    %add3A_735 = arith.addi %mul3A_648, %add3A_734 : vector<16xi32>
    %gather3A_736 = tpu.vector_load_idx %arg5[%add3A_735] : memref<1024xf32, #tpu.memory_space<vmem>>[vector<16xi32>], vector<16xf32>,
    %gt3A_737 = arith.cmpf ogt, %gather3A_736, %select_n3A_729 : vector<16xf32>
    %select_n3A_738 = arith.select %gt3A_737, %gather3A_736, %select_n3A_729 : vector<16xi1>, vector<16xf32>
    %jit3A_739 = arith.constant 10 : i32
    %broadcast_in_dim3A_740 = vector.broadcast %jit3A_739 : i32 to vector<16xi32>
    %select_n3A_741 = arith.select %gt3A_737, %broadcast_in_dim3A_740, %select_n3A_732 : vector<16xi1>, vector<16xi32>
    %add3A_742 = arith.constant 11 : i32
    %add3A_743 = vector.broadcast %add3A_742 : i32 to vector<16xi32>
    %add3A_744 = arith.addi %mul3A_648, %add3A_743 : vector<16xi32>
    %gather3A_745 = tpu.vector_load_idx %arg5[%add3A_744] : memref<1024xf32, #tpu.memory_space<vmem>>[vector<16xi32>], vector<16xf32>,
    %gt3A_746 = arith.cmpf ogt, %gather3A_745, %select_n3A_738 : vector<16xf32>
    %select_n3A_747 = arith.select %gt3A_746, %gather3A_745, %select_n3A_738 : vector<16xi1>, vector<16xf32>
    %jit3A_748 = arith.constant 11 : i32
    %broadcast_in_dim3A_749 = vector.broadcast %jit3A_748 : i32 to vector<16xi32>
    %select_n3A_750 = arith.select %gt3A_746, %broadcast_in_dim3A_749, %select_n3A_741 : vector<16xi1>, vector<16xi32>
    %add3A_751 = arith.constant 12 : i32
    %add3A_752 = vector.broadcast %add3A_751 : i32 to vector<16xi32>
    %add3A_753 = arith.addi %mul3A_648, %add3A_752 : vector<16xi32>
    %gather3A_754 = tpu.vector_load_idx %arg5[%add3A_753] : memref<1024xf32, #tpu.memory_space<vmem>>[vector<16xi32>], vector<16xf32>,
    %gt3A_755 = arith.cmpf ogt, %gather3A_754, %select_n3A_747 : vector<16xf32>
    %select_n3A_756 = arith.select %gt3A_755, %gather3A_754, %select_n3A_747 : vector<16xi1>, vector<16xf32>
    %jit3A_757 = arith.constant 12 : i32
    %broadcast_in_dim3A_758 = vector.broadcast %jit3A_757 : i32 to vector<16xi32>
    %select_n3A_759 = arith.select %gt3A_755, %broadcast_in_dim3A_758, %select_n3A_750 : vector<16xi1>, vector<16xi32>
    %add3A_760 = arith.constant 13 : i32
    %add3A_761 = vector.broadcast %add3A_760 : i32 to vector<16xi32>
    %add3A_762 = arith.addi %mul3A_648, %add3A_761 : vector<16xi32>
    %gather3A_763 = tpu.vector_load_idx %arg5[%add3A_762] : memref<1024xf32, #tpu.memory_space<vmem>>[vector<16xi32>], vector<16xf32>,
    %gt3A_764 = arith.cmpf ogt, %gather3A_763, %select_n3A_756 : vector<16xf32>
    %select_n3A_765 = arith.select %gt3A_764, %gather3A_763, %select_n3A_756 : vector<16xi1>, vector<16xf32>
    %jit3A_766 = arith.constant 13 : i32
    %broadcast_in_dim3A_767 = vector.broadcast %jit3A_766 : i32 to vector<16xi32>
    %select_n3A_768 = arith.select %gt3A_764, %broadcast_in_dim3A_767, %select_n3A_759 : vector<16xi1>, vector<16xi32>
    %add3A_769 = arith.constant 14 : i32
    %add3A_770 = vector.broadcast %add3A_769 : i32 to vector<16xi32>
    %add3A_771 = arith.addi %mul3A_648, %add3A_770 : vector<16xi32>
    %gather3A_772 = tpu.vector_load_idx %arg5[%add3A_771] : memref<1024xf32, #tpu.memory_space<vmem>>[vector<16xi32>], vector<16xf32>,
    %gt3A_773 = arith.cmpf ogt, %gather3A_772, %select_n3A_765 : vector<16xf32>
    %select_n3A_774 = arith.select %gt3A_773, %gather3A_772, %select_n3A_765 : vector<16xi1>, vector<16xf32>
    %jit3A_775 = arith.constant 14 : i32
    %broadcast_in_dim3A_776 = vector.broadcast %jit3A_775 : i32 to vector<16xi32>
    %select_n3A_777 = arith.select %gt3A_773, %broadcast_in_dim3A_776, %select_n3A_768 : vector<16xi1>, vector<16xi32>
    %add3A_778 = arith.constant 15 : i32
    %add3A_779 = vector.broadcast %add3A_778 : i32 to vector<16xi32>
    %add3A_780 = arith.addi %mul3A_648, %add3A_779 : vector<16xi32>
    %gather3A_781 = tpu.vector_load_idx %arg5[%add3A_780] : memref<1024xf32, #tpu.memory_space<vmem>>[vector<16xi32>], vector<16xf32>,
    %gt3A_782 = arith.cmpf ogt, %gather3A_781, %select_n3A_774 : vector<16xf32>
    %select_n3A_783 = arith.select %gt3A_782, %gather3A_781, %select_n3A_774 : vector<16xi1>, vector<16xf32>
    %jit3A_784 = arith.constant 15 : i32
    %broadcast_in_dim3A_785 = vector.broadcast %jit3A_784 : i32 to vector<16xi32>
    %select_n3A_786 = arith.select %gt3A_782, %broadcast_in_dim3A_785, %select_n3A_777 : vector<16xi1>, vector<16xi32>
    %swap3A_787 = arith.constant 32 : index
    %swap3A_788 = tpu.vector_load %arg6[%swap3A_787] {strides = array<i32>} : memref<64xi32, #tpu.memory_space<vmem>>, vector<16xi32>,
    tpu.vector_store %arg6[%swap3A_787], %select_n3A_786 {strides = array<i32>} : memref<64xi32, #tpu.memory_space<vmem>>, vector<16xi32>,
    %eq3A_789 = arith.constant 0 : i32
    %eq3A_790 = vector.broadcast %eq3A_789 : i32 to vector<16xi32>
    %eq3A_791 = arith.cmpi eq, %select_n3A_786, %eq3A_790 : vector<16xi32>
    %all_reduce_population_count3A_792 = tpu.all_reduce %eq3A_791 {dim = 0 : i64, kind = #tpu.reduction_kind<sum>} : vector<16xi1> -> vector<16xi32>
    %eq3A_793 = arith.constant 0 : i32
    %eq3A_794 = vector.broadcast %eq3A_793 : i32 to vector<16xi32>
    %eq3A_795 = arith.cmpi eq, %iota3A, %eq3A_794 : vector<16xi32>
    %jit3A_796 = arith.constant 0 : i32
    %broadcast_in_dim3A_797 = vector.broadcast %jit3A_796 : i32 to vector<16xi32>
    %select_n3A_798 = arith.select %eq3A_795, %all_reduce_population_count3A_792, %broadcast_in_dim3A_797 : vector<16xi1>, vector<16xi32>
    %add3A_799 = arith.addi %add3A_642, %select_n3A_798 : vector<16xi32>
    %eq3A_800 = arith.constant 1 : i32
    %eq3A_801 = vector.broadcast %eq3A_800 : i32 to vector<16xi32>
    %eq3A_802 = arith.cmpi eq, %select_n3A_786, %eq3A_801 : vector<16xi32>
    %all_reduce_population_count3A_803 = tpu.all_reduce %eq3A_802 {dim = 0 : i64, kind = #tpu.reduction_kind<sum>} : vector<16xi1> -> vector<16xi32>
    %eq3A_804 = arith.constant 1 : i32
    %eq3A_805 = vector.broadcast %eq3A_804 : i32 to vector<16xi32>
    %eq3A_806 = arith.cmpi eq, %iota3A, %eq3A_805 : vector<16xi32>
    %jit3A_807 = arith.constant 0 : i32
    %broadcast_in_dim3A_808 = vector.broadcast %jit3A_807 : i32 to vector<16xi32>
    %select_n3A_809 = arith.select %eq3A_806, %all_reduce_population_count3A_803, %broadcast_in_dim3A_808 : vector<16xi1>, vector<16xi32>
    %add3A_810 = arith.addi %add3A_799, %select_n3A_809 : vector<16xi32>
    %eq3A_811 = arith.constant 2 : i32
    %eq3A_812 = vector.broadcast %eq3A_811 : i32 to vector<16xi32>
    %eq3A_813 = arith.cmpi eq, %select_n3A_786, %eq3A_812 : vector<16xi32>
    %all_reduce_population_count3A_814 = tpu.all_reduce %eq3A_813 {dim = 0 : i64, kind = #tpu.reduction_kind<sum>} : vector<16xi1> -> vector<16xi32>
    %eq3A_815 = arith.constant 2 : i32
    %eq3A_816 = vector.broadcast %eq3A_815 : i32 to vector<16xi32>
    %eq3A_817 = arith.cmpi eq, %iota3A, %eq3A_816 : vector<16xi32>
    %jit3A_818 = arith.constant 0 : i32
    %broadcast_in_dim3A_819 = vector.broadcast %jit3A_818 : i32 to vector<16xi32>
    %select_n3A_820 = arith.select %eq3A_817, %all_reduce_population_count3A_814, %broadcast_in_dim3A_819 : vector<16xi1>, vector<16xi32>
    %add3A_821 = arith.addi %add3A_810, %select_n3A_820 : vector<16xi32>
    %eq3A_822 = arith.constant 3 : i32
    %eq3A_823 = vector.broadcast %eq3A_822 : i32 to vector<16xi32>
    %eq3A_824 = arith.cmpi eq, %select_n3A_786, %eq3A_823 : vector<16xi32>
    %all_reduce_population_count3A_825 = tpu.all_reduce %eq3A_824 {dim = 0 : i64, kind = #tpu.reduction_kind<sum>} : vector<16xi1> -> vector<16xi32>
    %eq3A_826 = arith.constant 3 : i32
    %eq3A_827 = vector.broadcast %eq3A_826 : i32 to vector<16xi32>
    %eq3A_828 = arith.cmpi eq, %iota3A, %eq3A_827 : vector<16xi32>
    %jit3A_829 = arith.constant 0 : i32
    %broadcast_in_dim3A_830 = vector.broadcast %jit3A_829 : i32 to vector<16xi32>
    %select_n3A_831 = arith.select %eq3A_828, %all_reduce_population_count3A_825, %broadcast_in_dim3A_830 : vector<16xi1>, vector<16xi32>
    %add3A_832 = arith.addi %add3A_821, %select_n3A_831 : vector<16xi32>
    %eq3A_833 = arith.constant 4 : i32
    %eq3A_834 = vector.broadcast %eq3A_833 : i32 to vector<16xi32>
    %eq3A_835 = arith.cmpi eq, %select_n3A_786, %eq3A_834 : vector<16xi32>
    %all_reduce_population_count3A_836 = tpu.all_reduce %eq3A_835 {dim = 0 : i64, kind = #tpu.reduction_kind<sum>} : vector<16xi1> -> vector<16xi32>
    %eq3A_837 = arith.constant 4 : i32
    %eq3A_838 = vector.broadcast %eq3A_837 : i32 to vector<16xi32>
    %eq3A_839 = arith.cmpi eq, %iota3A, %eq3A_838 : vector<16xi32>
    %jit3A_840 = arith.constant 0 : i32
    %broadcast_in_dim3A_841 = vector.broadcast %jit3A_840 : i32 to vector<16xi32>
    %select_n3A_842 = arith.select %eq3A_839, %all_reduce_population_count3A_836, %broadcast_in_dim3A_841 : vector<16xi1>, vector<16xi32>
    %add3A_843 = arith.addi %add3A_832, %select_n3A_842 : vector<16xi32>
    %eq3A_844 = arith.constant 5 : i32
    %eq3A_845 = vector.broadcast %eq3A_844 : i32 to vector<16xi32>
    %eq3A_846 = arith.cmpi eq, %select_n3A_786, %eq3A_845 : vector<16xi32>
    %all_reduce_population_count3A_847 = tpu.all_reduce %eq3A_846 {dim = 0 : i64, kind = #tpu.reduction_kind<sum>} : vector<16xi1> -> vector<16xi32>
    %eq3A_848 = arith.constant 5 : i32
    %eq3A_849 = vector.broadcast %eq3A_848 : i32 to vector<16xi32>
    %eq3A_850 = arith.cmpi eq, %iota3A, %eq3A_849 : vector<16xi32>
    %jit3A_851 = arith.constant 0 : i32
    %broadcast_in_dim3A_852 = vector.broadcast %jit3A_851 : i32 to vector<16xi32>
    %select_n3A_853 = arith.select %eq3A_850, %all_reduce_population_count3A_847, %broadcast_in_dim3A_852 : vector<16xi1>, vector<16xi32>
    %add3A_854 = arith.addi %add3A_843, %select_n3A_853 : vector<16xi32>
    %eq3A_855 = arith.constant 6 : i32
    %eq3A_856 = vector.broadcast %eq3A_855 : i32 to vector<16xi32>
    %eq3A_857 = arith.cmpi eq, %select_n3A_786, %eq3A_856 : vector<16xi32>
    %all_reduce_population_count3A_858 = tpu.all_reduce %eq3A_857 {dim = 0 : i64, kind = #tpu.reduction_kind<sum>} : vector<16xi1> -> vector<16xi32>
    %eq3A_859 = arith.constant 6 : i32
    %eq3A_860 = vector.broadcast %eq3A_859 : i32 to vector<16xi32>
    %eq3A_861 = arith.cmpi eq, %iota3A, %eq3A_860 : vector<16xi32>
    %jit3A_862 = arith.constant 0 : i32
    %broadcast_in_dim3A_863 = vector.broadcast %jit3A_862 : i32 to vector<16xi32>
    %select_n3A_864 = arith.select %eq3A_861, %all_reduce_population_count3A_858, %broadcast_in_dim3A_863 : vector<16xi1>, vector<16xi32>
    %add3A_865 = arith.addi %add3A_854, %select_n3A_864 : vector<16xi32>
    %eq3A_866 = arith.constant 7 : i32
    %eq3A_867 = vector.broadcast %eq3A_866 : i32 to vector<16xi32>
    %eq3A_868 = arith.cmpi eq, %select_n3A_786, %eq3A_867 : vector<16xi32>
    %all_reduce_population_count3A_869 = tpu.all_reduce %eq3A_868 {dim = 0 : i64, kind = #tpu.reduction_kind<sum>} : vector<16xi1> -> vector<16xi32>
    %eq3A_870 = arith.constant 7 : i32
    %eq3A_871 = vector.broadcast %eq3A_870 : i32 to vector<16xi32>
    %eq3A_872 = arith.cmpi eq, %iota3A, %eq3A_871 : vector<16xi32>
    %jit3A_873 = arith.constant 0 : i32
    %broadcast_in_dim3A_874 = vector.broadcast %jit3A_873 : i32 to vector<16xi32>
    %select_n3A_875 = arith.select %eq3A_872, %all_reduce_population_count3A_869, %broadcast_in_dim3A_874 : vector<16xi1>, vector<16xi32>
    %add3A_876 = arith.addi %add3A_865, %select_n3A_875 : vector<16xi32>
    %eq3A_877 = arith.constant 8 : i32
    %eq3A_878 = vector.broadcast %eq3A_877 : i32 to vector<16xi32>
    %eq3A_879 = arith.cmpi eq, %select_n3A_786, %eq3A_878 : vector<16xi32>
    %all_reduce_population_count3A_880 = tpu.all_reduce %eq3A_879 {dim = 0 : i64, kind = #tpu.reduction_kind<sum>} : vector<16xi1> -> vector<16xi32>
    %eq3A_881 = arith.constant 8 : i32
    %eq3A_882 = vector.broadcast %eq3A_881 : i32 to vector<16xi32>
    %eq3A_883 = arith.cmpi eq, %iota3A, %eq3A_882 : vector<16xi32>
    %jit3A_884 = arith.constant 0 : i32
    %broadcast_in_dim3A_885 = vector.broadcast %jit3A_884 : i32 to vector<16xi32>
    %select_n3A_886 = arith.select %eq3A_883, %all_reduce_population_count3A_880, %broadcast_in_dim3A_885 : vector<16xi1>, vector<16xi32>
    %add3A_887 = arith.addi %add3A_876, %select_n3A_886 : vector<16xi32>
    %eq3A_888 = arith.constant 9 : i32
    %eq3A_889 = vector.broadcast %eq3A_888 : i32 to vector<16xi32>
    %eq3A_890 = arith.cmpi eq, %select_n3A_786, %eq3A_889 : vector<16xi32>
    %all_reduce_population_count3A_891 = tpu.all_reduce %eq3A_890 {dim = 0 : i64, kind = #tpu.reduction_kind<sum>} : vector<16xi1> -> vector<16xi32>
    %eq3A_892 = arith.constant 9 : i32
    %eq3A_893 = vector.broadcast %eq3A_892 : i32 to vector<16xi32>
    %eq3A_894 = arith.cmpi eq, %iota3A, %eq3A_893 : vector<16xi32>
    %jit3A_895 = arith.constant 0 : i32
    %broadcast_in_dim3A_896 = vector.broadcast %jit3A_895 : i32 to vector<16xi32>
    %select_n3A_897 = arith.select %eq3A_894, %all_reduce_population_count3A_891, %broadcast_in_dim3A_896 : vector<16xi1>, vector<16xi32>
    %add3A_898 = arith.addi %add3A_887, %select_n3A_897 : vector<16xi32>
    %eq3A_899 = arith.constant 10 : i32
    %eq3A_900 = vector.broadcast %eq3A_899 : i32 to vector<16xi32>
    %eq3A_901 = arith.cmpi eq, %select_n3A_786, %eq3A_900 : vector<16xi32>
    %all_reduce_population_count3A_902 = tpu.all_reduce %eq3A_901 {dim = 0 : i64, kind = #tpu.reduction_kind<sum>} : vector<16xi1> -> vector<16xi32>
    %eq3A_903 = arith.constant 10 : i32
    %eq3A_904 = vector.broadcast %eq3A_903 : i32 to vector<16xi32>
    %eq3A_905 = arith.cmpi eq, %iota3A, %eq3A_904 : vector<16xi32>
    %jit3A_906 = arith.constant 0 : i32
    %broadcast_in_dim3A_907 = vector.broadcast %jit3A_906 : i32 to vector<16xi32>
    %select_n3A_908 = arith.select %eq3A_905, %all_reduce_population_count3A_902, %broadcast_in_dim3A_907 : vector<16xi1>, vector<16xi32>
    %add3A_909 = arith.addi %add3A_898, %select_n3A_908 : vector<16xi32>
    %eq3A_910 = arith.constant 11 : i32
    %eq3A_911 = vector.broadcast %eq3A_910 : i32 to vector<16xi32>
    %eq3A_912 = arith.cmpi eq, %select_n3A_786, %eq3A_911 : vector<16xi32>
    %all_reduce_population_count3A_913 = tpu.all_reduce %eq3A_912 {dim = 0 : i64, kind = #tpu.reduction_kind<sum>} : vector<16xi1> -> vector<16xi32>
    %eq3A_914 = arith.constant 11 : i32
    %eq3A_915 = vector.broadcast %eq3A_914 : i32 to vector<16xi32>
    %eq3A_916 = arith.cmpi eq, %iota3A, %eq3A_915 : vector<16xi32>
    %jit3A_917 = arith.constant 0 : i32
    %broadcast_in_dim3A_918 = vector.broadcast %jit3A_917 : i32 to vector<16xi32>
    %select_n3A_919 = arith.select %eq3A_916, %all_reduce_population_count3A_913, %broadcast_in_dim3A_918 : vector<16xi1>, vector<16xi32>
    %add3A_920 = arith.addi %add3A_909, %select_n3A_919 : vector<16xi32>
    %eq3A_921 = arith.constant 12 : i32
    %eq3A_922 = vector.broadcast %eq3A_921 : i32 to vector<16xi32>
    %eq3A_923 = arith.cmpi eq, %select_n3A_786, %eq3A_922 : vector<16xi32>
    %all_reduce_population_count3A_924 = tpu.all_reduce %eq3A_923 {dim = 0 : i64, kind = #tpu.reduction_kind<sum>} : vector<16xi1> -> vector<16xi32>
    %eq3A_925 = arith.constant 12 : i32
    %eq3A_926 = vector.broadcast %eq3A_925 : i32 to vector<16xi32>
    %eq3A_927 = arith.cmpi eq, %iota3A, %eq3A_926 : vector<16xi32>
    %jit3A_928 = arith.constant 0 : i32
    %broadcast_in_dim3A_929 = vector.broadcast %jit3A_928 : i32 to vector<16xi32>
    %select_n3A_930 = arith.select %eq3A_927, %all_reduce_population_count3A_924, %broadcast_in_dim3A_929 : vector<16xi1>, vector<16xi32>
    %add3A_931 = arith.addi %add3A_920, %select_n3A_930 : vector<16xi32>
    %eq3A_932 = arith.constant 13 : i32
    %eq3A_933 = vector.broadcast %eq3A_932 : i32 to vector<16xi32>
    %eq3A_934 = arith.cmpi eq, %select_n3A_786, %eq3A_933 : vector<16xi32>
    %all_reduce_population_count3A_935 = tpu.all_reduce %eq3A_934 {dim = 0 : i64, kind = #tpu.reduction_kind<sum>} : vector<16xi1> -> vector<16xi32>
    %eq3A_936 = arith.constant 13 : i32
    %eq3A_937 = vector.broadcast %eq3A_936 : i32 to vector<16xi32>
    %eq3A_938 = arith.cmpi eq, %iota3A, %eq3A_937 : vector<16xi32>
    %jit3A_939 = arith.constant 0 : i32
    %broadcast_in_dim3A_940 = vector.broadcast %jit3A_939 : i32 to vector<16xi32>
    %select_n3A_941 = arith.select %eq3A_938, %all_reduce_population_count3A_935, %broadcast_in_dim3A_940 : vector<16xi1>, vector<16xi32>
    %add3A_942 = arith.addi %add3A_931, %select_n3A_941 : vector<16xi32>
    %eq3A_943 = arith.constant 14 : i32
    %eq3A_944 = vector.broadcast %eq3A_943 : i32 to vector<16xi32>
    %eq3A_945 = arith.cmpi eq, %select_n3A_786, %eq3A_944 : vector<16xi32>
    %all_reduce_population_count3A_946 = tpu.all_reduce %eq3A_945 {dim = 0 : i64, kind = #tpu.reduction_kind<sum>} : vector<16xi1> -> vector<16xi32>
    %eq3A_947 = arith.constant 14 : i32
    %eq3A_948 = vector.broadcast %eq3A_947 : i32 to vector<16xi32>
    %eq3A_949 = arith.cmpi eq, %iota3A, %eq3A_948 : vector<16xi32>
    %jit3A_950 = arith.constant 0 : i32
    %broadcast_in_dim3A_951 = vector.broadcast %jit3A_950 : i32 to vector<16xi32>
    %select_n3A_952 = arith.select %eq3A_949, %all_reduce_population_count3A_946, %broadcast_in_dim3A_951 : vector<16xi1>, vector<16xi32>
    %add3A_953 = arith.addi %add3A_942, %select_n3A_952 : vector<16xi32>
    %eq3A_954 = arith.constant 15 : i32
    %eq3A_955 = vector.broadcast %eq3A_954 : i32 to vector<16xi32>
    %eq3A_956 = arith.cmpi eq, %select_n3A_786, %eq3A_955 : vector<16xi32>
    %all_reduce_population_count3A_957 = tpu.all_reduce %eq3A_956 {dim = 0 : i64, kind = #tpu.reduction_kind<sum>} : vector<16xi1> -> vector<16xi32>
    %eq3A_958 = arith.constant 15 : i32
    %eq3A_959 = vector.broadcast %eq3A_958 : i32 to vector<16xi32>
    %eq3A_960 = arith.cmpi eq, %iota3A, %eq3A_959 : vector<16xi32>
    %jit3A_961 = arith.constant 0 : i32
    %broadcast_in_dim3A_962 = vector.broadcast %jit3A_961 : i32 to vector<16xi32>
    %select_n3A_963 = arith.select %eq3A_960, %all_reduce_population_count3A_957, %broadcast_in_dim3A_962 : vector<16xi1>, vector<16xi32>
    %add3A_964 = arith.addi %add3A_953, %select_n3A_963 : vector<16xi32>
    %add3A_965 = arith.constant 48 : i32
    %add3A_966 = vector.broadcast %add3A_965 : i32 to vector<16xi32>
    %add3A_967 = arith.addi %add3A_966, %iota3A : vector<16xi32>
    %mul3A_968 = arith.constant 16 : i32
    %mul3A_969 = vector.broadcast %mul3A_968 : i32 to vector<16xi32>
    %mul3A_970 = arith.muli %add3A_967, %mul3A_969 : vector<16xi32>
    %gather3A_971 = tpu.vector_load_idx %arg5[%mul3A_970] : memref<1024xf32, #tpu.memory_space<vmem>>[vector<16xi32>], vector<16xf32>,
    %broadcast_in_dim3A_972 = arith.constant 0 : i32
    %broadcast_in_dim3A_973 = vector.broadcast %broadcast_in_dim3A_972 : i32 to vector<16xi32>
    %add3A_974 = arith.constant 1 : i32
    %add3A_975 = vector.broadcast %add3A_974 : i32 to vector<16xi32>
    %add3A_976 = arith.addi %mul3A_970, %add3A_975 : vector<16xi32>
    %gather3A_977 = tpu.vector_load_idx %arg5[%add3A_976] : memref<1024xf32, #tpu.memory_space<vmem>>[vector<16xi32>], vector<16xf32>,
    %gt3A_978 = arith.cmpf ogt, %gather3A_977, %gather3A_971 : vector<16xf32>
    %select_n3A_979 = arith.select %gt3A_978, %gather3A_977, %gather3A_971 : vector<16xi1>, vector<16xf32>
    %jit3A_980 = arith.constant 1 : i32
    %broadcast_in_dim3A_981 = vector.broadcast %jit3A_980 : i32 to vector<16xi32>
    %select_n3A_982 = arith.select %gt3A_978, %broadcast_in_dim3A_981, %broadcast_in_dim3A_973 : vector<16xi1>, vector<16xi32>
    %add3A_983 = arith.constant 2 : i32
    %add3A_984 = vector.broadcast %add3A_983 : i32 to vector<16xi32>
    %add3A_985 = arith.addi %mul3A_970, %add3A_984 : vector<16xi32>
    %gather3A_986 = tpu.vector_load_idx %arg5[%add3A_985] : memref<1024xf32, #tpu.memory_space<vmem>>[vector<16xi32>], vector<16xf32>,
    %gt3A_987 = arith.cmpf ogt, %gather3A_986, %select_n3A_979 : vector<16xf32>
    %select_n3A_988 = arith.select %gt3A_987, %gather3A_986, %select_n3A_979 : vector<16xi1>, vector<16xf32>
    %jit3A_989 = arith.constant 2 : i32
    %broadcast_in_dim3A_990 = vector.broadcast %jit3A_989 : i32 to vector<16xi32>
    %select_n3A_991 = arith.select %gt3A_987, %broadcast_in_dim3A_990, %select_n3A_982 : vector<16xi1>, vector<16xi32>
    %add3A_992 = arith.constant 3 : i32
    %add3A_993 = vector.broadcast %add3A_992 : i32 to vector<16xi32>
    %add3A_994 = arith.addi %mul3A_970, %add3A_993 : vector<16xi32>
    %gather3A_995 = tpu.vector_load_idx %arg5[%add3A_994] : memref<1024xf32, #tpu.memory_space<vmem>>[vector<16xi32>], vector<16xf32>,
    %gt3A_996 = arith.cmpf ogt, %gather3A_995, %select_n3A_988 : vector<16xf32>
    %select_n3A_997 = arith.select %gt3A_996, %gather3A_995, %select_n3A_988 : vector<16xi1>, vector<16xf32>
    %jit3A_998 = arith.constant 3 : i32
    %broadcast_in_dim3A_999 = vector.broadcast %jit3A_998 : i32 to vector<16xi32>
    %select_n3A_1000 = arith.select %gt3A_996, %broadcast_in_dim3A_999, %select_n3A_991 : vector<16xi1>, vector<16xi32>
    %add3A_1001 = arith.constant 4 : i32
    %add3A_1002 = vector.broadcast %add3A_1001 : i32 to vector<16xi32>
    %add3A_1003 = arith.addi %mul3A_970, %add3A_1002 : vector<16xi32>
    %gather3A_1004 = tpu.vector_load_idx %arg5[%add3A_1003] : memref<1024xf32, #tpu.memory_space<vmem>>[vector<16xi32>], vector<16xf32>,
    %gt3A_1005 = arith.cmpf ogt, %gather3A_1004, %select_n3A_997 : vector<16xf32>
    %select_n3A_1006 = arith.select %gt3A_1005, %gather3A_1004, %select_n3A_997 : vector<16xi1>, vector<16xf32>
    %jit3A_1007 = arith.constant 4 : i32
    %broadcast_in_dim3A_1008 = vector.broadcast %jit3A_1007 : i32 to vector<16xi32>
    %select_n3A_1009 = arith.select %gt3A_1005, %broadcast_in_dim3A_1008, %select_n3A_1000 : vector<16xi1>, vector<16xi32>
    %add3A_1010 = arith.constant 5 : i32
    %add3A_1011 = vector.broadcast %add3A_1010 : i32 to vector<16xi32>
    %add3A_1012 = arith.addi %mul3A_970, %add3A_1011 : vector<16xi32>
    %gather3A_1013 = tpu.vector_load_idx %arg5[%add3A_1012] : memref<1024xf32, #tpu.memory_space<vmem>>[vector<16xi32>], vector<16xf32>,
    %gt3A_1014 = arith.cmpf ogt, %gather3A_1013, %select_n3A_1006 : vector<16xf32>
    %select_n3A_1015 = arith.select %gt3A_1014, %gather3A_1013, %select_n3A_1006 : vector<16xi1>, vector<16xf32>
    %jit3A_1016 = arith.constant 5 : i32
    %broadcast_in_dim3A_1017 = vector.broadcast %jit3A_1016 : i32 to vector<16xi32>
    %select_n3A_1018 = arith.select %gt3A_1014, %broadcast_in_dim3A_1017, %select_n3A_1009 : vector<16xi1>, vector<16xi32>
    %add3A_1019 = arith.constant 6 : i32
    %add3A_1020 = vector.broadcast %add3A_1019 : i32 to vector<16xi32>
    %add3A_1021 = arith.addi %mul3A_970, %add3A_1020 : vector<16xi32>
    %gather3A_1022 = tpu.vector_load_idx %arg5[%add3A_1021] : memref<1024xf32, #tpu.memory_space<vmem>>[vector<16xi32>], vector<16xf32>,
    %gt3A_1023 = arith.cmpf ogt, %gather3A_1022, %select_n3A_1015 : vector<16xf32>
    %select_n3A_1024 = arith.select %gt3A_1023, %gather3A_1022, %select_n3A_1015 : vector<16xi1>, vector<16xf32>
    %jit3A_1025 = arith.constant 6 : i32
    %broadcast_in_dim3A_1026 = vector.broadcast %jit3A_1025 : i32 to vector<16xi32>
    %select_n3A_1027 = arith.select %gt3A_1023, %broadcast_in_dim3A_1026, %select_n3A_1018 : vector<16xi1>, vector<16xi32>
    %add3A_1028 = arith.constant 7 : i32
    %add3A_1029 = vector.broadcast %add3A_1028 : i32 to vector<16xi32>
    %add3A_1030 = arith.addi %mul3A_970, %add3A_1029 : vector<16xi32>
    %gather3A_1031 = tpu.vector_load_idx %arg5[%add3A_1030] : memref<1024xf32, #tpu.memory_space<vmem>>[vector<16xi32>], vector<16xf32>,
    %gt3A_1032 = arith.cmpf ogt, %gather3A_1031, %select_n3A_1024 : vector<16xf32>
    %select_n3A_1033 = arith.select %gt3A_1032, %gather3A_1031, %select_n3A_1024 : vector<16xi1>, vector<16xf32>
    %jit3A_1034 = arith.constant 7 : i32
    %broadcast_in_dim3A_1035 = vector.broadcast %jit3A_1034 : i32 to vector<16xi32>
    %select_n3A_1036 = arith.select %gt3A_1032, %broadcast_in_dim3A_1035, %select_n3A_1027 : vector<16xi1>, vector<16xi32>
    %add3A_1037 = arith.constant 8 : i32
    %add3A_1038 = vector.broadcast %add3A_1037 : i32 to vector<16xi32>
    %add3A_1039 = arith.addi %mul3A_970, %add3A_1038 : vector<16xi32>
    %gather3A_1040 = tpu.vector_load_idx %arg5[%add3A_1039] : memref<1024xf32, #tpu.memory_space<vmem>>[vector<16xi32>], vector<16xf32>,
    %gt3A_1041 = arith.cmpf ogt, %gather3A_1040, %select_n3A_1033 : vector<16xf32>
    %select_n3A_1042 = arith.select %gt3A_1041, %gather3A_1040, %select_n3A_1033 : vector<16xi1>, vector<16xf32>
    %jit3A_1043 = arith.constant 8 : i32
    %broadcast_in_dim3A_1044 = vector.broadcast %jit3A_1043 : i32 to vector<16xi32>
    %select_n3A_1045 = arith.select %gt3A_1041, %broadcast_in_dim3A_1044, %select_n3A_1036 : vector<16xi1>, vector<16xi32>
    %add3A_1046 = arith.constant 9 : i32
    %add3A_1047 = vector.broadcast %add3A_1046 : i32 to vector<16xi32>
    %add3A_1048 = arith.addi %mul3A_970, %add3A_1047 : vector<16xi32>
    %gather3A_1049 = tpu.vector_load_idx %arg5[%add3A_1048] : memref<1024xf32, #tpu.memory_space<vmem>>[vector<16xi32>], vector<16xf32>,
    %gt3A_1050 = arith.cmpf ogt, %gather3A_1049, %select_n3A_1042 : vector<16xf32>
    %select_n3A_1051 = arith.select %gt3A_1050, %gather3A_1049, %select_n3A_1042 : vector<16xi1>, vector<16xf32>
    %jit3A_1052 = arith.constant 9 : i32
    %broadcast_in_dim3A_1053 = vector.broadcast %jit3A_1052 : i32 to vector<16xi32>
    %select_n3A_1054 = arith.select %gt3A_1050, %broadcast_in_dim3A_1053, %select_n3A_1045 : vector<16xi1>, vector<16xi32>
    %add3A_1055 = arith.constant 10 : i32
    %add3A_1056 = vector.broadcast %add3A_1055 : i32 to vector<16xi32>
    %add3A_1057 = arith.addi %mul3A_970, %add3A_1056 : vector<16xi32>
    %gather3A_1058 = tpu.vector_load_idx %arg5[%add3A_1057] : memref<1024xf32, #tpu.memory_space<vmem>>[vector<16xi32>], vector<16xf32>,
    %gt3A_1059 = arith.cmpf ogt, %gather3A_1058, %select_n3A_1051 : vector<16xf32>
    %select_n3A_1060 = arith.select %gt3A_1059, %gather3A_1058, %select_n3A_1051 : vector<16xi1>, vector<16xf32>
    %jit3A_1061 = arith.constant 10 : i32
    %broadcast_in_dim3A_1062 = vector.broadcast %jit3A_1061 : i32 to vector<16xi32>
    %select_n3A_1063 = arith.select %gt3A_1059, %broadcast_in_dim3A_1062, %select_n3A_1054 : vector<16xi1>, vector<16xi32>
    %add3A_1064 = arith.constant 11 : i32
    %add3A_1065 = vector.broadcast %add3A_1064 : i32 to vector<16xi32>
    %add3A_1066 = arith.addi %mul3A_970, %add3A_1065 : vector<16xi32>
    %gather3A_1067 = tpu.vector_load_idx %arg5[%add3A_1066] : memref<1024xf32, #tpu.memory_space<vmem>>[vector<16xi32>], vector<16xf32>,
    %gt3A_1068 = arith.cmpf ogt, %gather3A_1067, %select_n3A_1060 : vector<16xf32>
    %select_n3A_1069 = arith.select %gt3A_1068, %gather3A_1067, %select_n3A_1060 : vector<16xi1>, vector<16xf32>
    %jit3A_1070 = arith.constant 11 : i32
    %broadcast_in_dim3A_1071 = vector.broadcast %jit3A_1070 : i32 to vector<16xi32>
    %select_n3A_1072 = arith.select %gt3A_1068, %broadcast_in_dim3A_1071, %select_n3A_1063 : vector<16xi1>, vector<16xi32>
    %add3A_1073 = arith.constant 12 : i32
    %add3A_1074 = vector.broadcast %add3A_1073 : i32 to vector<16xi32>
    %add3A_1075 = arith.addi %mul3A_970, %add3A_1074 : vector<16xi32>
    %gather3A_1076 = tpu.vector_load_idx %arg5[%add3A_1075] : memref<1024xf32, #tpu.memory_space<vmem>>[vector<16xi32>], vector<16xf32>,
    %gt3A_1077 = arith.cmpf ogt, %gather3A_1076, %select_n3A_1069 : vector<16xf32>
    %select_n3A_1078 = arith.select %gt3A_1077, %gather3A_1076, %select_n3A_1069 : vector<16xi1>, vector<16xf32>
    %jit3A_1079 = arith.constant 12 : i32
    %broadcast_in_dim3A_1080 = vector.broadcast %jit3A_1079 : i32 to vector<16xi32>
    %select_n3A_1081 = arith.select %gt3A_1077, %broadcast_in_dim3A_1080, %select_n3A_1072 : vector<16xi1>, vector<16xi32>
    %add3A_1082 = arith.constant 13 : i32
    %add3A_1083 = vector.broadcast %add3A_1082 : i32 to vector<16xi32>
    %add3A_1084 = arith.addi %mul3A_970, %add3A_1083 : vector<16xi32>
    %gather3A_1085 = tpu.vector_load_idx %arg5[%add3A_1084] : memref<1024xf32, #tpu.memory_space<vmem>>[vector<16xi32>], vector<16xf32>,
    %gt3A_1086 = arith.cmpf ogt, %gather3A_1085, %select_n3A_1078 : vector<16xf32>
    %select_n3A_1087 = arith.select %gt3A_1086, %gather3A_1085, %select_n3A_1078 : vector<16xi1>, vector<16xf32>
    %jit3A_1088 = arith.constant 13 : i32
    %broadcast_in_dim3A_1089 = vector.broadcast %jit3A_1088 : i32 to vector<16xi32>
    %select_n3A_1090 = arith.select %gt3A_1086, %broadcast_in_dim3A_1089, %select_n3A_1081 : vector<16xi1>, vector<16xi32>
    %add3A_1091 = arith.constant 14 : i32
    %add3A_1092 = vector.broadcast %add3A_1091 : i32 to vector<16xi32>
    %add3A_1093 = arith.addi %mul3A_970, %add3A_1092 : vector<16xi32>
    %gather3A_1094 = tpu.vector_load_idx %arg5[%add3A_1093] : memref<1024xf32, #tpu.memory_space<vmem>>[vector<16xi32>], vector<16xf32>,
    %gt3A_1095 = arith.cmpf ogt, %gather3A_1094, %select_n3A_1087 : vector<16xf32>
    %select_n3A_1096 = arith.select %gt3A_1095, %gather3A_1094, %select_n3A_1087 : vector<16xi1>, vector<16xf32>
    %jit3A_1097 = arith.constant 14 : i32
    %broadcast_in_dim3A_1098 = vector.broadcast %jit3A_1097 : i32 to vector<16xi32>
    %select_n3A_1099 = arith.select %gt3A_1095, %broadcast_in_dim3A_1098, %select_n3A_1090 : vector<16xi1>, vector<16xi32>
    %add3A_1100 = arith.constant 15 : i32
    %add3A_1101 = vector.broadcast %add3A_1100 : i32 to vector<16xi32>
    %add3A_1102 = arith.addi %mul3A_970, %add3A_1101 : vector<16xi32>
    %gather3A_1103 = tpu.vector_load_idx %arg5[%add3A_1102] : memref<1024xf32, #tpu.memory_space<vmem>>[vector<16xi32>], vector<16xf32>,
    %gt3A_1104 = arith.cmpf ogt, %gather3A_1103, %select_n3A_1096 : vector<16xf32>
    %select_n3A_1105 = arith.select %gt3A_1104, %gather3A_1103, %select_n3A_1096 : vector<16xi1>, vector<16xf32>
    %jit3A_1106 = arith.constant 15 : i32
    %broadcast_in_dim3A_1107 = vector.broadcast %jit3A_1106 : i32 to vector<16xi32>
    %select_n3A_1108 = arith.select %gt3A_1104, %broadcast_in_dim3A_1107, %select_n3A_1099 : vector<16xi1>, vector<16xi32>
    %swap3A_1109 = arith.constant 48 : index
    %swap3A_1110 = tpu.vector_load %arg6[%swap3A_1109] {strides = array<i32>} : memref<64xi32, #tpu.memory_space<vmem>>, vector<16xi32>,
    tpu.vector_store %arg6[%swap3A_1109], %select_n3A_1108 {strides = array<i32>} : memref<64xi32, #tpu.memory_space<vmem>>, vector<16xi32>,
    %eq3A_1111 = arith.constant 0 : i32
    %eq3A_1112 = vector.broadcast %eq3A_1111 : i32 to vector<16xi32>
    %eq3A_1113 = arith.cmpi eq, %select_n3A_1108, %eq3A_1112 : vector<16xi32>
    %all_reduce_population_count3A_1114 = tpu.all_reduce %eq3A_1113 {dim = 0 : i64, kind = #tpu.reduction_kind<sum>} : vector<16xi1> -> vector<16xi32>
    %eq3A_1115 = arith.constant 0 : i32
    %eq3A_1116 = vector.broadcast %eq3A_1115 : i32 to vector<16xi32>
    %eq3A_1117 = arith.cmpi eq, %iota3A, %eq3A_1116 : vector<16xi32>
    %jit3A_1118 = arith.constant 0 : i32
    %broadcast_in_dim3A_1119 = vector.broadcast %jit3A_1118 : i32 to vector<16xi32>
    %select_n3A_1120 = arith.select %eq3A_1117, %all_reduce_population_count3A_1114, %broadcast_in_dim3A_1119 : vector<16xi1>, vector<16xi32>
    %add3A_1121 = arith.addi %add3A_964, %select_n3A_1120 : vector<16xi32>
    %eq3A_1122 = arith.constant 1 : i32
    %eq3A_1123 = vector.broadcast %eq3A_1122 : i32 to vector<16xi32>
    %eq3A_1124 = arith.cmpi eq, %select_n3A_1108, %eq3A_1123 : vector<16xi32>
    %all_reduce_population_count3A_1125 = tpu.all_reduce %eq3A_1124 {dim = 0 : i64, kind = #tpu.reduction_kind<sum>} : vector<16xi1> -> vector<16xi32>
    %eq3A_1126 = arith.constant 1 : i32
    %eq3A_1127 = vector.broadcast %eq3A_1126 : i32 to vector<16xi32>
    %eq3A_1128 = arith.cmpi eq, %iota3A, %eq3A_1127 : vector<16xi32>
    %jit3A_1129 = arith.constant 0 : i32
    %broadcast_in_dim3A_1130 = vector.broadcast %jit3A_1129 : i32 to vector<16xi32>
    %select_n3A_1131 = arith.select %eq3A_1128, %all_reduce_population_count3A_1125, %broadcast_in_dim3A_1130 : vector<16xi1>, vector<16xi32>
    %add3A_1132 = arith.addi %add3A_1121, %select_n3A_1131 : vector<16xi32>
    %eq3A_1133 = arith.constant 2 : i32
    %eq3A_1134 = vector.broadcast %eq3A_1133 : i32 to vector<16xi32>
    %eq3A_1135 = arith.cmpi eq, %select_n3A_1108, %eq3A_1134 : vector<16xi32>
    %all_reduce_population_count3A_1136 = tpu.all_reduce %eq3A_1135 {dim = 0 : i64, kind = #tpu.reduction_kind<sum>} : vector<16xi1> -> vector<16xi32>
    %eq3A_1137 = arith.constant 2 : i32
    %eq3A_1138 = vector.broadcast %eq3A_1137 : i32 to vector<16xi32>
    %eq3A_1139 = arith.cmpi eq, %iota3A, %eq3A_1138 : vector<16xi32>
    %jit3A_1140 = arith.constant 0 : i32
    %broadcast_in_dim3A_1141 = vector.broadcast %jit3A_1140 : i32 to vector<16xi32>
    %select_n3A_1142 = arith.select %eq3A_1139, %all_reduce_population_count3A_1136, %broadcast_in_dim3A_1141 : vector<16xi1>, vector<16xi32>
    %add3A_1143 = arith.addi %add3A_1132, %select_n3A_1142 : vector<16xi32>
    %eq3A_1144 = arith.constant 3 : i32
    %eq3A_1145 = vector.broadcast %eq3A_1144 : i32 to vector<16xi32>
    %eq3A_1146 = arith.cmpi eq, %select_n3A_1108, %eq3A_1145 : vector<16xi32>
    %all_reduce_population_count3A_1147 = tpu.all_reduce %eq3A_1146 {dim = 0 : i64, kind = #tpu.reduction_kind<sum>} : vector<16xi1> -> vector<16xi32>
    %eq3A_1148 = arith.constant 3 : i32
    %eq3A_1149 = vector.broadcast %eq3A_1148 : i32 to vector<16xi32>
    %eq3A_1150 = arith.cmpi eq, %iota3A, %eq3A_1149 : vector<16xi32>
    %jit3A_1151 = arith.constant 0 : i32
    %broadcast_in_dim3A_1152 = vector.broadcast %jit3A_1151 : i32 to vector<16xi32>
    %select_n3A_1153 = arith.select %eq3A_1150, %all_reduce_population_count3A_1147, %broadcast_in_dim3A_1152 : vector<16xi1>, vector<16xi32>
    %add3A_1154 = arith.addi %add3A_1143, %select_n3A_1153 : vector<16xi32>
    %eq3A_1155 = arith.constant 4 : i32
    %eq3A_1156 = vector.broadcast %eq3A_1155 : i32 to vector<16xi32>
    %eq3A_1157 = arith.cmpi eq, %select_n3A_1108, %eq3A_1156 : vector<16xi32>
    %all_reduce_population_count3A_1158 = tpu.all_reduce %eq3A_1157 {dim = 0 : i64, kind = #tpu.reduction_kind<sum>} : vector<16xi1> -> vector<16xi32>
    %eq3A_1159 = arith.constant 4 : i32
    %eq3A_1160 = vector.broadcast %eq3A_1159 : i32 to vector<16xi32>
    %eq3A_1161 = arith.cmpi eq, %iota3A, %eq3A_1160 : vector<16xi32>
    %jit3A_1162 = arith.constant 0 : i32
    %broadcast_in_dim3A_1163 = vector.broadcast %jit3A_1162 : i32 to vector<16xi32>
    %select_n3A_1164 = arith.select %eq3A_1161, %all_reduce_population_count3A_1158, %broadcast_in_dim3A_1163 : vector<16xi1>, vector<16xi32>
    %add3A_1165 = arith.addi %add3A_1154, %select_n3A_1164 : vector<16xi32>
    %eq3A_1166 = arith.constant 5 : i32
    %eq3A_1167 = vector.broadcast %eq3A_1166 : i32 to vector<16xi32>
    %eq3A_1168 = arith.cmpi eq, %select_n3A_1108, %eq3A_1167 : vector<16xi32>
    %all_reduce_population_count3A_1169 = tpu.all_reduce %eq3A_1168 {dim = 0 : i64, kind = #tpu.reduction_kind<sum>} : vector<16xi1> -> vector<16xi32>
    %eq3A_1170 = arith.constant 5 : i32
    %eq3A_1171 = vector.broadcast %eq3A_1170 : i32 to vector<16xi32>
    %eq3A_1172 = arith.cmpi eq, %iota3A, %eq3A_1171 : vector<16xi32>
    %jit3A_1173 = arith.constant 0 : i32
    %broadcast_in_dim3A_1174 = vector.broadcast %jit3A_1173 : i32 to vector<16xi32>
    %select_n3A_1175 = arith.select %eq3A_1172, %all_reduce_population_count3A_1169, %broadcast_in_dim3A_1174 : vector<16xi1>, vector<16xi32>
    %add3A_1176 = arith.addi %add3A_1165, %select_n3A_1175 : vector<16xi32>
    %eq3A_1177 = arith.constant 6 : i32
    %eq3A_1178 = vector.broadcast %eq3A_1177 : i32 to vector<16xi32>
    %eq3A_1179 = arith.cmpi eq, %select_n3A_1108, %eq3A_1178 : vector<16xi32>
    %all_reduce_population_count3A_1180 = tpu.all_reduce %eq3A_1179 {dim = 0 : i64, kind = #tpu.reduction_kind<sum>} : vector<16xi1> -> vector<16xi32>
    %eq3A_1181 = arith.constant 6 : i32
    %eq3A_1182 = vector.broadcast %eq3A_1181 : i32 to vector<16xi32>
    %eq3A_1183 = arith.cmpi eq, %iota3A, %eq3A_1182 : vector<16xi32>
    %jit3A_1184 = arith.constant 0 : i32
    %broadcast_in_dim3A_1185 = vector.broadcast %jit3A_1184 : i32 to vector<16xi32>
    %select_n3A_1186 = arith.select %eq3A_1183, %all_reduce_population_count3A_1180, %broadcast_in_dim3A_1185 : vector<16xi1>, vector<16xi32>
    %add3A_1187 = arith.addi %add3A_1176, %select_n3A_1186 : vector<16xi32>
    %eq3A_1188 = arith.constant 7 : i32
    %eq3A_1189 = vector.broadcast %eq3A_1188 : i32 to vector<16xi32>
    %eq3A_1190 = arith.cmpi eq, %select_n3A_1108, %eq3A_1189 : vector<16xi32>
    %all_reduce_population_count3A_1191 = tpu.all_reduce %eq3A_1190 {dim = 0 : i64, kind = #tpu.reduction_kind<sum>} : vector<16xi1> -> vector<16xi32>
    %eq3A_1192 = arith.constant 7 : i32
    %eq3A_1193 = vector.broadcast %eq3A_1192 : i32 to vector<16xi32>
    %eq3A_1194 = arith.cmpi eq, %iota3A, %eq3A_1193 : vector<16xi32>
    %jit3A_1195 = arith.constant 0 : i32
    %broadcast_in_dim3A_1196 = vector.broadcast %jit3A_1195 : i32 to vector<16xi32>
    %select_n3A_1197 = arith.select %eq3A_1194, %all_reduce_population_count3A_1191, %broadcast_in_dim3A_1196 : vector<16xi1>, vector<16xi32>
    %add3A_1198 = arith.addi %add3A_1187, %select_n3A_1197 : vector<16xi32>
    %eq3A_1199 = arith.constant 8 : i32
    %eq3A_1200 = vector.broadcast %eq3A_1199 : i32 to vector<16xi32>
    %eq3A_1201 = arith.cmpi eq, %select_n3A_1108, %eq3A_1200 : vector<16xi32>
    %all_reduce_population_count3A_1202 = tpu.all_reduce %eq3A_1201 {dim = 0 : i64, kind = #tpu.reduction_kind<sum>} : vector<16xi1> -> vector<16xi32>
    %eq3A_1203 = arith.constant 8 : i32
    %eq3A_1204 = vector.broadcast %eq3A_1203 : i32 to vector<16xi32>
    %eq3A_1205 = arith.cmpi eq, %iota3A, %eq3A_1204 : vector<16xi32>
    %jit3A_1206 = arith.constant 0 : i32
    %broadcast_in_dim3A_1207 = vector.broadcast %jit3A_1206 : i32 to vector<16xi32>
    %select_n3A_1208 = arith.select %eq3A_1205, %all_reduce_population_count3A_1202, %broadcast_in_dim3A_1207 : vector<16xi1>, vector<16xi32>
    %add3A_1209 = arith.addi %add3A_1198, %select_n3A_1208 : vector<16xi32>
    %eq3A_1210 = arith.constant 9 : i32
    %eq3A_1211 = vector.broadcast %eq3A_1210 : i32 to vector<16xi32>
    %eq3A_1212 = arith.cmpi eq, %select_n3A_1108, %eq3A_1211 : vector<16xi32>
    %all_reduce_population_count3A_1213 = tpu.all_reduce %eq3A_1212 {dim = 0 : i64, kind = #tpu.reduction_kind<sum>} : vector<16xi1> -> vector<16xi32>
    %eq3A_1214 = arith.constant 9 : i32
    %eq3A_1215 = vector.broadcast %eq3A_1214 : i32 to vector<16xi32>
    %eq3A_1216 = arith.cmpi eq, %iota3A, %eq3A_1215 : vector<16xi32>
    %jit3A_1217 = arith.constant 0 : i32
    %broadcast_in_dim3A_1218 = vector.broadcast %jit3A_1217 : i32 to vector<16xi32>
    %select_n3A_1219 = arith.select %eq3A_1216, %all_reduce_population_count3A_1213, %broadcast_in_dim3A_1218 : vector<16xi1>, vector<16xi32>
    %add3A_1220 = arith.addi %add3A_1209, %select_n3A_1219 : vector<16xi32>
    %eq3A_1221 = arith.constant 10 : i32
    %eq3A_1222 = vector.broadcast %eq3A_1221 : i32 to vector<16xi32>
    %eq3A_1223 = arith.cmpi eq, %select_n3A_1108, %eq3A_1222 : vector<16xi32>
    %all_reduce_population_count3A_1224 = tpu.all_reduce %eq3A_1223 {dim = 0 : i64, kind = #tpu.reduction_kind<sum>} : vector<16xi1> -> vector<16xi32>
    %eq3A_1225 = arith.constant 10 : i32
    %eq3A_1226 = vector.broadcast %eq3A_1225 : i32 to vector<16xi32>
    %eq3A_1227 = arith.cmpi eq, %iota3A, %eq3A_1226 : vector<16xi32>
    %jit3A_1228 = arith.constant 0 : i32
    %broadcast_in_dim3A_1229 = vector.broadcast %jit3A_1228 : i32 to vector<16xi32>
    %select_n3A_1230 = arith.select %eq3A_1227, %all_reduce_population_count3A_1224, %broadcast_in_dim3A_1229 : vector<16xi1>, vector<16xi32>
    %add3A_1231 = arith.addi %add3A_1220, %select_n3A_1230 : vector<16xi32>
    %eq3A_1232 = arith.constant 11 : i32
    %eq3A_1233 = vector.broadcast %eq3A_1232 : i32 to vector<16xi32>
    %eq3A_1234 = arith.cmpi eq, %select_n3A_1108, %eq3A_1233 : vector<16xi32>
    %all_reduce_population_count3A_1235 = tpu.all_reduce %eq3A_1234 {dim = 0 : i64, kind = #tpu.reduction_kind<sum>} : vector<16xi1> -> vector<16xi32>
    %eq3A_1236 = arith.constant 11 : i32
    %eq3A_1237 = vector.broadcast %eq3A_1236 : i32 to vector<16xi32>
    %eq3A_1238 = arith.cmpi eq, %iota3A, %eq3A_1237 : vector<16xi32>
    %jit3A_1239 = arith.constant 0 : i32
    %broadcast_in_dim3A_1240 = vector.broadcast %jit3A_1239 : i32 to vector<16xi32>
    %select_n3A_1241 = arith.select %eq3A_1238, %all_reduce_population_count3A_1235, %broadcast_in_dim3A_1240 : vector<16xi1>, vector<16xi32>
    %add3A_1242 = arith.addi %add3A_1231, %select_n3A_1241 : vector<16xi32>
    %eq3A_1243 = arith.constant 12 : i32
    %eq3A_1244 = vector.broadcast %eq3A_1243 : i32 to vector<16xi32>
    %eq3A_1245 = arith.cmpi eq, %select_n3A_1108, %eq3A_1244 : vector<16xi32>
    %all_reduce_population_count3A_1246 = tpu.all_reduce %eq3A_1245 {dim = 0 : i64, kind = #tpu.reduction_kind<sum>} : vector<16xi1> -> vector<16xi32>
    %eq3A_1247 = arith.constant 12 : i32
    %eq3A_1248 = vector.broadcast %eq3A_1247 : i32 to vector<16xi32>
    %eq3A_1249 = arith.cmpi eq, %iota3A, %eq3A_1248 : vector<16xi32>
    %jit3A_1250 = arith.constant 0 : i32
    %broadcast_in_dim3A_1251 = vector.broadcast %jit3A_1250 : i32 to vector<16xi32>
    %select_n3A_1252 = arith.select %eq3A_1249, %all_reduce_population_count3A_1246, %broadcast_in_dim3A_1251 : vector<16xi1>, vector<16xi32>
    %add3A_1253 = arith.addi %add3A_1242, %select_n3A_1252 : vector<16xi32>
    %eq3A_1254 = arith.constant 13 : i32
    %eq3A_1255 = vector.broadcast %eq3A_1254 : i32 to vector<16xi32>
    %eq3A_1256 = arith.cmpi eq, %select_n3A_1108, %eq3A_1255 : vector<16xi32>
    %all_reduce_population_count3A_1257 = tpu.all_reduce %eq3A_1256 {dim = 0 : i64, kind = #tpu.reduction_kind<sum>} : vector<16xi1> -> vector<16xi32>
    %eq3A_1258 = arith.constant 13 : i32
    %eq3A_1259 = vector.broadcast %eq3A_1258 : i32 to vector<16xi32>
    %eq3A_1260 = arith.cmpi eq, %iota3A, %eq3A_1259 : vector<16xi32>
    %jit3A_1261 = arith.constant 0 : i32
    %broadcast_in_dim3A_1262 = vector.broadcast %jit3A_1261 : i32 to vector<16xi32>
    %select_n3A_1263 = arith.select %eq3A_1260, %all_reduce_population_count3A_1257, %broadcast_in_dim3A_1262 : vector<16xi1>, vector<16xi32>
    %add3A_1264 = arith.addi %add3A_1253, %select_n3A_1263 : vector<16xi32>
    %eq3A_1265 = arith.constant 14 : i32
    %eq3A_1266 = vector.broadcast %eq3A_1265 : i32 to vector<16xi32>
    %eq3A_1267 = arith.cmpi eq, %select_n3A_1108, %eq3A_1266 : vector<16xi32>
    %all_reduce_population_count3A_1268 = tpu.all_reduce %eq3A_1267 {dim = 0 : i64, kind = #tpu.reduction_kind<sum>} : vector<16xi1> -> vector<16xi32>
    %eq3A_1269 = arith.constant 14 : i32
    %eq3A_1270 = vector.broadcast %eq3A_1269 : i32 to vector<16xi32>
    %eq3A_1271 = arith.cmpi eq, %iota3A, %eq3A_1270 : vector<16xi32>
    %jit3A_1272 = arith.constant 0 : i32
    %broadcast_in_dim3A_1273 = vector.broadcast %jit3A_1272 : i32 to vector<16xi32>
    %select_n3A_1274 = arith.select %eq3A_1271, %all_reduce_population_count3A_1268, %broadcast_in_dim3A_1273 : vector<16xi1>, vector<16xi32>
    %add3A_1275 = arith.addi %add3A_1264, %select_n3A_1274 : vector<16xi32>
    %eq3A_1276 = arith.constant 15 : i32
    %eq3A_1277 = vector.broadcast %eq3A_1276 : i32 to vector<16xi32>
    %eq3A_1278 = arith.cmpi eq, %select_n3A_1108, %eq3A_1277 : vector<16xi32>
    %all_reduce_population_count3A_1279 = tpu.all_reduce %eq3A_1278 {dim = 0 : i64, kind = #tpu.reduction_kind<sum>} : vector<16xi1> -> vector<16xi32>
    %eq3A_1280 = arith.constant 15 : i32
    %eq3A_1281 = vector.broadcast %eq3A_1280 : i32 to vector<16xi32>
    %eq3A_1282 = arith.cmpi eq, %iota3A, %eq3A_1281 : vector<16xi32>
    %jit3A_1283 = arith.constant 0 : i32
    %broadcast_in_dim3A_1284 = vector.broadcast %jit3A_1283 : i32 to vector<16xi32>
    %select_n3A_1285 = arith.select %eq3A_1282, %all_reduce_population_count3A_1279, %broadcast_in_dim3A_1284 : vector<16xi1>, vector<16xi32>
    %add3A_1286 = arith.addi %add3A_1275, %select_n3A_1285 : vector<16xi32>
    %swap3A_1287 = arith.constant 0 : i32
    %swap3A_1288 = arith.index_cast %swap3A_1287 : i32 to index
    %swap3A_1289 = arith.constant 0 : index
    %swap3A_1290 = tpu.vector_load %arg7[%swap3A_1288, %swap3A_1289] {strides = array<i32>} : memref<1x16xi32, #tpu.memory_space<vmem>>, vector<16xi32>,
    tpu.vector_store %arg7[%swap3A_1288, %swap3A_1289], %add3A_1286 {strides = array<i32>} : memref<1x16xi32, #tpu.memory_space<vmem>>, vector<16xi32>,
    "tpu.region"() ({
      %run_scoped3A = tpu.sem_alloc : memref<!tpu.dma_semaphore, #tpu.memory_space<semaphore_mem>>
      %dma_start3A = tpu.memref_slice %arg3[%mul3A_2] : memref<2048xi32, #tpu.memory_space<hbm>> -> memref<64xi32, #tpu.memory_space<hbm>>
      %dma_start3A_1291 = tpu.memref_slice %arg3[%mul3A_2] : memref<2048xi32, #tpu.memory_space<hbm>> -> memref<64xi32, #tpu.memory_space<hbm>>
      tpu.enqueue_dma source(%arg6 : memref<64xi32, #tpu.memory_space<vmem>>) target(%dma_start3A_1291 : memref<64xi32, #tpu.memory_space<hbm>>) target_semaphore(%run_scoped3A : memref<!tpu.dma_semaphore, #tpu.memory_space<semaphore_mem>>)
      %dma_wait3A = tpu.memref_slice %arg3[%mul3A_2] : memref<2048xi32, #tpu.memory_space<hbm>> -> memref<64xi32, #tpu.memory_space<hbm>>
      %dma_wait3A_1292 = tpu.memref_slice %arg3[%mul3A_2] : memref<2048xi32, #tpu.memory_space<hbm>> -> memref<64xi32, #tpu.memory_space<hbm>>
      tpu.wait_dma2 semaphore(%run_scoped3A : memref<!tpu.dma_semaphore, #tpu.memory_space<semaphore_mem>>) src(%arg6 : memref<64xi32, #tpu.memory_space<vmem>>) dst(%dma_wait3A_1292 : memref<64xi32, #tpu.memory_space<hbm>>)
      tpu.yield
    }) : () -> ()
    "tpu.region"() ({
      %run_scoped3A = tpu.sem_alloc : memref<!tpu.dma_semaphore, #tpu.memory_space<semaphore_mem>>
      %dma_start3A = arith.constant 0 : i32
      %dma_start3A_1291 = tpu.memref_slice %arg4[%add3A, %dma_start3A] : memref<32x16xi32, #tpu.memory_space<hbm>> -> memref<1x16xi32, #tpu.memory_space<hbm>>
      %dma_start3A_1292 = arith.constant 0 : i32
      %dma_start3A_1293 = tpu.memref_slice %arg4[%add3A, %dma_start3A_1292] : memref<32x16xi32, #tpu.memory_space<hbm>> -> memref<1x16xi32, #tpu.memory_space<hbm>>
      tpu.enqueue_dma source(%arg7 : memref<1x16xi32, #tpu.memory_space<vmem>>) target(%dma_start3A_1293 : memref<1x16xi32, #tpu.memory_space<hbm>>) target_semaphore(%run_scoped3A : memref<!tpu.dma_semaphore, #tpu.memory_space<semaphore_mem>>)
      %dma_wait3A = arith.constant 0 : i32
      %dma_wait3A_1294 = tpu.memref_slice %arg4[%add3A, %dma_wait3A] : memref<32x16xi32, #tpu.memory_space<hbm>> -> memref<1x16xi32, #tpu.memory_space<hbm>>
      %dma_wait3A_1295 = arith.constant 0 : i32
      %dma_wait3A_1296 = tpu.memref_slice %arg4[%add3A, %dma_wait3A_1295] : memref<32x16xi32, #tpu.memory_space<hbm>> -> memref<1x16xi32, #tpu.memory_space<hbm>>
      tpu.wait_dma2 semaphore(%run_scoped3A : memref<!tpu.dma_semaphore, #tpu.memory_space<semaphore_mem>>) src(%arg7 : memref<1x16xi32, #tpu.memory_space<vmem>>) dst(%dma_wait3A_1296 : memref<1x16xi32, #tpu.memory_space<hbm>>)
      tpu.yield
    }) : () -> ()
    return
  }
}

module attributes {stable_mosaic.version = 14 : i64} {
  func.func @_ffn_body(%arg0: i32, %arg1: memref<48xi32, #tpu.memory_space<smem>>, %arg2: memref<256x768xf32, #tpu.memory_space<vmem>>, %arg3: memref<1x1024x768xf32, #tpu.memory_space<vmem>>, %arg4: memref<1x1024x768xf32, #tpu.memory_space<vmem>>, %arg5: memref<1x768x1024xf32, #tpu.memory_space<vmem>>, %arg6: memref<256x768xf32, #tpu.memory_space<vmem>>) attributes {dimension_semantics = [#tpu.dimension_semantics<arbitrary>], iteration_bounds = array<i64: 24>, scalar_prefetch = 1 : i64, scratch_operands = 0 : i64, tpu.core_type = #tpu.core_type<tc>, window_params = [{transform_indices = @transform_0, window_bounds = array<i64: 256, 768>}, {transform_indices = @transform_1, window_bounds = array<i64: 1, 1024, 768>}, {transform_indices = @transform_2, window_bounds = array<i64: 1, 1024, 768>}, {transform_indices = @transform_3, window_bounds = array<i64: 1, 768, 1024>}, {transform_indices = @transform_4, window_bounds = array<i64: 256, 768>}]} {
    %get3A = arith.constant 32 : index
    %get3A_0 = memref.load %arg1[%get3A] : memref<48xi32, #tpu.memory_space<smem>>
    %lt3A = arith.cmpi slt, %arg0, %get3A_0 : i32
    %convert_element_type3A = arith.extui %lt3A : i1 to i32
    %cond3A = arith.constant 0 : i32
    %cond3A_1 = arith.cmpi ne, %convert_element_type3A, %cond3A : i32
    scf.if %cond3A_1 {
      %get3A_2 = arith.constant 0 : index
      %get3A_3 = arith.constant 0 : index
      %get3A_4 = vector.load %arg2[%get3A_2, %get3A_3] : memref<256x768xf32, #tpu.memory_space<vmem>>, vector<256x768xf32>
      %convert_element_type3A_5 = arith.truncf %get3A_4 : vector<256x768xf32> to vector<256x768xbf16>
      %get3A_6 = arith.constant 0 : index
      %get3A_7 = arith.constant 0 : index
      %get3A_8 = arith.constant 0 : index
      %get3A_9 = vector.load %arg3[%get3A_6, %get3A_7, %get3A_8] : memref<1x1024x768xf32, #tpu.memory_space<vmem>>, vector<1x1024x768xf32>
      %get3A_10 = vector.shape_cast %get3A_9 : vector<1x1024x768xf32> to vector<1024x768xf32>
      %convert_element_type3A_11 = arith.truncf %get3A_10 : vector<1024x768xf32> to vector<1024x768xbf16>
      %dot_general3A = arith.constant dense<0.000000e+00> : vector<256x1024xf32>
      %dot_general3A_12 = tpu.matmul %convert_element_type3A_5, %convert_element_type3A_11, %dot_general3A {dimension_numbers = #tpu.dot_dimension_numbers<[1], [1], [0], [0], [0, 0, 1, 0], [], []>, transpose_lhs_hint = false} : vector<256x768xbf16>, vector<1024x768xbf16>, vector<256x1024xf32> -> vector<256x1024xf32>
      %get3A_13 = arith.constant 0 : index
      %get3A_14 = arith.constant 0 : index
      %get3A_15 = arith.constant 0 : index
      %get3A_16 = vector.load %arg4[%get3A_13, %get3A_14, %get3A_15] : memref<1x1024x768xf32, #tpu.memory_space<vmem>>, vector<1x1024x768xf32>
      %get3A_17 = vector.shape_cast %get3A_16 : vector<1x1024x768xf32> to vector<1024x768xf32>
      %convert_element_type3A_18 = arith.truncf %get3A_17 : vector<1024x768xf32> to vector<1024x768xbf16>
      %dot_general3A_19 = arith.constant dense<0.000000e+00> : vector<256x1024xf32>
      %dot_general3A_20 = tpu.matmul %convert_element_type3A_5, %convert_element_type3A_18, %dot_general3A_19 {dimension_numbers = #tpu.dot_dimension_numbers<[1], [1], [0], [0], [0, 0, 1, 0], [], []>, transpose_lhs_hint = false} : vector<256x768xbf16>, vector<1024x768xbf16>, vector<256x1024xf32> -> vector<256x1024xf32>
      %logistic3A = arith.negf %dot_general3A_12 : vector<256x1024xf32>
      %logistic3A_21 = math.exp %logistic3A : vector<256x1024xf32>
      %logistic3A_22 = arith.constant 1.000000e+00 : f32
      %logistic3A_23 = vector.broadcast %logistic3A_22 : f32 to vector<256x1024xf32>
      %logistic3A_24 = arith.addf %logistic3A_23, %logistic3A_21 : vector<256x1024xf32>
      %logistic3A_25 = arith.divf %logistic3A_23, %logistic3A_24 : vector<256x1024xf32>
      %mul3A = arith.mulf %dot_general3A_12, %logistic3A_25 : vector<256x1024xf32>
      %mul3A_26 = arith.mulf %mul3A, %dot_general3A_20 : vector<256x1024xf32>
      %convert_element_type3A_27 = arith.truncf %mul3A_26 : vector<256x1024xf32> to vector<256x1024xbf16>
      %get3A_28 = arith.constant 0 : index
      %get3A_29 = arith.constant 0 : index
      %get3A_30 = arith.constant 0 : index
      %get3A_31 = vector.load %arg5[%get3A_28, %get3A_29, %get3A_30] : memref<1x768x1024xf32, #tpu.memory_space<vmem>>, vector<1x768x1024xf32>
      %get3A_32 = vector.shape_cast %get3A_31 : vector<1x768x1024xf32> to vector<768x1024xf32>
      %convert_element_type3A_33 = arith.truncf %get3A_32 : vector<768x1024xf32> to vector<768x1024xbf16>
      %dot_general3A_34 = arith.constant dense<0.000000e+00> : vector<256x768xf32>
      %dot_general3A_35 = tpu.matmul %convert_element_type3A_27, %convert_element_type3A_33, %dot_general3A_34 {dimension_numbers = #tpu.dot_dimension_numbers<[1], [1], [0], [0], [0, 0, 1, 0], [], []>, transpose_lhs_hint = false} : vector<256x1024xbf16>, vector<768x1024xbf16>, vector<256x768xf32> -> vector<256x768xf32>
      %swap3A = arith.constant 0 : index
      %swap3A_36 = arith.constant 0 : index
      %swap3A_37 = vector.load %arg6[%swap3A, %swap3A_36] : memref<256x768xf32, #tpu.memory_space<vmem>>, vector<256x768xf32>
      tpu.vector_store %arg6[%swap3A, %swap3A_36], %dot_general3A_35 {strides = array<i32>} : memref<256x768xf32, #tpu.memory_space<vmem>>, vector<256x768xf32>,
    } else {
    }
    return
  }
  func.func @transform_0(%arg0: i32, %arg1: memref<48xi32, #tpu.memory_space<smem>>) -> (i32, i32) {
    %get3A = arith.constant 32 : index
    %get3A_0 = memref.load %arg1[%get3A] : memref<48xi32, #tpu.memory_space<smem>>
    %sub3A = arith.constant 1 : i32
    %sub3A_1 = arith.subi %get3A_0, %sub3A : i32
    %min3A = arith.minsi %arg0, %sub3A_1 : i32
    %c0_i32 = arith.constant 0 : i32
    %c0_i32_2 = arith.constant 0 : i32
    return %min3A, %c0_i32 : i32, i32
  }
  func.func @transform_1(%arg0: i32, %arg1: memref<48xi32, #tpu.memory_space<smem>>) -> (i32, i32, i32) {
    %get3A = arith.index_cast %arg0 : i32 to index
    %get3A_0 = memref.load %arg1[%get3A] : memref<48xi32, #tpu.memory_space<smem>>
    %c0_i32 = arith.constant 0 : i32
    %c0_i32_1 = arith.constant 0 : i32
    %c0_i32_2 = arith.constant 0 : i32
    return %get3A_0, %c0_i32, %c0_i32_1 : i32, i32, i32
  }
  func.func @transform_2(%arg0: i32, %arg1: memref<48xi32, #tpu.memory_space<smem>>) -> (i32, i32, i32) {
    %get3A = arith.index_cast %arg0 : i32 to index
    %get3A_0 = memref.load %arg1[%get3A] : memref<48xi32, #tpu.memory_space<smem>>
    %c0_i32 = arith.constant 0 : i32
    %c0_i32_1 = arith.constant 0 : i32
    %c0_i32_2 = arith.constant 0 : i32
    return %get3A_0, %c0_i32, %c0_i32_1 : i32, i32, i32
  }
  func.func @transform_3(%arg0: i32, %arg1: memref<48xi32, #tpu.memory_space<smem>>) -> (i32, i32, i32) {
    %get3A = arith.index_cast %arg0 : i32 to index
    %get3A_0 = memref.load %arg1[%get3A] : memref<48xi32, #tpu.memory_space<smem>>
    %c0_i32 = arith.constant 0 : i32
    %c0_i32_1 = arith.constant 0 : i32
    %c0_i32_2 = arith.constant 0 : i32
    return %get3A_0, %c0_i32, %c0_i32_1 : i32, i32, i32
  }
  func.func @transform_4(%arg0: i32, %arg1: memref<48xi32, #tpu.memory_space<smem>>) -> (i32, i32) {
    %get3A = arith.constant 32 : index
    %get3A_0 = memref.load %arg1[%get3A] : memref<48xi32, #tpu.memory_space<smem>>
    %sub3A = arith.constant 1 : i32
    %sub3A_1 = arith.subi %get3A_0, %sub3A : i32
    %min3A = arith.minsi %arg0, %sub3A_1 : i32
    %c0_i32 = arith.constant 0 : i32
    %c0_i32_2 = arith.constant 0 : i32
    return %min3A, %c0_i32 : i32, i32
  }
}

</mosaic_0001>

<sc_bundles>
// kernel: kernel.12.cloned.1.call-start
scs
__scs_entry_jumppad:
0x0: {  	(pc) =	sbr.rel $0x88, $3  }
0x1: {  	(tag) =	ssettag $0x0;
	lr =	simm.s32 $0x1  }
0x2: {  	[smem:$0x3F9C] =	sst lr;
	_ =	strace $0xD0000000  }
0x3: {  	_ = 	snop  }
0x4: {  	_ = 	snop  }
0x5: {  	_ = 	snop  }
0x6: {  	_ = 	snop  }
0x7: {  	_ = 	snop  }
__scs_overlays_trampoline_lowered:
0x8: {  	[smem:$0x3FAB] =	sst s0  }
0x9: {  	[smem:$0x3FAC] =	sst s1  }
0xa: {  	[smem:$0x3FAD] =	sst s2  }
0xb: {  	[smem:$0x3FAE] =	sst s3  }
0xc: {  	[smem:$0x3FAF] =	sst s4  }
0xd: {  	[smem:$0x3FB0] =	sst s5  }
0xe: {  	[smem:$0x3FB1] =	sst s6  }
0xf: {  	[smem:$0x3FB2] =	sst s7  }
0x10: {  	[smem:$0x3FB3] =	sst s8  }
0x11: {  	[smem:$0x3FB4] =	sst s9;
	s0 =	simm.s32 @!p0 $0x0  }
0x12: {  	s1 =	sld [smem:$0x3F9A];
	s0 =	simm.s32 @p0 $0x1  }
0x13: {  	[smem:$0x3FB5] =	sst s0;
	s0 =	simm.s32 @!p1 $0x0  }
0x14: {  	s2 =	sld [smem:$0x3F99];
	s0 =	simm.s32 @p1 $0x1  }
0x15: {  	[smem:$0x3FB6] =	sst s0;
	s0 =	simm.s32 @!p2 $0x0  }
0x16: {  	s3 =	sld [smem:$0x3FDB];
	s0 =	simm.s32 @p2 $0x1  }
0x17: {  	s4 =	simm.s32 $0x1BF5;
	[smem:$0x3FB8] =	sst s0  }
0x18: {  	s0 =	sld [smem:$0x3F9B];
	_ =	swait.ge [sflag:s4], $0x0  }
0x19: {  	s7 =	sld [smem:$0x3F9C]  }
0x1a: {  	s8 =	sadd.s32 $0xFFFFE003, lr  }
0x1b: {  	s9 =	sadd.s32 $0xFFFFFEF7, lr;
	s5 =	simm.s32 $0xFFFFFFFF;
	p2 =	slt.u32 s8, $0xFFFFF086  }
0x1c: {  	p1 =	slt.u32 s9, $0xF7A;
	s5 =	simm.s32 @!p2 $0x0  }
0x1d: {  	s5 =	simm.s32 @p1 $0x1;
	p0 =	seq.s32 s7, s2  }
0x1e: {  	s7 =	smul.u32 @!p0 $0xF7A, s2;
	p2 =	seq.s32 @!p0 s5, $0x0  }
0x1f: {  	s9 =	smul.u32 $0xF7A, s1;
	s8 =	simm.s32 @!p0 $0x1BF5;
	p2 =	por !p2, p0  }
0x20: {  	[sflag:s8] =	ssyncset.s32 @!p0 $0xFFFFF086;
	s6 =	sadd.s32 @!p0 s3, s7;
	s7 =	simm.s32 @!p0 $0x108  }
0x21: {  	s3 =	sadd.s32 s3, s9;
	s6 =	sadd.s32 @!p0 $0x88, s6;
	s7 =	simm.s32 @p2 $0x1082  }
0x22: {  	[simem:s7], [sflag:s8] =	dma.local @!p0 [hbm:s6], $0xF7A  }
0x23: {  	s9 =	sor.u32 $0xD0000000, s2;
	s6 =	simm.s32 $0x108;
	_ =	swait.ge @!p0 [sflag:s8], $0x0  }
0x24: {  	s3 =	sadd.s32 $0x88, s3;
	s6 =	simm.s32 @!p1 $0x1082;
	[sflag:s4] =	ssyncset.s32 $0xFFFFF086  }
0x25: {  	[simem:s6], [sflag:s4] =	dma.local [hbm:s3], $0xF7A  }
0x26: {  	[smem:$0x3F9C] =	sst s1;
	(tag) =	ssettag s2;
	_ =	strace s9  }
0x27: {  	s1 =	sld [smem:$0x3FAC]  }
0x28: {  	s2 =	sld [smem:$0x3FAD]  }
0x29: {  	s4 =	sld [smem:$0x3FAF]  }
0x2a: {  	p0 =	seq.s32 s5, $0x0;
	s5 =	sld [smem:$0x3FB0]  }
0x2b: {  	s6 =	sld [smem:$0x3FB1]  }
0x2c: {  	s7 =	sld [smem:$0x3FB2]  }
0x2d: {  	s3 =	simm.s32 $0x108;
	s8 =	sld [smem:$0x3FB3]  }
0x2e: {  	s3 =	simm.s32 @!p0 $0x1082;
	s9 =	sld [smem:$0x3FB4]  }
0x2f: {  	lr =	sadd.s32 s0, s3;
	s0 =	sld [smem:$0x3FAB]  }
0x30: {  	s3 =	sld [smem:$0x3FAE]  }
0x31: {  	[smem:$0x3FB7] =	sst s10  }
0x32: {  	s10 =	sld [smem:$0x3FB5];
	_ =	sdelay $0x3  }
0x33: {  	p0 =	seq.s32 s10, $0x1;
	s10 =	sld [smem:$0x3FB7];
	_ =	sdelay $0x3  }
0x34: {  	[smem:$0x3FB7] =	sst s10  }
0x35: {  	s10 =	sld [smem:$0x3FB6];
	_ =	sdelay $0x3  }
0x36: {  	p1 =	seq.s32 s10, $0x1;
	s10 =	sld [smem:$0x3FB7];
	_ =	sdelay $0x3  }
0x37: {  	[smem:$0x3FB7] =	sst s10  }
0x38: {  	s10 =	sld [smem:$0x3FB8]  }
0x39: {  	_ = 	snop;
	(pc) =	sbr.ind lr, $3  }
0x3a: {  	_ = 	snop  }
0x3b: {  	_ = 	snop  }
0x3c: {  	p2 =	seq.s32 s10, $0x1;
	s10 =	sld [smem:$0x3FB7]  }
0x3d: {  	_ =	shalt  }
0x3e: {  	_ =	shalt  }
0x3f: {  	_ =	shalt  }
0x40: {  	_ =	shalt  }
0x41: {  	_ =	shalt  }
0x42: {  	_ =	shalt  }
0x43: {  	_ =	shalt  }
0x44: {  	_ =	shalt  }
0x45: {  	_ =	shalt  }
0x46: {  	_ =	shalt  }
0x47: {  	_ =	shalt  }
0x48: {  	_ =	shalt  }
0x49: {  	_ =	shalt  }
0x4a: {  	_ =	shalt  }
0x4b: {  	_ =	shalt  }
0x4c: {  	_ =	shalt  }
0x4d: {  	_ =	shalt  }
0x4e: {  	_ =	shalt  }
0x4f: {  	_ =	shalt  }
0x50: {  	_ =	shalt  }
0x51: {  	_ =	shalt  }
0x52: {  	_ =	shalt  }
0x53: {  	_ =	shalt  }
0x54: {  	_ =	shalt  }
0x55: {  	_ =	shalt  }
0x56: {  	_ =	shalt  }
0x57: {  	_ =	shalt  }
0x58: {  	_ =	shalt  }
0x59: {  	_ =	shalt  }
0x5a: {  	_ =	shalt  }
0x5b: {  	_ =	shalt  }
0x5c: {  	_ =	shalt  }
0x5d: {  	_ =	shalt  }
0x5e: {  	_ =	shalt  }
0x5f: {  	_ =	shalt  }
0x60: {  	_ =	shalt  }
0x61: {  	_ =	shalt  }
0x62: {  	_ =	shalt  }
0x63: {  	_ =	shalt  }
0x64: {  	_ =	shalt  }
0x65: {  	_ =	shalt  }
0x66: {  	_ =	shalt  }
0x67: {  	_ =	shalt  }
0x68: {  	_ =	shalt  }
0x69: {  	_ =	shalt  }
0x6a: {  	_ =	shalt  }
0x6b: {  	_ =	shalt  }
0x6c: {  	_ =	shalt  }
0x6d: {  	_ =	shalt  }
0x6e: {  	_ =	shalt  }
0x6f: {  	_ =	shalt  }
0x70: {  	_ =	shalt  }
0x71: {  	_ =	shalt  }
0x72: {  	_ =	shalt  }
0x73: {  	_ =	shalt  }
0x74: {  	_ =	shalt  }
0x75: {  	_ =	shalt  }
0x76: {  	_ =	shalt  }
0x77: {  	_ =	shalt  }
0x78: {  	_ =	shalt  }
0x79: {  	_ =	shalt  }
0x7a: {  	_ =	shalt  }
0x7b: {  	_ =	shalt  }
0x7c: {  	_ =	shalt  }
0x7d: {  	_ =	shalt  }
0x7e: {  	_ =	shalt  }
0x7f: {  	_ =	shalt  }
0x80: {  	_ =	shalt  }
0x81: {  	_ =	shalt  }
0x82: {  	_ =	shalt  }
0x83: {  	_ =	shalt  }
0x84: {  	_ =	shalt  }
0x85: {  	_ =	shalt  }
0x86: {  	_ =	shalt  }
0x87: {  	_ =	shalt  }
.Lfunc_end0:
.L_simem_size_0:
called_computation.2_lowered:
.L_overlay_start_0:
0x88: {  	s2 =	sld [smem:$0x3FD9]  }
0x89: {  	s3 =	sld [smem:$0x3FFE];
	_ =	sdelay $0x1  }
0x8a: {  	s1 =	srdreg.scid  }
0x8b: {  	s0 =	sand.u32 $0x1, s1  }
0x8c: {  	s17 =	sshll.u32 s0, $0xA;
	s2 =	sadd.s32 s3, s2  }
0x8d: {  	s2 =	sadd.s32 s2, s17  }
0x8e: {  	[smem:$0x3FC3] =	sst s2  }
0x8f: {  	_ = 	snop  }
0x90: {  	s2 =	sld [smem:$0x3FD0];
	(tm) =	ssettm $0x1  }
0x91: {  	s18 =	sld [smem:$0x3FFB];
	_ =	sdelay $0x3  }
0x92: {  	_ =	strace s18  }
0x93: {  	s3 =	sld [smem:$0x3FFC];
	_ =	sdelay $0x3  }
0x94: {  	_ =	strace s3  }
0x95: {  	s3 =	sld [smem:$0x3FFD];
	_ =	sdelay $0x3  }
0x96: {  	_ =	strace s3  }
0x97: {  	_ =	strace $0x8FFFFFFF  }
0x98: {  	s19 =	sld [smem:$0x3FDB];
	_ =	sdelay $0x1  }
0x99: {  	s4 =	simm.s32 $_scs_section_size  }
0x9a: {  	s5 =	simm.s32 $_size__tile_overlayer_lowered;
	s6 =	simm.s32 $_tile_overlayer_lowered  }
0x9b: {  	s22 =	simm.s32 $0x1BFF;
	s21 =	sshll.u32 s6, $0x1;
	s3 =	sadd.s32 s4, s19  }
0x9c: {  	s7 =	simm.s32 $0x0;
	s20 =	sshll.u32 s5, $0x1;
	s5 =	sadd.s32 s21, s3  }
0x9d: {  	[timem:s7], [sflag:s22] =	dma.local [hbm:s5], s20  }
0x9e: {  	_ =	swait.ge [sflag:s22], s20  }
0x9f: {  	s4 =	ssub.s32 $0x0, s20;
	[sflag:s22] =	ssyncset.done $0x0  }
0xa0: {  	[sflag:s22] =	ssyncadd.s32 s4;
	_ =	sdelay $0x1  }
0xa1: {  	s23 =	simm.s32 $0x1B8B  }
0xa2: {  	_ =	swait.ge [sflag:s23], $0x1  }
0xa3: {  	[sflag:s23] =	ssyncset.done $0x0  }
0xa4: {  	s25 =	simm.s32 $0x1B8E;
	s24 =	sld [smem:$0x3FFE];
	[sflag:s23] =	ssyncadd.s32 $0xFFFFFFFF  }
0xa5: {  	s26 =	simm.s32 $execute0_lowered;
	[smem:$0x3FD2] =	sst s25  }
0xa6: {  	s5 =	sshll.u32 s26, $0x1;
	_ =	strace $0x8000004C;
	[dreg:$0x1] =	wrdreg $0xFFFFFFFF  }
0xa7: {  	s28 =	simm.s32 $_size_execute0_lowered;
	s3 =	sadd.s32 s3, s5;
	[dreg:$0x0] =	wrdreg $0x0  }
0xa8: {  	s5 =	sshll.u32 s28, $0x1;
	[dreg:$0x2] =	wrdreg s3  }
0xa9: {  	[dreg:$0x3] =	wrdreg s5  }
0xaa: {  	[dreg:$0x4] =	wrdreg $0xC0  }
0xab: {  	_ =	task [dreg:s7], $0x5FFFF  }
0xac: {  	[dreg:$0x1] =	wrdreg $0xFFFFFFFF  }
0xad: {  	[dreg:$0x0] =	wrdreg $0x60  }
0xae: {  	[dreg:$0x2] =	wrdreg s24  }
0xaf: {  	[dreg:$0x3] =	wrdreg s2  }
0xb0: {  	[dreg:$0x4] =	wrdreg $0x9  }
0xb1: {  	_ =	task.clear_ibuf [dreg:s7], $0x5FFFF;
	_ =	strace $0x9000004C  }
0xb2: {  	s29 =	simm.s32 $0x9;
	_ =	strace $0x8000004E  }
0xb3: {  	_ =	swait.ge [sflag:s29], $0x1  }
0xb4: {  	[sflag:s29] =	ssyncadd.s32 $0xFFFFFFFF  }
0xb5: {  	_ =	strace $0x9000004E  }
0xb6: {  	_ =	sfence  }
0xb7: {  	s30 =	sld [smem:$0x0];
	_ =	sdelay $0x2  }
0xb8: {  	s31 =	sshll.u32 s1, $0xD;
	s1 =	sshrl.u32 s1, $0x2  }
0xb9: {  	s3 =	sand.u32 $0x4000, s31;
	s1 =	sadd.s32 s1, s30  }
0xba: {  	s0 =	sor.u32 s3, s0;
	s1 =	sshll.u32 s1, $0x11  }
0xbb: {  	s0 =	sor.u32 s1, s0  }
0xbc: {  	s0 =	sadd.s32 $0x8F2B, s0  }
0xbd: {  	[sflag:s0] =	ssyncadd.remote.s32 $0x1  }
0xbe: {  	_ =	sfence.sel $0xFFFF  }
0xbf: {  	[dreg:$0x0] =	wrdreg $0xFFFFFFFF;
	(pc) =	sbr.abs _section_cstart, $3  }
0xc0: {  	[dreg:$0x1] =	wrdreg $0xFFFFFFFF  }
0xc1: {  	_ =	task.clear_ibuf [dreg:s7], $0x2FFFF;
	_ =	strace $0x9FFFFFFF  }
0xc2: {  	(tm) =	ssettm $0x7FFFFFFF  }
0xc3: {  	_ =	shalt  }
tec
execute0_lowered:
.L_overlay_start_1:
0x0: {  	(tag) =	ssettag $0x1  }
0x1: {  	s0 =	rddreg [dreg:$0x0]  }
0x2: {  	s5 =	rddreg [dreg:$0x1];
	s3 =	srdreg.scid  }
0x3: {  	s2 =	simm.s32 $0x0;
	s1 =	stileid.u32;
	s26 =	simm.s32 $0x880  }
0x4: {  	s10 =	simm.s32 $0x1880;
	s11 =	simm.s32 $0x2080;
	s12 =	simm.s32 $0x2880  }
0x5: {  	s13 =	simm.s32 $0x3080;
	s14 =	simm.s32 $0x3880;
	s15 =	simm.s32 $0x4080  }
0x6: {  	s16 =	simm.s32 $0x4880;
	s17 =	simm.s32 $0x5080;
	s18 =	simm.s32 $0x5880  }
0x7: {  	s19 =	simm.s32 $0x6080;
	s20 =	simm.s32 $0x6880;
	s21 =	simm.s32 $0x7080  }
0x8: {  	s22 =	simm.s32 $0x7880;
	s28 =	simm.s32 $0xA080;
	s29 =	simm.s32 $0xA880  }
0x9: {  	s30 =	simm.s32 $0xB080;
	s31 =	simm.s32 $0xB880;
	s3 =	sand.u32 $0x1, s3  }
0xa: {  	[smem:$0x7FF] =	sst s2;
	s4 =	sshll.u32 s1, $0x4;
	s6 =	sshll.u32 s3, $0x3  }
0xb: {  	_ =	strace $0x8000004D;
	s23 =	ssub.s32 $0x2, s3;
	s3 =	sadd.s32 $0x1800, s0  }
0xc: {  	[dreg:$0x5] =	wrdreg s26;
	s26 =	simm.s32 $0x9880;
	s4 =	sor.u32 s6, s4  }
0xd: {  	s8 =	sshrl.u32 s23, $0x1;
	s7 =	sadd.s32 s4, s0;
	s9 =	smul.u32 $0x300, s4  }
0xe: {  	s6 =	ssub.s32 s23, s8;
	s4 =	sadd.s32 $0x1900, s0;
	s8 =	simm.s32 $0x80  }
0xf: {  	s23 =	simm.s32 $0x8080;
	s24 =	sadd.s32 $0x91C00, s7;
	s6 =	smax.u32 s6, $0x1  }
0x10: {  	v2 =	vlaneseq.u32;
	s7 =	simm.s32 $0x2;
	[dreg:$0x3] =	wrdreg s24;
	s25 =	sadd.s32 s5, s9  }
0x11: {  	vm0 =	vmmov $0xffff;
	v1 =	vshrl.u32 v2, $0x3;
	s5 =	sadd.s32 $0x1A00, s0;
	s9 =	simm.s32 $0x1080;
	s24 =	simm.s32 $0x8880  }
0x12: {  	v0 =	vand.u32 $0x7, v2;
	v2 =	vor.u32 $0x8, v2;
	v1 =	vmul.u32 $0x8, v1;
	s0 =	simm.s32 $0x1;
	[dreg:$0x4] =	wrdreg s25;
	s25 =	simm.s32 $0x9080  }
.LBB2_1:
0x13: {  	s1 =	rddreg [dreg:$0x3]  }
0x14: {  	[tilespmem:s2], [sflag:$0x2] =	stream.linear.gather [hbm4b:s1+s2], $0x40, $0x38;
	[tilespmem:$0xC080] =	vst v63  }
0x15: {  	_ =	swait.ge [sflag:s7], $0x40  }
0x16: {  	[sflag:s7] =	ssyncset.done $0x0  }
0x17: {  	[sflag:s7] =	ssyncadd.s32 $0xFFFFFFC0  }
0x18: {  	v3 =	vld [tilespmem:$0x0];
	_ =	sdelay $0x4  }
0x19: {  	v4 =	vshrl.u32 v3, $0x3  }
0x1a: {  	v4 =	vmul.u32 $0x30, v4  }
0x1b: {  	v3 =	vand.u32 $0x7, v3  }
0x1c: {  	v3 =	vor.u32 v3, v4  }
0x1d: {  	v4 =	vperm.xlane v3, v0;
	_ =	sdelay $0x1  }
0x1e: {  	v4 =	vadd.s32 v1, v4;
	_ =	sdelay $0x3  }
0x1f: {  	v3 =	vperm.xlane v3, v2  }
0x20: {  	[tilespmem:s8], [sflag:$0x1] =	stream.indirect_vreg.gather [hbm4b:s3+s2], $0x80, v4, vm0, $0xb8;
	[tilespmem:$0xC080] =	vst v63  }
0x21: {  	s1 =	rddreg [dreg:$0x5];
	v3 =	vadd.s32 v1, v3  }
0x22: {  	[tilespmem:s1], [sflag:$0x1] =	stream.indirect_vreg.gather [hbm4b:s4+s2], $0x80, v4, vm0, $0xb8;
	[tilespmem:$0xC080] =	vst v63  }
0x23: {  	_ = 	snop  }
0x24: {  	[tilespmem:s9], [sflag:$0x1] =	stream.indirect_vreg.gather [hbm4b:s5+s2], $0x80, v4, vm0, $0xb8;
	[tilespmem:$0xC080] =	vst v63  }
0x25: {  	_ = 	snop  }
0x26: {  	[tilespmem:s10], [sflag:$0x1] =	stream.indirect_vreg.gather [hbm4b:s3+s2], $0x80, v3, vm0, $0xb8;
	[tilespmem:$0xC080] =	vst v63  }
0x27: {  	_ = 	snop  }
0x28: {  	[tilespmem:s11], [sflag:$0x1] =	stream.indirect_vreg.gather [hbm4b:s4+s2], $0x80, v3, vm0, $0xb8;
	[tilespmem:$0xC080] =	vst v63  }
0x29: {  	_ = 	snop  }
0x2a: {  	[tilespmem:s12], [sflag:$0x1] =	stream.indirect_vreg.gather [hbm4b:s5+s2], $0x80, v3, vm0, $0xb8;
	[tilespmem:$0xC080] =	vst v63  }
0x2b: {  	v3 =	vld [tilespmem:$0x10];
	_ =	sdelay $0x4  }
0x2c: {  	v61 =	vshrl.u32 v3, $0x3  }
0x2d: {  	v4 =	vmul.u32 $0x30, v61  }
0x2e: {  	v3 =	vand.u32 $0x7, v3  }
0x2f: {  	v3 =	vor.u32 v3, v4  }
0x30: {  	v4 =	vperm.xlane v3, v0;
	_ =	sdelay $0x1  }
0x31: {  	v4 =	vadd.s32 v1, v4;
	_ =	sdelay $0x3  }
0x32: {  	v3 =	vperm.xlane v3, v2  }
0x33: {  	[tilespmem:s13], [sflag:$0x1] =	stream.indirect_vreg.gather [hbm4b:s3+s2], $0x80, v4, vm0, $0xb8;
	[tilespmem:$0xC080] =	vst v63  }
0x34: {  	v3 =	vadd.s32 v1, v3  }
0x35: {  	[tilespmem:s14], [sflag:$0x1] =	stream.indirect_vreg.gather [hbm4b:s4+s2], $0x80, v4, vm0, $0xb8;
	[tilespmem:$0xC080] =	vst v63  }
0x36: {  	_ = 	snop  }
0x37: {  	[tilespmem:s15], [sflag:$0x1] =	stream.indirect_vreg.gather [hbm4b:s5+s2], $0x80, v4, vm0, $0xb8;
	[tilespmem:$0xC080] =	vst v63  }
0x38: {  	_ = 	snop  }
0x39: {  	[tilespmem:s16], [sflag:$0x1] =	stream.indirect_vreg.gather [hbm4b:s3+s2], $0x80, v3, vm0, $0xb8;
	[tilespmem:$0xC080] =	vst v63  }
0x3a: {  	_ = 	snop  }
0x3b: {  	[tilespmem:s17], [sflag:$0x1] =	stream.indirect_vreg.gather [hbm4b:s4+s2], $0x80, v3, vm0, $0xb8;
	[tilespmem:$0xC080] =	vst v63  }
0x3c: {  	_ = 	snop  }
0x3d: {  	[tilespmem:s18], [sflag:$0x1] =	stream.indirect_vreg.gather [hbm4b:s5+s2], $0x80, v3, vm0, $0xb8;
	[tilespmem:$0xC080] =	vst v63  }
0x3e: {  	v3 =	vld [tilespmem:$0x20];
	_ =	sdelay $0x4  }
0x3f: {  	v62 =	vshrl.u32 v3, $0x3  }
0x40: {  	v4 =	vmul.u32 $0x30, v62  }
0x41: {  	v3 =	vand.u32 $0x7, v3  }
0x42: {  	v3 =	vor.u32 v3, v4  }
0x43: {  	v4 =	vperm.xlane v3, v0;
	_ =	sdelay $0x1  }
0x44: {  	v4 =	vadd.s32 v1, v4;
	_ =	sdelay $0x3  }
0x45: {  	v3 =	vperm.xlane v3, v2  }
0x46: {  	[tilespmem:s19], [sflag:$0x1] =	stream.indirect_vreg.gather [hbm4b:s3+s2], $0x80, v4, vm0, $0xb8;
	[tilespmem:$0xC080] =	vst v63  }
0x47: {  	v3 =	vadd.s32 v1, v3  }
0x48: {  	[tilespmem:s20], [sflag:$0x1] =	stream.indirect_vreg.gather [hbm4b:s4+s2], $0x80, v4, vm0, $0xb8;
	[tilespmem:$0xC080] =	vst v63  }
0x49: {  	_ = 	snop  }
0x4a: {  	[tilespmem:s21], [sflag:$0x1] =	stream.indirect_vreg.gather [hbm4b:s5+s2], $0x80, v4, vm0, $0xb8;
	[tilespmem:$0xC080] =	vst v63  }
0x4b: {  	_ = 	snop  }
0x4c: {  	[tilespmem:s22], [sflag:$0x1] =	stream.indirect_vreg.gather [hbm4b:s3+s2], $0x80, v3, vm0, $0xb8;
	[tilespmem:$0xC080] =	vst v63  }
0x4d: {  	_ = 	snop  }
0x4e: {  	[tilespmem:s23], [sflag:$0x1] =	stream.indirect_vreg.gather [hbm4b:s4+s2], $0x80, v3, vm0, $0xb8;
	[tilespmem:$0xC080] =	vst v63  }
0x4f: {  	_ = 	snop  }
0x50: {  	[tilespmem:s24], [sflag:$0x1] =	stream.indirect_vreg.gather [hbm4b:s5+s2], $0x80, v3, vm0, $0xb8;
	[tilespmem:$0xC080] =	vst v63  }
0x51: {  	v3 =	vld [tilespmem:$0x30];
	_ =	sdelay $0x4  }
0x52: {  	v63 =	vshrl.u32 v3, $0x3  }
0x53: {  	v4 =	vmul.u32 $0x30, v63  }
0x54: {  	v3 =	vand.u32 $0x7, v3  }
0x55: {  	v3 =	vor.u32 v3, v4  }
0x56: {  	v4 =	vperm.xlane v3, v0;
	_ =	sdelay $0x1  }
0x57: {  	v4 =	vadd.s32 v1, v4;
	_ =	sdelay $0x3  }
0x58: {  	v3 =	vperm.xlane v3, v2  }
0x59: {  	[tilespmem:s25], [sflag:$0x1] =	stream.indirect_vreg.gather [hbm4b:s3+s2], $0x80, v4, vm0, $0xb8;
	[tilespmem:$0xC080] =	vst v63  }
0x5a: {  	v3 =	vadd.s32 v1, v3  }
0x5b: {  	[tilespmem:s26], [sflag:$0x1] =	stream.indirect_vreg.gather [hbm4b:s4+s2], $0x80, v4, vm0, $0xb8;
	[tilespmem:$0xC080] =	vst v63  }
0x5c: {  	_ = 	snop  }
0x5d: {  	[tilespmem:s28], [sflag:$0x1] =	stream.indirect_vreg.gather [hbm4b:s5+s2], $0x80, v4, vm0, $0xb8;
	[tilespmem:$0xC080] =	vst v63  }
0x5e: {  	_ = 	snop  }
0x5f: {  	[tilespmem:s29], [sflag:$0x1] =	stream.indirect_vreg.gather [hbm4b:s3+s2], $0x80, v3, vm0, $0xb8;
	[tilespmem:$0xC080] =	vst v63  }
0x60: {  	_ = 	snop  }
0x61: {  	[tilespmem:s30], [sflag:$0x1] =	stream.indirect_vreg.gather [hbm4b:s4+s2], $0x80, v3, vm0, $0xb8;
	[tilespmem:$0xC080] =	vst v63  }
0x62: {  	_ = 	snop  }
0x63: {  	[tilespmem:s31], [sflag:$0x1] =	stream.indirect_vreg.gather [hbm4b:s5+s2], $0x80, v3, vm0, $0xb8;
	[tilespmem:$0xC080] =	vst v63  }
0x64: {  	_ =	swait.ge [sflag:s0], $0xC000  }
0x65: {  	p0 =	sne.s32 s6, $0x1;
	[sflag:s0] =	ssyncset.done $0x0  }
.Ltmp0:
0x66: {  	s1 =	rddreg [dreg:$0x4];
	[sflag:s0] =	ssyncadd.s32 $0xFFFF4000;
	(pc) =	sbr.rel @p0 .LBB2_1-.Ltmp0, $4  }
0x67: {  	[hbm4b:s1+s2] =	stream.linear.scatter [tilespmem:s8], [sflag:$0x2], $0xC000, $0x38;
	[tilespmem:$0xC080] =	vst v63  }
0x68: {  	_ =	swait.ge [sflag:s7], $0xC000  }
0x69: {  	[sflag:s7] =	ssyncset.done $0x0  }
0x6a: {  	s6 =	sadd.s32 $0xFFFFFFFF, s6;
	[sflag:s7] =	ssyncadd.s32 $0xFFFF4000  }
0x6b: {  	_ =	sfence.sel $0x180000  }
0x6c: {  	[bflag:$0x0] =	sbarrier.arrive $0xFFFF  }
0x6d: {  	_ =	strace $0x9000004D  }
0x6e: {  	s0 =	stileid.u32;
	[bflag:$0x2] =	sbarrier.arrive $0xFFFF  }
0x6f: {  	p0 =	sne.s32 s0, $0x0;
	s0 =	rddreg [dreg:$0x2]  }
0x70: {  	s0 =	sadd.s32 @!p0 $0x100000, s0  }
0x71: {  	[sflag:s0] =	ssyncadd.tile.s32 @!p0 $0x1;
	_ =	shalt  }
.Lfunc_end2:
_tile_overlayer_lowered:
.L_overlay_start_2:
0x72: {  	(tag) =	ssettag $0x2  }
0x73: {  	s0 =	rddreg [dreg:$0x0];
	s2 =	stileid.u32  }
0x74: {  	s1 =	rddreg [dreg:$0x1];
	p0 =	sne.s32 s2, $0x0  }
0x75: {  	s3 =	rddreg [dreg:$0x2];
	[bflag:$0x3] =	sbarrier.arrive $0xFFFF;
	s2 =	simm.s32 @!p0 $0x1C02  }
0x76: {  	[timem:s3], [sflag:s2] =	dma.local @!p0 [hbm:s0], s1  }
0x77: {  	s0 =	simm.s32 @!p0 $0x2  }
0x78: {  	_ =	swait.ge @!p0 [sflag:s0], s1  }
0x79: {  	s1 =	ssub.s32 @!p0 $0x0, s1;
	[sflag:s0] =	ssyncset.done @!p0 $0x0  }
0x7a: {  	[sflag:s0] =	ssyncadd.s32 @!p0 s1  }
0x7b: {  	[bflag:$0x3] =	sbarrier.arrive $0xFFFF  }
0x7c: {  	_ =	shalt  }

// kernel: kernel.6.cloned.1.call-start
scs
__scs_entry_jumppad:
0x0: {  	(pc) =	sbr.rel $0x88, $3  }
0x1: {  	(tag) =	ssettag $0x0;
	lr =	simm.s32 $0x1  }
0x2: {  	[smem:$0x3F9C] =	sst lr;
	_ =	strace $0xD0000000  }
0x3: {  	_ = 	snop  }
0x4: {  	_ = 	snop  }
0x5: {  	_ = 	snop  }
0x6: {  	_ = 	snop  }
0x7: {  	_ = 	snop  }
__scs_overlays_trampoline_lowered:
0x8: {  	[smem:$0x3FAB] =	sst s0  }
0x9: {  	[smem:$0x3FAC] =	sst s1  }
0xa: {  	[smem:$0x3FAD] =	sst s2  }
0xb: {  	[smem:$0x3FAE] =	sst s3  }
0xc: {  	[smem:$0x3FAF] =	sst s4  }
0xd: {  	[smem:$0x3FB0] =	sst s5  }
0xe: {  	[smem:$0x3FB1] =	sst s6  }
0xf: {  	[smem:$0x3FB2] =	sst s7  }
0x10: {  	[smem:$0x3FB3] =	sst s8  }
0x11: {  	[smem:$0x3FB4] =	sst s9;
	s0 =	simm.s32 @!p0 $0x0  }
0x12: {  	s1 =	sld [smem:$0x3F9A];
	s0 =	simm.s32 @p0 $0x1  }
0x13: {  	[smem:$0x3FB5] =	sst s0;
	s0 =	simm.s32 @!p1 $0x0  }
0x14: {  	s2 =	sld [smem:$0x3F99];
	s0 =	simm.s32 @p1 $0x1  }
0x15: {  	[smem:$0x3FB6] =	sst s0;
	s0 =	simm.s32 @!p2 $0x0  }
0x16: {  	s3 =	sld [smem:$0x3FDB];
	s0 =	simm.s32 @p2 $0x1  }
0x17: {  	s4 =	simm.s32 $0x1BF5;
	[smem:$0x3FB8] =	sst s0  }
0x18: {  	s0 =	sld [smem:$0x3F9B];
	_ =	swait.ge [sflag:s4], $0x0  }
0x19: {  	s7 =	sld [smem:$0x3F9C]  }
0x1a: {  	s8 =	sadd.s32 $0xFFFFE003, lr  }
0x1b: {  	s9 =	sadd.s32 $0xFFFFFEF7, lr;
	s5 =	simm.s32 $0xFFFFFFFF;
	p2 =	slt.u32 s8, $0xFFFFF086  }
0x1c: {  	p1 =	slt.u32 s9, $0xF7A;
	s5 =	simm.s32 @!p2 $0x0  }
0x1d: {  	s5 =	simm.s32 @p1 $0x1;
	p0 =	seq.s32 s7, s2  }
0x1e: {  	s7 =	smul.u32 @!p0 $0xF7A, s2;
	p2 =	seq.s32 @!p0 s5, $0x0  }
0x1f: {  	s9 =	smul.u32 $0xF7A, s1;
	s8 =	simm.s32 @!p0 $0x1BF5;
	p2 =	por !p2, p0  }
0x20: {  	[sflag:s8] =	ssyncset.s32 @!p0 $0xFFFFF086;
	s6 =	sadd.s32 @!p0 s3, s7;
	s7 =	simm.s32 @!p0 $0x108  }
0x21: {  	s3 =	sadd.s32 s3, s9;
	s6 =	sadd.s32 @!p0 $0x88, s6;
	s7 =	simm.s32 @p2 $0x1082  }
0x22: {  	[simem:s7], [sflag:s8] =	dma.local @!p0 [hbm:s6], $0xF7A  }
0x23: {  	s9 =	sor.u32 $0xD0000000, s2;
	s6 =	simm.s32 $0x108;
	_ =	swait.ge @!p0 [sflag:s8], $0x0  }
0x24: {  	s3 =	sadd.s32 $0x88, s3;
	s6 =	simm.s32 @!p1 $0x1082;
	[sflag:s4] =	ssyncset.s32 $0xFFFFF086  }
0x25: {  	[simem:s6], [sflag:s4] =	dma.local [hbm:s3], $0xF7A  }
0x26: {  	[smem:$0x3F9C] =	sst s1;
	(tag) =	ssettag s2;
	_ =	strace s9  }
0x27: {  	s1 =	sld [smem:$0x3FAC]  }
0x28: {  	s2 =	sld [smem:$0x3FAD]  }
0x29: {  	s4 =	sld [smem:$0x3FAF]  }
0x2a: {  	p0 =	seq.s32 s5, $0x0;
	s5 =	sld [smem:$0x3FB0]  }
0x2b: {  	s6 =	sld [smem:$0x3FB1]  }
0x2c: {  	s7 =	sld [smem:$0x3FB2]  }
0x2d: {  	s3 =	simm.s32 $0x108;
	s8 =	sld [smem:$0x3FB3]  }
0x2e: {  	s3 =	simm.s32 @!p0 $0x1082;
	s9 =	sld [smem:$0x3FB4]  }
0x2f: {  	lr =	sadd.s32 s0, s3;
	s0 =	sld [smem:$0x3FAB]  }
0x30: {  	s3 =	sld [smem:$0x3FAE]  }
0x31: {  	[smem:$0x3FB7] =	sst s10  }
0x32: {  	s10 =	sld [smem:$0x3FB5];
	_ =	sdelay $0x3  }
0x33: {  	p0 =	seq.s32 s10, $0x1;
	s10 =	sld [smem:$0x3FB7];
	_ =	sdelay $0x3  }
0x34: {  	[smem:$0x3FB7] =	sst s10  }
0x35: {  	s10 =	sld [smem:$0x3FB6];
	_ =	sdelay $0x3  }
0x36: {  	p1 =	seq.s32 s10, $0x1;
	s10 =	sld [smem:$0x3FB7];
	_ =	sdelay $0x3  }
0x37: {  	[smem:$0x3FB7] =	sst s10  }
0x38: {  	s10 =	sld [smem:$0x3FB8]  }
0x39: {  	_ = 	snop;
	(pc) =	sbr.ind lr, $3  }
0x3a: {  	_ = 	snop  }
0x3b: {  	_ = 	snop  }
0x3c: {  	p2 =	seq.s32 s10, $0x1;
	s10 =	sld [smem:$0x3FB7]  }
0x3d: {  	_ =	shalt  }
0x3e: {  	_ =	shalt  }
0x3f: {  	_ =	shalt  }
0x40: {  	_ =	shalt  }
0x41: {  	_ =	shalt  }
0x42: {  	_ =	shalt  }
0x43: {  	_ =	shalt  }
0x44: {  	_ =	shalt  }
0x45: {  	_ =	shalt  }
0x46: {  	_ =	shalt  }
0x47: {  	_ =	shalt  }
0x48: {  	_ =	shalt  }
0x49: {  	_ =	shalt  }
0x4a: {  	_ =	shalt  }
0x4b: {  	_ =	shalt  }
0x4c: {  	_ =	shalt  }
0x4d: {  	_ =	shalt  }
0x4e: {  	_ =	shalt  }
0x4f: {  	_ =	shalt  }
0x50: {  	_ =	shalt  }
0x51: {  	_ =	shalt  }
0x52: {  	_ =	shalt  }
0x53: {  	_ =	shalt  }
0x54: {  	_ =	shalt  }
0x55: {  	_ =	shalt  }
0x56: {  	_ =	shalt  }
0x57: {  	_ =	shalt  }
0x58: {  	_ =	shalt  }
0x59: {  	_ =	shalt  }
0x5a: {  	_ =	shalt  }
0x5b: {  	_ =	shalt  }
0x5c: {  	_ =	shalt  }
0x5d: {  	_ =	shalt  }
0x5e: {  	_ =	shalt  }
0x5f: {  	_ =	shalt  }
0x60: {  	_ =	shalt  }
0x61: {  	_ =	shalt  }
0x62: {  	_ =	shalt  }
0x63: {  	_ =	shalt  }
0x64: {  	_ =	shalt  }
0x65: {  	_ =	shalt  }
0x66: {  	_ =	shalt  }
0x67: {  	_ =	shalt  }
0x68: {  	_ =	shalt  }
0x69: {  	_ =	shalt  }
0x6a: {  	_ =	shalt  }
0x6b: {  	_ =	shalt  }
0x6c: {  	_ =	shalt  }
0x6d: {  	_ =	shalt  }
0x6e: {  	_ =	shalt  }
0x6f: {  	_ =	shalt  }
0x70: {  	_ =	shalt  }
0x71: {  	_ =	shalt  }
0x72: {  	_ =	shalt  }
0x73: {  	_ =	shalt  }
0x74: {  	_ =	shalt  }
0x75: {  	_ =	shalt  }
0x76: {  	_ =	shalt  }
0x77: {  	_ =	shalt  }
0x78: {  	_ =	shalt  }
0x79: {  	_ =	shalt  }
0x7a: {  	_ =	shalt  }
0x7b: {  	_ =	shalt  }
0x7c: {  	_ =	shalt  }
0x7d: {  	_ =	shalt  }
0x7e: {  	_ =	shalt  }
0x7f: {  	_ =	shalt  }
0x80: {  	_ =	shalt  }
0x81: {  	_ =	shalt  }
0x82: {  	_ =	shalt  }
0x83: {  	_ =	shalt  }
0x84: {  	_ =	shalt  }
0x85: {  	_ =	shalt  }
0x86: {  	_ =	shalt  }
0x87: {  	_ =	shalt  }
.Lfunc_end0:
.L_simem_size_0:
called_computation_lowered:
.L_overlay_start_0:
0x88: {  	s2 =	sld [smem:$0x3FD9]  }
0x89: {  	s3 =	sld [smem:$0x3FFE];
	_ =	sdelay $0x1  }
0x8a: {  	s1 =	srdreg.scid  }
0x8b: {  	s0 =	sand.u32 $0x1, s1  }
0x8c: {  	s17 =	sshll.u32 s0, $0xA;
	s2 =	sadd.s32 s3, s2  }
0x8d: {  	s2 =	sadd.s32 s2, s17  }
0x8e: {  	[smem:$0x3FC3] =	sst s2  }
0x8f: {  	_ = 	snop  }
0x90: {  	s2 =	sld [smem:$0x3FD0];
	(tm) =	ssettm $0x1  }
0x91: {  	s18 =	sld [smem:$0x3FFB];
	_ =	sdelay $0x3  }
0x92: {  	_ =	strace s18  }
0x93: {  	s3 =	sld [smem:$0x3FFC];
	_ =	sdelay $0x3  }
0x94: {  	_ =	strace s3  }
0x95: {  	s3 =	sld [smem:$0x3FFD];
	_ =	sdelay $0x3  }
0x96: {  	_ =	strace s3  }
0x97: {  	_ =	strace $0x8FFFFFFF  }
0x98: {  	s19 =	sld [smem:$0x3FDB];
	_ =	sdelay $0x1  }
0x99: {  	s4 =	simm.s32 $_scs_section_size  }
0x9a: {  	s5 =	simm.s32 $_size__tile_overlayer_lowered;
	s6 =	simm.s32 $_tile_overlayer_lowered  }
0x9b: {  	s22 =	simm.s32 $0x1BFF;
	s21 =	sshll.u32 s6, $0x1;
	s3 =	sadd.s32 s4, s19  }
0x9c: {  	s7 =	simm.s32 $0x0;
	s20 =	sshll.u32 s5, $0x1;
	s5 =	sadd.s32 s21, s3  }
0x9d: {  	[timem:s7], [sflag:s22] =	dma.local [hbm:s5], s20  }
0x9e: {  	_ =	swait.ge [sflag:s22], s20  }
0x9f: {  	s4 =	ssub.s32 $0x0, s20;
	[sflag:s22] =	ssyncset.done $0x0  }
0xa0: {  	[sflag:s22] =	ssyncadd.s32 s4;
	_ =	sdelay $0x1  }
0xa1: {  	s23 =	simm.s32 $0x1B8B  }
0xa2: {  	_ =	swait.ge [sflag:s23], $0x1  }
0xa3: {  	[sflag:s23] =	ssyncset.done $0x0  }
0xa4: {  	s25 =	simm.s32 $0x1B8E;
	s24 =	sld [smem:$0x3FFE];
	[sflag:s23] =	ssyncadd.s32 $0xFFFFFFFF  }
0xa5: {  	s26 =	simm.s32 $execute0_lowered;
	[smem:$0x3FD2] =	sst s25  }
0xa6: {  	s5 =	sshll.u32 s26, $0x1;
	_ =	strace $0x80000046;
	[dreg:$0x1] =	wrdreg $0xFFFFFFFF  }
0xa7: {  	s28 =	simm.s32 $_size_execute0_lowered;
	s3 =	sadd.s32 s3, s5;
	[dreg:$0x0] =	wrdreg $0x0  }
0xa8: {  	s5 =	sshll.u32 s28, $0x1;
	[dreg:$0x2] =	wrdreg s3  }
0xa9: {  	[dreg:$0x3] =	wrdreg s5  }
0xaa: {  	[dreg:$0x4] =	wrdreg $0xC0  }
0xab: {  	_ =	task [dreg:s7], $0x5FFFF  }
0xac: {  	[dreg:$0x1] =	wrdreg $0xFFFFFFFF  }
0xad: {  	[dreg:$0x0] =	wrdreg $0x60  }
0xae: {  	[dreg:$0x2] =	wrdreg s2  }
0xaf: {  	[dreg:$0x3] =	wrdreg s24  }
0xb0: {  	[dreg:$0x4] =	wrdreg $0x9  }
0xb1: {  	_ =	task.clear_ibuf [dreg:s7], $0x5FFFF;
	_ =	strace $0x90000046  }
0xb2: {  	s29 =	simm.s32 $0x9;
	_ =	strace $0x80000048  }
0xb3: {  	_ =	swait.ge [sflag:s29], $0x1  }
0xb4: {  	[sflag:s29] =	ssyncadd.s32 $0xFFFFFFFF  }
0xb5: {  	_ =	strace $0x90000048  }
0xb6: {  	_ =	sfence  }
0xb7: {  	s30 =	sld [smem:$0x0];
	_ =	sdelay $0x2  }
0xb8: {  	s31 =	sshll.u32 s1, $0xD;
	s1 =	sshrl.u32 s1, $0x2  }
0xb9: {  	s3 =	sand.u32 $0x4000, s31;
	s1 =	sadd.s32 s1, s30  }
0xba: {  	s0 =	sor.u32 s3, s0;
	s1 =	sshll.u32 s1, $0x11  }
0xbb: {  	s0 =	sor.u32 s1, s0  }
0xbc: {  	s0 =	sadd.s32 $0x8F2B, s0  }
0xbd: {  	[sflag:s0] =	ssyncadd.remote.s32 $0x1  }
0xbe: {  	_ =	sfence.sel $0xFFFF  }
0xbf: {  	[dreg:$0x0] =	wrdreg $0xFFFFFFFF;
	(pc) =	sbr.abs _section_cstart, $3  }
0xc0: {  	[dreg:$0x1] =	wrdreg $0xFFFFFFFF  }
0xc1: {  	_ =	task.clear_ibuf [dreg:s7], $0x2FFFF;
	_ =	strace $0x9FFFFFFF  }
0xc2: {  	(tm) =	ssettm $0x7FFFFFFF  }
0xc3: {  	_ =	shalt  }
tec
execute0_lowered:
.L_overlay_start_1:
0x0: {  	(tag) =	ssettag $0x1  }
0x1: {  	v0 =	vlaneseq.u32  }
0x2: {  	v0 =	vmul.u32 $0x10, v0;
	_ =	sdelay $0x1  }
0x3: {  	v1 =	vor.u32 $0x1, v0  }
0x4: {  	vm0 =	vmmov $0x1;
	[tilespmem:$0x1FEC0] =	vst v1;
	v1 =	vor.u32 $0x2, v0  }
0x5: {  	vm15 =	vmmov $0x7fff;
	v20 =	vor.u32 $0x103, v0;
	[tilespmem:$0x1FED0] =	vst v1;
	v1 =	vor.u32 $0x3, v0  }
0x6: {  	v21 =	vor.u32 $0x104, v0;
	v22 =	vor.u32 $0x105, v0;
	[tilespmem:$0x1FEE0] =	vst v1;
	v1 =	vor.u32 $0x4, v0  }
0x7: {  	v23 =	vor.u32 $0x106, v0;
	v24 =	vor.u32 $0x107, v0;
	[tilespmem:$0x1FEF0] =	vst v1;
	v1 =	vor.u32 $0x5, v0  }
0x8: {  	v25 =	vor.u32 $0x108, v0;
	v26 =	vor.u32 $0x109, v0;
	[tilespmem:$0x1FF00] =	vst v1;
	v1 =	vor.u32 $0x6, v0  }
0x9: {  	v27 =	vor.u32 $0x10A, v0;
	v28 =	vor.u32 $0x10B, v0;
	[tilespmem:$0x1FF10] =	vst v1;
	v1 =	vor.u32 $0x7, v0  }
0xa: {  	v29 =	vor.u32 $0x10C, v0;
	v30 =	vor.u32 $0x10D, v0;
	[tilespmem:$0x1FF20] =	vst v1;
	v1 =	vor.u32 $0x8, v0  }
0xb: {  	v31 =	vor.u32 $0x10E, v0;
	v32 =	vor.u32 $0x10F, v0;
	[tilespmem:$0x1FF30] =	vst v1;
	v1 =	vor.u32 $0x9, v0  }
0xc: {  	v33 =	vor.u32 $0x200, v0;
	v34 =	vor.u32 $0x201, v0;
	[tilespmem:$0x1FF40] =	vst v1;
	v1 =	vor.u32 $0xA, v0  }
0xd: {  	v35 =	vor.u32 $0x202, v0;
	v36 =	vor.u32 $0x203, v0;
	[tilespmem:$0x1FF50] =	vst v1;
	v1 =	vor.u32 $0xB, v0  }
0xe: {  	v37 =	vor.u32 $0x204, v0;
	v38 =	vor.u32 $0x205, v0;
	[tilespmem:$0x1FF60] =	vst v1;
	v1 =	vor.u32 $0xC, v0  }
0xf: {  	v39 =	vor.u32 $0x206, v0;
	v40 =	vor.u32 $0x207, v0;
	[tilespmem:$0x1FF70] =	vst v1;
	v1 =	vor.u32 $0xD, v0  }
0x10: {  	v41 =	vor.u32 $0x208, v0;
	v42 =	vor.u32 $0x209, v0;
	[tilespmem:$0x1FF80] =	vst v1;
	v1 =	vor.u32 $0xE, v0  }
0x11: {  	v43 =	vor.u32 $0x20A, v0;
	v44 =	vor.u32 $0x20B, v0;
	[tilespmem:$0x1FF90] =	vst v1;
	v1 =	vor.u32 $0xF, v0  }
0x12: {  	s3 =	rddreg [dreg:$0x0];
	s1 =	srdreg.scid;
	v45 =	vor.u32 $0x20C, v0;
	v46 =	vor.u32 $0x20D, v0;
	[tilespmem:$0x1FFA0] =	vst v1;
	v1 =	vimm.s32 $0x0  }
0x13: {  	s0 =	stileid.u32;
	s4 =	rddreg [dreg:$0x1];
	s2 =	simm.s32 $0x0;
	v47 =	vor.u32 $0x20E, v0;
	v48 =	vor.u32 $0x20F, v0;
	v1 =	vsel vm0, $0xFFFFFFFF, v1  }
0x14: {  	s5 =	sand.u32 $0x1, s1;
	s6 =	sshll.u32 s0, $0x1;
	s1 =	rddreg [dreg:$0x2];
	v49 =	vor.u32 $0x300, v0;
	v50 =	vor.u32 $0x301, v0;
	[tilespmem:$0x1FFB0] =	vst v1;
	v1 =	vimm.s32 $0x0  }
0x15: {  	[smem:$0x7FF] =	sst s2;
	s6 =	sor.u32 s5, s6;
	s5 =	ssub.s32 $0x2, s5;
	v51 =	vor.u32 $0x302, v0;
	v52 =	vor.u32 $0x303, v0;
	v1 =	vsel vm15, $0xFFFFFFFF, v1  }
0x16: {  	s7 =	sshll.u32 s6, $0x3;
	s8 =	sshll.u32 s6, $0x4;
	s9 =	sshrl.u32 s5, $0x1;
	v53 =	vor.u32 $0x304, v0;
	v54 =	vor.u32 $0x305, v0;
	[tilespmem:$0x1FFC0] =	vst v1;
	v1 =	vor.u32 $0x100, v0  }
0x17: {  	s6 =	sshll.u32 s6, $0x7;
	v55 =	vor.u32 $0x306, v0;
	v56 =	vor.u32 $0x307, v0;
	s7 =	sadd.s32 s7, s4;
	s8 =	sadd.s32 s8, s4;
	[tilespmem:$0x1FFD0] =	vst v1;
	v1 =	vor.u32 $0x101, v0  }
0x18: {  	v57 =	vor.u32 $0x308, v0;
	v58 =	vor.u32 $0x309, v0;
	s9 =	ssub.s32 s5, s9;
	s3 =	sadd.s32 s3, s6;
	s4 =	sadd.s32 $0x1800, s7;
	[tilespmem:$0x1FFE0] =	vst v1;
	v1 =	vor.u32 $0x102, v0  }
0x19: {  	v59 =	vor.u32 $0x30A, v0;
	v60 =	vor.u32 $0x30B, v0;
	v61 =	vor.u32 $0x30C, v0;
	s5 =	sadd.s32 $0x1A00, s8;
	s6 =	smax.u32 s9, $0x1;
	s7 =	simm.s32 $0x1;
	[tilespmem:$0x1FFF0] =	vst v1  }
0x1a: {  	v2 =	vimm.s32 $0x0;
	v62 =	vor.u32 $0x30D, v0;
	v63 =	vor.u32 $0x30E, v0;
	s8 =	simm.s32 $0x400;
	s9 =	simm.s32 $0x480;
	_ =	strace $0x80000047  }
.LBB2_1:
0x1b: {  	[tilespmem:s2], [sflag:$0x1] =	stream.linear.gather [hbm4b:s3+s2], $0x400, $0x38;
	[tilespmem:$0x500] =	vst v63  }
0x1c: {  	_ =	swait.ge [sflag:s7], $0x400  }
0x1d: {  	v3 =	vld [tilespmem:$0x1FEC0];
	_ =	sdelay $0x4  }
0x1e: {  	[sflag:s7] =	ssyncset.done $0x0  }
0x1f: {  	[sflag:s7] =	ssyncadd.s32 $0xFFFFFC00  }
0x20: {  	v1 =	vld.idx.msk [tilespmem:v0+s2+$0x0], $0xffff  }
0x21: {  	v3 =	vld.idx.msk [tilespmem:v3+s2+$0x0], $0xffff;
	_ =	sdelay $0x1  }
0x22: {  	v4 =	vld [tilespmem:$0x1FED0];
	_ =	sdelay $0x1  }
0x23: {  	v5 =	vld [tilespmem:$0x1FEE0]  }
0x24: {  	vm1 =	vgt.f32 v3, v1  }
0x25: {  	v1 =	vsel vm1, v3, v1;
	v3 =	vld [tilespmem:$0x1FEF0];
	_ =	sdelay $0x3  }
0x26: {  	v4 =	vld.idx.msk [tilespmem:v4+s2+$0x0], $0xffff;
	_ =	sdelay $0x1  }
0x27: {  	v5 =	vld.idx.msk [tilespmem:v5+s2+$0x0], $0xffff;
	_ =	sdelay $0x1  }
0x28: {  	v3 =	vld.idx.msk [tilespmem:v3+s2+$0x0], $0xffff  }
0x29: {  	vm2 =	vgt.f32 v4, v1  }
0x2a: {  	v17 =	vld [tilespmem:$0x1FF00];
	v1 =	vsel vm2, v4, v1  }
0x2b: {  	vm3 =	vgt.f32 v5, v1  }
0x2c: {  	v8 =	vld [tilespmem:$0x1FF10];
	v1 =	vsel vm3, v5, v1  }
0x2d: {  	vm4 =	vgt.f32 v3, v1  }
0x2e: {  	v1 =	vsel vm4, v3, v1;
	v3 =	vld [tilespmem:$0x1FF20];
	_ =	sdelay $0x3  }
0x2f: {  	v4 =	vld.idx.msk [tilespmem:v17+s2+$0x0], $0xffff;
	_ =	sdelay $0x1  }
0x30: {  	v5 =	vld.idx.msk [tilespmem:v8+s2+$0x0], $0xffff;
	_ =	sdelay $0x1  }
0x31: {  	v3 =	vld.idx.msk [tilespmem:v3+s2+$0x0], $0xffff  }
0x32: {  	vm5 =	vgt.f32 v4, v1  }
0x33: {  	v9 =	vld [tilespmem:$0x1FF30];
	v1 =	vsel vm5, v4, v1  }
0x34: {  	vm6 =	vgt.f32 v5, v1  }
0x35: {  	v10 =	vld [tilespmem:$0x1FF40];
	v1 =	vsel vm6, v5, v1  }
0x36: {  	vm7 =	vgt.f32 v3, v1  }
0x37: {  	v1 =	vsel vm7, v3, v1;
	v3 =	vld [tilespmem:$0x1FF50];
	_ =	sdelay $0x3  }
0x38: {  	v4 =	vld.idx.msk [tilespmem:v9+s2+$0x0], $0xffff;
	_ =	sdelay $0x1  }
0x39: {  	v5 =	vld.idx.msk [tilespmem:v10+s2+$0x0], $0xffff;
	_ =	sdelay $0x1  }
0x3a: {  	v3 =	vld.idx.msk [tilespmem:v3+s2+$0x0], $0xffff  }
0x3b: {  	vm8 =	vgt.f32 v4, v1  }
0x3c: {  	v11 =	vld [tilespmem:$0x1FF60];
	v1 =	vsel vm8, v4, v1  }
0x3d: {  	vm13 =	vgt.f32 v5, v1  }
0x3e: {  	v12 =	vld [tilespmem:$0x1FF70];
	v1 =	vsel vm13, v5, v1  }
0x3f: {  	vm14 =	vgt.f32 v3, v1  }
0x40: {  	v1 =	vsel vm14, v3, v1;
	v3 =	vld [tilespmem:$0x1FF80];
	_ =	sdelay $0x1  }
0x41: {  	v13 =	vld [tilespmem:$0x1FF90]  }
0x42: {  	v14 =	vld [tilespmem:$0x1FFA0]  }
0x43: {  	v6 =	vsel vm1, $0x1, v2;
	v4 =	vld.idx.msk [tilespmem:v11+s2+$0x0], $0xffff  }
0x44: {  	v6 =	vsel vm2, $0x2, v6  }
0x45: {  	v6 =	vsel vm3, $0x3, v6;
	v5 =	vld.idx.msk [tilespmem:v12+s2+$0x0], $0xffff  }
0x46: {  	v6 =	vsel vm4, $0x4, v6  }
0x47: {  	v6 =	vsel vm5, $0x5, v6;
	v3 =	vld.idx.msk [tilespmem:v3+s2+$0x0], $0xffff  }
0x48: {  	v6 =	vsel vm6, $0x6, v6;
	vm15 =	vgt.f32 v4, v1  }
0x49: {  	v6 =	vsel vm7, $0x7, v6;
	v1 =	vsel vm15, v4, v1;
	v4 =	vld.idx.msk [tilespmem:v13+s2+$0x0], $0xffff  }
0x4a: {  	v6 =	vsel vm8, $0x8, v6;
	vm8 =	vgt.f32 v5, v1  }
0x4b: {  	v1 =	vsel vm8, v5, v1;
	v5 =	vld.idx.msk [tilespmem:v14+s2+$0x0], $0xffff  }
0x4c: {  	vm9 =	vgt.f32 v3, v1  }
0x4d: {  	v1 =	vsel vm9, v3, v1  }
0x4e: {  	v15 =	vld [tilespmem:$0x1FFE0];
	vm10 =	vgt.f32 v4, v1  }
0x4f: {  	v9 =	vld [tilespmem:$0x1FFB0];
	v6 =	vsel vm13, $0x9, v6;
	v1 =	vsel vm10, v4, v1  }
0x50: {  	v6 =	vsel vm14, $0xA, v6;
	vm11 =	vgt.f32 v5, v1;
	v1 =	vld [tilespmem:$0x1FFD0]  }
0x51: {  	v6 =	vsel vm15, $0xB, v6  }
0x52: {  	v16 =	vld [tilespmem:$0x1FFF0];
	v3 =	vsel vm8, $0xC, v6  }
0x53: {  	v3 =	vsel vm9, $0xD, v3  }
0x54: {  	v3 =	vsel vm10, $0xE, v3  }
0x55: {  	vm15 =	vnez.u8 v9;
	v3 =	vsel vm11, $0xF, v3  }
0x56: {  	vm9 =	vcmask $0x308;
	vm10 =	vcmask $0x70C;
	vm11 =	vcmask $0xB10;
	[tilespmem:$0x400] =	vst v3  }
0x57: {  	vm1 =	veq.s32 v3, $0x0;
	vm12 =	veq.s32 v3, $0x1;
	vm13 =	veq.s32 v3, $0x2;
	v4 =	vld.idx.msk [tilespmem:v15+s2+$0x0], $0xffff  }
0x58: {  	vm14 =	veq.s32 v3, $0x3;
	vm0 =	veq.s32 v3, $0x4;
	v17 =	vmpcnt.ones.xlane vm1;
	v1 =	vld.idx.msk [tilespmem:v1+s2+$0x0], $0xffff  }
0x59: {  	vm8 =	veq.s32 v3, $0x5;
	v8 =	vmpcnt.ones.xlane vm12;
	v13 =	vmpcnt.ones.xlane vm13  }
0x5a: {  	v5 =	vld.idx.msk [tilespmem:v16+s2+$0x0], $0xffff;
	v15 =	vmpcnt.ones.xlane vm14;
	vm12 =	vcmask $0xF14;
	vm13 =	vcmask $0x1318  }
0x5b: {  	vm14 =	vcmask $0x171C;
	v6 =	vnsel vm15, $0x0, v17;
	v8 =	vsel vm9, $0x0, v8  }
0x5c: {  	v7 =	vld.idx.msk [tilespmem:v20+s2+$0x0], $0xffff;
	v14 =	vsel vm10, $0x0, v13;
	v16 =	vsel vm11, $0x0, v15;
	v17 =	vmpcnt.ones.xlane vm0  }
0x5d: {  	v13 =	vmpcnt.ones.xlane vm8;
	vm9 =	veq.s32 v3, $0x6;
	vm1 =	vgt.f32 v4, v1  }
0x5e: {  	v12 =	vld.idx.msk [tilespmem:v21+s2+$0x0], $0xffff;
	vm10 =	veq.s32 v3, $0x7;
	vm0 =	vcmask $0x1B20;
	v1 =	vsel vm1, v4, v1  }
0x5f: {  	v6 =	vadd.s32 v6, v8;
	v15 =	vmpcnt.ones.xlane vm9;
	vm2 =	vgt.f32 v5, v1  }
0x60: {  	vm9 =	veq.s32 v3, $0xA;
	v6 =	vadd.s32 v14, v6;
	v1 =	vsel vm2, v5, v1;
	v5 =	vld.idx.msk [tilespmem:v22+s2+$0x0], $0xffff  }
0x61: {  	v14 =	vsel vm13, $0x0, v13;
	vm13 =	vcmask $0x1F24;
	vm3 =	vgt.f32 v7, v1  }
0x62: {  	v6 =	vadd.s32 v16, v6;
	v16 =	vsel vm14, $0x0, v15;
	v1 =	vsel vm3, v7, v1;
	v7 =	vld.idx.msk [tilespmem:v23+s2+$0x0], $0xffff  }
0x63: {  	vm14 =	veq.s32 v3, $0x9;
	v15 =	vsel vm1, $0x1, v2;
	vm4 =	vgt.f32 v12, v1  }
0x64: {  	v10 =	vmpcnt.ones.xlane vm14;
	v4 =	vld.idx.msk [tilespmem:v24+s2+$0x0], $0xffff;
	v8 =	vsel vm2, $0x2, v15;
	v1 =	vsel vm4, v12, v1  }
0x65: {  	v15 =	vmpcnt.ones.xlane vm9;
	v8 =	vsel vm3, $0x3, v8;
	vm5 =	vgt.f32 v5, v1  }
0x66: {  	v12 =	vsel vm12, $0x0, v17;
	v17 =	vmpcnt.ones.xlane vm10;
	v1 =	vsel vm5, v5, v1;
	v5 =	vld.idx.msk [tilespmem:v25+s2+$0x0], $0xffff  }
0x67: {  	vm12 =	veq.s32 v3, $0x8;
	v8 =	vsel vm4, $0x4, v8;
	vm6 =	vgt.f32 v7, v1  }
0x68: {  	vm4 =	veq.s32 v3, $0xE;
	v6 =	vadd.s32 v12, v6;
	v1 =	vsel vm6, v7, v1;
	v7 =	vld.idx.msk [tilespmem:v26+s2+$0x0], $0xffff  }
0x69: {  	v6 =	vadd.s32 v14, v6;
	v13 =	vsel vm0, $0x0, v17;
	vm7 =	vgt.f32 v4, v1  }
0x6a: {  	v12 =	vld.idx.msk [tilespmem:v27+s2+$0x0], $0xffff;
	v14 =	vmpcnt.ones.xlane vm12;
	v8 =	vsel vm5, $0x5, v8;
	v1 =	vsel vm7, v4, v1  }
0x6b: {  	vm12 =	vcmask $0x272C;
	vm5 =	vcmask $0x2F34;
	vm8 =	vgt.f32 v5, v1  }
0x6c: {  	vm0 =	vcmask $0x308;
	v6 =	vadd.s32 v16, v6;
	v16 =	vld.idx.msk [tilespmem:v28+s2+$0x0], $0xffff;
	v1 =	vsel vm8, v5, v1  }
0x6d: {  	v6 =	vadd.s32 v13, v6;
	v9 =	vsel vm13, $0x0, v14;
	vm1 =	vgt.f32 v7, v1  }
0x6e: {  	v17 =	vld.idx.msk [tilespmem:v29+s2+$0x0], $0xffff;
	vm13 =	vcmask $0x2328;
	v8 =	vsel vm6, $0x6, v8;
	v1 =	vsel vm1, v7, v1  }
0x6f: {  	vm6 =	veq.s32 v3, $0xB;
	v6 =	vadd.s32 v9, v6;
	vm2 =	vgt.f32 v12, v1  }
0x70: {  	v13 =	vsel vm13, $0x0, v10;
	v8 =	vsel vm7, $0x7, v8;
	v1 =	vsel vm2, v12, v1;
	v12 =	vld.idx.msk [tilespmem:v30+s2+$0x0], $0xffff  }
0x71: {  	v6 =	vadd.s32 v13, v6;
	v8 =	vsel vm8, $0x8, v8;
	vm3 =	vgt.f32 v16, v1  }
0x72: {  	v14 =	vld.idx.msk [tilespmem:v31+s2+$0x0], $0xffff;
	v13 =	vmpcnt.ones.xlane vm6;
	v8 =	vsel vm1, $0x9, v8;
	v1 =	vsel vm3, v16, v1  }
0x73: {  	vm6 =	vcmask $0x3338;
	v8 =	vsel vm2, $0xA, v8;
	vm10 =	vgt.f32 v17, v1  }
0x74: {  	vm8 =	veq.s32 v3, $0xC;
	v8 =	vsel vm3, $0xB, v8;
	v1 =	vsel vm10, v17, v1  }
0x75: {  	v16 =	vld.idx.msk [tilespmem:v32+s2+$0x0], $0xffff;
	vm3 =	vcmask $0x373C;
	v17 =	vsel vm12, $0x0, v15;
	vm14 =	vgt.f32 v12, v1  }
0x76: {  	v6 =	vadd.s32 v17, v6;
	v17 =	vmpcnt.ones.xlane vm4;
	v1 =	vsel vm14, v12, v1  }
0x77: {  	v12 =	vsel vm10, $0xC, v8;
	vm10 =	veq.s32 v3, $0xD;
	vm7 =	vgt.f32 v14, v1  }
0x78: {  	v4 =	vsel vm14, $0xD, v12;
	vm14 =	vcmask $0x2B30;
	v11 =	vsel vm3, $0x0, v17  }
0x79: {  	v1 =	vsel vm7, v14, v1;
	v4 =	vsel vm7, $0xE, v4;
	v14 =	vmpcnt.ones.xlane vm8  }
0x7a: {  	v15 =	vsel vm14, $0x0, v13;
	vm7 =	veq.s32 v3, $0xF;
	vm9 =	vgt.f32 v16, v1  }
0x7b: {  	v13 =	vld [tilespmem:$0x1FFC0];
	v16 =	vmpcnt.ones.xlane vm10;
	v12 =	vmpcnt.ones.xlane vm7;
	vm10 =	vcmask $0x70C  }
0x7c: {  	v1 =	vsel vm9, $0xF, v4;
	v4 =	vadd.s32 v15, v6;
	v5 =	vsel vm5, $0x0, v14  }
0x7d: {  	v4 =	vadd.s32 v5, v4;
	v10 =	vsel vm6, $0x0, v16;
	vm4 =	veq.s32 v1, $0x0  }
0x7e: {  	[tilespmem:$0x410] =	vst v1;
	vm5 =	veq.s32 v1, $0x1;
	vm6 =	veq.s32 v1, $0x2;
	vm7 =	veq.s32 v1, $0x3  }
0x7f: {  	vm8 =	veq.s32 v1, $0x4;
	v8 =	vld.idx.msk [tilespmem:v33+s2+$0x0], $0xffff;
	v4 =	vadd.s32 v10, v4;
	v14 =	vmpcnt.ones.xlane vm4  }
0x80: {  	v3 =	vld.idx.msk [tilespmem:v34+s2+$0x0], $0xffff;
	v15 =	vmpcnt.ones.xlane vm5;
	v17 =	vmpcnt.ones.xlane vm6;
	vm9 =	vnez.u8 v13  }
0x81: {  	vm6 =	veq.s32 v1, $0x6;
	v4 =	vadd.s32 v11, v4;
	v6 =	vsel vm9, $0x0, v12  }
0x82: {  	v7 =	vnsel vm15, $0x0, v14;
	v13 =	vsel vm10, $0x0, v17;
	v14 =	vmpcnt.ones.xlane vm7  }
0x83: {  	v5 =	vld.idx.msk [tilespmem:v35+s2+$0x0], $0xffff;
	vm7 =	veq.s32 v1, $0x7;
	v4 =	vadd.s32 v6, v4;
	v6 =	vsel vm0, $0x0, v15  }
0x84: {  	v15 =	vmpcnt.ones.xlane vm8;
	vm8 =	veq.s32 v1, $0x5;
	v4 =	vadd.s32 v7, v4  }
0x85: {  	v16 =	vld.idx.msk [tilespmem:v36+s2+$0x0], $0xffff;
	v17 =	vmpcnt.ones.xlane vm8;
	vm8 =	vcmask $0x1318;
	vm1 =	vgt.f32 v3, v8  }
0x86: {  	v4 =	vadd.s32 v6, v4;
	v6 =	vsel vm11, $0x0, v14;
	vm11 =	vcmask $0xF14  }
0x87: {  	v12 =	vld.idx.msk [tilespmem:v37+s2+$0x0], $0xffff;
	v14 =	vmpcnt.ones.xlane vm6;
	v3 =	vsel vm1, v3, v8;
	v4 =	vadd.s32 v13, v4  }
0x88: {  	v11 =	vsel vm11, $0x0, v15;
	v13 =	vsel vm8, $0x0, v17;
	vm2 =	vgt.f32 v5, v3  }
0x89: {  	v15 =	vmpcnt.ones.xlane vm7;
	vm7 =	veq.s32 v1, $0x8;
	v3 =	vsel vm2, v5, v3;
	v5 =	vld.idx.msk [tilespmem:v38+s2+$0x0], $0xffff  }
0x8a: {  	vm8 =	vcmask $0x171C;
	v4 =	vadd.s32 v6, v4;
	vm3 =	vgt.f32 v16, v3  }
0x8b: {  	v6 =	vsel vm8, $0x0, v14;
	v17 =	vmpcnt.ones.xlane vm7;
	v3 =	vsel vm3, v16, v3;
	v16 =	vld.idx.msk [tilespmem:v39+s2+$0x0], $0xffff  }
0x8c: {  	vm8 =	vcmask $0x1B20;
	v4 =	vadd.s32 v11, v4;
	vm4 =	vgt.f32 v12, v3  }
0x8d: {  	v11 =	vsel vm8, $0x0, v15;
	vm8 =	vcmask $0x1F24;
	v3 =	vsel vm4, v12, v3;
	v12 =	vld.idx.msk [tilespmem:v40+s2+$0x0], $0xffff  }
0x8e: {  	v4 =	vadd.s32 v13, v4;
	v13 =	vsel vm1, $0x1, v2;
	vm5 =	vgt.f32 v5, v3  }
0x8f: {  	vm1 =	veq.s32 v1, $0x9;
	v4 =	vadd.s32 v6, v4;
	v3 =	vsel vm5, v5, v3;
	v5 =	vld.idx.msk [tilespmem:v41+s2+$0x0], $0xffff  }
0x90: {  	v14 =	vmpcnt.ones.xlane vm1;
	v8 =	vsel vm2, $0x2, v13;
	vm6 =	vgt.f32 v16, v3  }
0x91: {  	v15 =	vsel vm3, $0x3, v8;
	vm3 =	veq.s32 v1, $0xA;
	v3 =	vsel vm6, v16, v3;
	v16 =	vld.idx.msk [tilespmem:v42+s2+$0x0], $0xffff  }
0x92: {  	v6 =	vsel vm4, $0x4, v15;
	v13 =	vmpcnt.ones.xlane vm3;
	vm7 =	vgt.f32 v12, v3  }
0x93: {  	v7 =	vld.idx.msk [tilespmem:v43+s2+$0x0], $0xffff;
	v4 =	vadd.s32 v11, v4;
	v6 =	vsel vm5, $0x5, v6;
	v3 =	vsel vm7, v12, v3  }
0x94: {  	v15 =	vsel vm12, $0x0, v13;
	v12 =	vsel vm8, $0x0, v17;
	vm8 =	vgt.f32 v5, v3  }
0x95: {  	vm5 =	veq.s32 v1, $0xF;
	v6 =	vsel vm6, $0x6, v6;
	v3 =	vsel vm8, v5, v3;
	v5 =	vld.idx.msk [tilespmem:v44+s2+$0x0], $0xffff  }
0x96: {  	v17 =	vsel vm13, $0x0, v14;
	v4 =	vadd.s32 v12, v4;
	vm1 =	vgt.f32 v16, v3  }
0x97: {  	v6 =	vsel vm7, $0x7, v6;
	v4 =	vadd.s32 v17, v4;
	v3 =	vsel vm1, v16, v3;
	v16 =	vld.idx.msk [tilespmem:v45+s2+$0x0], $0xffff  }
0x98: {  	v6 =	vsel vm8, $0x8, v6;
	vm8 =	veq.s32 v1, $0xB;
	vm2 =	vgt.f32 v7, v3  }
0x99: {  	v12 =	vld.idx.msk [tilespmem:v46+s2+$0x0], $0xffff;
	v17 =	vmpcnt.ones.xlane vm8;
	v4 =	vadd.s32 v15, v4;
	v3 =	vsel vm2, v7, v3  }
0x9a: {  	vm8 =	veq.s32 v1, $0xC;
	v6 =	vsel vm1, $0x9, v6;
	vm3 =	vgt.f32 v5, v3  }
0x9b: {  	v14 =	vld.idx.msk [tilespmem:v47+s2+$0x0], $0xffff;
	v13 =	vmpcnt.ones.xlane vm8;
	v6 =	vsel vm2, $0xA, v6;
	v3 =	vsel vm3, v5, v3  }
0x9c: {  	vm8 =	vcmask $0x2F34;
	v6 =	vsel vm3, $0xB, v6;
	vm4 =	vgt.f32 v16, v3  }
0x9d: {  	v5 =	vsel vm8, $0x0, v13;
	vm8 =	vcmask $0x373C;
	v3 =	vsel vm4, v16, v3;
	v16 =	vld.idx.msk [tilespmem:v48+s2+$0x0], $0xffff  }
0x9e: {  	v6 =	vsel vm4, $0xC, v6;
	vm4 =	veq.s32 v1, $0xE;
	vm6 =	vgt.f32 v12, v3  }
0x9f: {  	v15 =	vmpcnt.ones.xlane vm4;
	v3 =	vsel vm6, v12, v3;
	v12 =	vsel vm14, $0x0, v17  }
0xa0: {  	v6 =	vsel vm6, $0xD, v6;
	vm7 =	vgt.f32 v14, v3;
	v4 =	vadd.s32 v12, v4  }
0xa1: {  	v3 =	vsel vm7, v14, v3;
	v6 =	vsel vm7, $0xE, v6;
	vm7 =	veq.s32 v1, $0xD  }
0xa2: {  	v4 =	vadd.s32 v5, v4;
	vm6 =	vgt.f32 v16, v3;
	v14 =	vmpcnt.ones.xlane vm7  }
0xa3: {  	v16 =	vmpcnt.ones.xlane vm5;
	v3 =	vsel vm6, $0xF, v6;
	vm6 =	vcmask $0x3338  }
0xa4: {  	v5 =	vsel vm8, $0x0, v15;
	v6 =	vsel vm6, $0x0, v14;
	vm7 =	veq.s32 v3, $0x0  }
0xa5: {  	v11 =	vsel vm9, $0x0, v16;
	vm4 =	veq.s32 v3, $0x1;
	vm5 =	veq.s32 v3, $0x2  }
0xa6: {  	[tilespmem:$0x420] =	vst v3;
	vm6 =	veq.s32 v3, $0x3;
	vm8 =	veq.s32 v3, $0x5;
	v10 =	vmpcnt.ones.xlane vm7  }
0xa7: {  	v1 =	vld.idx.msk [tilespmem:v49+s2+$0x0], $0xffff;
	v4 =	vadd.s32 v6, v4;
	v14 =	vmpcnt.ones.xlane vm4;
	v16 =	vmpcnt.ones.xlane vm5  }
0xa8: {  	v17 =	vld.idx.msk [tilespmem:v50+s2+$0x0], $0xffff;
	v9 =	vmpcnt.ones.xlane vm6;
	vm7 =	veq.s32 v3, $0x4;
	v4 =	vadd.s32 v5, v4  }
0xa9: {  	v4 =	vadd.s32 v11, v4;
	v13 =	vnsel vm15, $0x0, v10;
	v6 =	vsel vm0, $0x0, v14  }
0xaa: {  	v12 =	vld.idx.msk [tilespmem:v51+s2+$0x0], $0xffff;
	v8 =	vsel vm10, $0x0, v16;
	v10 =	vmpcnt.ones.xlane vm7;
	v11 =	vmpcnt.ones.xlane vm8  }
0xab: {  	vm8 =	veq.s32 v3, $0x6;
	vm0 =	veq.s32 v3, $0x7;
	v4 =	vadd.s32 v13, v4  }
0xac: {  	v15 =	vld.idx.msk [tilespmem:v52+s2+$0x0], $0xffff;
	vm7 =	vcmask $0xB10;
	v13 =	vmpcnt.ones.xlane vm0;
	v4 =	vadd.s32 v6, v4  }
0xad: {  	vm0 =	veq.s32 v3, $0x9;
	vm1 =	vgt.f32 v17, v1;
	v4 =	vadd.s32 v8, v4  }
0xae: {  	v8 =	vsel vm7, $0x0, v9;
	v1 =	vsel vm1, v17, v1;
	v17 =	vld.idx.msk [tilespmem:v53+s2+$0x0], $0xffff;
	v9 =	vsel vm1, $0x1, v2  }
0xaf: {  	v4 =	vadd.s32 v8, v4;
	v8 =	vsel vm11, $0x0, v10;
	vm2 =	vgt.f32 v12, v1  }
0xb0: {  	v7 =	vld.idx.msk [tilespmem:v54+s2+$0x0], $0xffff;
	v10 =	vor.u32 $0x30F, v0;
	v4 =	vadd.s32 v8, v4;
	v1 =	vsel vm2, v12, v1  }
0xb1: {  	v12 =	vmpcnt.ones.xlane vm8;
	vm8 =	veq.s32 v3, $0x8;
	vm3 =	vgt.f32 v15, v1  }
0xb2: {  	v5 =	vld.idx.msk [tilespmem:v55+s2+$0x0], $0xffff;
	v9 =	vsel vm2, $0x2, v9;
	v14 =	vmpcnt.ones.xlane vm8;
	v1 =	vsel vm3, v15, v1  }
0xb3: {  	v15 =	vmpcnt.ones.xlane vm0;
	vm0 =	veq.s32 v3, $0xA;
	vm4 =	vgt.f32 v17, v1  }
0xb4: {  	v6 =	vld.idx.msk [tilespmem:v56+s2+$0x0], $0xffff;
	v16 =	vmpcnt.ones.xlane vm0;
	vm0 =	veq.s32 v3, $0xB;
	v1 =	vsel vm4, v17, v1  }
0xb5: {  	v9 =	vsel vm3, $0x3, v9;
	v17 =	vmpcnt.ones.xlane vm0;
	vm5 =	vgt.f32 v7, v1  }
0xb6: {  	vm0 =	veq.s32 v3, $0xC;
	v9 =	vsel vm4, $0x4, v9;
	v1 =	vsel vm5, v7, v1;
	v7 =	vld.idx.msk [tilespmem:v57+s2+$0x0], $0xffff  }
0xb7: {  	v18 =	vmpcnt.ones.xlane vm0;
	vm0 =	veq.s32 v3, $0xD;
	vm6 =	vgt.f32 v5, v1  }
0xb8: {  	v19 =	vmpcnt.ones.xlane vm0;
	vm0 =	vcmask $0x1318;
	v1 =	vsel vm6, v5, v1;
	v5 =	vld.idx.msk [tilespmem:v58+s2+$0x0], $0xffff  }
0xb9: {  	v9 =	vsel vm5, $0x5, v9;
	vm5 =	vcmask $0x171C;
	vm8 =	vgt.f32 v6, v1  }
0xba: {  	v8 =	vsel vm0, $0x0, v11;
	v12 =	vsel vm5, $0x0, v12;
	v1 =	vsel vm8, v6, v1;
	v6 =	vld.idx.msk [tilespmem:v59+s2+$0x0], $0xffff  }
0xbb: {  	v4 =	vadd.s32 v8, v4;
	v9 =	vsel vm6, $0x6, v9;
	vm1 =	vgt.f32 v7, v1  }
0xbc: {  	vm6 =	vcmask $0x1B20;
	v4 =	vadd.s32 v12, v4;
	v1 =	vsel vm1, v7, v1;
	v7 =	vld.idx.msk [tilespmem:v60+s2+$0x0], $0xffff  }
0xbd: {  	v12 =	vsel vm6, $0x0, v13;
	v9 =	vsel vm8, $0x7, v9;
	vm2 =	vgt.f32 v5, v1  }
0xbe: {  	v4 =	vadd.s32 v12, v4;
	vm8 =	vcmask $0x1F24;
	v1 =	vsel vm2, v5, v1;
	v5 =	vld.idx.msk [tilespmem:v61+s2+$0x0], $0xffff  }
0xbf: {  	v13 =	vsel vm8, $0x0, v14;
	v9 =	vsel vm1, $0x8, v9;
	vm3 =	vgt.f32 v6, v1  }
0xc0: {  	v4 =	vadd.s32 v13, v4;
	v13 =	vsel vm13, $0x0, v15;
	v1 =	vsel vm3, v6, v1;
	v6 =	vld.idx.msk [tilespmem:v62+s2+$0x0], $0xffff  }
0xc1: {  	v4 =	vadd.s32 v13, v4;
	v9 =	vsel vm2, $0x9, v9;
	vm4 =	vgt.f32 v7, v1  }
0xc2: {  	v14 =	vsel vm3, $0xA, v9;
	vm3 =	vmmov vm13;
	v1 =	vsel vm4, v7, v1;
	v7 =	vld.idx.msk [tilespmem:v63+s2+$0x0], $0xffff  }
0xc3: {  	vm13 =	veq.s32 v3, $0xE;
	v8 =	vsel vm4, $0xB, v14;
	vm1 =	vgt.f32 v5, v1  }
0xc4: {  	v12 =	vld.idx.msk [tilespmem:v10+s2+$0x0], $0xffff;
	v14 =	vsel vm12, $0x0, v16;
	v16 =	vsel vm14, $0x0, v17;
	v1 =	vsel vm1, v5, v1  }
0xc5: {  	v17 =	vmpcnt.ones.xlane vm13;
	v8 =	vsel vm1, $0xC, v8;
	vm2 =	vgt.f32 v6, v1  }
0xc6: {  	vm13 =	vcmask $0x2F34;
	v1 =	vsel vm2, v6, v1;
	v8 =	vsel vm2, $0xD, v8  }
0xc7: {  	vm2 =	vmmov vm12;
	vm12 =	veq.s32 v3, $0xF;
	vm4 =	vgt.f32 v7, v1  }
0xc8: {  	v4 =	vadd.s32 v14, v4;
	v13 =	vmpcnt.ones.xlane vm12;
	v1 =	vsel vm4, v7, v1  }
0xc9: {  	v15 =	vsel vm4, $0xE, v8;
	vm4 =	vgt.f32 v12, v1;
	v1 =	vadd.s32 v16, v4  }
0xca: {  	v12 =	vsel vm13, $0x0, v18;
	v4 =	vsel vm4, $0xF, v15;
	vm4 =	vcmask $0x3338  }
0xcb: {  	vm12 =	vcmask $0x373C;
	v1 =	vadd.s32 v12, v1;
	v3 =	vsel vm4, $0x0, v19  }
0xcc: {  	vm1 =	veq.s32 v4, $0x0;
	v1 =	vadd.s32 v3, v1;
	v3 =	vsel vm12, $0x0, v17  }
0xcd: {  	v14 =	vmpcnt.ones.xlane vm1;
	vm1 =	veq.s32 v4, $0x1;
	v1 =	vadd.s32 v3, v1  }
0xce: {  	v3 =	vsel vm9, $0x0, v13;
	v15 =	vmpcnt.ones.xlane vm1;
	vm1 =	veq.s32 v4, $0x2  }
0xcf: {  	v1 =	vadd.s32 v3, v1;
	v3 =	vnsel vm15, $0x0, v14;
	vm15 =	vcmask $0x308  }
0xd0: {  	v16 =	vmpcnt.ones.xlane vm1;
	v1 =	vadd.s32 v3, v1;
	v3 =	vsel vm15, $0x0, v15  }
0xd1: {  	vm15 =	veq.s32 v4, $0x3;
	v1 =	vadd.s32 v3, v1  }
0xd2: {  	v3 =	vmpcnt.ones.xlane vm15;
	vm15 =	veq.s32 v4, $0x4;
	v5 =	vsel vm10, $0x0, v16  }
0xd3: {  	vm10 =	veq.s32 v4, $0x6;
	v17 =	vmpcnt.ones.xlane vm15;
	vm15 =	veq.s32 v4, $0x5  }
0xd4: {  	v1 =	vadd.s32 v5, v1;
	v10 =	vmpcnt.ones.xlane vm10;
	vm10 =	veq.s32 v4, $0xC  }
0xd5: {  	v3 =	vsel vm7, $0x0, v3;
	v9 =	vmpcnt.ones.xlane vm15;
	vm15 =	veq.s32 v4, $0x8  }
0xd6: {  	vm7 =	veq.s32 v4, $0xA;
	v1 =	vadd.s32 v3, v1;
	v3 =	vsel vm11, $0x0, v17  }
0xd7: {  	vm11 =	veq.s32 v4, $0x7;
	v1 =	vadd.s32 v3, v1;
	v3 =	vsel vm0, $0x0, v9  }
0xd8: {  	v11 =	vmpcnt.ones.xlane vm11;
	v1 =	vadd.s32 v3, v1;
	v3 =	vsel vm5, $0x0, v10  }
0xd9: {  	vm5 =	veq.s32 v4, $0x9;
	v1 =	vadd.s32 v3, v1;
	v3 =	vmpcnt.ones.xlane vm15  }
0xda: {  	v13 =	vmpcnt.ones.xlane vm7;
	v5 =	vsel vm6, $0x0, v11;
	v12 =	vmpcnt.ones.xlane vm5  }
0xdb: {  	v1 =	vadd.s32 v5, v1;
	v3 =	vsel vm8, $0x0, v3;
	vm8 =	veq.s32 v4, $0xB  }
0xdc: {  	v1 =	vadd.s32 v3, v1;
	v3 =	vsel vm3, $0x0, v12;
	v14 =	vmpcnt.ones.xlane vm8  }
0xdd: {  	v15 =	vmpcnt.ones.xlane vm10;
	v1 =	vadd.s32 v3, v1;
	v3 =	vsel vm2, $0x0, v13  }
0xde: {  	vm11 =	veq.s32 v4, $0xD;
	v1 =	vadd.s32 v3, v1;
	v3 =	vsel vm14, $0x0, v14  }
0xdf: {  	vm14 =	veq.s32 v4, $0xE;
	v1 =	vadd.s32 v3, v1;
	v3 =	vmpcnt.ones.xlane vm11  }
0xe0: {  	vm15 =	veq.s32 v4, $0xF;
	v5 =	vsel vm13, $0x0, v15;
	v16 =	vmpcnt.ones.xlane vm14  }
0xe1: {  	v17 =	vmpcnt.ones.xlane vm15;
	v1 =	vadd.s32 v5, v1;
	v3 =	vsel vm4, $0x0, v3  }
0xe2: {  	v1 =	vadd.s32 v3, v1;
	v3 =	vsel vm12, $0x0, v16  }
0xe3: {  	v1 =	vadd.s32 v3, v1;
	v3 =	vsel vm9, $0x0, v17  }
0xe4: {  	[tilespmem:$0x430] =	vst v4;
	v1 =	vadd.s32 v3, v1  }
0xe5: {  	[tilespmem:$0x480] =	vst v1  }
0xe6: {  	[hbm4b:s4+s2] =	stream.linear.scatter [tilespmem:s8], [sflag:$0x1], $0x40, $0x38;
	[tilespmem:$0x500] =	vst v63  }
0xe7: {  	_ =	swait.ge [sflag:s7], $0x40  }
0xe8: {  	p0 =	sne.s32 s6, $0x1;
	[sflag:s7] =	ssyncset.done $0x0  }
.Ltmp0:
0xe9: {  	[sflag:s7] =	ssyncadd.s32 $0xFFFFFFC0;
	(pc) =	sbr.rel @p0 .LBB2_1-.Ltmp0, $4  }
0xea: {  	[hbm4b:s5+s2] =	stream.linear.scatter [tilespmem:s9], [sflag:$0x1], $0x80, $0x38;
	[tilespmem:$0x500] =	vst v63  }
0xeb: {  	_ =	swait.ge [sflag:s7], $0x80  }
0xec: {  	[sflag:s7] =	ssyncset.done $0x0  }
0xed: {  	s6 =	sadd.s32 $0xFFFFFFFF, s6;
	[sflag:s7] =	ssyncadd.s32 $0xFFFFFF80  }
0xee: {  	_ =	sfence.sel $0x180000  }
0xef: {  	[bflag:$0x0] =	sbarrier.arrive $0xFFFF  }
0xf0: {  	p0 =	sne.s32 s0, $0x0;
	_ =	strace $0x90000047  }
0xf1: {  	s0 =	sadd.s32 @!p0 $0x100000, s1;
	[bflag:$0x2] =	sbarrier.arrive $0xFFFF  }
0xf2: {  	[sflag:s0] =	ssyncadd.tile.s32 @!p0 $0x1;
	_ =	shalt  }
.Lfunc_end2:
_tile_overlayer_lowered:
.L_overlay_start_2:
0xf3: {  	(tag) =	ssettag $0x2  }
0xf4: {  	s0 =	rddreg [dreg:$0x0];
	s2 =	stileid.u32  }
0xf5: {  	s1 =	rddreg [dreg:$0x1];
	p0 =	sne.s32 s2, $0x0  }
0xf6: {  	s3 =	rddreg [dreg:$0x2];
	[bflag:$0x3] =	sbarrier.arrive $0xFFFF;
	s2 =	simm.s32 @!p0 $0x1C01  }
0xf7: {  	[timem:s3], [sflag:s2] =	dma.local @!p0 [hbm:s0], s1  }
0xf8: {  	s0 =	simm.s32 @!p0 $0x1  }
0xf9: {  	_ =	swait.ge @!p0 [sflag:s0], s1  }
0xfa: {  	s1 =	ssub.s32 @!p0 $0x0, s1;
	[sflag:s0] =	ssyncset.done @!p0 $0x0  }
0xfb: {  	[sflag:s0] =	ssyncadd.s32 @!p0 s1  }
0xfc: {  	[bflag:$0x3] =	sbarrier.arrive $0xFFFF  }
0xfd: {  	_ =	shalt  }

// kernel: kernel.9.cloned.1.call-start
scs
__scs_entry_jumppad:
0x0: {  	(pc) =	sbr.rel $0x88, $3  }
0x1: {  	(tag) =	ssettag $0x0;
	lr =	simm.s32 $0x1  }
0x2: {  	[smem:$0x3F9C] =	sst lr;
	_ =	strace $0xD0000000  }
0x3: {  	_ = 	snop  }
0x4: {  	_ = 	snop  }
0x5: {  	_ = 	snop  }
0x6: {  	_ = 	snop  }
0x7: {  	_ = 	snop  }
__scs_overlays_trampoline_lowered:
0x8: {  	[smem:$0x3FAB] =	sst s0  }
0x9: {  	[smem:$0x3FAC] =	sst s1  }
0xa: {  	[smem:$0x3FAD] =	sst s2  }
0xb: {  	[smem:$0x3FAE] =	sst s3  }
0xc: {  	[smem:$0x3FAF] =	sst s4  }
0xd: {  	[smem:$0x3FB0] =	sst s5  }
0xe: {  	[smem:$0x3FB1] =	sst s6  }
0xf: {  	[smem:$0x3FB2] =	sst s7  }
0x10: {  	[smem:$0x3FB3] =	sst s8  }
0x11: {  	[smem:$0x3FB4] =	sst s9;
	s0 =	simm.s32 @!p0 $0x0  }
0x12: {  	s1 =	sld [smem:$0x3F9A];
	s0 =	simm.s32 @p0 $0x1  }
0x13: {  	[smem:$0x3FB5] =	sst s0;
	s0 =	simm.s32 @!p1 $0x0  }
0x14: {  	s2 =	sld [smem:$0x3F99];
	s0 =	simm.s32 @p1 $0x1  }
0x15: {  	[smem:$0x3FB6] =	sst s0;
	s0 =	simm.s32 @!p2 $0x0  }
0x16: {  	s3 =	sld [smem:$0x3FDB];
	s0 =	simm.s32 @p2 $0x1  }
0x17: {  	s4 =	simm.s32 $0x1BF5;
	[smem:$0x3FB8] =	sst s0  }
0x18: {  	s0 =	sld [smem:$0x3F9B];
	_ =	swait.ge [sflag:s4], $0x0  }
0x19: {  	s7 =	sld [smem:$0x3F9C]  }
0x1a: {  	s8 =	sadd.s32 $0xFFFFE003, lr  }
0x1b: {  	s9 =	sadd.s32 $0xFFFFFEF7, lr;
	s5 =	simm.s32 $0xFFFFFFFF;
	p2 =	slt.u32 s8, $0xFFFFF086  }
0x1c: {  	p1 =	slt.u32 s9, $0xF7A;
	s5 =	simm.s32 @!p2 $0x0  }
0x1d: {  	s5 =	simm.s32 @p1 $0x1;
	p0 =	seq.s32 s7, s2  }
0x1e: {  	s7 =	smul.u32 @!p0 $0xF7A, s2;
	p2 =	seq.s32 @!p0 s5, $0x0  }
0x1f: {  	s9 =	smul.u32 $0xF7A, s1;
	s8 =	simm.s32 @!p0 $0x1BF5;
	p2 =	por !p2, p0  }
0x20: {  	[sflag:s8] =	ssyncset.s32 @!p0 $0xFFFFF086;
	s6 =	sadd.s32 @!p0 s3, s7;
	s7 =	simm.s32 @!p0 $0x108  }
0x21: {  	s3 =	sadd.s32 s3, s9;
	s6 =	sadd.s32 @!p0 $0x88, s6;
	s7 =	simm.s32 @p2 $0x1082  }
0x22: {  	[simem:s7], [sflag:s8] =	dma.local @!p0 [hbm:s6], $0xF7A  }
0x23: {  	s9 =	sor.u32 $0xD0000000, s2;
	s6 =	simm.s32 $0x108;
	_ =	swait.ge @!p0 [sflag:s8], $0x0  }
0x24: {  	s3 =	sadd.s32 $0x88, s3;
	s6 =	simm.s32 @!p1 $0x1082;
	[sflag:s4] =	ssyncset.s32 $0xFFFFF086  }
0x25: {  	[simem:s6], [sflag:s4] =	dma.local [hbm:s3], $0xF7A  }
0x26: {  	[smem:$0x3F9C] =	sst s1;
	(tag) =	ssettag s2;
	_ =	strace s9  }
0x27: {  	s1 =	sld [smem:$0x3FAC]  }
0x28: {  	s2 =	sld [smem:$0x3FAD]  }
0x29: {  	s4 =	sld [smem:$0x3FAF]  }
0x2a: {  	p0 =	seq.s32 s5, $0x0;
	s5 =	sld [smem:$0x3FB0]  }
0x2b: {  	s6 =	sld [smem:$0x3FB1]  }
0x2c: {  	s7 =	sld [smem:$0x3FB2]  }
0x2d: {  	s3 =	simm.s32 $0x108;
	s8 =	sld [smem:$0x3FB3]  }
0x2e: {  	s3 =	simm.s32 @!p0 $0x1082;
	s9 =	sld [smem:$0x3FB4]  }
0x2f: {  	lr =	sadd.s32 s0, s3;
	s0 =	sld [smem:$0x3FAB]  }
0x30: {  	s3 =	sld [smem:$0x3FAE]  }
0x31: {  	[smem:$0x3FB7] =	sst s10  }
0x32: {  	s10 =	sld [smem:$0x3FB5];
	_ =	sdelay $0x3  }
0x33: {  	p0 =	seq.s32 s10, $0x1;
	s10 =	sld [smem:$0x3FB7];
	_ =	sdelay $0x3  }
0x34: {  	[smem:$0x3FB7] =	sst s10  }
0x35: {  	s10 =	sld [smem:$0x3FB6];
	_ =	sdelay $0x3  }
0x36: {  	p1 =	seq.s32 s10, $0x1;
	s10 =	sld [smem:$0x3FB7];
	_ =	sdelay $0x3  }
0x37: {  	[smem:$0x3FB7] =	sst s10  }
0x38: {  	s10 =	sld [smem:$0x3FB8]  }
0x39: {  	_ = 	snop;
	(pc) =	sbr.ind lr, $3  }
0x3a: {  	_ = 	snop  }
0x3b: {  	_ = 	snop  }
0x3c: {  	p2 =	seq.s32 s10, $0x1;
	s10 =	sld [smem:$0x3FB7]  }
0x3d: {  	_ =	shalt  }
0x3e: {  	_ =	shalt  }
0x3f: {  	_ =	shalt  }
0x40: {  	_ =	shalt  }
0x41: {  	_ =	shalt  }
0x42: {  	_ =	shalt  }
0x43: {  	_ =	shalt  }
0x44: {  	_ =	shalt  }
0x45: {  	_ =	shalt  }
0x46: {  	_ =	shalt  }
0x47: {  	_ =	shalt  }
0x48: {  	_ =	shalt  }
0x49: {  	_ =	shalt  }
0x4a: {  	_ =	shalt  }
0x4b: {  	_ =	shalt  }
0x4c: {  	_ =	shalt  }
0x4d: {  	_ =	shalt  }
0x4e: {  	_ =	shalt  }
0x4f: {  	_ =	shalt  }
0x50: {  	_ =	shalt  }
0x51: {  	_ =	shalt  }
0x52: {  	_ =	shalt  }
0x53: {  	_ =	shalt  }
0x54: {  	_ =	shalt  }
0x55: {  	_ =	shalt  }
0x56: {  	_ =	shalt  }
0x57: {  	_ =	shalt  }
0x58: {  	_ =	shalt  }
0x59: {  	_ =	shalt  }
0x5a: {  	_ =	shalt  }
0x5b: {  	_ =	shalt  }
0x5c: {  	_ =	shalt  }
0x5d: {  	_ =	shalt  }
0x5e: {  	_ =	shalt  }
0x5f: {  	_ =	shalt  }
0x60: {  	_ =	shalt  }
0x61: {  	_ =	shalt  }
0x62: {  	_ =	shalt  }
0x63: {  	_ =	shalt  }
0x64: {  	_ =	shalt  }
0x65: {  	_ =	shalt  }
0x66: {  	_ =	shalt  }
0x67: {  	_ =	shalt  }
0x68: {  	_ =	shalt  }
0x69: {  	_ =	shalt  }
0x6a: {  	_ =	shalt  }
0x6b: {  	_ =	shalt  }
0x6c: {  	_ =	shalt  }
0x6d: {  	_ =	shalt  }
0x6e: {  	_ =	shalt  }
0x6f: {  	_ =	shalt  }
0x70: {  	_ =	shalt  }
0x71: {  	_ =	shalt  }
0x72: {  	_ =	shalt  }
0x73: {  	_ =	shalt  }
0x74: {  	_ =	shalt  }
0x75: {  	_ =	shalt  }
0x76: {  	_ =	shalt  }
0x77: {  	_ =	shalt  }
0x78: {  	_ =	shalt  }
0x79: {  	_ =	shalt  }
0x7a: {  	_ =	shalt  }
0x7b: {  	_ =	shalt  }
0x7c: {  	_ =	shalt  }
0x7d: {  	_ =	shalt  }
0x7e: {  	_ =	shalt  }
0x7f: {  	_ =	shalt  }
0x80: {  	_ =	shalt  }
0x81: {  	_ =	shalt  }
0x82: {  	_ =	shalt  }
0x83: {  	_ =	shalt  }
0x84: {  	_ =	shalt  }
0x85: {  	_ =	shalt  }
0x86: {  	_ =	shalt  }
0x87: {  	_ =	shalt  }
.Lfunc_end0:
.L_simem_size_0:
called_computation.1_lowered:
.L_overlay_start_0:
0x88: {  	s2 =	sld [smem:$0x3FD9]  }
0x89: {  	s3 =	sld [smem:$0x3FFE];
	_ =	sdelay $0x1  }
0x8a: {  	s1 =	srdreg.scid  }
0x8b: {  	s0 =	sand.u32 $0x1, s1  }
0x8c: {  	s17 =	sshll.u32 s0, $0xA;
	s2 =	sadd.s32 s3, s2  }
0x8d: {  	s2 =	sadd.s32 s2, s17  }
0x8e: {  	[smem:$0x3FC3] =	sst s2  }
0x8f: {  	_ = 	snop  }
0x90: {  	s2 =	sld [smem:$0x3FC9]  }
0x91: {  	s18 =	sld [smem:$0x3FD0];
	(tm) =	ssettm $0x1  }
0x92: {  	s4 =	sld [smem:$0x3FFB];
	_ =	sdelay $0x3  }
0x93: {  	_ =	strace s4  }
0x94: {  	s4 =	sld [smem:$0x3FFC];
	_ =	sdelay $0x3  }
0x95: {  	_ =	strace s4  }
0x96: {  	s4 =	sld [smem:$0x3FFD];
	_ =	sdelay $0x3  }
0x97: {  	_ =	strace s4  }
0x98: {  	_ =	strace $0x8FFFFFFF  }
0x99: {  	s19 =	sld [smem:$0x3FDB];
	_ =	sdelay $0x1  }
0x9a: {  	s5 =	simm.s32 $_scs_section_size  }
0x9b: {  	s6 =	simm.s32 $_size__tile_overlayer_lowered;
	s7 =	simm.s32 $_tile_overlayer_lowered  }
0x9c: {  	s22 =	simm.s32 $0x1BFF;
	s21 =	sshll.u32 s7, $0x1;
	s4 =	sadd.s32 s5, s19  }
0x9d: {  	s8 =	simm.s32 $0x0;
	s20 =	sshll.u32 s6, $0x1;
	s6 =	sadd.s32 s21, s4  }
0x9e: {  	[timem:s8], [sflag:s22] =	dma.local [hbm:s6], s20  }
0x9f: {  	_ =	swait.ge [sflag:s22], s20  }
0xa0: {  	s5 =	ssub.s32 $0x0, s20;
	[sflag:s22] =	ssyncset.done $0x0  }
0xa1: {  	[sflag:s22] =	ssyncadd.s32 s5;
	_ =	sdelay $0x1  }
0xa2: {  	s23 =	simm.s32 $0x1B8B  }
0xa3: {  	_ =	swait.ge [sflag:s23], $0x1  }
0xa4: {  	[sflag:s23] =	ssyncset.done $0x0  }
0xa5: {  	s25 =	simm.s32 $0x1B8E;
	s24 =	sld [smem:$0x3FFE];
	[sflag:s23] =	ssyncadd.s32 $0xFFFFFFFF  }
0xa6: {  	s26 =	simm.s32 $execute0_lowered;
	[smem:$0x3FD2] =	sst s25  }
0xa7: {  	s6 =	sshll.u32 s26, $0x1;
	_ =	strace $0x80000049;
	[dreg:$0x1] =	wrdreg $0xFFFFFFFF  }
0xa8: {  	s28 =	simm.s32 $_size_execute0_lowered;
	s4 =	sadd.s32 s4, s6;
	[dreg:$0x0] =	wrdreg $0x0  }
0xa9: {  	s6 =	sshll.u32 s28, $0x1;
	[dreg:$0x2] =	wrdreg s4  }
0xaa: {  	[dreg:$0x3] =	wrdreg s6  }
0xab: {  	[dreg:$0x4] =	wrdreg $0xC0  }
0xac: {  	_ =	task [dreg:s8], $0x5FFFF  }
0xad: {  	[dreg:$0x1] =	wrdreg $0xFFFFFFFF  }
0xae: {  	[dreg:$0x0] =	wrdreg $0x60  }
0xaf: {  	[dreg:$0x2] =	wrdreg s2  }
0xb0: {  	[dreg:$0x3] =	wrdreg s24  }
0xb1: {  	[dreg:$0x4] =	wrdreg s18  }
0xb2: {  	[dreg:$0x5] =	wrdreg $0x9  }
0xb3: {  	_ =	task.clear_ibuf [dreg:s8], $0x6FFFF;
	_ =	strace $0x90000049  }
0xb4: {  	s29 =	simm.s32 $0x9;
	_ =	strace $0x8000004B  }
0xb5: {  	_ =	swait.ge [sflag:s29], $0x1  }
0xb6: {  	[sflag:s29] =	ssyncadd.s32 $0xFFFFFFFF  }
0xb7: {  	_ =	strace $0x9000004B  }
0xb8: {  	_ =	sfence  }
0xb9: {  	s30 =	sld [smem:$0x0];
	_ =	sdelay $0x2  }
0xba: {  	s31 =	sshll.u32 s1, $0xD;
	s1 =	sshrl.u32 s1, $0x2  }
0xbb: {  	s3 =	sand.u32 $0x4000, s31;
	s1 =	sadd.s32 s1, s30  }
0xbc: {  	s0 =	sor.u32 s3, s0;
	s1 =	sshll.u32 s1, $0x11  }
0xbd: {  	s0 =	sor.u32 s1, s0  }
0xbe: {  	s0 =	sadd.s32 $0x8F2B, s0  }
0xbf: {  	[sflag:s0] =	ssyncadd.remote.s32 $0x1  }
0xc0: {  	_ =	sfence.sel $0xFFFF  }
0xc1: {  	[dreg:$0x0] =	wrdreg $0xFFFFFFFF;
	(pc) =	sbr.abs _section_cstart, $3  }
0xc2: {  	[dreg:$0x1] =	wrdreg $0xFFFFFFFF  }
0xc3: {  	_ =	task.clear_ibuf [dreg:s8], $0x2FFFF;
	_ =	strace $0x9FFFFFFF  }
0xc4: {  	(tm) =	ssettm $0x7FFFFFFF  }
0xc5: {  	_ =	shalt  }
tec
execute0_lowered:
.L_overlay_start_1:
0x0: {  	(tag) =	ssettag $0x1  }
0x1: {  	s2 =	rddreg [dreg:$0x1]  }
0x2: {  	s0 =	rddreg [dreg:$0x2];
	s1 =	srdreg.scid  }
0x3: {  	s3 =	stileid.u32;
	s9 =	simm.s32 $0x1;
	s10 =	simm.s32 $0x1  }
0x4: {  	s12 =	simm.s32 $0x1;
	s13 =	simm.s32 $0x1;
	s14 =	simm.s32 $0x1  }
0x5: {  	s16 =	simm.s32 $0x1;
	s15 =	simm.s32 $0x1;
	s17 =	simm.s32 $0x1  }
0x6: {  	s18 =	simm.s32 $0x1;
	s19 =	simm.s32 $0x1;
	s20 =	simm.s32 $0x1  }
0x7: {  	s22 =	simm.s32 $0x1;
	s21 =	simm.s32 $0x1;
	s23 =	simm.s32 $0x1  }
0x8: {  	s24 =	simm.s32 $0x1;
	s26 =	simm.s32 $0x1;
	s29 =	simm.s32 $0x1  }
0x9: {  	s28 =	simm.s32 $0x1;
	s30 =	simm.s32 $0x1;
	s31 =	simm.s32 $0x1  }
0xa: {  	s5 =	simm.s32 $0x1;
	[dreg:$0x5] =	wrdreg s0;
	s6 =	sand.u32 $0x1, s1  }
0xb: {  	s4 =	sshll.u32 s3, $0x1;
	s1 =	simm.s32 $0x0;
	s8 =	sadd.s32 $0x1A00, s2  }
0xc: {  	p0 =	sne.s32 s3, $0x0;
	p3 =	sgt.u32 s3, $0x1;
	s4 =	sor.u32 s6, s4  }
0xd: {  	[smem:$0x7FF] =	sst s1;
	s11 =	ssub.s32 $0x2, s6;
	s6 =	simm.s32 $0x1  }
0xe: {  	s7 =	sshll.u32 s4, $0x3;
	_ =	strace $0x8000004A;
	[dreg:$0x4] =	wrdreg s8  }
0xf: {  	p1 =	sne.s32 s4, $0x0;
	p2 =	sgt.u32 s4, $0x2;
	s8 =	simm.s32 $0x1  }
0x10: {  	s0 =	sshrl.u32 s11, $0x1;
	p4 =	sgt.u32 s4, $0x1A;
	s25 =	sadd.s32 s7, s2  }
0x11: {  	s2 =	simm.s32 $0x1;
	s9 =	simm.s32 @!p2 $0x0;
	s8 =	simm.s32 @!p3 $0x0  }
0x12: {  	p2 =	sgt.u32 s4, $0x4;
	p3 =	sgt.u32 s3, $0x2;
	s11 =	ssub.s32 s11, s0  }
0x13: {  	s0 =	simm.s32 $0x1;
	s7 =	sadd.s32 $0x1800, s25;
	s2 =	simm.s32 @!p1 $0x0  }
0x14: {  	s10 =	simm.s32 @!p2 $0x0;
	s12 =	simm.s32 @!p3 $0x0;
	p2 =	sgt.u32 s4, $0x6  }
0x15: {  	p3 =	sgt.u32 s3, $0x3;
	s25 =	sadd.s32 $0x91C00, s25;
	s0 =	simm.s32 @!p4 $0x0  }
0x16: {  	v2 =	vmov s9;
	p4 =	sgt.u32 s4, $0x1C;
	s9 =	simm.s32 $0x1;
	v3 =	vmov s8;
	s8 =	simm.s32 $0x1  }
0x17: {  	[dreg:$0x6] =	wrdreg s7;
	s7 =	simm.s32 $0x1;
	s13 =	simm.s32 @!p2 $0x0  }
0x18: {  	s14 =	simm.s32 @!p3 $0x0;
	p2 =	sgt.u32 s4, $0x8;
	[dreg:$0x7] =	wrdreg s25  }
0x19: {  	p3 =	sgt.u32 s3, $0x4;
	s25 =	simm.s32 $0x1;
	v4 =	vmov s10;
	s10 =	rddreg [dreg:$0x0]  }
0x1a: {  	s9 =	simm.s32 @!p4 $0x0;
	s7 =	simm.s32 @!p0 $0x0;
	s16 =	simm.s32 @!p2 $0x0  }
0x1b: {  	s15 =	simm.s32 @!p3 $0x0;
	p2 =	sgt.u32 s4, $0xA;
	p3 =	sgt.u32 s3, $0x5  }
0x1c: {  	v6 =	vmov s13;
	v7 =	vmov s14;
	v28 =	vmov s9;
	s9 =	simm.s32 $0x1180;
	s13 =	simm.s32 $0x6980;
	s14 =	simm.s32 $0x7180  }
0x1d: {  	s17 =	simm.s32 @!p2 $0x0;
	s18 =	simm.s32 @!p3 $0x0;
	p2 =	sgt.u32 s4, $0xC  }
0x1e: {  	p3 =	sgt.u32 s3, $0x6;
	v1 =	vmov s7;
	s7 =	simm.s32 $0x1;
	v8 =	vmov s16;
	s16 =	rddreg [dreg:$0x1]  }
0x1f: {  	v9 =	vmov s15;
	s15 =	simm.s32 $0x7980;
	s19 =	simm.s32 @!p2 $0x0;
	s20 =	simm.s32 @!p3 $0x0  }
0x20: {  	v0 =	vmov s2;
	p2 =	sgt.u32 s4, $0xE;
	p3 =	sgt.u32 s3, $0x7;
	s2 =	sadd.s32 $0x1C00, s16  }
0x21: {  	v10 =	vmov s17;
	v11 =	vmov s18;
	s18 =	simm.s32 $0x1000;
	s17 =	simm.s32 $0x8980;
	s22 =	simm.s32 @!p2 $0x0  }
0x22: {  	s21 =	simm.s32 @!p3 $0x0;
	p2 =	sgt.u32 s4, $0x10;
	p3 =	sgt.u32 s3, $0x8  }
0x23: {  	v12 =	vmov s19;
	[dreg:$0x9] =	wrdreg s18;
	s18 =	simm.s32 $0x9180;
	s19 =	simm.s32 $0x9980  }
0x24: {  	v13 =	vmov s20;
	s20 =	simm.s32 $0xA180;
	s23 =	simm.s32 @!p2 $0x0;
	s24 =	simm.s32 @!p3 $0x0  }
0x25: {  	p2 =	sgt.u32 s4, $0x12;
	p3 =	sgt.u32 s3, $0xC;
	v14 =	vmov s22;
	s22 =	simm.s32 $0x1100  }
0x26: {  	v15 =	vmov s21;
	s21 =	simm.s32 $0xA980;
	s25 =	simm.s32 @!p2 $0x0;
	p2 =	sgt.u32 s3, $0x9  }
0x27: {  	s6 =	simm.s32 @!p3 $0x0;
	p3 =	sgt.u32 s3, $0xD;
	[dreg:$0xa] =	wrdreg s22  }
0x28: {  	v16 =	vmov s23;
	v17 =	vmov s24;
	s24 =	simm.s32 $0x1980;
	s22 =	simm.s32 $0xB180;
	s23 =	simm.s32 $0xB980  }
0x29: {  	s26 =	simm.s32 @!p2 $0x0;
	p2 =	sgt.u32 s4, $0x14;
	s7 =	simm.s32 @!p3 $0x0  }
0x2a: {  	v18 =	vmov s25;
	[dreg:$0xb] =	wrdreg s24;
	s25 =	simm.s32 $0x2180;
	v25 =	vmov s6;
	s6 =	smax.u32 s11, $0x1  }
0x2b: {  	s11 =	simm.s32 $0x5980;
	s24 =	simm.s32 $0xC180;
	s29 =	simm.s32 @!p2 $0x0  }
0x2c: {  	p2 =	sgt.u32 s3, $0xA;
	v19 =	vmov s26;
	[dreg:$0xc] =	wrdreg s25;
	s26 =	simm.s32 $0x2980  }
0x2d: {  	v27 =	vmov s7;
	s7 =	simm.s32 $0x2;
	s28 =	simm.s32 @!p2 $0x0;
	p2 =	sgt.u32 s4, $0x16  }
0x2e: {  	v20 =	vmov s29;
	[dreg:$0xd] =	wrdreg s26;
	s29 =	simm.s32 $0x3980;
	s30 =	simm.s32 @!p2 $0x0  }
0x2f: {  	p2 =	sgt.u32 s3, $0xB;
	v21 =	vmov s28;
	s28 =	simm.s32 $0x3180;
	[dreg:$0xf] =	wrdreg s29  }
0x30: {  	s31 =	simm.s32 @!p2 $0x0;
	p2 =	sgt.u32 s4, $0x18;
	[dreg:$0xe] =	wrdreg s28  }
0x31: {  	v31 =	vimm.s32 $0x0;
	v22 =	vmov s30;
	s30 =	simm.s32 $0x4180;
	s5 =	simm.s32 @!p2 $0x0;
	p2 =	seq.s32 s3, $0xF  }
0x32: {  	vm0 =	vmmov $0xffff;
	vm1 =	vmmov $0x1;
	s3 =	smul.u32 $0x1800, s4;
	v23 =	vmov s31;
	[dreg:$0x10] =	wrdreg s30;
	s31 =	simm.s32 $0x4980  }
0x33: {  	v32 =	vimm.s32 $0x0;
	v34 =	vlaneseq.u32;
	s25 =	simm.s32 $0xC980;
	v24 =	vmov s5;
	s5 =	sadd.s32 $0x1E00, s16;
	[dreg:$0x11] =	wrdreg s31  }
0x34: {  	v35 =	vimm.s32 $0x0;
	v33 =	vshrl.u32 v34, $0x3;
	v5 =	vmov s12;
	s12 =	sadd.s32 s10, s3;
	s3 =	simm.s32 $0x1;
	s10 =	simm.s32 $0x1  }
0x35: {  	v32 =	vsel vm1, $0xFFFFFFFF, v32;
	vm1 =	vmmov $0x7fff;
	v33 =	vmul.u32 $0x8, v33;
	s10 =	simm.s32 @!p2 $0x0;
	[dreg:$0x8] =	wrdreg s12;
	p2 =	seq.s32 s4, $0x1F  }
0x36: {  	v35 =	vsel vm1, $0xFFFFFFFF, v35;
	[tilespmem:$0x1FFE0] =	vst v32;
	v32 =	vand.u32 $0x7, v34;
	v34 =	vor.u32 $0x8, v34;
	s4 =	sadd.s32 $0x1D00, s16;
	s12 =	simm.s32 $0x6180;
	s8 =	simm.s32 @!p2 $0x0  }
0x37: {  	[tilespmem:$0x1FFF0] =	vst v35;
	v26 =	vmov s0;
	s16 =	simm.s32 $0x8180;
	v29 =	vmov s10;
	s10 =	simm.s32 $0x5180;
	v30 =	vmov s8;
	s8 =	simm.s32 $0x1080  }
.LBB2_1:
0x38: {  	s0 =	rddreg [dreg:$0x4]  }
0x39: {  	[tilespmem:s1], [sflag:$0x2] =	stream.linear.gather [hbm4b:s0+s1], $0x1000, $0x38;
	[tilespmem:$0xD280] =	vst v63  }
0x3a: {  	_ =	swait.ge [sflag:s7], $0x1000  }
0x3b: {  	s29 =	rddreg [dreg:$0x6];
	[sflag:s7] =	ssyncset.done $0x0  }
0x3c: {  	s26 =	rddreg [dreg:$0x9];
	[sflag:s7] =	ssyncadd.s32 $0xFFFFF000  }
0x3d: {  	[tilespmem:s26], [sflag:$0x2] =	stream.linear.gather [hbm4b:s29+s1], $0x40, $0x38;
	[tilespmem:$0xD280] =	vst v63  }
0x3e: {  	_ =	swait.ge [sflag:s7], $0x40  }
0x3f: {  	[sflag:s7] =	ssyncset.done $0x0  }
0x40: {  	[sflag:s7] =	ssyncadd.s32 $0xFFFFFFC0  }
0x41: {  	v35 =	vld [tilespmem:$0x0]  }
0x42: {  	v36 =	vld [tilespmem:$0x80]  }
0x43: {  	v37 =	vld [tilespmem:$0x100]  }
0x44: {  	v38 =	vld [tilespmem:$0x180]  }
0x45: {  	v39 =	vld [tilespmem:$0x200]  }
0x46: {  	v40 =	vld [tilespmem:$0x280]  }
0x47: {  	v41 =	vld [tilespmem:$0x300]  }
0x48: {  	v43 =	vld [tilespmem:$0x380];
	v42 =	vadd.s32 v36, v35  }
0x49: {  	vm10 =	vcmask $0x308;
	vm11 =	vcmask $0x70C;
	v44 =	vld [tilespmem:$0x400];
	v42 =	vadd.s32 v37, v42  }
0x4a: {  	vm12 =	vcmask $0xB10;
	vm13 =	vcmask $0xF14;
	v45 =	vld [tilespmem:$0x480];
	v42 =	vadd.s32 v38, v42  }
0x4b: {  	vm14 =	vcmask $0x1318;
	vm15 =	vcmask $0x171C;
	v46 =	vld [tilespmem:$0x500];
	v42 =	vadd.s32 v39, v42  }
0x4c: {  	vm1 =	vcmask $0x1F24;
	v47 =	vld [tilespmem:$0x580];
	v35 =	vmul.u32 v0, v35;
	v42 =	vadd.s32 v40, v42  }
0x4d: {  	v48 =	vld [tilespmem:$0x600];
	v36 =	vmul.u32 v1, v36;
	v56 =	vmul.u32 v3, v38;
	v42 =	vadd.s32 v41, v42  }
0x4e: {  	v49 =	vld [tilespmem:$0x680];
	v57 =	vmul.u32 v4, v39;
	v37 =	vmul.u32 v2, v37;
	v42 =	vadd.s32 v43, v42  }
0x4f: {  	v50 =	vld [tilespmem:$0x700];
	v58 =	vmul.u32 v5, v40;
	v35 =	vadd.s32 v35, v36;
	v42 =	vadd.s32 v44, v42  }
0x50: {  	v51 =	vld [tilespmem:$0x780];
	v59 =	vmul.u32 v6, v41;
	v35 =	vadd.s32 v37, v35;
	v42 =	vadd.s32 v45, v42  }
0x51: {  	v52 =	vld [tilespmem:$0x800];
	v60 =	vmul.u32 v7, v43;
	v35 =	vadd.s32 v56, v35;
	v42 =	vadd.s32 v46, v42  }
0x52: {  	v61 =	vmul.u32 v8, v44;
	v38 =	vld [tilespmem:$0x880];
	v35 =	vadd.s32 v57, v35;
	v42 =	vadd.s32 v47, v42  }
0x53: {  	v62 =	vmul.u32 v9, v45;
	v39 =	vld [tilespmem:$0x900];
	v35 =	vadd.s32 v58, v35;
	v42 =	vadd.s32 v48, v42  }
0x54: {  	v63 =	vmul.u32 v10, v46;
	v40 =	vld [tilespmem:$0x980];
	v35 =	vadd.s32 v59, v35;
	v42 =	vadd.s32 v49, v42  }
0x55: {  	v53 =	vmul.u32 v11, v47;
	v41 =	vld [tilespmem:$0xA00];
	v35 =	vadd.s32 v60, v35;
	v42 =	vadd.s32 v50, v42  }
0x56: {  	v54 =	vmul.u32 v12, v48;
	v43 =	vld [tilespmem:$0xA80];
	v35 =	vadd.s32 v61, v35;
	v42 =	vadd.s32 v51, v42  }
0x57: {  	v55 =	vmul.u32 v13, v49;
	v44 =	vld [tilespmem:$0xB00];
	v35 =	vadd.s32 v62, v35;
	v42 =	vadd.s32 v52, v42  }
0x58: {  	v56 =	vmul.u32 v14, v50;
	v45 =	vld [tilespmem:$0xB80];
	v35 =	vadd.s32 v63, v35;
	v42 =	vadd.s32 v38, v42  }
0x59: {  	v57 =	vmul.u32 v15, v51;
	v46 =	vld [tilespmem:$0xC00];
	v35 =	vadd.s32 v53, v35;
	v42 =	vadd.s32 v39, v42  }
0x5a: {  	v58 =	vmul.u32 v16, v52;
	v47 =	vld [tilespmem:$0xC80];
	v35 =	vadd.s32 v54, v35;
	v42 =	vadd.s32 v40, v42  }
0x5b: {  	v59 =	vmul.u32 v17, v38;
	v48 =	vld [tilespmem:$0xD00];
	v35 =	vadd.s32 v55, v35;
	v42 =	vadd.s32 v41, v42  }
0x5c: {  	v61 =	vmul.u32 v18, v39;
	v49 =	vld [tilespmem:$0xD80];
	v35 =	vadd.s32 v56, v35;
	v42 =	vadd.s32 v43, v42  }
0x5d: {  	v63 =	vmul.u32 v19, v40;
	v35 =	vadd.s32 v57, v35;
	v38 =	vld [tilespmem:$0x1000];
	v42 =	vadd.s32 v44, v42  }
0x5e: {  	v50 =	vld [tilespmem:$0xE00];
	v55 =	vmul.u32 v22, v44;
	v35 =	vadd.s32 v58, v35;
	v42 =	vadd.s32 v45, v42  }
0x5f: {  	v51 =	vld [tilespmem:$0xE80];
	v58 =	vmul.u32 v23, v45;
	v35 =	vadd.s32 v59, v35;
	v42 =	vadd.s32 v46, v42  }
0x60: {  	v52 =	vld [tilespmem:$0xF00];
	v35 =	vadd.s32 v61, v35;
	v61 =	vmul.u32 v25, v47;
	v42 =	vadd.s32 v47, v42  }
0x61: {  	v60 =	vld [tilespmem:$0xF80];
	v35 =	vadd.s32 v63, v35;
	v43 =	vmul.u32 v21, v43;
	v42 =	vadd.s32 v48, v42  }
0x62: {  	v63 =	vmul.u32 v26, v48;
	vm5 =	veq.s32 v38, $0x1;
	v62 =	vadd.s32 v49, v42  }
0x63: {  	v44 =	vmul.u32 v27, v49;
	vm7 =	veq.s32 v38, $0x2;
	v39 =	vadd.s32 v50, v62  }
0x64: {  	vm6 =	veq.s32 v38, $0x4;
	v42 =	vmul.u32 v20, v41;
	v39 =	vadd.s32 v51, v39  }
0x65: {  	vm9 =	veq.s32 v38, $0x7;
	vm8 =	veq.s32 v38, $0xA;
	v39 =	vadd.s32 v52, v39  }
0x66: {  	v45 =	vsel vm5, $0x1, v31;
	v35 =	vadd.s32 v42, v35;
	v53 =	vadd.s32 v60, v39  }
0x67: {  	v47 =	vmul.u32 v29, v51;
	v35 =	vadd.s32 v43, v35;
	v54 =	vadd.s32 $0xFF, v53  }
0x68: {  	v35 =	vadd.s32 v55, v35;
	v56 =	vshra.s32 v54, $0x1F;
	v57 =	vand.u32 $0xFF, v54  }
0x69: {  	vm3 =	vlt.s32 v54, $0x1;
	v39 =	vshrl.u32 v56, $0x18;
	vm4 =	vne.s32 v57, $0x0  }
0x6a: {  	v60 =	vmul.u32 v24, v46;
	v36 =	vadd.s32 v39, v54;
	vm3 =	vmand vm3, vm4  }
0x6b: {  	v35 =	vadd.s32 v58, v35;
	v36 =	vshra.s32 v36, $0x8;
	v59 =	vsel vm3, $0xFFFFFFFF, v31  }
0x6c: {  	v35 =	vadd.s32 v60, v35;
	vm3 =	veq.s32 v38, $0x0;
	v36 =	vadd.s32 v59, v36  }
0x6d: {  	v48 =	vmul.u32 v30, v52;
	v35 =	vadd.s32 v61, v35;
	v56 =	vld [tilespmem:$0x1FFE0];
	v62 =	vsel vm3, $0x1, v31;
	(xrf0) =	vadd.scan.msk.s32 $0xffff, v36  }
0x6e: {  	v49 =	vsel vm7, $0x1, v31;
	v46 =	vmul.u32 v28, v50;
	v35 =	vadd.s32 v63, v35;
	(xrf0) =	vadd.scan.msk.s32 $0xffff, v62  }
0x6f: {  	v55 =	vmpcnt.ones.xlane vm5;
	vm4 =	veq.s32 v38, $0x3;
	v35 =	vadd.s32 v44, v35  }
0x70: {  	v54 =	vsel vm6, $0x1, v31;
	v35 =	vadd.s32 v46, v35;
	v59 =	vmpcnt.ones.xlane vm7;
	(xrf0) =	vadd.scan.msk.s32 $0xffff, v45  }
0x71: {  	v51 =	vsel vm4, $0x1, v31;
	v52 =	vmpcnt.ones.xlane vm3;
	v37 =	vadd.s32 v47, v35  }
0x72: {  	v39 =	vadd.s32 v48, v37;
	vm2 =	vnez.u8 v56;
	v62 =	vsel vm11, $0x0, v59  }
0x73: {  	v56 =	vmpcnt.ones.xlane vm6;
	v41 =	vnsel vm2, $0x0, v52;
	v45 =	vsel vm10, $0x0, v55;
	v35, _, _ =	vpop (xrf0);
	(xrf0) =	vadd.scan.msk.s32 $0xffff, v49  }
0x74: {  	v52 =	vmpcnt.ones.xlane vm4;
	vm10 =	vcmask $0x2328;
	v41 =	vadd.s32 v41, v45;
	v50, _, _ =	vpop (xrf0);
	(xrf0) =	vadd.scan.msk.s32 $0xffff, v51  }
0x75: {  	v59 =	vsel vm13, $0x0, v56;
	v41 =	vadd.s32 v62, v41;
	v37 =	vsub.s32 v35, v36  }
0x76: {  	v42 =	vshll.u32 v37, $0x8;
	v40 =	vadd.s32 $0xFFFFFFFF, v50;
	v53, _, _ =	vpop (xrf0);
	(xrf0) =	vadd.scan.msk.s32 $0xffff, v54;
	v54 =	vsel vm12, $0x0, v52  }
0x77: {  	v40 =	vnsel vm3, $0x0, v40;
	v43 =	vadd.s32 $0xFFFFFFFF, v53;
	vm3 =	veq.s32 v38, $0x5  }
0x78: {  	v41 =	vadd.s32 v54, v41;
	v39 =	vadd.s32 v42, v39;
	v43 =	vnsel vm5, $0x0, v43  }
0x79: {  	v57 =	vsel vm3, $0x1, v31;
	vm5 =	veq.s32 v38, $0x6;
	v41 =	vadd.s32 v59, v41;
	v58, _, _ =	vpop (xrf0)  }
0x7a: {  	v61 =	vsel vm5, $0x1, v31;
	v56 =	vmpcnt.ones.xlane vm5;
	(xrf0) =	vadd.scan.msk.s32 $0xffff, v57;
	v57 =	vsel vm9, $0x1, v31;
	v63, _, _ =	vpop (xrf0)  }
0x7b: {  	v60 =	vadd.s32 $0xFFFFFFFF, v58;
	(xrf0) =	vadd.scan.msk.s32 $0xffff, v61;
	v61 =	vmpcnt.ones.xlane vm3;
	v53 =	vadd.s32 $0xFFFFFFFF, v63  }
0x7c: {  	v44 =	vnsel vm7, $0x0, v60;
	v55, _, _ =	vpop (xrf0);
	vm7 =	veq.s32 v38, $0x9;
	v45 =	vnsel vm4, $0x0, v53  }
0x7d: {  	(xrf0) =	vadd.scan.msk.s32 $0xffff, v57;
	v58 =	vadd.s32 $0xFFFFFFFF, v55;
	v63 =	vsel vm14, $0x0, v61;
	v57 =	vsel vm7, $0x1, v31  }
0x7e: {  	vm4 =	veq.s32 v38, $0xB;
	v53 =	vmpcnt.ones.xlane vm7;
	v46 =	vnsel vm6, $0x0, v58  }
0x7f: {  	vm6 =	veq.s32 v38, $0x8;
	v41 =	vadd.s32 v63, v41;
	v58 =	vsel vm15, $0x0, v56  }
0x80: {  	v56 =	vsel vm4, $0x1, v31;
	vm15 =	vcmask $0x272C;
	v63 =	vmpcnt.ones.xlane vm6;
	v60, _, _ =	vpop (xrf0)  }
0x81: {  	v55 =	vsel vm6, $0x1, v31;
	v41 =	vadd.s32 v58, v41;
	v62 =	vadd.s32 $0xFFFFFFFF, v60  }
0x82: {  	(xrf0) =	vadd.scan.msk.s32 $0xffff, v55;
	v54, _, _ =	vpop (xrf0);
	v60 =	vmpcnt.ones.xlane vm9;
	v50 =	vsel vm1, $0x0, v63;
	v63 =	vmpcnt.ones.xlane vm8  }
0x83: {  	(xrf0) =	vadd.scan.msk.s32 $0xffff, v57;
	vm1 =	vcmask $0x3338;
	v49 =	vadd.s32 $0xFFFFFFFF, v54;
	v47 =	vnsel vm3, $0x0, v62  }
0x84: {  	v59, _, _ =	vpop (xrf0);
	v62 =	vsel vm8, $0x1, v31;
	vm3 =	veq.s32 v38, $0xC;
	v54 =	vmpcnt.ones.xlane vm4  }
0x85: {  	v48 =	vnsel vm5, $0x0, v49;
	v61 =	vadd.s32 $0xFFFFFFFF, v59;
	vm5 =	vcmask $0x1B20  }
0x86: {  	(xrf0) =	vadd.scan.msk.s32 $0xffff, v62;
	v58 =	vsel vm3, $0x1, v31;
	v52 =	vsel vm15, $0x0, v63;
	v63 =	vmpcnt.ones.xlane vm3  }
0x87: {  	[tilespmem:$0x1080] =	vst v39;
	v49 =	vnsel vm9, $0x0, v61;
	v51 =	vsel vm5, $0x0, v60;
	v61 =	vsel vm10, $0x0, v53  }
0x88: {  	vm5 =	veq.s32 v38, $0xE;
	vm9 =	vcmask $0x2F34;
	v41 =	vadd.s32 v51, v41;
	v51 =	vld.idx.msk [tilespmem:v38+s8+$0x0], $0xffff;
	v57, _, _ =	vpop (xrf0);
	(xrf0) =	vadd.scan.msk.s32 $0xffff, v56  }
0x89: {  	v55 =	vsel vm5, $0x1, v31;
	v41 =	vadd.s32 v50, v41;
	v42 =	vadd.s32 $0xFFFFFFFF, v57;
	v59, _, _ =	vpop (xrf0);
	(xrf0) =	vadd.scan.msk.s32 $0xffff, v58  }
0x8a: {  	v56 =	vmpcnt.ones.xlane vm5;
	v41 =	vadd.s32 v61, v41;
	v42 =	vnsel vm6, $0x0, v42  }
0x8b: {  	v60 =	vadd.s32 $0xFFFFFFFF, v59;
	vm6 =	veq.s32 v38, $0xD;
	v41 =	vadd.s32 v52, v41  }
0x8c: {  	v39 =	vnsel vm7, $0x0, v60;
	v62, _, _ =	vpop (xrf0);
	v57 =	vsel vm6, $0x1, v31;
	vm7 =	vcmask $0x2B30  }
0x8d: {  	v50 =	vadd.s32 $0xFFFFFFFF, v62;
	(xrf0) =	vadd.scan.msk.s32 $0xffff, v57;
	v60 =	vsel vm7, $0x0, v54;
	v57 =	vadd.s32 v51, v43  }
0x8e: {  	v50 =	vnsel vm8, $0x0, v50;
	v41 =	vadd.s32 v60, v41;
	v40 =	vadd.s32 v40, v57;
	v58, _, _ =	vpop (xrf0)  }
0x8f: {  	vm8 =	vmmov vm2;
	v40 =	vadd.s32 v44, v40;
	v59 =	vadd.s32 $0xFFFFFFFF, v58;
	v61, _, _ =	vpop (xrf0)  }
0x90: {  	v40 =	vadd.s32 v45, v40;
	v52 =	vnsel vm4, $0x0, v59;
	v62 =	vadd.s32 $0xFFFFFFFF, v61  }
0x91: {  	vm4 =	veq.s32 v38, $0xF;
	v59 =	vsel vm9, $0x0, v63;
	v61 =	vmpcnt.ones.xlane vm6  }
0x92: {  	(xrf0) =	vadd.scan.msk.s32 $0xffff, v55;
	v38 =	vld [tilespmem:$0x1010];
	v40 =	vadd.s32 v46, v40;
	v43 =	vnsel vm3, $0x0, v62;
	v58 =	vsel vm4, $0x1, v31  }
0x93: {  	v41 =	vadd.s32 v59, v41;
	v40 =	vadd.s32 v47, v40;
	v63 =	vsel vm1, $0x0, v61  }
0x94: {  	v60, _, _ =	vpop (xrf0);
	v40 =	vadd.s32 v48, v40;
	vm1 =	vcmask $0x373C;
	v61 =	vmpcnt.ones.xlane vm4  }
0x95: {  	v62 =	vadd.s32 $0xFFFFFFFF, v60;
	v41 =	vadd.s32 v63, v41;
	v40 =	vadd.s32 v49, v40  }
0x96: {  	v46 =	vsel vm1, $0x0, v56;
	vm1 =	vcmask $0x308;
	v44 =	vnsel vm6, $0x0, v62  }
0x97: {  	(xrf0) =	vadd.scan.msk.s32 $0xffff, v58;
	v40 =	vadd.s32 v42, v40;
	v41 =	vadd.s32 v46, v41;
	vm7 =	veq.s32 v38, $0x0  }
0x98: {  	v63 =	vld [tilespmem:$0x1FFF0];
	v54, _, _ =	vpop (xrf0);
	vm15 =	veq.s32 v38, $0x1;
	v39 =	vadd.s32 v39, v40;
	vm3 =	veq.s32 v38, $0x2  }
0x99: {  	vm6 =	veq.s32 v38, $0x4;
	v55 =	vadd.s32 $0xFFFFFFFF, v54;
	v57 =	vsel vm7, $0x1, v31  }
0x9a: {  	v60 =	vsel vm15, $0x1, v31;
	v39 =	vadd.s32 v50, v39;
	v62 =	vsel vm3, $0x1, v31  }
0x9b: {  	v53 =	vsel vm6, $0x1, v31;
	v39 =	vadd.s32 v52, v39;
	v52 =	vmpcnt.ones.xlane vm7  }
0x9c: {  	v45 =	vnsel vm5, $0x0, v55;
	(xrf0) =	vadd.scan.msk.s32 $0xffff, v57;
	v55 =	vmpcnt.ones.xlane vm15;
	v57 =	vmpcnt.ones.xlane vm3  }
0x9d: {  	vm5 =	veq.s32 v38, $0x6;
	v58, _, _ =	vpop (xrf0);
	v39 =	vadd.s32 v43, v39;
	vm11 =	vnez.u8 v63  }
0x9e: {  	v49 =	vld [tilespmem:$0x1080];
	(xrf0) =	vadd.scan.msk.s32 $0xffff, v60;
	v59 =	vadd.s32 $0xFFFFFFFF, v58;
	v40 =	vsel vm11, $0x0, v61;
	v39 =	vadd.s32 v44, v39  }
0x9f: {  	(xrf0) =	vadd.scan.msk.s32 $0xffff, v62;
	v44 =	vnsel vm2, $0x0, v52;
	v56 =	vsel vm1, $0x0, v55;
	v52 =	vsel vm5, $0x1, v31  }
0xa0: {  	vm1 =	vcmask $0x171C;
	vm2 =	vcmask $0x1F24;
	v42 =	vnsel vm4, $0x0, v59  }
0xa1: {  	vm4 =	veq.s32 v38, $0x3;
	v40 =	vadd.s32 v40, v41;
	v39 =	vadd.s32 v45, v39  }
0xa2: {  	v59 =	vadd.s32 v44, v56;
	v39 =	vadd.s32 v42, v39;
	v63 =	vmpcnt.ones.xlane vm4;
	v50, _, _ =	vpop (xrf0)  }
0xa3: {  	v48 =	vsel vm4, $0x1, v31;
	v40 =	vadd.s32 v49, v40;
	[tilespmem:$0x1100] =	vst v39;
	v51 =	vadd.s32 $0xFFFFFFFF, v50  }
0xa4: {  	[tilespmem:$0x1080] =	vst v40;
	(xrf0) =	vadd.scan.msk.s32 $0xffff, v48;
	v47 =	vsel vm12, $0x0, v63;
	v54, _, _ =	vpop (xrf0);
	v42 =	vnsel vm7, $0x0, v51  }
0xa5: {  	v40 =	vld.idx.msk [tilespmem:v38+s8+$0x0], $0xffff;
	v43 =	vadd.s32 $0xFFFFFFFF, v54;
	vm7 =	veq.s32 v38, $0x5;
	v60, _, _ =	vpop (xrf0);
	v54 =	vmpcnt.ones.xlane vm6  }
0xa6: {  	v41 =	vnsel vm15, $0x0, v43;
	v44 =	vadd.s32 $0xFFFFFFFF, v60;
	vm15 =	vcmask $0x70C  }
0xa7: {  	(xrf0) =	vadd.scan.msk.s32 $0xffff, v53;
	v58 =	vsel vm7, $0x1, v31;
	v61 =	vsel vm15, $0x0, v57;
	v44 =	vnsel vm3, $0x0, v44  }
0xa8: {  	(xrf0) =	vadd.scan.msk.s32 $0xffff, v58;
	vm3 =	veq.s32 v38, $0x8;
	v48 =	vsel vm13, $0x0, v54;
	v58 =	vmpcnt.ones.xlane vm7  }
0xa9: {  	v43 =	vadd.s32 v61, v59;
	v57 =	vsel vm3, $0x1, v31;
	v61 =	vmpcnt.ones.xlane vm5  }
0xaa: {  	v40 =	vadd.s32 v40, v41;
	v62, _, _ =	vpop (xrf0);
	v43 =	vadd.s32 v47, v43;
	v59 =	vsel vm14, $0x0, v58  }
0xab: {  	v40 =	vadd.s32 v42, v40;
	v46 =	vadd.s32 $0xFFFFFFFF, v62;
	v43 =	vadd.s32 v48, v43  }
0xac: {  	(xrf0) =	vadd.scan.msk.s32 $0xffff, v52;
	v54 =	vsel vm1, $0x0, v61;
	vm1 =	vcmask $0x1B20;
	v61 =	vmpcnt.ones.xlane vm3  }
0xad: {  	v53, _, _ =	vpop (xrf0);
	v40 =	vadd.s32 v44, v40;
	v45 =	vnsel vm4, $0x0, v46;
	vm4 =	veq.s32 v38, $0x7  }
0xae: {  	v46 =	vadd.s32 $0xFFFFFFFF, v53;
	v43 =	vadd.s32 v59, v43;
	v55 =	vsel vm4, $0x1, v31  }
0xaf: {  	v46 =	vnsel vm6, $0x0, v46;
	vm6 =	veq.s32 v38, $0x9;
	v43 =	vadd.s32 v54, v43;
	(xrf0) =	vadd.scan.msk.s32 $0xffff, v55  }
0xb0: {  	v51 =	vsel vm2, $0x0, v61;
	v40 =	vadd.s32 v45, v40;
	v56, _, _ =	vpop (xrf0);
	v55 =	vmpcnt.ones.xlane vm4;
	(xrf0) =	vadd.scan.msk.s32 $0xffff, v57  }
0xb1: {  	v62 =	vsel vm6, $0x1, v31;
	v40 =	vadd.s32 v46, v40;
	v47 =	vadd.s32 $0xFFFFFFFF, v56  }
0xb2: {  	v47 =	vnsel vm7, $0x0, v47;
	v60, _, _ =	vpop (xrf0);
	vm7 =	veq.s32 v38, $0xA;
	v50 =	vsel vm1, $0x0, v55  }
0xb3: {  	(xrf0) =	vadd.scan.msk.s32 $0xffff, v62;
	vm1 =	vcmask $0x2B30;
	v63 =	vadd.s32 $0xFFFFFFFF, v60;
	v56 =	vsel vm7, $0x1, v31  }
0xb4: {  	v43 =	vadd.s32 v50, v43;
	v61 =	vmpcnt.ones.xlane vm7;
	v40 =	vadd.s32 v47, v40  }
0xb5: {  	v48 =	vnsel vm5, $0x0, v63;
	vm5 =	veq.s32 v38, $0xB;
	v63 =	vmpcnt.ones.xlane vm6;
	v57, _, _ =	vpop (xrf0)  }
0xb6: {  	v43 =	vadd.s32 v51, v43;
	v59 =	vsel vm5, $0x1, v31;
	(xrf0) =	vadd.scan.msk.s32 $0xffff, v56;
	v49 =	vadd.s32 $0xFFFFFFFF, v57;
	v58, _, _ =	vpop (xrf0)  }
0xb7: {  	v40 =	vadd.s32 v48, v40;
	(xrf0) =	vadd.scan.msk.s32 $0xffff, v59;
	v49 =	vnsel vm4, $0x0, v49;
	v60 =	vadd.s32 $0xFFFFFFFF, v58  }
0xb8: {  	vm4 =	veq.s32 v38, $0xC;
	v58 =	vsel vm10, $0x0, v63;
	vm10 =	vcmask $0x272C  }
0xb9: {  	v62, _, _ =	vpop (xrf0);
	v50 =	vnsel vm3, $0x0, v60;
	v56 =	vsel vm4, $0x1, v31;
	vm3 =	veq.s32 v38, $0xD  }
0xba: {  	v39 =	vadd.s32 $0xFFFFFFFF, v62;
	v43 =	vadd.s32 v58, v43;
	v52 =	vsel vm10, $0x0, v61  }
0xbb: {  	v55 =	vmpcnt.ones.xlane vm4;
	v40 =	vadd.s32 v49, v40;
	(xrf0) =	vadd.scan.msk.s32 $0xffff, v56;
	v57 =	vsel vm3, $0x1, v31  }
0xbc: {  	v51 =	vnsel vm6, $0x0, v39;
	vm6 =	veq.s32 v38, $0xE;
	v56 =	vmpcnt.ones.xlane vm5;
	v39 =	vld [tilespmem:$0x1020];
	v59, _, _ =	vpop (xrf0)  }
0xbd: {  	v61 =	vadd.s32 v52, v43;
	v58 =	vmpcnt.ones.xlane vm3;
	v60 =	vadd.s32 $0xFFFFFFFF, v59;
	v62, _, _ =	vpop (xrf0)  }
0xbe: {  	v63 =	vsel vm6, $0x1, v31;
	(xrf0) =	vadd.scan.msk.s32 $0xffff, v57;
	v53 =	vnsel vm7, $0x0, v60;
	v60 =	vadd.s32 $0xFFFFFFFF, v62  }
0xbf: {  	v40 =	vadd.s32 v50, v40;
	v62 =	vsel vm1, $0x0, v56;
	v54 =	vnsel vm5, $0x0, v60  }
0xc0: {  	(xrf0) =	vadd.scan.msk.s32 $0xffff, v63;
	vm5 =	veq.s32 v38, $0xF;
	v38 =	vadd.s32 v62, v61;
	v62 =	vsel vm9, $0x0, v55  }
0xc1: {  	vm7 =	veq.s32 v39, $0x1;
	vm9 =	vcmask $0x373C;
	v63, _, _ =	vpop (xrf0);
	v60 =	vsel vm5, $0x1, v31  }
0xc2: {  	v38 =	vadd.s32 v62, v38;
	v62 =	vmpcnt.ones.xlane vm6;
	v61 =	vadd.s32 $0xFFFFFFFF, v63  }
0xc3: {  	v46 =	vmpcnt.ones.xlane vm5;
	v50 =	vmpcnt.ones.xlane vm7;
	v43 =	vnsel vm4, $0x0, v61  }
0xc4: {  	(xrf0) =	vadd.scan.msk.s32 $0xffff, v60;
	v63, _, _ =	vpop (xrf0);
	vm4 =	veq.s32 v39, $0x0;
	v61 =	vsel vm7, $0x1, v31;
	v45 =	vsel vm9, $0x0, v62  }
0xc5: {  	vm9 =	veq.s32 v39, $0x4;
	v46 =	vsel vm11, $0x0, v46;
	v57 =	vadd.s32 $0xFFFFFFFF, v63  }
0xc6: {  	v59, _, _ =	vpop (xrf0);
	v60 =	vsel vm4, $0x1, v31;
	v49 =	vmpcnt.ones.xlane vm4;
	v52 =	vnsel vm3, $0x0, v57  }
0xc7: {  	v55 =	vadd.s32 $0xFFFFFFFF, v59;
	(xrf0) =	vadd.scan.msk.s32 $0xffff, v60;
	vm3 =	vcmask $0x3338;
	v60 =	vadd.s32 v51, v40  }
0xc8: {  	v44 =	vnsel vm6, $0x0, v55;
	vm6 =	veq.s32 v39, $0x2;
	v41 =	vsel vm3, $0x0, v58  }
0xc9: {  	vm3 =	veq.s32 v39, $0x3;
	v55 =	vsel vm9, $0x1, v31;
	v49 =	vnsel vm8, $0x0, v49  }
0xca: {  	v57 =	vsel vm6, $0x1, v31;
	v38 =	vadd.s32 v41, v38;
	v48 =	vmpcnt.ones.xlane vm3;
	v63, _, _ =	vpop (xrf0);
	(xrf0) =	vadd.scan.msk.s32 $0xffff, v61  }
0xcb: {  	v59 =	vsel vm3, $0x1, v31;
	v38 =	vadd.s32 v45, v38;
	v56 =	vadd.s32 $0xFFFFFFFF, v63  }
0xcc: {  	(xrf0) =	vadd.scan.msk.s32 $0xffff, v57;
	v63 =	vadd.s32 v53, v60;
	v60 =	vld [tilespmem:$0x1080];
	v38 =	vadd.s32 v46, v38;
	v48 =	vsel vm12, $0x0, v48  }
0xcd: {  	vm12 =	vcmask $0x1B20;
	v47 =	vnsel vm5, $0x0, v56;
	v57 =	vadd.s32 v54, v63;
	v58, _, _ =	vpop (xrf0)  }
0xce: {  	vm5 =	veq.s32 v39, $0x5;
	(xrf0) =	vadd.scan.msk.s32 $0xffff, v59;
	v43 =	vadd.s32 v43, v57;
	v61 =	vadd.s32 $0xFFFFFFFF, v58  }
0xcf: {  	v59 =	vsel vm5, $0x1, v31;
	v43 =	vadd.s32 v52, v43;
	v40 =	vnsel vm4, $0x0, v61  }
0xd0: {  	v61 =	vmpcnt.ones.xlane vm6;
	v43 =	vadd.s32 v44, v43;
	vm4 =	veq.s32 v39, $0x8;
	v62, _, _ =	vpop (xrf0);
	(xrf0) =	vadd.scan.msk.s32 $0xffff, v55  }
0xd1: {  	v43 =	vadd.s32 v47, v43;
	v47 =	vadd.s32 v60, v38;
	v38 =	vmpcnt.ones.xlane vm9  }
0xd2: {  	v57 =	vsel vm4, $0x1, v31;
	v41 =	vadd.s32 $0xFFFFFFFF, v62;
	v56, _, _ =	vpop (xrf0);
	(xrf0) =	vadd.scan.msk.s32 $0xffff, v59;
	v61 =	vsel vm15, $0x0, v61  }
0xd3: {  	vm15 =	vmmov vm2;
	v41 =	vnsel vm7, $0x0, v41;
	v58 =	vadd.s32 $0xFFFFFFFF, v56  }
0xd4: {  	vm7 =	veq.s32 v39, $0xA;
	v42 =	vnsel vm6, $0x0, v58;
	vm6 =	veq.s32 v39, $0x6;
	v62, _, _ =	vpop (xrf0)  }
0xd5: {  	v38 =	vsel vm13, $0x0, v38;
	v63 =	vsel vm6, $0x1, v31;
	v45 =	vadd.s32 $0xFFFFFFFF, v62  }
0xd6: {  	vm13 =	vcmask $0x171C;
	(xrf0) =	vadd.scan.msk.s32 $0xffff, v63;
	v45 =	vnsel vm3, $0x0, v45;
	vm3 =	veq.s32 v39, $0x7;
	v51, _, _ =	vpop (xrf0)  }
0xd7: {  	v63 =	vsel vm7, $0x1, v31;
	v52 =	vsel vm3, $0x1, v31;
	v55 =	vadd.s32 $0xFFFFFFFF, v51  }
0xd8: {  	v53 =	vmpcnt.ones.xlane vm3;
	(xrf0) =	vadd.scan.msk.s32 $0xffff, v52;
	v56, _, _ =	vpop (xrf0);
	v52 =	vmpcnt.ones.xlane vm5;
	v44 =	vnsel vm9, $0x0, v55  }
0xd9: {  	vm9 =	vmmov vm8;
	v46 =	vadd.s32 $0xFFFFFFFF, v56;
	vm8 =	veq.s32 v39, $0x9  }
0xda: {  	v55 =	vmpcnt.ones.xlane vm6;
	v46 =	vnsel vm5, $0x0, v46;
	vm5 =	vcmask $0x308  }
0xdb: {  	v53 =	vsel vm12, $0x0, v53;
	v60 =	vsel vm8, $0x1, v31;
	v50 =	vsel vm5, $0x0, v50  }
0xdc: {  	v56 =	vmpcnt.ones.xlane vm8;
	vm5 =	veq.s32 v39, $0xB;
	v58, _, _ =	vpop (xrf0);
	(xrf0) =	vadd.scan.msk.s32 $0xffff, v57;
	v49 =	vadd.s32 v49, v50  }
0xdd: {  	v59 =	vadd.s32 $0xFFFFFFFF, v58;
	(xrf0) =	vadd.scan.msk.s32 $0xffff, v60;
	v49 =	vadd.s32 v61, v49;
	v60 =	vsel vm14, $0x0, v52  }
0xde: {  	v52 =	vmpcnt.ones.xlane vm4;
	vm14 =	vcmask $0x2328;
	v51 =	vnsel vm6, $0x0, v59;
	v62, _, _ =	vpop (xrf0);
	(xrf0) =	vadd.scan.msk.s32 $0xffff, v63  }
0xdf: {  	v48 =	vadd.s32 v48, v49;
	v59 =	vsel vm5, $0x1, v31;
	vm6 =	veq.s32 v39, $0xC  }
0xe0: {  	v57 =	vadd.s32 $0xFFFFFFFF, v62;
	v38 =	vadd.s32 v38, v48;
	v63 =	vsel vm6, $0x1, v31  }
0xe1: {  	v52 =	vsel vm2, $0x0, v52;
	v38 =	vadd.s32 v60, v38;
	v60 =	vsel vm13, $0x0, v55  }
0xe2: {  	vm2 =	vcmask $0x3338;
	v50 =	vnsel vm3, $0x0, v57;
	v54 =	vadd.s32 v60, v38;
	v58, _, _ =	vpop (xrf0);
	(xrf0) =	vadd.scan.msk.s32 $0xffff, v59  }
0xe3: {  	vm3 =	veq.s32 v39, $0xD;
	v38 =	vld [tilespmem:$0x1030];
	v53 =	vadd.s32 v53, v54;
	v49 =	vadd.s32 $0xFFFFFFFF, v58;
	v61, _, _ =	vpop (xrf0)  }
0xe4: {  	v58 =	vmpcnt.ones.xlane vm7;
	v60 =	vadd.s32 v52, v53;
	v52 =	vmpcnt.ones.xlane vm6;
	v57, _, _ =	vpop (xrf0);
	(xrf0) =	vadd.scan.msk.s32 $0xffff, v63  }
0xe5: {  	v49 =	vnsel vm4, $0x0, v49;
	v62 =	vadd.s32 $0xFFFFFFFF, v61;
	vm4 =	veq.s32 v39, $0xE  }
0xe6: {  	v48 =	vnsel vm8, $0x0, v62;
	v61 =	vadd.s32 $0xFFFFFFFF, v57;
	v62 =	vsel vm3, $0x1, v31  }
0xe7: {  	v59 =	vsel vm4, $0x1, v31;
	vm8 =	vcmask $0x2F34;
	v55 =	vnsel vm7, $0x0, v61;
	(xrf0) =	vadd.scan.msk.s32 $0xffff, v62  }
0xe8: {  	[tilespmem:$0x1110] =	vst v43;
	v61 =	vsel vm14, $0x0, v56;
	vm7 =	veq.s32 v38, $0x2;
	v52 =	vsel vm8, $0x0, v52;
	v63, _, _ =	vpop (xrf0)  }
0xe9: {  	v43 =	vadd.s32 v61, v60;
	(xrf0) =	vadd.scan.msk.s32 $0xffff, v59;
	v59 =	vmpcnt.ones.xlane vm4;
	v57 =	vadd.s32 $0xFFFFFFFF, v63  }
0xea: {  	[tilespmem:$0x1080] =	vst v47;
	v54 =	vnsel vm5, $0x0, v57;
	v57 =	vmpcnt.ones.xlane vm5;
	vm5 =	veq.s32 v39, $0xF;
	v62, _, _ =	vpop (xrf0)  }
0xeb: {  	v39 =	vld.idx.msk [tilespmem:v39+s8+$0x0], $0xffff;
	v63 =	vsel vm5, $0x1, v31;
	v60 =	vadd.s32 $0xFFFFFFFF, v62;
	v62 =	vsel vm10, $0x0, v58  }
0xec: {  	vm10 =	vmmov vm1;
	v58 =	vmpcnt.ones.xlane vm3;
	v47 =	vnsel vm6, $0x0, v60  }
0xed: {  	(xrf0) =	vadd.scan.msk.s32 $0xffff, v63;
	v61, _, _ =	vpop (xrf0);
	vm6 =	veq.s32 v38, $0x0;
	v43 =	vadd.s32 v62, v43;
	v60 =	vsel vm1, $0x0, v57  }
0xee: {  	vm1 =	vcmask $0x373C;
	v53 =	vadd.s32 $0xFFFFFFFF, v61;
	v63 =	vsel vm6, $0x1, v31  }
0xef: {  	v43 =	vadd.s32 v60, v43;
	v53 =	vnsel vm3, $0x0, v53;
	v61, _, _ =	vpop (xrf0);
	vm3 =	veq.s32 v38, $0x1  }
0xf0: {  	(xrf0) =	vadd.scan.msk.s32 $0xffff, v63;
	v63 =	vsel vm7, $0x1, v31;
	v57 =	vadd.s32 $0xFFFFFFFF, v61;
	v39 =	vadd.s32 v39, v41  }
0xf1: {  	v43 =	vadd.s32 v52, v43;
	v56 =	vnsel vm4, $0x0, v57;
	v39 =	vadd.s32 v40, v39  }
0xf2: {  	v57 =	vsel vm3, $0x1, v31;
	v40 =	vmpcnt.ones.xlane vm5;
	v39 =	vadd.s32 v42, v39  }
0xf3: {  	vm4 =	veq.s32 v38, $0x3;
	v60, _, _ =	vpop (xrf0);
	v39 =	vadd.s32 v45, v39;
	v45 =	vmpcnt.ones.xlane vm6  }
0xf4: {  	(xrf0) =	vadd.scan.msk.s32 $0xffff, v57;
	v40 =	vsel vm11, $0x0, v40;
	v62 =	vadd.s32 $0xFFFFFFFF, v60;
	v39 =	vadd.s32 v44, v39  }
0xf5: {  	(xrf0) =	vadd.scan.msk.s32 $0xffff, v63;
	v60 =	vsel vm4, $0x1, v31;
	v63 =	vsel vm2, $0x0, v58;
	v41 =	vnsel vm5, $0x0, v62  }
0xf6: {  	vm5 =	veq.s32 v38, $0x4;
	v39 =	vadd.s32 v46, v39;
	v46 =	vmpcnt.ones.xlane vm3  }
0xf7: {  	v43 =	vadd.s32 v63, v43;
	v63 =	vsel vm1, $0x0, v59;
	v39 =	vadd.s32 v51, v39  }
0xf8: {  	v57, _, _ =	vpop (xrf0);
	(xrf0) =	vadd.scan.msk.s32 $0xffff, v60;
	v45 =	vnsel vm9, $0x0, v45;
	vm9 =	vcmask $0x308;
	v39 =	vadd.s32 v50, v39  }
0xf9: {  	v42 =	vadd.s32 $0xFFFFFFFF, v57;
	v62 =	vsel vm5, $0x1, v31;
	v39 =	vadd.s32 v49, v39  }
0xfa: {  	v43 =	vadd.s32 v63, v43;
	v42 =	vnsel vm6, $0x0, v42;
	v61, _, _ =	vpop (xrf0);
	(xrf0) =	vadd.scan.msk.s32 $0xffff, v62;
	v39 =	vadd.s32 v48, v39  }
0xfb: {  	v49 =	vmpcnt.ones.xlane vm4;
	v44 =	vadd.s32 $0xFFFFFFFF, v61;
	v57, _, _ =	vpop (xrf0);
	v39 =	vadd.s32 v55, v39  }
0xfc: {  	v44 =	vnsel vm3, $0x0, v44;
	vm3 =	veq.s32 v38, $0x5;
	v58 =	vadd.s32 $0xFFFFFFFF, v57  }
0xfd: {  	v57 =	vmpcnt.ones.xlane vm7;
	v39 =	vadd.s32 v54, v39;
	v60 =	vsel vm3, $0x1, v31  }
0xfe: {  	v61, _, _ =	vpop (xrf0);
	v50 =	vnsel vm7, $0x0, v58;
	vm7 =	veq.s32 v38, $0x6;
	v39 =	vadd.s32 v47, v39;
	(xrf0) =	vadd.scan.msk.s32 $0xffff, v60  }
0xff: {  	v62 =	vsel vm7, $0x1, v31;
	v60 =	vadd.s32 $0xFFFFFFFF, v61;
	v39 =	vadd.s32 v53, v39  }
0x100: {  	(xrf0) =	vadd.scan.msk.s32 $0xffff, v62;
	v48 =	vnsel vm4, $0x0, v60;
	vm4 =	veq.s32 v38, $0x7;
	v39 =	vadd.s32 v56, v39;
	v61, _, _ =	vpop (xrf0)  }
0x101: {  	v62 =	vsel vm4, $0x1, v31;
	v39 =	vadd.s32 v41, v39;
	v41 =	vld [tilespmem:$0x1080];
	v51 =	vadd.s32 $0xFFFFFFFF, v61  }
0x102: {  	v58 =	vmpcnt.ones.xlane vm5;
	(xrf0) =	vadd.scan.msk.s32 $0xffff, v62;
	v51 =	vnsel vm5, $0x0, v51;
	vm5 =	veq.s32 v38, $0x8  }
0x103: {  	vm6 =	veq.s32 v38, $0x9;
	v40 =	vadd.s32 v40, v43;
	v59 =	vsel vm5, $0x1, v31  }
0x104: {  	v46 =	vsel vm9, $0x0, v46;
	vm9 =	vcmask $0x70C;
	v52 =	vmpcnt.ones.xlane vm3;
	v63, _, _ =	vpop (xrf0);
	(xrf0) =	vadd.scan.msk.s32 $0xffff, v59  }
0x105: {  	v45 =	vadd.s32 v45, v46;
	v55 =	vmpcnt.ones.xlane vm7;
	v54 =	vmpcnt.ones.xlane vm4  }
0x106: {  	[tilespmem:$0x1120] =	vst v39;
	v60 =	vadd.s32 $0xFFFFFFFF, v63;
	v61, _, _ =	vpop (xrf0);
	v63 =	vsel vm6, $0x1, v31;
	v40 =	vadd.s32 v41, v40  }
0x107: {  	v47 =	vnsel vm3, $0x0, v60;
	v62 =	vadd.s32 $0xFFFFFFFF, v61;
	(xrf0) =	vadd.scan.msk.s32 $0xffff, v63;
	vm3 =	veq.s32 v38, $0xA  }
0x108: {  	[tilespmem:$0x1080] =	vst v40;
	v53 =	vnsel vm7, $0x0, v62;
	v59, _, _ =	vpop (xrf0);
	v60 =	vsel vm3, $0x1, v31;
	v62 =	vsel vm9, $0x0, v57  }
0x109: {  	vm9 =	vcmask $0xB10;
	v41 =	vld.idx.msk [tilespmem:v38+s8+$0x0], $0xffff;
	v43 =	vadd.s32 $0xFFFFFFFF, v59;
	(xrf0) =	vadd.scan.msk.s32 $0xffff, v60;
	v60 =	vmpcnt.ones.xlane vm5  }
0x10a: {  	v62 =	vadd.s32 v62, v45;
	v43 =	vnsel vm4, $0x0, v43;
	vm4 =	veq.s32 v38, $0xB;
	v61, _, _ =	vpop (xrf0)  }
0x10b: {  	v45 =	vmpcnt.ones.xlane vm6;
	v59 =	vsel vm4, $0x1, v31;
	v56 =	vadd.s32 $0xFFFFFFFF, v61  }
0x10c: {  	(xrf0) =	vadd.scan.msk.s32 $0xffff, v59;
	v59 =	vsel vm9, $0x0, v49;
	vm9 =	vcmask $0xF14;
	v49 =	vmpcnt.ones.xlane vm3  }
0x10d: {  	v56 =	vnsel vm5, $0x0, v56;
	vm5 =	veq.s32 v38, $0xC;
	v40 =	vadd.s32 v59, v62  }
0x10e: {  	v63, _, _ =	vpop (xrf0);
	v62 =	vsel vm9, $0x0, v58;
	v59 =	vsel vm13, $0x0, v55;
	v41 =	vadd.s32 v41, v44  }
0x10f: {  	vm13 =	veq.s32 v38, $0xE;
	v61 =	vsel vm5, $0x1, v31;
	v63 =	vadd.s32 $0xFFFFFFFF, v63  }
0x110: {  	v40 =	vadd.s32 v62, v40;
	v62 =	vsel vm12, $0x0, v54;
	v44 =	vmpcnt.ones.xlane vm5  }
0x111: {  	v41 =	vadd.s32 v42, v41;
	(xrf0) =	vadd.scan.msk.s32 $0xffff, v61;
	v39 =	vnsel vm6, $0x0, v63;
	v57, _, _ =	vpop (xrf0);
	vm6 =	veq.s32 v38, $0xD  }
0x112: {  	v41 =	vadd.s32 v50, v41;
	v50 =	vmpcnt.ones.xlane vm13;
	v46 =	vadd.s32 $0xFFFFFFFF, v57  }
0x113: {  	v61 =	vsel vm6, $0x1, v31;
	v46 =	vnsel vm3, $0x0, v46;
	vm3 =	vcmask $0x1318  }
0x114: {  	v57 =	vmpcnt.ones.xlane vm4;
	v41 =	vadd.s32 v48, v41;
	(xrf0) =	vadd.scan.msk.s32 $0xffff, v61;
	v63, _, _ =	vpop (xrf0);
	v52 =	vsel vm3, $0x0, v52  }
0x115: {  	v58 =	vmpcnt.ones.xlane vm6;
	v40 =	vadd.s32 v52, v40;
	v61 =	vadd.s32 $0xFFFFFFFF, v63  }
0x116: {  	vm3 =	veq.s32 v38, $0xF;
	v40 =	vadd.s32 v59, v40;
	v54 =	vnsel vm4, $0x0, v61  }
0x117: {  	v61 =	vsel vm15, $0x0, v60;
	v60 =	vsel vm14, $0x0, v45;
	vm15 =	vcmask $0x272C;
	v63, _, _ =	vpop (xrf0)  }
0x118: {  	v40 =	vadd.s32 v62, v40;
	v59 =	vadd.s32 $0xFFFFFFFF, v63;
	v63 =	vsel vm13, $0x1, v31  }
0x119: {  	v40 =	vadd.s32 v61, v40;
	v52 =	vnsel vm5, $0x0, v59;
	v59 =	vadd.s32 v51, v41  }
0x11a: {  	v61 =	vsel vm3, $0x1, v31;
	v62, _, _ =	vpop (xrf0);
	(xrf0) =	vadd.scan.msk.s32 $0xffff, v63;
	v40 =	vadd.s32 v60, v40;
	v38 =	vadd.s32 v47, v59  }
0x11b: {  	v42 =	vadd.s32 $0xFFFFFFFF, v62;
	(xrf0) =	vadd.scan.msk.s32 $0xffff, v61;
	v62 =	vsel vm15, $0x0, v49;
	v38 =	vadd.s32 v53, v38  }
0x11c: {  	v63 =	vsel vm10, $0x0, v57;
	v40 =	vadd.s32 v62, v40;
	v38 =	vadd.s32 v43, v38  }
0x11d: {  	v45 =	vsel vm8, $0x0, v44;
	v40 =	vadd.s32 v63, v40;
	v38 =	vadd.s32 v56, v38  }
0x11e: {  	v49 =	vsel vm2, $0x0, v58;
	v40 =	vadd.s32 v45, v40;
	v38 =	vadd.s32 v39, v38  }
0x11f: {  	v43 =	vsel vm1, $0x0, v50;
	v40 =	vadd.s32 v49, v40;
	v38 =	vadd.s32 v46, v38  }
0x120: {  	v51 =	vld [tilespmem:$0x1080];
	v42 =	vnsel vm6, $0x0, v42;
	v47, _, _ =	vpop (xrf0);
	v40 =	vadd.s32 v43, v40;
	v38 =	vadd.s32 v54, v38  }
0x121: {  	v39 =	vadd.s32 $0xFFFFFFFF, v47;
	v53, _, _ =	vpop (xrf0);
	v54 =	vmpcnt.ones.xlane vm3;
	v38 =	vadd.s32 v52, v38  }
0x122: {  	v39 =	vnsel vm13, $0x0, v39;
	v55 =	vadd.s32 $0xFFFFFFFF, v53;
	v38 =	vadd.s32 v42, v38  }
0x123: {  	v56 =	vnsel vm3, $0x0, v55;
	v57 =	vsel vm11, $0x0, v54;
	v38 =	vadd.s32 v39, v38  }
0x124: {  	v40 =	vadd.s32 v57, v40;
	v38 =	vadd.s32 v56, v38  }
0x125: {  	s30 =	rddreg [dreg:$0x7];
	v58 =	vadd.s32 v51, v40;
	[tilespmem:$0x1130] =	vst v38  }
0x126: {  	s31 =	rddreg [dreg:$0xa];
	[tilespmem:$0x1080] =	vst v58  }
0x127: {  	[hbm4b:s30+s1] =	stream.linear.scatter [tilespmem:s31], [sflag:$0x2], $0x40, $0x38;
	[tilespmem:$0xD280] =	vst v63  }
0x128: {  	_ =	swait.ge [sflag:s7], $0x40  }
0x129: {  	[sflag:s7] =	ssyncset.done $0x0  }
0x12a: {  	s28 =	rddreg [dreg:$0x8];
	[sflag:s7] =	ssyncadd.s32 $0xFFFFFFC0  }
0x12b: {  	[tilespmem:s9], [sflag:$0x2] =	stream.linear.gather [hbm4b:s28+s1], $0xC000, $0x38;
	[tilespmem:$0xD280] =	vst v63  }
0x12c: {  	_ =	swait.ge [sflag:s7], $0xC000  }
0x12d: {  	[sflag:s7] =	ssyncset.done $0x0  }
0x12e: {  	[sflag:s7] =	ssyncadd.s32 $0xFFFF4000  }
0x12f: {  	v59 =	vld [tilespmem:$0x1100];
	_ =	sdelay $0x4  }
0x130: {  	v60 =	vshrl.u32 v59, $0x3  }
0x131: {  	v39 =	vmul.u32 $0x30, v60  }
0x132: {  	v38 =	vand.u32 $0x7, v59  }
0x133: {  	v38 =	vor.u32 v38, v39  }
0x134: {  	v39 =	vperm.xlane v38, v32;
	_ =	sdelay $0x1  }
0x135: {  	v39 =	vadd.s32 v33, v39;
	_ =	sdelay $0x3  }
0x136: {  	v38 =	vperm.xlane v38, v34  }
0x137: {  	[hbm4b:s2+s1] =	stream.indirect_vreg.scatter [tilespmem:s9], [sflag:$0x1], $0x80, v39, vm0, $0xb8;
	[tilespmem:$0xD280] =	vst v63  }
0x138: {  	s29 =	rddreg [dreg:$0xb];
	v38 =	vadd.s32 v33, v38  }
0x139: {  	[hbm4b:s4+s1] =	stream.indirect_vreg.scatter [tilespmem:s29], [sflag:$0x1], $0x80, v39, vm0, $0xb8;
	[tilespmem:$0xD280] =	vst v63  }
0x13a: {  	s30 =	rddreg [dreg:$0xc]  }
0x13b: {  	[hbm4b:s5+s1] =	stream.indirect_vreg.scatter [tilespmem:s30], [sflag:$0x1], $0x80, v39, vm0, $0xb8;
	[tilespmem:$0xD280] =	vst v63  }
0x13c: {  	s31 =	rddreg [dreg:$0xd]  }
0x13d: {  	[hbm4b:s2+s1] =	stream.indirect_vreg.scatter [tilespmem:s31], [sflag:$0x1], $0x80, v38, vm0, $0xb8;
	[tilespmem:$0xD280] =	vst v63  }
0x13e: {  	s28 =	rddreg [dreg:$0xe]  }
0x13f: {  	[hbm4b:s4+s1] =	stream.indirect_vreg.scatter [tilespmem:s28], [sflag:$0x1], $0x80, v38, vm0, $0xb8;
	[tilespmem:$0xD280] =	vst v63  }
0x140: {  	s29 =	rddreg [dreg:$0xf]  }
0x141: {  	[hbm4b:s5+s1] =	stream.indirect_vreg.scatter [tilespmem:s29], [sflag:$0x1], $0x80, v38, vm0, $0xb8;
	[tilespmem:$0xD280] =	vst v63  }
0x142: {  	v38 =	vld [tilespmem:$0x1110];
	_ =	sdelay $0x4  }
0x143: {  	v61 =	vshrl.u32 v38, $0x3  }
0x144: {  	v39 =	vmul.u32 $0x30, v61  }
0x145: {  	v38 =	vand.u32 $0x7, v38  }
0x146: {  	v38 =	vor.u32 v38, v39  }
0x147: {  	v39 =	vperm.xlane v38, v32;
	_ =	sdelay $0x1  }
0x148: {  	v39 =	vadd.s32 v33, v39;
	_ =	sdelay $0x3  }
0x149: {  	s30 =	rddreg [dreg:$0x10];
	v38 =	vperm.xlane v38, v34  }
0x14a: {  	[hbm4b:s2+s1] =	stream.indirect_vreg.scatter [tilespmem:s30], [sflag:$0x1], $0x80, v39, vm0, $0xb8;
	[tilespmem:$0xD280] =	vst v63  }
0x14b: {  	s31 =	rddreg [dreg:$0x11];
	v38 =	vadd.s32 v33, v38  }
0x14c: {  	[hbm4b:s4+s1] =	stream.indirect_vreg.scatter [tilespmem:s31], [sflag:$0x1], $0x80, v39, vm0, $0xb8;
	[tilespmem:$0xD280] =	vst v63  }
0x14d: {  	_ = 	snop  }
0x14e: {  	[hbm4b:s5+s1] =	stream.indirect_vreg.scatter [tilespmem:s10], [sflag:$0x1], $0x80, v39, vm0, $0xb8;
	[tilespmem:$0xD280] =	vst v63  }
0x14f: {  	_ = 	snop  }
0x150: {  	[hbm4b:s2+s1] =	stream.indirect_vreg.scatter [tilespmem:s11], [sflag:$0x1], $0x80, v38, vm0, $0xb8;
	[tilespmem:$0xD280] =	vst v63  }
0x151: {  	_ = 	snop  }
0x152: {  	[hbm4b:s4+s1] =	stream.indirect_vreg.scatter [tilespmem:s12], [sflag:$0x1], $0x80, v38, vm0, $0xb8;
	[tilespmem:$0xD280] =	vst v63  }
0x153: {  	_ = 	snop  }
0x154: {  	[hbm4b:s5+s1] =	stream.indirect_vreg.scatter [tilespmem:s13], [sflag:$0x1], $0x80, v38, vm0, $0xb8;
	[tilespmem:$0xD280] =	vst v63  }
0x155: {  	v38 =	vld [tilespmem:$0x1120];
	_ =	sdelay $0x4  }
0x156: {  	v62 =	vshrl.u32 v38, $0x3  }
0x157: {  	v39 =	vmul.u32 $0x30, v62  }
0x158: {  	v38 =	vand.u32 $0x7, v38  }
0x159: {  	v38 =	vor.u32 v38, v39  }
0x15a: {  	v39 =	vperm.xlane v38, v32;
	_ =	sdelay $0x1  }
0x15b: {  	v39 =	vadd.s32 v33, v39;
	_ =	sdelay $0x3  }
0x15c: {  	v38 =	vperm.xlane v38, v34  }
0x15d: {  	[hbm4b:s2+s1] =	stream.indirect_vreg.scatter [tilespmem:s14], [sflag:$0x1], $0x80, v39, vm0, $0xb8;
	[tilespmem:$0xD280] =	vst v63  }
0x15e: {  	v38 =	vadd.s32 v33, v38  }
0x15f: {  	[hbm4b:s4+s1] =	stream.indirect_vreg.scatter [tilespmem:s15], [sflag:$0x1], $0x80, v39, vm0, $0xb8;
	[tilespmem:$0xD280] =	vst v63  }
0x160: {  	_ = 	snop  }
0x161: {  	[hbm4b:s5+s1] =	stream.indirect_vreg.scatter [tilespmem:s16], [sflag:$0x1], $0x80, v39, vm0, $0xb8;
	[tilespmem:$0xD280] =	vst v63  }
0x162: {  	_ = 	snop  }
0x163: {  	[hbm4b:s2+s1] =	stream.indirect_vreg.scatter [tilespmem:s17], [sflag:$0x1], $0x80, v38, vm0, $0xb8;
	[tilespmem:$0xD280] =	vst v63  }
0x164: {  	_ = 	snop  }
0x165: {  	[hbm4b:s4+s1] =	stream.indirect_vreg.scatter [tilespmem:s18], [sflag:$0x1], $0x80, v38, vm0, $0xb8;
	[tilespmem:$0xD280] =	vst v63  }
0x166: {  	_ = 	snop  }
0x167: {  	[hbm4b:s5+s1] =	stream.indirect_vreg.scatter [tilespmem:s19], [sflag:$0x1], $0x80, v38, vm0, $0xb8;
	[tilespmem:$0xD280] =	vst v63  }
0x168: {  	v38 =	vld [tilespmem:$0x1130];
	_ =	sdelay $0x4  }
0x169: {  	v63 =	vshrl.u32 v38, $0x3  }
0x16a: {  	v39 =	vmul.u32 $0x30, v63  }
0x16b: {  	v38 =	vand.u32 $0x7, v38  }
0x16c: {  	v38 =	vor.u32 v38, v39  }
0x16d: {  	v39 =	vperm.xlane v38, v32;
	_ =	sdelay $0x1  }
0x16e: {  	v39 =	vadd.s32 v33, v39;
	_ =	sdelay $0x3  }
0x16f: {  	v38 =	vperm.xlane v38, v34  }
0x170: {  	[hbm4b:s2+s1] =	stream.indirect_vreg.scatter [tilespmem:s20], [sflag:$0x1], $0x80, v39, vm0, $0xb8;
	[tilespmem:$0xD280] =	vst v63  }
0x171: {  	v38 =	vadd.s32 v33, v38  }
0x172: {  	[hbm4b:s4+s1] =	stream.indirect_vreg.scatter [tilespmem:s21], [sflag:$0x1], $0x80, v39, vm0, $0xb8;
	[tilespmem:$0xD280] =	vst v63  }
0x173: {  	_ = 	snop  }
0x174: {  	[hbm4b:s5+s1] =	stream.indirect_vreg.scatter [tilespmem:s22], [sflag:$0x1], $0x80, v39, vm0, $0xb8;
	[tilespmem:$0xD280] =	vst v63  }
0x175: {  	_ = 	snop  }
0x176: {  	[hbm4b:s2+s1] =	stream.indirect_vreg.scatter [tilespmem:s23], [sflag:$0x1], $0x80, v38, vm0, $0xb8;
	[tilespmem:$0xD280] =	vst v63  }
0x177: {  	_ = 	snop  }
0x178: {  	[hbm4b:s4+s1] =	stream.indirect_vreg.scatter [tilespmem:s24], [sflag:$0x1], $0x80, v38, vm0, $0xb8;
	[tilespmem:$0xD280] =	vst v63  }
0x179: {  	_ = 	snop  }
0x17a: {  	vm3 =	vgt.s32 @!p1 v36, $0x0;
	[hbm4b:s5+s1] =	stream.indirect_vreg.scatter [tilespmem:s25], [sflag:$0x1], $0x80, v38, vm0, $0xb8;
	[tilespmem:$0xD280] =	vst v63  }
0x17b: {  	_ =	swait.ge [sflag:s3], $0xC000  }
0x17c: {  	[sflag:s3] =	ssyncset.done $0x0  }
0x17d: {  	v36 =	vimm.s32 @!p1 $0x0;
	[sflag:s3] =	ssyncadd.s32 $0xFFFF4000  }
0x17e: {  	[tilespmem:$0xD180] =	vst @!p1 v36  }
0x17f: {  	s0 =	simm.s32 @!p1 $0xD180;
	[tilespmem:$0xD190] =	vst @!p1 v36;
	v36 =	vlaneseq.u32 @!p1  }
0x180: {  	[tilespmem:v37+s0+$0x0] =	vst.idx.msk @!p1 vm3, v36  }
0x181: {  	v36 =	vld @!p1 [tilespmem:$0xD180];
	_ =	sdelay $0x4  }
0x182: {  	v36 =	vxor.u32 @!p1 $0x80000000, v36  }
0x183: {  	(xrf0) =	vmax.scan.msk.u32 @!p1 $0xffff, v36;
	_ =	sdelay $0x5  }
0x184: {  	v36, _, _ =	vpop @!p1 (xrf0)  }
0x185: {  	(xrf0) =	vmax.scan.msk.u32 @!p1 $0xffff, v36;
	_ =	sdelay $0x5  }
0x186: {  	v37, _, _ =	vpop @!p1 (xrf0)  }
0x187: {  	(v2sf) =	vpush @!p1 v37, $0xF;
	_ =	sdelay $0x2  }
0x188: {  	v37 =	vld @!p1 [tilespmem:$0xD190];
	_ =	sdelay $0x4  }
0x189: {  	v37 =	vxor.u32 @!p1 $0x80000000, v37  }
0x18a: {  	(xrf0) =	vmax.scan.msk.u32 @!p1 $0xffff, v37;
	_ =	sdelay $0x5  }
0x18b: {  	v35 =	vbroadcast @!p1 v35, $0xF;
	v37, _, _ =	vpop @!p1 (xrf0);
	s0 =	spop @!p1 (v2sf)  }
0x18c: {  	v37 =	vxor.u32 @!p1 $0x80000000, v37;
	s0 =	sxor.u32 @!p1 $0x80000000, s0  }
0x18d: {  	s6 =	sadd.s32 $0xFFFFFFFF, s6;
	[tilespmem:$0xD220] =	vst @!p1 v35;
	v36 =	vxor.u32 @!p1 $0x80000000, v36;
	vm3 =	vgt.s32 @!p1 v37, s0  }
0x18e: {  	p2 =	sne.s32 s6, $0x0;
	[tilespmem:$0xD200] =	vst @!p1 v36;
	v37 =	vnsel @!p1 vm3, s0, v37  }
0x18f: {  	s26 =	simm.s32 @!p1 $0x0;
	s28 =	simm.s32 @!p1 $0xD200;
	s0 =	rddreg [dreg:$0x5];
	[tilespmem:$0xD210] =	vst @!p1 v37  }
0x190: {  	[hbm4b:s0+s26] =	stream.linear.scatter @!p1 [tilespmem:s28], [sflag:$0x2], $0x80, $0x38;
	[tilespmem:$0xD280] =	vst v63  }
.Ltmp0:
0x191: {  	_ = 	snop;
	(pc) =	sbr.rel @p2 .LBB2_1-.Ltmp0, $4  }
0x192: {  	s0 =	simm.s32 @!p1 $0x2  }
0x193: {  	_ =	swait.ge @!p1 [sflag:s0], $0x80  }
0x194: {  	[sflag:s0] =	ssyncset.done @!p1 $0x0  }
0x195: {  	[sflag:s0] =	ssyncadd.s32 @!p1 $0xFFFFFF80  }
0x196: {  	_ =	sfence.sel $0x180000  }
0x197: {  	[bflag:$0x0] =	sbarrier.arrive $0xFFFF  }
0x198: {  	_ =	strace $0x9000004A  }
0x199: {  	[bflag:$0x2] =	sbarrier.arrive $0xFFFF  }
0x19a: {  	s0 =	rddreg [dreg:$0x3]  }
0x19b: {  	s0 =	sadd.s32 @!p0 $0x100000, s0  }
0x19c: {  	[sflag:s0] =	ssyncadd.tile.s32 @!p0 $0x1;
	_ =	shalt  }
.Lfunc_end2:
_tile_overlayer_lowered:
.L_overlay_start_2:
0x19d: {  	(tag) =	ssettag $0x2  }
0x19e: {  	s0 =	rddreg [dreg:$0x0];
	s2 =	stileid.u32  }
0x19f: {  	s1 =	rddreg [dreg:$0x1];
	p0 =	sne.s32 s2, $0x0  }
0x1a0: {  	s3 =	rddreg [dreg:$0x2];
	[bflag:$0x3] =	sbarrier.arrive $0xFFFF;
	s2 =	simm.s32 @!p0 $0x1C02  }
0x1a1: {  	[timem:s3], [sflag:s2] =	dma.local @!p0 [hbm:s0], s1  }
0x1a2: {  	s0 =	simm.s32 @!p0 $0x2  }
0x1a3: {  	_ =	swait.ge @!p0 [sflag:s0], s1  }
0x1a4: {  	s1 =	ssub.s32 @!p0 $0x0, s1;
	[sflag:s0] =	ssyncset.done @!p0 $0x0  }
0x1a5: {  	[sflag:s0] =	ssyncadd.s32 @!p0 s1  }
0x1a6: {  	[bflag:$0x3] =	sbarrier.arrive $0xFFFF  }
0x1a7: {  	_ =	shalt  }

</sc_bundles>
